<compile_context>
chip_gen: v7x
topology: tpu7x:2x2x1
jax: 0.10.2.dev20260603
libtpu: 0.0.44.dev20260713+nightly
codegen_flags: <defaults>
</compile_context>

<pallas_src>
import jax
import jax.numpy as jnp
from jax import lax
from jax.experimental import pallas as pl
from jax.experimental.pallas import tpu as pltpu
from jax.experimental.pallas import tpu_sc as plsc

_EMB = 128
_W = 64
_NW = 32
_BT = 3200
_NPAD = _NW * _BT
_N = 100000
_SB = 128
_NSB = _BT // _SB
_NG = _SB // 16

_OFF = [0, 119, 124, 136, 148, 158, 164, 170, 172]

_R12 = 119
_R34 = 179
_R5678 = 299
_ROWS = 443


def _sc_body(x_hbm, stk_hbm, out_hbm, stg_v, aux_v, ptbl_v, xsb0, xsb1,
             idx_v, outbuf0, outbuf1, xsem, osem):
    pltpu.sync_copy(stk_hbm, stg_v)

    def pack_store(dst_row, cp, lo, hi):
        w = plsc.bitcast(
            plsc.pack(lo, hi, format=plsc.PackFormat.INTERLEAVED), jnp.int32)
        ptbl_v[pl.ds(dst_row * _W + 16 * cp, 16)] = w

    @plsc.parallel_loop(0, 119, 1, unroll=2)
    def t0_rows(r):
        s = r * _EMB
        for cp in range(4):
            pack_store(r, cp, stg_v[pl.ds(s + 32 * cp, 16)],
                       stg_v[pl.ds(s + 32 * cp + 16, 16)])

    def build_pair(dst, na, nb, sa, sb_):
        def bi(i, _):
            @plsc.parallel_loop(0, nb, 1, unroll=2)
            def bj(j):
                a = sa * _EMB + i * _EMB
                b = sb_ * _EMB + j * _EMB
                for cp in range(4):
                    o = 32 * cp
                    pack_store(
                        dst + i * nb + j, cp,
                        stg_v[pl.ds(a + o, 16)] + stg_v[pl.ds(b + o, 16)],
                        stg_v[pl.ds(a + o + 16, 16)]
                        + stg_v[pl.ds(b + o + 16, 16)])
            return 0
        lax.fori_loop(0, na, bi, 0)

    build_pair(_R12, 5, 12, _OFF[1], _OFF[2])
    build_pair(_R34, 12, 10, _OFF[3], _OFF[4])

    def b56(i, _):
        @plsc.parallel_loop(0, 6, 1, unroll=2)
        def bj(j):
            a = _OFF[5] * _EMB + i * _EMB
            b = _OFF[6] * _EMB + j * _EMB
            d = (i * 6 + j) * _EMB
            for c in range(8):
                o = 16 * c
                aux_v[pl.ds(d + o, 16)] = (
                    stg_v[pl.ds(a + o, 16)] + stg_v[pl.ds(b + o, 16)])
        return 0
    lax.fori_loop(0, 6, b56, 0)
    for k in range(2):
        for l in range(2):
            a = _OFF[7] * _EMB + k * _EMB
            b = _OFF[8] * _EMB + l * _EMB
            d = (36 + k * 2 + l) * _EMB
            for c in range(8):
                o = 16 * c
                aux_v[pl.ds(d + o, 16)] = (
                    stg_v[pl.ds(a + o, 16)] + stg_v[pl.ds(b + o, 16)])

    def b5678(ij, _):
        @plsc.parallel_loop(0, 4, 1, unroll=2)
        def bkl(kl):
            a = ij * _EMB
            b = (36 + kl) * _EMB
            for cp in range(4):
                o = 32 * cp
                pack_store(
                    _R5678 + ij * 4 + kl, cp,
                    aux_v[pl.ds(a + o, 16)] + aux_v[pl.ds(b + o, 16)],
                    aux_v[pl.ds(a + o + 16, 16)]
                    + aux_v[pl.ds(b + o + 16, 16)])
        return 0
    lax.fori_loop(0, 36, b5678, 0)

    wid = lax.axis_index("s") * 2 + lax.axis_index("c")
    base = jnp.minimum(wid * _BT, _N - _BT)
    xbase = jnp.where(wid == _NW - 1, _NPAD, wid * _BT)
    iota = lax.broadcasted_iota(jnp.int32, (16,), 0)
    zeros16 = jnp.zeros((16,), jnp.int32)

    pltpu.async_copy(x_hbm.at[:, pl.ds(xbase, _SB)], xsb0, xsem)

    def do_sb(sb, buf):
        xsb_v = xsb0 if buf == 0 else xsb1
        xsb_n = xsb1 if buf == 0 else xsb0
        outbuf_v = outbuf0 if buf == 0 else outbuf1
        off = base + sb * _SB
        xoff = xbase + sb * _SB
        pltpu.make_async_copy(
            x_hbm.at[:, pl.ds(xoff, _SB)], xsb_v, xsem).wait()

        @pl.when(jnp.asarray(sb) + 1 < _NSB)
        def _():
            pltpu.async_copy(
                x_hbm.at[:, pl.ds(xoff + _SB, _SB)], xsb_n, xsem)

        for g in range(_NG):
            sl = pl.ds(g * 16, 16)
            xv = [xsb_v[i, sl] for i in range(9)]
            idx_v[pl.ds(0 * _SB + g * 16, 16)] = xv[0] * _W
            idx_v[pl.ds(1 * _SB + g * 16, 16)] = (
                _R12 + xv[1] * 12 + xv[2]) * _W
            idx_v[pl.ds(2 * _SB + g * 16, 16)] = (
                _R34 + xv[3] * 10 + xv[4]) * _W
            idx_v[pl.ds(3 * _SB + g * 16, 16)] = (
                _R5678 + ((xv[5] * 6 + xv[6]) * 2 + xv[7]) * 2 + xv[8]) * _W

        @pl.when(jnp.asarray(sb) >= 2)
        def _():
            pltpu.make_async_copy(
                outbuf_v,
                out_hbm.at[pl.ds(off - 2 * _SB, _SB)], osem).wait()

        @plsc.parallel_loop(0, _SB, 1, unroll=4)
        def atom_loop(j):
            jf = zeros16 + j
            rA = plsc.load_gather(idx_v, [jf])
            rB = plsc.load_gather(idx_v, [jf + _SB])
            rC = plsc.load_gather(idx_v, [jf + 2 * _SB])
            rD = plsc.load_gather(idx_v, [jf + 3 * _SB])
            for cp in range(4):
                colp = iota + 16 * cp
                aA = plsc.bitcast(
                    plsc.load_gather(ptbl_v, [rA + colp]), jnp.bfloat16)
                aB = plsc.bitcast(
                    plsc.load_gather(ptbl_v, [rB + colp]), jnp.bfloat16)
                aC = plsc.bitcast(
                    plsc.load_gather(ptbl_v, [rC + colp]), jnp.bfloat16)
                aD = plsc.bitcast(
                    plsc.load_gather(ptbl_v, [rD + colp]), jnp.bfloat16)
                s = (aA + aB) + (aC + aD)
                lo, hi = plsc.unpack(s, format=plsc.PackFormat.INTERLEAVED)
                outbuf_v[j, pl.ds(32 * cp, 16)] = lo
                outbuf_v[j, pl.ds(32 * cp + 16, 16)] = hi
        pltpu.async_copy(outbuf_v, out_hbm.at[pl.ds(off, _SB)], osem)

    def pair_loop(i2, _):
        do_sb(i2 * 2, 0)
        do_sb(i2 * 2 + 1, 1)
        return 0
    lax.fori_loop(0, _NSB // 2, pair_loop, 0)
    for sb in range(2 * (_NSB // 2), _NSB):
        do_sb(sb, 0)
    for b in (outbuf0, outbuf1):
        pltpu.make_async_copy(b, out_hbm.at[pl.ds(base, _SB)], osem).wait()


@jax.jit
def kernel(x_0, table_0, table_1, table_2, table_3, table_4, table_5,
           table_6, table_7, table_8):
    n = x_0.shape[0]
    xT = jnp.concatenate(
        [jnp.pad(x_0, ((0, _NPAD - n), (0, 0))), x_0[n - _BT:]], axis=0).T
    stk = jnp.concatenate(
        [table_0, table_1, table_2, table_3, table_4, table_5, table_6,
         table_7, table_8], axis=0).reshape(-1)
    mesh = plsc.VectorSubcoreMesh(core_axis_name="c", subcore_axis_name="s")
    fn = pl.kernel(
        _sc_body,
        out_type=jax.ShapeDtypeStruct((_N, _EMB), jnp.float32),
        mesh=mesh,
        compiler_params=pltpu.CompilerParams(needs_layout_passes=False),
        scratch_types=[
            pltpu.VMEM((174 * _EMB,), jnp.float32),
            pltpu.VMEM((40 * _EMB,), jnp.float32),
            pltpu.VMEM((_ROWS * _W,), jnp.int32),
            pltpu.VMEM((9, _SB), jnp.int32),
            pltpu.VMEM((9, _SB), jnp.int32),
            pltpu.VMEM((4 * _SB,), jnp.int32),
            pltpu.VMEM((_SB, _EMB), jnp.float32),
            pltpu.VMEM((_SB, _EMB), jnp.float32),
            pltpu.SemaphoreType.DMA,
            pltpu.SemaphoreType.DMA,
        ],
    )
    return fn(xT, stk)

# --- scband reference (transcript-rebuilt; emitter-appended) ---
"""Pipeline reference for scband-atom-embedding-6227702579790 (READ-ONLY COPY).

The authoritative reference and input builder live on the scoring server;
editing this copy changes nothing except your own understanding.
"""

import jax, jax.numpy as jnp
import numpy as np

ATOM_FEATURE_DIMS = [119, 5, 12, 12, 10, 6, 6, 2, 2]
EMB_DIM = 128
N_ATOMS = 100000


def setup_inputs(seed: int = 0) -> dict:
    key = jax.random.key(seed)
    key, k_idx = jax.random.split(key)
    # fill_max=2 keeps indices in-range for every table (min table size is 2)
    x_0 = jax.random.randint(k_idx, (N_ATOMS, 9), 0, 2).astype(jnp.int32)
    inp = {"x_0": x_0}
    for i, d in enumerate(ATOM_FEATURE_DIMS):
        key, sub = jax.random.split(key)
        inp[f"table_{i}"] = jax.random.normal(sub, (d, EMB_DIM), dtype=jnp.float32) * 0.02
    return inp


def reference(x_0, table_0, table_1, table_2, table_3, table_4, table_5, table_6, table_7, table_8):
    # Faithful AtomEncoder: sum of per-feature embedding lookups over 9 atom feature columns
    tables = [table_0, table_1, table_2, table_3, table_4, table_5, table_6, table_7, table_8]
    out = jnp.zeros((x_0.shape[0], EMB_DIM), dtype=jnp.float32)
    for i, t in enumerate(tables):
        out = out + jnp.take(t, x_0[:, i], axis=0)
    return out

if __name__ == "__main__":
    import jax
    _d = setup_inputs()
    print(jax.jit(kernel)(*tuple(_d.values())))

</pallas_src>

<mosaic_0001>
#map = affine_map<(d0, d1) -> (0, 0)>
#map1 = affine_map<(d0, d1) -> (0)>
module attributes {stable_mosaic.version = 14 : i64} {
  func.func @_sc_body(%arg0: i32, %arg1: i32, %arg2: memref<9x105600xi32, #tpu.memory_space<hbm>>, %arg3: memref<22272xf32, #tpu.memory_space<hbm>>, %arg4: memref<100000x128xf32, #tpu.memory_space<hbm>>, %arg5: memref<22272xf32, #tpu.memory_space<vmem>>, %arg6: memref<5120xf32, #tpu.memory_space<vmem>>, %arg7: memref<28352xi32, #tpu.memory_space<vmem>>, %arg8: memref<9x128xi32, #tpu.memory_space<vmem>>, %arg9: memref<9x128xi32, #tpu.memory_space<vmem>>, %arg10: memref<512xi32, #tpu.memory_space<vmem>>, %arg11: memref<128x128xf32, #tpu.memory_space<vmem>>, %arg12: memref<128x128xf32, #tpu.memory_space<vmem>>, %arg13: memref<!tpu.dma_semaphore, #tpu.memory_space<semaphore_mem>>, %arg14: memref<!tpu.dma_semaphore, #tpu.memory_space<semaphore_mem>>) attributes {dimension_semantics = [#tpu.dimension_semantics<core_parallel>, #tpu.dimension_semantics<subcore_parallel>], iteration_bounds = array<i64: 2, 16>, scalar_prefetch = 0 : i64, scratch_operands = 10 : i64, tpu.core_type = #tpu.core_type<sc_vector_subcore>, window_params = [{transform_indices = #map}, {transform_indices = #map1}, {transform_indices = #map}]} {
    "tpu.region"() ({
      %run_scoped3A = tpu.sem_alloc : memref<!tpu.dma_semaphore, #tpu.memory_space<semaphore_mem>>
      tpu.enqueue_dma source(%arg3 : memref<22272xf32, #tpu.memory_space<hbm>>) target(%arg5 : memref<22272xf32, #tpu.memory_space<vmem>>) target_semaphore(%run_scoped3A : memref<!tpu.dma_semaphore, #tpu.memory_space<semaphore_mem>>)
      tpu.wait_dma2 semaphore(%run_scoped3A : memref<!tpu.dma_semaphore, #tpu.memory_space<semaphore_mem>>) src(%arg3 : memref<22272xf32, #tpu.memory_space<hbm>>) dst(%arg5 : memref<22272xf32, #tpu.memory_space<vmem>>)
      tpu.yield
    }) : () -> ()
    %parallel_loop3A = arith.constant 0 : i32
    %parallel_loop3A_0 = arith.constant 119 : i32
    %parallel_loop3A_1 = arith.constant 1 : i32
    scf.for %parallel_loop3A_981 = %parallel_loop3A to %parallel_loop3A_0 step %parallel_loop3A_1  : i32 {
      %parallel_loop3A_982 = arith.constant 128 : i32
      %parallel_loop3A_983 = arith.muli %parallel_loop3A_981, %parallel_loop3A_982 : i32
      %parallel_loop3A_984 = arith.constant 0 : i32
      %parallel_loop3A_985 = arith.addi %parallel_loop3A_983, %parallel_loop3A_984 : i32
      %parallel_loop3A_986 = arith.index_cast %parallel_loop3A_985 : i32 to index
      %parallel_loop3A_987 = tpu.vector_load %arg5[%parallel_loop3A_986] {strides = array<i32>} : memref<22272xf32, #tpu.memory_space<vmem>>, vector<16xf32>,
      %parallel_loop3A_988 = arith.constant 0 : i32
      %parallel_loop3A_989 = arith.addi %parallel_loop3A_983, %parallel_loop3A_988 : i32
      %parallel_loop3A_990 = arith.constant 16 : i32
      %parallel_loop3A_991 = arith.addi %parallel_loop3A_989, %parallel_loop3A_990 : i32
      %parallel_loop3A_992 = arith.index_cast %parallel_loop3A_991 : i32 to index
      %parallel_loop3A_993 = tpu.vector_load %arg5[%parallel_loop3A_992] {strides = array<i32>} : memref<22272xf32, #tpu.memory_space<vmem>>, vector<16xf32>,
      %parallel_loop3A_994 = tpu.pack_subelements %parallel_loop3A_987, %parallel_loop3A_993 {pack_format = #tpu.pack_format<interleaved>, positions = array<i32: 0, 1>} : vector<16xf32>, vector<16xf32> -> vector<32xbf16>
      %parallel_loop3A_995 = vector.bitcast %parallel_loop3A_994 : vector<32xbf16> to vector<16xi32>
      %parallel_loop3A_996 = arith.constant 64 : i32
      %parallel_loop3A_997 = arith.muli %parallel_loop3A_981, %parallel_loop3A_996 : i32
      %parallel_loop3A_998 = arith.constant 0 : i32
      %parallel_loop3A_999 = arith.addi %parallel_loop3A_997, %parallel_loop3A_998 : i32
      %parallel_loop3A_1000 = arith.index_cast %parallel_loop3A_999 : i32 to index
      %parallel_loop3A_1001 = tpu.vector_load %arg7[%parallel_loop3A_1000] {strides = array<i32>} : memref<28352xi32, #tpu.memory_space<vmem>>, vector<16xi32>,
      tpu.vector_store %arg7[%parallel_loop3A_1000], %parallel_loop3A_995 {strides = array<i32>} : memref<28352xi32, #tpu.memory_space<vmem>>, vector<16xi32>,
      %parallel_loop3A_1002 = arith.constant 32 : i32
      %parallel_loop3A_1003 = arith.addi %parallel_loop3A_983, %parallel_loop3A_1002 : i32
      %parallel_loop3A_1004 = arith.index_cast %parallel_loop3A_1003 : i32 to index
      %parallel_loop3A_1005 = tpu.vector_load %arg5[%parallel_loop3A_1004] {strides = array<i32>} : memref<22272xf32, #tpu.memory_space<vmem>>, vector<16xf32>,
      %parallel_loop3A_1006 = arith.constant 32 : i32
      %parallel_loop3A_1007 = arith.addi %parallel_loop3A_983, %parallel_loop3A_1006 : i32
      %parallel_loop3A_1008 = arith.constant 16 : i32
      %parallel_loop3A_1009 = arith.addi %parallel_loop3A_1007, %parallel_loop3A_1008 : i32
      %parallel_loop3A_1010 = arith.index_cast %parallel_loop3A_1009 : i32 to index
      %parallel_loop3A_1011 = tpu.vector_load %arg5[%parallel_loop3A_1010] {strides = array<i32>} : memref<22272xf32, #tpu.memory_space<vmem>>, vector<16xf32>,
      %parallel_loop3A_1012 = tpu.pack_subelements %parallel_loop3A_1005, %parallel_loop3A_1011 {pack_format = #tpu.pack_format<interleaved>, positions = array<i32: 0, 1>} : vector<16xf32>, vector<16xf32> -> vector<32xbf16>
      %parallel_loop3A_1013 = vector.bitcast %parallel_loop3A_1012 : vector<32xbf16> to vector<16xi32>
      %parallel_loop3A_1014 = arith.constant 64 : i32
      %parallel_loop3A_1015 = arith.muli %parallel_loop3A_981, %parallel_loop3A_1014 : i32
      %parallel_loop3A_1016 = arith.constant 16 : i32
      %parallel_loop3A_1017 = arith.addi %parallel_loop3A_1015, %parallel_loop3A_1016 : i32
      %parallel_loop3A_1018 = arith.index_cast %parallel_loop3A_1017 : i32 to index
      %parallel_loop3A_1019 = tpu.vector_load %arg7[%parallel_loop3A_1018] {strides = array<i32>} : memref<28352xi32, #tpu.memory_space<vmem>>, vector<16xi32>,
      tpu.vector_store %arg7[%parallel_loop3A_1018], %parallel_loop3A_1013 {strides = array<i32>} : memref<28352xi32, #tpu.memory_space<vmem>>, vector<16xi32>,
      %parallel_loop3A_1020 = arith.constant 64 : i32
      %parallel_loop3A_1021 = arith.addi %parallel_loop3A_983, %parallel_loop3A_1020 : i32
      %parallel_loop3A_1022 = arith.index_cast %parallel_loop3A_1021 : i32 to index
      %parallel_loop3A_1023 = tpu.vector_load %arg5[%parallel_loop3A_1022] {strides = array<i32>} : memref<22272xf32, #tpu.memory_space<vmem>>, vector<16xf32>,
      %parallel_loop3A_1024 = arith.constant 64 : i32
      %parallel_loop3A_1025 = arith.addi %parallel_loop3A_983, %parallel_loop3A_1024 : i32
      %parallel_loop3A_1026 = arith.constant 16 : i32
      %parallel_loop3A_1027 = arith.addi %parallel_loop3A_1025, %parallel_loop3A_1026 : i32
      %parallel_loop3A_1028 = arith.index_cast %parallel_loop3A_1027 : i32 to index
      %parallel_loop3A_1029 = tpu.vector_load %arg5[%parallel_loop3A_1028] {strides = array<i32>} : memref<22272xf32, #tpu.memory_space<vmem>>, vector<16xf32>,
      %parallel_loop3A_1030 = tpu.pack_subelements %parallel_loop3A_1023, %parallel_loop3A_1029 {pack_format = #tpu.pack_format<interleaved>, positions = array<i32: 0, 1>} : vector<16xf32>, vector<16xf32> -> vector<32xbf16>
      %parallel_loop3A_1031 = vector.bitcast %parallel_loop3A_1030 : vector<32xbf16> to vector<16xi32>
      %parallel_loop3A_1032 = arith.constant 64 : i32
      %parallel_loop3A_1033 = arith.muli %parallel_loop3A_981, %parallel_loop3A_1032 : i32
      %parallel_loop3A_1034 = arith.constant 32 : i32
      %parallel_loop3A_1035 = arith.addi %parallel_loop3A_1033, %parallel_loop3A_1034 : i32
      %parallel_loop3A_1036 = arith.index_cast %parallel_loop3A_1035 : i32 to index
      %parallel_loop3A_1037 = tpu.vector_load %arg7[%parallel_loop3A_1036] {strides = array<i32>} : memref<28352xi32, #tpu.memory_space<vmem>>, vector<16xi32>,
      tpu.vector_store %arg7[%parallel_loop3A_1036], %parallel_loop3A_1031 {strides = array<i32>} : memref<28352xi32, #tpu.memory_space<vmem>>, vector<16xi32>,
      %parallel_loop3A_1038 = arith.constant 96 : i32
      %parallel_loop3A_1039 = arith.addi %parallel_loop3A_983, %parallel_loop3A_1038 : i32
      %parallel_loop3A_1040 = arith.index_cast %parallel_loop3A_1039 : i32 to index
      %parallel_loop3A_1041 = tpu.vector_load %arg5[%parallel_loop3A_1040] {strides = array<i32>} : memref<22272xf32, #tpu.memory_space<vmem>>, vector<16xf32>,
      %parallel_loop3A_1042 = arith.constant 96 : i32
      %parallel_loop3A_1043 = arith.addi %parallel_loop3A_983, %parallel_loop3A_1042 : i32
      %parallel_loop3A_1044 = arith.constant 16 : i32
      %parallel_loop3A_1045 = arith.addi %parallel_loop3A_1043, %parallel_loop3A_1044 : i32
      %parallel_loop3A_1046 = arith.index_cast %parallel_loop3A_1045 : i32 to index
      %parallel_loop3A_1047 = tpu.vector_load %arg5[%parallel_loop3A_1046] {strides = array<i32>} : memref<22272xf32, #tpu.memory_space<vmem>>, vector<16xf32>,
      %parallel_loop3A_1048 = tpu.pack_subelements %parallel_loop3A_1041, %parallel_loop3A_1047 {pack_format = #tpu.pack_format<interleaved>, positions = array<i32: 0, 1>} : vector<16xf32>, vector<16xf32> -> vector<32xbf16>
      %parallel_loop3A_1049 = vector.bitcast %parallel_loop3A_1048 : vector<32xbf16> to vector<16xi32>
      %parallel_loop3A_1050 = arith.constant 64 : i32
      %parallel_loop3A_1051 = arith.muli %parallel_loop3A_981, %parallel_loop3A_1050 : i32
      %parallel_loop3A_1052 = arith.constant 48 : i32
      %parallel_loop3A_1053 = arith.addi %parallel_loop3A_1051, %parallel_loop3A_1052 : i32
      %parallel_loop3A_1054 = arith.index_cast %parallel_loop3A_1053 : i32 to index
      %parallel_loop3A_1055 = tpu.vector_load %arg7[%parallel_loop3A_1054] {strides = array<i32>} : memref<28352xi32, #tpu.memory_space<vmem>>, vector<16xi32>,
      tpu.vector_store %arg7[%parallel_loop3A_1054], %parallel_loop3A_1049 {strides = array<i32>} : memref<28352xi32, #tpu.memory_space<vmem>>, vector<16xi32>,
    } {sc.loop_unroll_factor = 2 : i64, sc.parallel_access}
    %scan3A = arith.constant 0 : i32
    %scan3A_2 = arith.constant 0 : i32
    %scan3A_3 = arith.constant 5 : i32
    %scan3A_4 = arith.addi %scan3A_2, %scan3A_3 : i32
    %scan3A_5 = arith.constant 1 : i32
    %scan3A_6 = scf.for %scan3A_981 = %scan3A_2 to %scan3A_4 step %scan3A_5 iter_args(%scan3A_982 = %scan3A) -> (i32)  : i32 {
      %parallel_loop3A_983 = arith.constant 0 : i32
      %parallel_loop3A_984 = arith.constant 12 : i32
      %parallel_loop3A_985 = arith.constant 1 : i32
      scf.for %parallel_loop3A_987 = %parallel_loop3A_983 to %parallel_loop3A_984 step %parallel_loop3A_985  : i32 {
        %parallel_loop3A_988 = arith.constant 128 : i32
        %parallel_loop3A_989 = arith.muli %scan3A_981, %parallel_loop3A_988 : i32
        %parallel_loop3A_990 = arith.constant 15232 : i32
        %parallel_loop3A_991 = arith.addi %parallel_loop3A_990, %parallel_loop3A_989 : i32
        %parallel_loop3A_992 = arith.constant 128 : i32
        %parallel_loop3A_993 = arith.muli %parallel_loop3A_987, %parallel_loop3A_992 : i32
        %parallel_loop3A_994 = arith.constant 15872 : i32
        %parallel_loop3A_995 = arith.addi %parallel_loop3A_994, %parallel_loop3A_993 : i32
        %parallel_loop3A_996 = arith.constant 12 : i32
        %parallel_loop3A_997 = arith.muli %scan3A_981, %parallel_loop3A_996 : i32
        %parallel_loop3A_998 = arith.constant 119 : i32
        %parallel_loop3A_999 = arith.addi %parallel_loop3A_998, %parallel_loop3A_997 : i32
        %parallel_loop3A_1000 = arith.addi %parallel_loop3A_999, %parallel_loop3A_987 : i32
        %parallel_loop3A_1001 = arith.constant 0 : i32
        %parallel_loop3A_1002 = arith.addi %parallel_loop3A_991, %parallel_loop3A_1001 : i32
        %parallel_loop3A_1003 = arith.index_cast %parallel_loop3A_1002 : i32 to index
        %parallel_loop3A_1004 = tpu.vector_load %arg5[%parallel_loop3A_1003] {strides = array<i32>} : memref<22272xf32, #tpu.memory_space<vmem>>, vector<16xf32>,
        %parallel_loop3A_1005 = arith.constant 0 : i32
        %parallel_loop3A_1006 = arith.addi %parallel_loop3A_995, %parallel_loop3A_1005 : i32
        %parallel_loop3A_1007 = arith.index_cast %parallel_loop3A_1006 : i32 to index
        %parallel_loop3A_1008 = tpu.vector_load %arg5[%parallel_loop3A_1007] {strides = array<i32>} : memref<22272xf32, #tpu.memory_space<vmem>>, vector<16xf32>,
        %parallel_loop3A_1009 = arith.addf %parallel_loop3A_1004, %parallel_loop3A_1008 : vector<16xf32>
        %parallel_loop3A_1010 = arith.constant 0 : i32
        %parallel_loop3A_1011 = arith.addi %parallel_loop3A_991, %parallel_loop3A_1010 : i32
        %parallel_loop3A_1012 = arith.constant 16 : i32
        %parallel_loop3A_1013 = arith.addi %parallel_loop3A_1011, %parallel_loop3A_1012 : i32
        %parallel_loop3A_1014 = arith.index_cast %parallel_loop3A_1013 : i32 to index
        %parallel_loop3A_1015 = tpu.vector_load %arg5[%parallel_loop3A_1014] {strides = array<i32>} : memref<22272xf32, #tpu.memory_space<vmem>>, vector<16xf32>,
        %parallel_loop3A_1016 = arith.constant 0 : i32
        %parallel_loop3A_1017 = arith.addi %parallel_loop3A_995, %parallel_loop3A_1016 : i32
        %parallel_loop3A_1018 = arith.constant 16 : i32
        %parallel_loop3A_1019 = arith.addi %parallel_loop3A_1017, %parallel_loop3A_1018 : i32
        %parallel_loop3A_1020 = arith.index_cast %parallel_loop3A_1019 : i32 to index
        %parallel_loop3A_1021 = tpu.vector_load %arg5[%parallel_loop3A_1020] {strides = array<i32>} : memref<22272xf32, #tpu.memory_space<vmem>>, vector<16xf32>,
        %parallel_loop3A_1022 = arith.addf %parallel_loop3A_1015, %parallel_loop3A_1021 : vector<16xf32>
        %parallel_loop3A_1023 = tpu.pack_subelements %parallel_loop3A_1009, %parallel_loop3A_1022 {pack_format = #tpu.pack_format<interleaved>, positions = array<i32: 0, 1>} : vector<16xf32>, vector<16xf32> -> vector<32xbf16>
        %parallel_loop3A_1024 = vector.bitcast %parallel_loop3A_1023 : vector<32xbf16> to vector<16xi32>
        %parallel_loop3A_1025 = arith.constant 64 : i32
        %parallel_loop3A_1026 = arith.muli %parallel_loop3A_1000, %parallel_loop3A_1025 : i32
        %parallel_loop3A_1027 = arith.constant 0 : i32
        %parallel_loop3A_1028 = arith.addi %parallel_loop3A_1026, %parallel_loop3A_1027 : i32
        %parallel_loop3A_1029 = arith.index_cast %parallel_loop3A_1028 : i32 to index
        %parallel_loop3A_1030 = tpu.vector_load %arg7[%parallel_loop3A_1029] {strides = array<i32>} : memref<28352xi32, #tpu.memory_space<vmem>>, vector<16xi32>,
        tpu.vector_store %arg7[%parallel_loop3A_1029], %parallel_loop3A_1024 {strides = array<i32>} : memref<28352xi32, #tpu.memory_space<vmem>>, vector<16xi32>,
        %parallel_loop3A_1031 = arith.constant 12 : i32
        %parallel_loop3A_1032 = arith.muli %scan3A_981, %parallel_loop3A_1031 : i32
        %parallel_loop3A_1033 = arith.constant 119 : i32
        %parallel_loop3A_1034 = arith.addi %parallel_loop3A_1033, %parallel_loop3A_1032 : i32
        %parallel_loop3A_1035 = arith.addi %parallel_loop3A_1034, %parallel_loop3A_987 : i32
        %parallel_loop3A_1036 = arith.constant 32 : i32
        %parallel_loop3A_1037 = arith.addi %parallel_loop3A_991, %parallel_loop3A_1036 : i32
        %parallel_loop3A_1038 = arith.index_cast %parallel_loop3A_1037 : i32 to index
        %parallel_loop3A_1039 = tpu.vector_load %arg5[%parallel_loop3A_1038] {strides = array<i32>} : memref<22272xf32, #tpu.memory_space<vmem>>, vector<16xf32>,
        %parallel_loop3A_1040 = arith.constant 32 : i32
        %parallel_loop3A_1041 = arith.addi %parallel_loop3A_995, %parallel_loop3A_1040 : i32
        %parallel_loop3A_1042 = arith.index_cast %parallel_loop3A_1041 : i32 to index
        %parallel_loop3A_1043 = tpu.vector_load %arg5[%parallel_loop3A_1042] {strides = array<i32>} : memref<22272xf32, #tpu.memory_space<vmem>>, vector<16xf32>,
        %parallel_loop3A_1044 = arith.addf %parallel_loop3A_1039, %parallel_loop3A_1043 : vector<16xf32>
        %parallel_loop3A_1045 = arith.constant 32 : i32
        %parallel_loop3A_1046 = arith.addi %parallel_loop3A_991, %parallel_loop3A_1045 : i32
        %parallel_loop3A_1047 = arith.constant 16 : i32
        %parallel_loop3A_1048 = arith.addi %parallel_loop3A_1046, %parallel_loop3A_1047 : i32
        %parallel_loop3A_1049 = arith.index_cast %parallel_loop3A_1048 : i32 to index
        %parallel_loop3A_1050 = tpu.vector_load %arg5[%parallel_loop3A_1049] {strides = array<i32>} : memref<22272xf32, #tpu.memory_space<vmem>>, vector<16xf32>,
        %parallel_loop3A_1051 = arith.constant 32 : i32
        %parallel_loop3A_1052 = arith.addi %parallel_loop3A_995, %parallel_loop3A_1051 : i32
        %parallel_loop3A_1053 = arith.constant 16 : i32
        %parallel_loop3A_1054 = arith.addi %parallel_loop3A_1052, %parallel_loop3A_1053 : i32
        %parallel_loop3A_1055 = arith.index_cast %parallel_loop3A_1054 : i32 to index
        %parallel_loop3A_1056 = tpu.vector_load %arg5[%parallel_loop3A_1055] {strides = array<i32>} : memref<22272xf32, #tpu.memory_space<vmem>>, vector<16xf32>,
        %parallel_loop3A_1057 = arith.addf %parallel_loop3A_1050, %parallel_loop3A_1056 : vector<16xf32>
        %parallel_loop3A_1058 = tpu.pack_subelements %parallel_loop3A_1044, %parallel_loop3A_1057 {pack_format = #tpu.pack_format<interleaved>, positions = array<i32: 0, 1>} : vector<16xf32>, vector<16xf32> -> vector<32xbf16>
        %parallel_loop3A_1059 = vector.bitcast %parallel_loop3A_1058 : vector<32xbf16> to vector<16xi32>
        %parallel_loop3A_1060 = arith.constant 64 : i32
        %parallel_loop3A_1061 = arith.muli %parallel_loop3A_1035, %parallel_loop3A_1060 : i32
        %parallel_loop3A_1062 = arith.constant 16 : i32
        %parallel_loop3A_1063 = arith.addi %parallel_loop3A_1061, %parallel_loop3A_1062 : i32
        %parallel_loop3A_1064 = arith.index_cast %parallel_loop3A_1063 : i32 to index
        %parallel_loop3A_1065 = tpu.vector_load %arg7[%parallel_loop3A_1064] {strides = array<i32>} : memref<28352xi32, #tpu.memory_space<vmem>>, vector<16xi32>,
        tpu.vector_store %arg7[%parallel_loop3A_1064], %parallel_loop3A_1059 {strides = array<i32>} : memref<28352xi32, #tpu.memory_space<vmem>>, vector<16xi32>,
        %parallel_loop3A_1066 = arith.constant 12 : i32
        %parallel_loop3A_1067 = arith.muli %scan3A_981, %parallel_loop3A_1066 : i32
        %parallel_loop3A_1068 = arith.constant 119 : i32
        %parallel_loop3A_1069 = arith.addi %parallel_loop3A_1068, %parallel_loop3A_1067 : i32
        %parallel_loop3A_1070 = arith.addi %parallel_loop3A_1069, %parallel_loop3A_987 : i32
        %parallel_loop3A_1071 = arith.constant 64 : i32
        %parallel_loop3A_1072 = arith.addi %parallel_loop3A_991, %parallel_loop3A_1071 : i32
        %parallel_loop3A_1073 = arith.index_cast %parallel_loop3A_1072 : i32 to index
        %parallel_loop3A_1074 = tpu.vector_load %arg5[%parallel_loop3A_1073] {strides = array<i32>} : memref<22272xf32, #tpu.memory_space<vmem>>, vector<16xf32>,
        %parallel_loop3A_1075 = arith.constant 64 : i32
        %parallel_loop3A_1076 = arith.addi %parallel_loop3A_995, %parallel_loop3A_1075 : i32
        %parallel_loop3A_1077 = arith.index_cast %parallel_loop3A_1076 : i32 to index
        %parallel_loop3A_1078 = tpu.vector_load %arg5[%parallel_loop3A_1077] {strides = array<i32>} : memref<22272xf32, #tpu.memory_space<vmem>>, vector<16xf32>,
        %parallel_loop3A_1079 = arith.addf %parallel_loop3A_1074, %parallel_loop3A_1078 : vector<16xf32>
        %parallel_loop3A_1080 = arith.constant 64 : i32
        %parallel_loop3A_1081 = arith.addi %parallel_loop3A_991, %parallel_loop3A_1080 : i32
        %parallel_loop3A_1082 = arith.constant 16 : i32
        %parallel_loop3A_1083 = arith.addi %parallel_loop3A_1081, %parallel_loop3A_1082 : i32
        %parallel_loop3A_1084 = arith.index_cast %parallel_loop3A_1083 : i32 to index
        %parallel_loop3A_1085 = tpu.vector_load %arg5[%parallel_loop3A_1084] {strides = array<i32>} : memref<22272xf32, #tpu.memory_space<vmem>>, vector<16xf32>,
        %parallel_loop3A_1086 = arith.constant 64 : i32
        %parallel_loop3A_1087 = arith.addi %parallel_loop3A_995, %parallel_loop3A_1086 : i32
        %parallel_loop3A_1088 = arith.constant 16 : i32
        %parallel_loop3A_1089 = arith.addi %parallel_loop3A_1087, %parallel_loop3A_1088 : i32
        %parallel_loop3A_1090 = arith.index_cast %parallel_loop3A_1089 : i32 to index
        %parallel_loop3A_1091 = tpu.vector_load %arg5[%parallel_loop3A_1090] {strides = array<i32>} : memref<22272xf32, #tpu.memory_space<vmem>>, vector<16xf32>,
        %parallel_loop3A_1092 = arith.addf %parallel_loop3A_1085, %parallel_loop3A_1091 : vector<16xf32>
        %parallel_loop3A_1093 = tpu.pack_subelements %parallel_loop3A_1079, %parallel_loop3A_1092 {pack_format = #tpu.pack_format<interleaved>, positions = array<i32: 0, 1>} : vector<16xf32>, vector<16xf32> -> vector<32xbf16>
        %parallel_loop3A_1094 = vector.bitcast %parallel_loop3A_1093 : vector<32xbf16> to vector<16xi32>
        %parallel_loop3A_1095 = arith.constant 64 : i32
        %parallel_loop3A_1096 = arith.muli %parallel_loop3A_1070, %parallel_loop3A_1095 : i32
        %parallel_loop3A_1097 = arith.constant 32 : i32
        %parallel_loop3A_1098 = arith.addi %parallel_loop3A_1096, %parallel_loop3A_1097 : i32
        %parallel_loop3A_1099 = arith.index_cast %parallel_loop3A_1098 : i32 to index
        %parallel_loop3A_1100 = tpu.vector_load %arg7[%parallel_loop3A_1099] {strides = array<i32>} : memref<28352xi32, #tpu.memory_space<vmem>>, vector<16xi32>,
        tpu.vector_store %arg7[%parallel_loop3A_1099], %parallel_loop3A_1094 {strides = array<i32>} : memref<28352xi32, #tpu.memory_space<vmem>>, vector<16xi32>,
        %parallel_loop3A_1101 = arith.constant 12 : i32
        %parallel_loop3A_1102 = arith.muli %scan3A_981, %parallel_loop3A_1101 : i32
        %parallel_loop3A_1103 = arith.constant 119 : i32
        %parallel_loop3A_1104 = arith.addi %parallel_loop3A_1103, %parallel_loop3A_1102 : i32
        %parallel_loop3A_1105 = arith.addi %parallel_loop3A_1104, %parallel_loop3A_987 : i32
        %parallel_loop3A_1106 = arith.constant 96 : i32
        %parallel_loop3A_1107 = arith.addi %parallel_loop3A_991, %parallel_loop3A_1106 : i32
        %parallel_loop3A_1108 = arith.index_cast %parallel_loop3A_1107 : i32 to index
        %parallel_loop3A_1109 = tpu.vector_load %arg5[%parallel_loop3A_1108] {strides = array<i32>} : memref<22272xf32, #tpu.memory_space<vmem>>, vector<16xf32>,
        %parallel_loop3A_1110 = arith.constant 96 : i32
        %parallel_loop3A_1111 = arith.addi %parallel_loop3A_995, %parallel_loop3A_1110 : i32
        %parallel_loop3A_1112 = arith.index_cast %parallel_loop3A_1111 : i32 to index
        %parallel_loop3A_1113 = tpu.vector_load %arg5[%parallel_loop3A_1112] {strides = array<i32>} : memref<22272xf32, #tpu.memory_space<vmem>>, vector<16xf32>,
        %parallel_loop3A_1114 = arith.addf %parallel_loop3A_1109, %parallel_loop3A_1113 : vector<16xf32>
        %parallel_loop3A_1115 = arith.constant 96 : i32
        %parallel_loop3A_1116 = arith.addi %parallel_loop3A_991, %parallel_loop3A_1115 : i32
        %parallel_loop3A_1117 = arith.constant 16 : i32
        %parallel_loop3A_1118 = arith.addi %parallel_loop3A_1116, %parallel_loop3A_1117 : i32
        %parallel_loop3A_1119 = arith.index_cast %parallel_loop3A_1118 : i32 to index
        %parallel_loop3A_1120 = tpu.vector_load %arg5[%parallel_loop3A_1119] {strides = array<i32>} : memref<22272xf32, #tpu.memory_space<vmem>>, vector<16xf32>,
        %parallel_loop3A_1121 = arith.constant 96 : i32
        %parallel_loop3A_1122 = arith.addi %parallel_loop3A_995, %parallel_loop3A_1121 : i32
        %parallel_loop3A_1123 = arith.constant 16 : i32
        %parallel_loop3A_1124 = arith.addi %parallel_loop3A_1122, %parallel_loop3A_1123 : i32
        %parallel_loop3A_1125 = arith.index_cast %parallel_loop3A_1124 : i32 to index
        %parallel_loop3A_1126 = tpu.vector_load %arg5[%parallel_loop3A_1125] {strides = array<i32>} : memref<22272xf32, #tpu.memory_space<vmem>>, vector<16xf32>,
        %parallel_loop3A_1127 = arith.addf %parallel_loop3A_1120, %parallel_loop3A_1126 : vector<16xf32>
        %parallel_loop3A_1128 = tpu.pack_subelements %parallel_loop3A_1114, %parallel_loop3A_1127 {pack_format = #tpu.pack_format<interleaved>, positions = array<i32: 0, 1>} : vector<16xf32>, vector<16xf32> -> vector<32xbf16>
        %parallel_loop3A_1129 = vector.bitcast %parallel_loop3A_1128 : vector<32xbf16> to vector<16xi32>
        %parallel_loop3A_1130 = arith.constant 64 : i32
        %parallel_loop3A_1131 = arith.muli %parallel_loop3A_1105, %parallel_loop3A_1130 : i32
        %parallel_loop3A_1132 = arith.constant 48 : i32
        %parallel_loop3A_1133 = arith.addi %parallel_loop3A_1131, %parallel_loop3A_1132 : i32
        %parallel_loop3A_1134 = arith.index_cast %parallel_loop3A_1133 : i32 to index
        %parallel_loop3A_1135 = tpu.vector_load %arg7[%parallel_loop3A_1134] {strides = array<i32>} : memref<28352xi32, #tpu.memory_space<vmem>>, vector<16xi32>,
        tpu.vector_store %arg7[%parallel_loop3A_1134], %parallel_loop3A_1129 {strides = array<i32>} : memref<28352xi32, #tpu.memory_space<vmem>>, vector<16xi32>,
      } {sc.loop_unroll_factor = 2 : i64, sc.parallel_access}
      %scan3A_986 = arith.constant 0 : i32
      scf.yield %scan3A_986 : i32
    }
    %scan3A_7 = arith.constant 5 : i32
    %scan3A_8 = arith.constant 0 : i32
    %scan3A_9 = arith.constant 0 : i32
    %scan3A_10 = arith.constant 12 : i32
    %scan3A_11 = arith.addi %scan3A_9, %scan3A_10 : i32
    %scan3A_12 = arith.constant 1 : i32
    %scan3A_13 = scf.for %scan3A_981 = %scan3A_9 to %scan3A_11 step %scan3A_12 iter_args(%scan3A_982 = %scan3A_8) -> (i32)  : i32 {
      %parallel_loop3A_983 = arith.constant 0 : i32
      %parallel_loop3A_984 = arith.constant 10 : i32
      %parallel_loop3A_985 = arith.constant 1 : i32
      scf.for %parallel_loop3A_987 = %parallel_loop3A_983 to %parallel_loop3A_984 step %parallel_loop3A_985  : i32 {
        %parallel_loop3A_988 = arith.constant 128 : i32
        %parallel_loop3A_989 = arith.muli %scan3A_981, %parallel_loop3A_988 : i32
        %parallel_loop3A_990 = arith.constant 17408 : i32
        %parallel_loop3A_991 = arith.addi %parallel_loop3A_990, %parallel_loop3A_989 : i32
        %parallel_loop3A_992 = arith.constant 128 : i32
        %parallel_loop3A_993 = arith.muli %parallel_loop3A_987, %parallel_loop3A_992 : i32
        %parallel_loop3A_994 = arith.constant 18944 : i32
        %parallel_loop3A_995 = arith.addi %parallel_loop3A_994, %parallel_loop3A_993 : i32
        %parallel_loop3A_996 = arith.constant 10 : i32
        %parallel_loop3A_997 = arith.muli %scan3A_981, %parallel_loop3A_996 : i32
        %parallel_loop3A_998 = arith.constant 179 : i32
        %parallel_loop3A_999 = arith.addi %parallel_loop3A_998, %parallel_loop3A_997 : i32
        %parallel_loop3A_1000 = arith.addi %parallel_loop3A_999, %parallel_loop3A_987 : i32
        %parallel_loop3A_1001 = arith.constant 0 : i32
        %parallel_loop3A_1002 = arith.addi %parallel_loop3A_991, %parallel_loop3A_1001 : i32
        %parallel_loop3A_1003 = arith.index_cast %parallel_loop3A_1002 : i32 to index
        %parallel_loop3A_1004 = tpu.vector_load %arg5[%parallel_loop3A_1003] {strides = array<i32>} : memref<22272xf32, #tpu.memory_space<vmem>>, vector<16xf32>,
        %parallel_loop3A_1005 = arith.constant 0 : i32
        %parallel_loop3A_1006 = arith.addi %parallel_loop3A_995, %parallel_loop3A_1005 : i32
        %parallel_loop3A_1007 = arith.index_cast %parallel_loop3A_1006 : i32 to index
        %parallel_loop3A_1008 = tpu.vector_load %arg5[%parallel_loop3A_1007] {strides = array<i32>} : memref<22272xf32, #tpu.memory_space<vmem>>, vector<16xf32>,
        %parallel_loop3A_1009 = arith.addf %parallel_loop3A_1004, %parallel_loop3A_1008 : vector<16xf32>
        %parallel_loop3A_1010 = arith.constant 0 : i32
        %parallel_loop3A_1011 = arith.addi %parallel_loop3A_991, %parallel_loop3A_1010 : i32
        %parallel_loop3A_1012 = arith.constant 16 : i32
        %parallel_loop3A_1013 = arith.addi %parallel_loop3A_1011, %parallel_loop3A_1012 : i32
        %parallel_loop3A_1014 = arith.index_cast %parallel_loop3A_1013 : i32 to index
        %parallel_loop3A_1015 = tpu.vector_load %arg5[%parallel_loop3A_1014] {strides = array<i32>} : memref<22272xf32, #tpu.memory_space<vmem>>, vector<16xf32>,
        %parallel_loop3A_1016 = arith.constant 0 : i32
        %parallel_loop3A_1017 = arith.addi %parallel_loop3A_995, %parallel_loop3A_1016 : i32
        %parallel_loop3A_1018 = arith.constant 16 : i32
        %parallel_loop3A_1019 = arith.addi %parallel_loop3A_1017, %parallel_loop3A_1018 : i32
        %parallel_loop3A_1020 = arith.index_cast %parallel_loop3A_1019 : i32 to index
        %parallel_loop3A_1021 = tpu.vector_load %arg5[%parallel_loop3A_1020] {strides = array<i32>} : memref<22272xf32, #tpu.memory_space<vmem>>, vector<16xf32>,
        %parallel_loop3A_1022 = arith.addf %parallel_loop3A_1015, %parallel_loop3A_1021 : vector<16xf32>
        %parallel_loop3A_1023 = tpu.pack_subelements %parallel_loop3A_1009, %parallel_loop3A_1022 {pack_format = #tpu.pack_format<interleaved>, positions = array<i32: 0, 1>} : vector<16xf32>, vector<16xf32> -> vector<32xbf16>
        %parallel_loop3A_1024 = vector.bitcast %parallel_loop3A_1023 : vector<32xbf16> to vector<16xi32>
        %parallel_loop3A_1025 = arith.constant 64 : i32
        %parallel_loop3A_1026 = arith.muli %parallel_loop3A_1000, %parallel_loop3A_1025 : i32
        %parallel_loop3A_1027 = arith.constant 0 : i32
        %parallel_loop3A_1028 = arith.addi %parallel_loop3A_1026, %parallel_loop3A_1027 : i32
        %parallel_loop3A_1029 = arith.index_cast %parallel_loop3A_1028 : i32 to index
        %parallel_loop3A_1030 = tpu.vector_load %arg7[%parallel_loop3A_1029] {strides = array<i32>} : memref<28352xi32, #tpu.memory_space<vmem>>, vector<16xi32>,
        tpu.vector_store %arg7[%parallel_loop3A_1029], %parallel_loop3A_1024 {strides = array<i32>} : memref<28352xi32, #tpu.memory_space<vmem>>, vector<16xi32>,
        %parallel_loop3A_1031 = arith.constant 10 : i32
        %parallel_loop3A_1032 = arith.muli %scan3A_981, %parallel_loop3A_1031 : i32
        %parallel_loop3A_1033 = arith.constant 179 : i32
        %parallel_loop3A_1034 = arith.addi %parallel_loop3A_1033, %parallel_loop3A_1032 : i32
        %parallel_loop3A_1035 = arith.addi %parallel_loop3A_1034, %parallel_loop3A_987 : i32
        %parallel_loop3A_1036 = arith.constant 32 : i32
        %parallel_loop3A_1037 = arith.addi %parallel_loop3A_991, %parallel_loop3A_1036 : i32
        %parallel_loop3A_1038 = arith.index_cast %parallel_loop3A_1037 : i32 to index
        %parallel_loop3A_1039 = tpu.vector_load %arg5[%parallel_loop3A_1038] {strides = array<i32>} : memref<22272xf32, #tpu.memory_space<vmem>>, vector<16xf32>,
        %parallel_loop3A_1040 = arith.constant 32 : i32
        %parallel_loop3A_1041 = arith.addi %parallel_loop3A_995, %parallel_loop3A_1040 : i32
        %parallel_loop3A_1042 = arith.index_cast %parallel_loop3A_1041 : i32 to index
        %parallel_loop3A_1043 = tpu.vector_load %arg5[%parallel_loop3A_1042] {strides = array<i32>} : memref<22272xf32, #tpu.memory_space<vmem>>, vector<16xf32>,
        %parallel_loop3A_1044 = arith.addf %parallel_loop3A_1039, %parallel_loop3A_1043 : vector<16xf32>
        %parallel_loop3A_1045 = arith.constant 32 : i32
        %parallel_loop3A_1046 = arith.addi %parallel_loop3A_991, %parallel_loop3A_1045 : i32
        %parallel_loop3A_1047 = arith.constant 16 : i32
        %parallel_loop3A_1048 = arith.addi %parallel_loop3A_1046, %parallel_loop3A_1047 : i32
        %parallel_loop3A_1049 = arith.index_cast %parallel_loop3A_1048 : i32 to index
        %parallel_loop3A_1050 = tpu.vector_load %arg5[%parallel_loop3A_1049] {strides = array<i32>} : memref<22272xf32, #tpu.memory_space<vmem>>, vector<16xf32>,
        %parallel_loop3A_1051 = arith.constant 32 : i32
        %parallel_loop3A_1052 = arith.addi %parallel_loop3A_995, %parallel_loop3A_1051 : i32
        %parallel_loop3A_1053 = arith.constant 16 : i32
        %parallel_loop3A_1054 = arith.addi %parallel_loop3A_1052, %parallel_loop3A_1053 : i32
        %parallel_loop3A_1055 = arith.index_cast %parallel_loop3A_1054 : i32 to index
        %parallel_loop3A_1056 = tpu.vector_load %arg5[%parallel_loop3A_1055] {strides = array<i32>} : memref<22272xf32, #tpu.memory_space<vmem>>, vector<16xf32>,
        %parallel_loop3A_1057 = arith.addf %parallel_loop3A_1050, %parallel_loop3A_1056 : vector<16xf32>
        %parallel_loop3A_1058 = tpu.pack_subelements %parallel_loop3A_1044, %parallel_loop3A_1057 {pack_format = #tpu.pack_format<interleaved>, positions = array<i32: 0, 1>} : vector<16xf32>, vector<16xf32> -> vector<32xbf16>
        %parallel_loop3A_1059 = vector.bitcast %parallel_loop3A_1058 : vector<32xbf16> to vector<16xi32>
        %parallel_loop3A_1060 = arith.constant 64 : i32
        %parallel_loop3A_1061 = arith.muli %parallel_loop3A_1035, %parallel_loop3A_1060 : i32
        %parallel_loop3A_1062 = arith.constant 16 : i32
        %parallel_loop3A_1063 = arith.addi %parallel_loop3A_1061, %parallel_loop3A_1062 : i32
        %parallel_loop3A_1064 = arith.index_cast %parallel_loop3A_1063 : i32 to index
        %parallel_loop3A_1065 = tpu.vector_load %arg7[%parallel_loop3A_1064] {strides = array<i32>} : memref<28352xi32, #tpu.memory_space<vmem>>, vector<16xi32>,
        tpu.vector_store %arg7[%parallel_loop3A_1064], %parallel_loop3A_1059 {strides = array<i32>} : memref<28352xi32, #tpu.memory_space<vmem>>, vector<16xi32>,
        %parallel_loop3A_1066 = arith.constant 10 : i32
        %parallel_loop3A_1067 = arith.muli %scan3A_981, %parallel_loop3A_1066 : i32
        %parallel_loop3A_1068 = arith.constant 179 : i32
        %parallel_loop3A_1069 = arith.addi %parallel_loop3A_1068, %parallel_loop3A_1067 : i32
        %parallel_loop3A_1070 = arith.addi %parallel_loop3A_1069, %parallel_loop3A_987 : i32
        %parallel_loop3A_1071 = arith.constant 64 : i32
        %parallel_loop3A_1072 = arith.addi %parallel_loop3A_991, %parallel_loop3A_1071 : i32
        %parallel_loop3A_1073 = arith.index_cast %parallel_loop3A_1072 : i32 to index
        %parallel_loop3A_1074 = tpu.vector_load %arg5[%parallel_loop3A_1073] {strides = array<i32>} : memref<22272xf32, #tpu.memory_space<vmem>>, vector<16xf32>,
        %parallel_loop3A_1075 = arith.constant 64 : i32
        %parallel_loop3A_1076 = arith.addi %parallel_loop3A_995, %parallel_loop3A_1075 : i32
        %parallel_loop3A_1077 = arith.index_cast %parallel_loop3A_1076 : i32 to index
        %parallel_loop3A_1078 = tpu.vector_load %arg5[%parallel_loop3A_1077] {strides = array<i32>} : memref<22272xf32, #tpu.memory_space<vmem>>, vector<16xf32>,
        %parallel_loop3A_1079 = arith.addf %parallel_loop3A_1074, %parallel_loop3A_1078 : vector<16xf32>
        %parallel_loop3A_1080 = arith.constant 64 : i32
        %parallel_loop3A_1081 = arith.addi %parallel_loop3A_991, %parallel_loop3A_1080 : i32
        %parallel_loop3A_1082 = arith.constant 16 : i32
        %parallel_loop3A_1083 = arith.addi %parallel_loop3A_1081, %parallel_loop3A_1082 : i32
        %parallel_loop3A_1084 = arith.index_cast %parallel_loop3A_1083 : i32 to index
        %parallel_loop3A_1085 = tpu.vector_load %arg5[%parallel_loop3A_1084] {strides = array<i32>} : memref<22272xf32, #tpu.memory_space<vmem>>, vector<16xf32>,
        %parallel_loop3A_1086 = arith.constant 64 : i32
        %parallel_loop3A_1087 = arith.addi %parallel_loop3A_995, %parallel_loop3A_1086 : i32
        %parallel_loop3A_1088 = arith.constant 16 : i32
        %parallel_loop3A_1089 = arith.addi %parallel_loop3A_1087, %parallel_loop3A_1088 : i32
        %parallel_loop3A_1090 = arith.index_cast %parallel_loop3A_1089 : i32 to index
        %parallel_loop3A_1091 = tpu.vector_load %arg5[%parallel_loop3A_1090] {strides = array<i32>} : memref<22272xf32, #tpu.memory_space<vmem>>, vector<16xf32>,
        %parallel_loop3A_1092 = arith.addf %parallel_loop3A_1085, %parallel_loop3A_1091 : vector<16xf32>
        %parallel_loop3A_1093 = tpu.pack_subelements %parallel_loop3A_1079, %parallel_loop3A_1092 {pack_format = #tpu.pack_format<interleaved>, positions = array<i32: 0, 1>} : vector<16xf32>, vector<16xf32> -> vector<32xbf16>
        %parallel_loop3A_1094 = vector.bitcast %parallel_loop3A_1093 : vector<32xbf16> to vector<16xi32>
        %parallel_loop3A_1095 = arith.constant 64 : i32
        %parallel_loop3A_1096 = arith.muli %parallel_loop3A_1070, %parallel_loop3A_1095 : i32
        %parallel_loop3A_1097 = arith.constant 32 : i32
        %parallel_loop3A_1098 = arith.addi %parallel_loop3A_1096, %parallel_loop3A_1097 : i32
        %parallel_loop3A_1099 = arith.index_cast %parallel_loop3A_1098 : i32 to index
        %parallel_loop3A_1100 = tpu.vector_load %arg7[%parallel_loop3A_1099] {strides = array<i32>} : memref<28352xi32, #tpu.memory_space<vmem>>, vector<16xi32>,
        tpu.vector_store %arg7[%parallel_loop3A_1099], %parallel_loop3A_1094 {strides = array<i32>} : memref<28352xi32, #tpu.memory_space<vmem>>, vector<16xi32>,
        %parallel_loop3A_1101 = arith.constant 10 : i32
        %parallel_loop3A_1102 = arith.muli %scan3A_981, %parallel_loop3A_1101 : i32
        %parallel_loop3A_1103 = arith.constant 179 : i32
        %parallel_loop3A_1104 = arith.addi %parallel_loop3A_1103, %parallel_loop3A_1102 : i32
        %parallel_loop3A_1105 = arith.addi %parallel_loop3A_1104, %parallel_loop3A_987 : i32
        %parallel_loop3A_1106 = arith.constant 96 : i32
        %parallel_loop3A_1107 = arith.addi %parallel_loop3A_991, %parallel_loop3A_1106 : i32
        %parallel_loop3A_1108 = arith.index_cast %parallel_loop3A_1107 : i32 to index
        %parallel_loop3A_1109 = tpu.vector_load %arg5[%parallel_loop3A_1108] {strides = array<i32>} : memref<22272xf32, #tpu.memory_space<vmem>>, vector<16xf32>,
        %parallel_loop3A_1110 = arith.constant 96 : i32
        %parallel_loop3A_1111 = arith.addi %parallel_loop3A_995, %parallel_loop3A_1110 : i32
        %parallel_loop3A_1112 = arith.index_cast %parallel_loop3A_1111 : i32 to index
        %parallel_loop3A_1113 = tpu.vector_load %arg5[%parallel_loop3A_1112] {strides = array<i32>} : memref<22272xf32, #tpu.memory_space<vmem>>, vector<16xf32>,
        %parallel_loop3A_1114 = arith.addf %parallel_loop3A_1109, %parallel_loop3A_1113 : vector<16xf32>
        %parallel_loop3A_1115 = arith.constant 96 : i32
        %parallel_loop3A_1116 = arith.addi %parallel_loop3A_991, %parallel_loop3A_1115 : i32
        %parallel_loop3A_1117 = arith.constant 16 : i32
        %parallel_loop3A_1118 = arith.addi %parallel_loop3A_1116, %parallel_loop3A_1117 : i32
        %parallel_loop3A_1119 = arith.index_cast %parallel_loop3A_1118 : i32 to index
        %parallel_loop3A_1120 = tpu.vector_load %arg5[%parallel_loop3A_1119] {strides = array<i32>} : memref<22272xf32, #tpu.memory_space<vmem>>, vector<16xf32>,
        %parallel_loop3A_1121 = arith.constant 96 : i32
        %parallel_loop3A_1122 = arith.addi %parallel_loop3A_995, %parallel_loop3A_1121 : i32
        %parallel_loop3A_1123 = arith.constant 16 : i32
        %parallel_loop3A_1124 = arith.addi %parallel_loop3A_1122, %parallel_loop3A_1123 : i32
        %parallel_loop3A_1125 = arith.index_cast %parallel_loop3A_1124 : i32 to index
        %parallel_loop3A_1126 = tpu.vector_load %arg5[%parallel_loop3A_1125] {strides = array<i32>} : memref<22272xf32, #tpu.memory_space<vmem>>, vector<16xf32>,
        %parallel_loop3A_1127 = arith.addf %parallel_loop3A_1120, %parallel_loop3A_1126 : vector<16xf32>
        %parallel_loop3A_1128 = tpu.pack_subelements %parallel_loop3A_1114, %parallel_loop3A_1127 {pack_format = #tpu.pack_format<interleaved>, positions = array<i32: 0, 1>} : vector<16xf32>, vector<16xf32> -> vector<32xbf16>
        %parallel_loop3A_1129 = vector.bitcast %parallel_loop3A_1128 : vector<32xbf16> to vector<16xi32>
        %parallel_loop3A_1130 = arith.constant 64 : i32
        %parallel_loop3A_1131 = arith.muli %parallel_loop3A_1105, %parallel_loop3A_1130 : i32
        %parallel_loop3A_1132 = arith.constant 48 : i32
        %parallel_loop3A_1133 = arith.addi %parallel_loop3A_1131, %parallel_loop3A_1132 : i32
        %parallel_loop3A_1134 = arith.index_cast %parallel_loop3A_1133 : i32 to index
        %parallel_loop3A_1135 = tpu.vector_load %arg7[%parallel_loop3A_1134] {strides = array<i32>} : memref<28352xi32, #tpu.memory_space<vmem>>, vector<16xi32>,
        tpu.vector_store %arg7[%parallel_loop3A_1134], %parallel_loop3A_1129 {strides = array<i32>} : memref<28352xi32, #tpu.memory_space<vmem>>, vector<16xi32>,
      } {sc.loop_unroll_factor = 2 : i64, sc.parallel_access}
      %scan3A_986 = arith.constant 0 : i32
      scf.yield %scan3A_986 : i32
    }
    %scan3A_14 = arith.constant 12 : i32
    %scan3A_15 = arith.constant 0 : i32
    %scan3A_16 = arith.constant 0 : i32
    %scan3A_17 = arith.constant 6 : i32
    %scan3A_18 = arith.addi %scan3A_16, %scan3A_17 : i32
    %scan3A_19 = arith.constant 1 : i32
    %scan3A_20 = scf.for %scan3A_981 = %scan3A_16 to %scan3A_18 step %scan3A_19 iter_args(%scan3A_982 = %scan3A_15) -> (i32)  : i32 {
      %parallel_loop3A_983 = arith.constant 0 : i32
      %parallel_loop3A_984 = arith.constant 6 : i32
      %parallel_loop3A_985 = arith.constant 1 : i32
      scf.for %parallel_loop3A_987 = %parallel_loop3A_983 to %parallel_loop3A_984 step %parallel_loop3A_985  : i32 {
        %parallel_loop3A_988 = arith.constant 128 : i32
        %parallel_loop3A_989 = arith.muli %scan3A_981, %parallel_loop3A_988 : i32
        %parallel_loop3A_990 = arith.constant 20224 : i32
        %parallel_loop3A_991 = arith.addi %parallel_loop3A_990, %parallel_loop3A_989 : i32
        %parallel_loop3A_992 = arith.constant 128 : i32
        %parallel_loop3A_993 = arith.muli %parallel_loop3A_987, %parallel_loop3A_992 : i32
        %parallel_loop3A_994 = arith.constant 20992 : i32
        %parallel_loop3A_995 = arith.addi %parallel_loop3A_994, %parallel_loop3A_993 : i32
        %parallel_loop3A_996 = arith.constant 6 : i32
        %parallel_loop3A_997 = arith.muli %scan3A_981, %parallel_loop3A_996 : i32
        %parallel_loop3A_998 = arith.addi %parallel_loop3A_997, %parallel_loop3A_987 : i32
        %parallel_loop3A_999 = arith.constant 128 : i32
        %parallel_loop3A_1000 = arith.muli %parallel_loop3A_998, %parallel_loop3A_999 : i32
        %parallel_loop3A_1001 = arith.constant 0 : i32
        %parallel_loop3A_1002 = arith.addi %parallel_loop3A_991, %parallel_loop3A_1001 : i32
        %parallel_loop3A_1003 = arith.index_cast %parallel_loop3A_1002 : i32 to index
        %parallel_loop3A_1004 = tpu.vector_load %arg5[%parallel_loop3A_1003] {strides = array<i32>} : memref<22272xf32, #tpu.memory_space<vmem>>, vector<16xf32>,
        %parallel_loop3A_1005 = arith.constant 0 : i32
        %parallel_loop3A_1006 = arith.addi %parallel_loop3A_995, %parallel_loop3A_1005 : i32
        %parallel_loop3A_1007 = arith.index_cast %parallel_loop3A_1006 : i32 to index
        %parallel_loop3A_1008 = tpu.vector_load %arg5[%parallel_loop3A_1007] {strides = array<i32>} : memref<22272xf32, #tpu.memory_space<vmem>>, vector<16xf32>,
        %parallel_loop3A_1009 = arith.addf %parallel_loop3A_1004, %parallel_loop3A_1008 : vector<16xf32>
        %parallel_loop3A_1010 = arith.constant 0 : i32
        %parallel_loop3A_1011 = arith.addi %parallel_loop3A_1000, %parallel_loop3A_1010 : i32
        %parallel_loop3A_1012 = arith.index_cast %parallel_loop3A_1011 : i32 to index
        %parallel_loop3A_1013 = tpu.vector_load %arg6[%parallel_loop3A_1012] {strides = array<i32>} : memref<5120xf32, #tpu.memory_space<vmem>>, vector<16xf32>,
        tpu.vector_store %arg6[%parallel_loop3A_1012], %parallel_loop3A_1009 {strides = array<i32>} : memref<5120xf32, #tpu.memory_space<vmem>>, vector<16xf32>,
        %parallel_loop3A_1014 = arith.constant 16 : i32
        %parallel_loop3A_1015 = arith.addi %parallel_loop3A_991, %parallel_loop3A_1014 : i32
        %parallel_loop3A_1016 = arith.index_cast %parallel_loop3A_1015 : i32 to index
        %parallel_loop3A_1017 = tpu.vector_load %arg5[%parallel_loop3A_1016] {strides = array<i32>} : memref<22272xf32, #tpu.memory_space<vmem>>, vector<16xf32>,
        %parallel_loop3A_1018 = arith.constant 16 : i32
        %parallel_loop3A_1019 = arith.addi %parallel_loop3A_995, %parallel_loop3A_1018 : i32
        %parallel_loop3A_1020 = arith.index_cast %parallel_loop3A_1019 : i32 to index
        %parallel_loop3A_1021 = tpu.vector_load %arg5[%parallel_loop3A_1020] {strides = array<i32>} : memref<22272xf32, #tpu.memory_space<vmem>>, vector<16xf32>,
        %parallel_loop3A_1022 = arith.addf %parallel_loop3A_1017, %parallel_loop3A_1021 : vector<16xf32>
        %parallel_loop3A_1023 = arith.constant 16 : i32
        %parallel_loop3A_1024 = arith.addi %parallel_loop3A_1000, %parallel_loop3A_1023 : i32
        %parallel_loop3A_1025 = arith.index_cast %parallel_loop3A_1024 : i32 to index
        %parallel_loop3A_1026 = tpu.vector_load %arg6[%parallel_loop3A_1025] {strides = array<i32>} : memref<5120xf32, #tpu.memory_space<vmem>>, vector<16xf32>,
        tpu.vector_store %arg6[%parallel_loop3A_1025], %parallel_loop3A_1022 {strides = array<i32>} : memref<5120xf32, #tpu.memory_space<vmem>>, vector<16xf32>,
        %parallel_loop3A_1027 = arith.constant 32 : i32
        %parallel_loop3A_1028 = arith.addi %parallel_loop3A_991, %parallel_loop3A_1027 : i32
        %parallel_loop3A_1029 = arith.index_cast %parallel_loop3A_1028 : i32 to index
        %parallel_loop3A_1030 = tpu.vector_load %arg5[%parallel_loop3A_1029] {strides = array<i32>} : memref<22272xf32, #tpu.memory_space<vmem>>, vector<16xf32>,
        %parallel_loop3A_1031 = arith.constant 32 : i32
        %parallel_loop3A_1032 = arith.addi %parallel_loop3A_995, %parallel_loop3A_1031 : i32
        %parallel_loop3A_1033 = arith.index_cast %parallel_loop3A_1032 : i32 to index
        %parallel_loop3A_1034 = tpu.vector_load %arg5[%parallel_loop3A_1033] {strides = array<i32>} : memref<22272xf32, #tpu.memory_space<vmem>>, vector<16xf32>,
        %parallel_loop3A_1035 = arith.addf %parallel_loop3A_1030, %parallel_loop3A_1034 : vector<16xf32>
        %parallel_loop3A_1036 = arith.constant 32 : i32
        %parallel_loop3A_1037 = arith.addi %parallel_loop3A_1000, %parallel_loop3A_1036 : i32
        %parallel_loop3A_1038 = arith.index_cast %parallel_loop3A_1037 : i32 to index
        %parallel_loop3A_1039 = tpu.vector_load %arg6[%parallel_loop3A_1038] {strides = array<i32>} : memref<5120xf32, #tpu.memory_space<vmem>>, vector<16xf32>,
        tpu.vector_store %arg6[%parallel_loop3A_1038], %parallel_loop3A_1035 {strides = array<i32>} : memref<5120xf32, #tpu.memory_space<vmem>>, vector<16xf32>,
        %parallel_loop3A_1040 = arith.constant 48 : i32
        %parallel_loop3A_1041 = arith.addi %parallel_loop3A_991, %parallel_loop3A_1040 : i32
        %parallel_loop3A_1042 = arith.index_cast %parallel_loop3A_1041 : i32 to index
        %parallel_loop3A_1043 = tpu.vector_load %arg5[%parallel_loop3A_1042] {strides = array<i32>} : memref<22272xf32, #tpu.memory_space<vmem>>, vector<16xf32>,
        %parallel_loop3A_1044 = arith.constant 48 : i32
        %parallel_loop3A_1045 = arith.addi %parallel_loop3A_995, %parallel_loop3A_1044 : i32
        %parallel_loop3A_1046 = arith.index_cast %parallel_loop3A_1045 : i32 to index
        %parallel_loop3A_1047 = tpu.vector_load %arg5[%parallel_loop3A_1046] {strides = array<i32>} : memref<22272xf32, #tpu.memory_space<vmem>>, vector<16xf32>,
        %parallel_loop3A_1048 = arith.addf %parallel_loop3A_1043, %parallel_loop3A_1047 : vector<16xf32>
        %parallel_loop3A_1049 = arith.constant 48 : i32
        %parallel_loop3A_1050 = arith.addi %parallel_loop3A_1000, %parallel_loop3A_1049 : i32
        %parallel_loop3A_1051 = arith.index_cast %parallel_loop3A_1050 : i32 to index
        %parallel_loop3A_1052 = tpu.vector_load %arg6[%parallel_loop3A_1051] {strides = array<i32>} : memref<5120xf32, #tpu.memory_space<vmem>>, vector<16xf32>,
        tpu.vector_store %arg6[%parallel_loop3A_1051], %parallel_loop3A_1048 {strides = array<i32>} : memref<5120xf32, #tpu.memory_space<vmem>>, vector<16xf32>,
        %parallel_loop3A_1053 = arith.constant 64 : i32
        %parallel_loop3A_1054 = arith.addi %parallel_loop3A_991, %parallel_loop3A_1053 : i32
        %parallel_loop3A_1055 = arith.index_cast %parallel_loop3A_1054 : i32 to index
        %parallel_loop3A_1056 = tpu.vector_load %arg5[%parallel_loop3A_1055] {strides = array<i32>} : memref<22272xf32, #tpu.memory_space<vmem>>, vector<16xf32>,
        %parallel_loop3A_1057 = arith.constant 64 : i32
        %parallel_loop3A_1058 = arith.addi %parallel_loop3A_995, %parallel_loop3A_1057 : i32
        %parallel_loop3A_1059 = arith.index_cast %parallel_loop3A_1058 : i32 to index
        %parallel_loop3A_1060 = tpu.vector_load %arg5[%parallel_loop3A_1059] {strides = array<i32>} : memref<22272xf32, #tpu.memory_space<vmem>>, vector<16xf32>,
        %parallel_loop3A_1061 = arith.addf %parallel_loop3A_1056, %parallel_loop3A_1060 : vector<16xf32>
        %parallel_loop3A_1062 = arith.constant 64 : i32
        %parallel_loop3A_1063 = arith.addi %parallel_loop3A_1000, %parallel_loop3A_1062 : i32
        %parallel_loop3A_1064 = arith.index_cast %parallel_loop3A_1063 : i32 to index
        %parallel_loop3A_1065 = tpu.vector_load %arg6[%parallel_loop3A_1064] {strides = array<i32>} : memref<5120xf32, #tpu.memory_space<vmem>>, vector<16xf32>,
        tpu.vector_store %arg6[%parallel_loop3A_1064], %parallel_loop3A_1061 {strides = array<i32>} : memref<5120xf32, #tpu.memory_space<vmem>>, vector<16xf32>,
        %parallel_loop3A_1066 = arith.constant 80 : i32
        %parallel_loop3A_1067 = arith.addi %parallel_loop3A_991, %parallel_loop3A_1066 : i32
        %parallel_loop3A_1068 = arith.index_cast %parallel_loop3A_1067 : i32 to index
        %parallel_loop3A_1069 = tpu.vector_load %arg5[%parallel_loop3A_1068] {strides = array<i32>} : memref<22272xf32, #tpu.memory_space<vmem>>, vector<16xf32>,
        %parallel_loop3A_1070 = arith.constant 80 : i32
        %parallel_loop3A_1071 = arith.addi %parallel_loop3A_995, %parallel_loop3A_1070 : i32
        %parallel_loop3A_1072 = arith.index_cast %parallel_loop3A_1071 : i32 to index
        %parallel_loop3A_1073 = tpu.vector_load %arg5[%parallel_loop3A_1072] {strides = array<i32>} : memref<22272xf32, #tpu.memory_space<vmem>>, vector<16xf32>,
        %parallel_loop3A_1074 = arith.addf %parallel_loop3A_1069, %parallel_loop3A_1073 : vector<16xf32>
        %parallel_loop3A_1075 = arith.constant 80 : i32
        %parallel_loop3A_1076 = arith.addi %parallel_loop3A_1000, %parallel_loop3A_1075 : i32
        %parallel_loop3A_1077 = arith.index_cast %parallel_loop3A_1076 : i32 to index
        %parallel_loop3A_1078 = tpu.vector_load %arg6[%parallel_loop3A_1077] {strides = array<i32>} : memref<5120xf32, #tpu.memory_space<vmem>>, vector<16xf32>,
        tpu.vector_store %arg6[%parallel_loop3A_1077], %parallel_loop3A_1074 {strides = array<i32>} : memref<5120xf32, #tpu.memory_space<vmem>>, vector<16xf32>,
        %parallel_loop3A_1079 = arith.constant 96 : i32
        %parallel_loop3A_1080 = arith.addi %parallel_loop3A_991, %parallel_loop3A_1079 : i32
        %parallel_loop3A_1081 = arith.index_cast %parallel_loop3A_1080 : i32 to index
        %parallel_loop3A_1082 = tpu.vector_load %arg5[%parallel_loop3A_1081] {strides = array<i32>} : memref<22272xf32, #tpu.memory_space<vmem>>, vector<16xf32>,
        %parallel_loop3A_1083 = arith.constant 96 : i32
        %parallel_loop3A_1084 = arith.addi %parallel_loop3A_995, %parallel_loop3A_1083 : i32
        %parallel_loop3A_1085 = arith.index_cast %parallel_loop3A_1084 : i32 to index
        %parallel_loop3A_1086 = tpu.vector_load %arg5[%parallel_loop3A_1085] {strides = array<i32>} : memref<22272xf32, #tpu.memory_space<vmem>>, vector<16xf32>,
        %parallel_loop3A_1087 = arith.addf %parallel_loop3A_1082, %parallel_loop3A_1086 : vector<16xf32>
        %parallel_loop3A_1088 = arith.constant 96 : i32
        %parallel_loop3A_1089 = arith.addi %parallel_loop3A_1000, %parallel_loop3A_1088 : i32
        %parallel_loop3A_1090 = arith.index_cast %parallel_loop3A_1089 : i32 to index
        %parallel_loop3A_1091 = tpu.vector_load %arg6[%parallel_loop3A_1090] {strides = array<i32>} : memref<5120xf32, #tpu.memory_space<vmem>>, vector<16xf32>,
        tpu.vector_store %arg6[%parallel_loop3A_1090], %parallel_loop3A_1087 {strides = array<i32>} : memref<5120xf32, #tpu.memory_space<vmem>>, vector<16xf32>,
        %parallel_loop3A_1092 = arith.constant 112 : i32
        %parallel_loop3A_1093 = arith.addi %parallel_loop3A_991, %parallel_loop3A_1092 : i32
        %parallel_loop3A_1094 = arith.index_cast %parallel_loop3A_1093 : i32 to index
        %parallel_loop3A_1095 = tpu.vector_load %arg5[%parallel_loop3A_1094] {strides = array<i32>} : memref<22272xf32, #tpu.memory_space<vmem>>, vector<16xf32>,
        %parallel_loop3A_1096 = arith.constant 112 : i32
        %parallel_loop3A_1097 = arith.addi %parallel_loop3A_995, %parallel_loop3A_1096 : i32
        %parallel_loop3A_1098 = arith.index_cast %parallel_loop3A_1097 : i32 to index
        %parallel_loop3A_1099 = tpu.vector_load %arg5[%parallel_loop3A_1098] {strides = array<i32>} : memref<22272xf32, #tpu.memory_space<vmem>>, vector<16xf32>,
        %parallel_loop3A_1100 = arith.addf %parallel_loop3A_1095, %parallel_loop3A_1099 : vector<16xf32>
        %parallel_loop3A_1101 = arith.constant 112 : i32
        %parallel_loop3A_1102 = arith.addi %parallel_loop3A_1000, %parallel_loop3A_1101 : i32
        %parallel_loop3A_1103 = arith.index_cast %parallel_loop3A_1102 : i32 to index
        %parallel_loop3A_1104 = tpu.vector_load %arg6[%parallel_loop3A_1103] {strides = array<i32>} : memref<5120xf32, #tpu.memory_space<vmem>>, vector<16xf32>,
        tpu.vector_store %arg6[%parallel_loop3A_1103], %parallel_loop3A_1100 {strides = array<i32>} : memref<5120xf32, #tpu.memory_space<vmem>>, vector<16xf32>,
      } {sc.loop_unroll_factor = 2 : i64, sc.parallel_access}
      %scan3A_986 = arith.constant 0 : i32
      scf.yield %scan3A_986 : i32
    }
    %scan3A_21 = arith.constant 6 : i32
    %get3A = arith.constant 21760 : index
    %get3A_22 = tpu.vector_load %arg5[%get3A] {strides = array<i32>} : memref<22272xf32, #tpu.memory_space<vmem>>, vector<16xf32>,
    %get3A_23 = arith.constant 22016 : index
    %get3A_24 = tpu.vector_load %arg5[%get3A_23] {strides = array<i32>} : memref<22272xf32, #tpu.memory_space<vmem>>, vector<16xf32>,
    %add3A = arith.addf %get3A_22, %get3A_24 : vector<16xf32>
    %swap3A = arith.constant 4608 : index
    %swap3A_25 = tpu.vector_load %arg6[%swap3A] {strides = array<i32>} : memref<5120xf32, #tpu.memory_space<vmem>>, vector<16xf32>,
    tpu.vector_store %arg6[%swap3A], %add3A {strides = array<i32>} : memref<5120xf32, #tpu.memory_space<vmem>>, vector<16xf32>,
    %get3A_26 = arith.constant 21776 : index
    %get3A_27 = tpu.vector_load %arg5[%get3A_26] {strides = array<i32>} : memref<22272xf32, #tpu.memory_space<vmem>>, vector<16xf32>,
    %get3A_28 = arith.constant 22032 : index
    %get3A_29 = tpu.vector_load %arg5[%get3A_28] {strides = array<i32>} : memref<22272xf32, #tpu.memory_space<vmem>>, vector<16xf32>,
    %add3A_30 = arith.addf %get3A_27, %get3A_29 : vector<16xf32>
    %swap3A_31 = arith.constant 4624 : index
    %swap3A_32 = tpu.vector_load %arg6[%swap3A_31] {strides = array<i32>} : memref<5120xf32, #tpu.memory_space<vmem>>, vector<16xf32>,
    tpu.vector_store %arg6[%swap3A_31], %add3A_30 {strides = array<i32>} : memref<5120xf32, #tpu.memory_space<vmem>>, vector<16xf32>,
    %get3A_33 = arith.constant 21792 : index
    %get3A_34 = tpu.vector_load %arg5[%get3A_33] {strides = array<i32>} : memref<22272xf32, #tpu.memory_space<vmem>>, vector<16xf32>,
    %get3A_35 = arith.constant 22048 : index
    %get3A_36 = tpu.vector_load %arg5[%get3A_35] {strides = array<i32>} : memref<22272xf32, #tpu.memory_space<vmem>>, vector<16xf32>,
    %add3A_37 = arith.addf %get3A_34, %get3A_36 : vector<16xf32>
    %swap3A_38 = arith.constant 4640 : index
    %swap3A_39 = tpu.vector_load %arg6[%swap3A_38] {strides = array<i32>} : memref<5120xf32, #tpu.memory_space<vmem>>, vector<16xf32>,
    tpu.vector_store %arg6[%swap3A_38], %add3A_37 {strides = array<i32>} : memref<5120xf32, #tpu.memory_space<vmem>>, vector<16xf32>,
    %get3A_40 = arith.constant 21808 : index
    %get3A_41 = tpu.vector_load %arg5[%get3A_40] {strides = array<i32>} : memref<22272xf32, #tpu.memory_space<vmem>>, vector<16xf32>,
    %get3A_42 = arith.constant 22064 : index
    %get3A_43 = tpu.vector_load %arg5[%get3A_42] {strides = array<i32>} : memref<22272xf32, #tpu.memory_space<vmem>>, vector<16xf32>,
    %add3A_44 = arith.addf %get3A_41, %get3A_43 : vector<16xf32>
    %swap3A_45 = arith.constant 4656 : index
    %swap3A_46 = tpu.vector_load %arg6[%swap3A_45] {strides = array<i32>} : memref<5120xf32, #tpu.memory_space<vmem>>, vector<16xf32>,
    tpu.vector_store %arg6[%swap3A_45], %add3A_44 {strides = array<i32>} : memref<5120xf32, #tpu.memory_space<vmem>>, vector<16xf32>,
    %get3A_47 = arith.constant 21824 : index
    %get3A_48 = tpu.vector_load %arg5[%get3A_47] {strides = array<i32>} : memref<22272xf32, #tpu.memory_space<vmem>>, vector<16xf32>,
    %get3A_49 = arith.constant 22080 : index
    %get3A_50 = tpu.vector_load %arg5[%get3A_49] {strides = array<i32>} : memref<22272xf32, #tpu.memory_space<vmem>>, vector<16xf32>,
    %add3A_51 = arith.addf %get3A_48, %get3A_50 : vector<16xf32>
    %swap3A_52 = arith.constant 4672 : index
    %swap3A_53 = tpu.vector_load %arg6[%swap3A_52] {strides = array<i32>} : memref<5120xf32, #tpu.memory_space<vmem>>, vector<16xf32>,
    tpu.vector_store %arg6[%swap3A_52], %add3A_51 {strides = array<i32>} : memref<5120xf32, #tpu.memory_space<vmem>>, vector<16xf32>,
    %get3A_54 = arith.constant 21840 : index
    %get3A_55 = tpu.vector_load %arg5[%get3A_54] {strides = array<i32>} : memref<22272xf32, #tpu.memory_space<vmem>>, vector<16xf32>,
    %get3A_56 = arith.constant 22096 : index
    %get3A_57 = tpu.vector_load %arg5[%get3A_56] {strides = array<i32>} : memref<22272xf32, #tpu.memory_space<vmem>>, vector<16xf32>,
    %add3A_58 = arith.addf %get3A_55, %get3A_57 : vector<16xf32>
    %swap3A_59 = arith.constant 4688 : index
    %swap3A_60 = tpu.vector_load %arg6[%swap3A_59] {strides = array<i32>} : memref<5120xf32, #tpu.memory_space<vmem>>, vector<16xf32>,
    tpu.vector_store %arg6[%swap3A_59], %add3A_58 {strides = array<i32>} : memref<5120xf32, #tpu.memory_space<vmem>>, vector<16xf32>,
    %get3A_61 = arith.constant 21856 : index
    %get3A_62 = tpu.vector_load %arg5[%get3A_61] {strides = array<i32>} : memref<22272xf32, #tpu.memory_space<vmem>>, vector<16xf32>,
    %get3A_63 = arith.constant 22112 : index
    %get3A_64 = tpu.vector_load %arg5[%get3A_63] {strides = array<i32>} : memref<22272xf32, #tpu.memory_space<vmem>>, vector<16xf32>,
    %add3A_65 = arith.addf %get3A_62, %get3A_64 : vector<16xf32>
    %swap3A_66 = arith.constant 4704 : index
    %swap3A_67 = tpu.vector_load %arg6[%swap3A_66] {strides = array<i32>} : memref<5120xf32, #tpu.memory_space<vmem>>, vector<16xf32>,
    tpu.vector_store %arg6[%swap3A_66], %add3A_65 {strides = array<i32>} : memref<5120xf32, #tpu.memory_space<vmem>>, vector<16xf32>,
    %get3A_68 = arith.constant 21872 : index
    %get3A_69 = tpu.vector_load %arg5[%get3A_68] {strides = array<i32>} : memref<22272xf32, #tpu.memory_space<vmem>>, vector<16xf32>,
    %get3A_70 = arith.constant 22128 : index
    %get3A_71 = tpu.vector_load %arg5[%get3A_70] {strides = array<i32>} : memref<22272xf32, #tpu.memory_space<vmem>>, vector<16xf32>,
    %add3A_72 = arith.addf %get3A_69, %get3A_71 : vector<16xf32>
    %swap3A_73 = arith.constant 4720 : index
    %swap3A_74 = tpu.vector_load %arg6[%swap3A_73] {strides = array<i32>} : memref<5120xf32, #tpu.memory_space<vmem>>, vector<16xf32>,
    tpu.vector_store %arg6[%swap3A_73], %add3A_72 {strides = array<i32>} : memref<5120xf32, #tpu.memory_space<vmem>>, vector<16xf32>,
    %get3A_75 = arith.constant 21760 : index
    %get3A_76 = tpu.vector_load %arg5[%get3A_75] {strides = array<i32>} : memref<22272xf32, #tpu.memory_space<vmem>>, vector<16xf32>,
    %get3A_77 = arith.constant 22144 : index
    %get3A_78 = tpu.vector_load %arg5[%get3A_77] {strides = array<i32>} : memref<22272xf32, #tpu.memory_space<vmem>>, vector<16xf32>,
    %add3A_79 = arith.addf %get3A_76, %get3A_78 : vector<16xf32>
    %swap3A_80 = arith.constant 4736 : index
    %swap3A_81 = tpu.vector_load %arg6[%swap3A_80] {strides = array<i32>} : memref<5120xf32, #tpu.memory_space<vmem>>, vector<16xf32>,
    tpu.vector_store %arg6[%swap3A_80], %add3A_79 {strides = array<i32>} : memref<5120xf32, #tpu.memory_space<vmem>>, vector<16xf32>,
    %get3A_82 = arith.constant 21776 : index
    %get3A_83 = tpu.vector_load %arg5[%get3A_82] {strides = array<i32>} : memref<22272xf32, #tpu.memory_space<vmem>>, vector<16xf32>,
    %get3A_84 = arith.constant 22160 : index
    %get3A_85 = tpu.vector_load %arg5[%get3A_84] {strides = array<i32>} : memref<22272xf32, #tpu.memory_space<vmem>>, vector<16xf32>,
    %add3A_86 = arith.addf %get3A_83, %get3A_85 : vector<16xf32>
    %swap3A_87 = arith.constant 4752 : index
    %swap3A_88 = tpu.vector_load %arg6[%swap3A_87] {strides = array<i32>} : memref<5120xf32, #tpu.memory_space<vmem>>, vector<16xf32>,
    tpu.vector_store %arg6[%swap3A_87], %add3A_86 {strides = array<i32>} : memref<5120xf32, #tpu.memory_space<vmem>>, vector<16xf32>,
    %get3A_89 = arith.constant 21792 : index
    %get3A_90 = tpu.vector_load %arg5[%get3A_89] {strides = array<i32>} : memref<22272xf32, #tpu.memory_space<vmem>>, vector<16xf32>,
    %get3A_91 = arith.constant 22176 : index
    %get3A_92 = tpu.vector_load %arg5[%get3A_91] {strides = array<i32>} : memref<22272xf32, #tpu.memory_space<vmem>>, vector<16xf32>,
    %add3A_93 = arith.addf %get3A_90, %get3A_92 : vector<16xf32>
    %swap3A_94 = arith.constant 4768 : index
    %swap3A_95 = tpu.vector_load %arg6[%swap3A_94] {strides = array<i32>} : memref<5120xf32, #tpu.memory_space<vmem>>, vector<16xf32>,
    tpu.vector_store %arg6[%swap3A_94], %add3A_93 {strides = array<i32>} : memref<5120xf32, #tpu.memory_space<vmem>>, vector<16xf32>,
    %get3A_96 = arith.constant 21808 : index
    %get3A_97 = tpu.vector_load %arg5[%get3A_96] {strides = array<i32>} : memref<22272xf32, #tpu.memory_space<vmem>>, vector<16xf32>,
    %get3A_98 = arith.constant 22192 : index
    %get3A_99 = tpu.vector_load %arg5[%get3A_98] {strides = array<i32>} : memref<22272xf32, #tpu.memory_space<vmem>>, vector<16xf32>,
    %add3A_100 = arith.addf %get3A_97, %get3A_99 : vector<16xf32>
    %swap3A_101 = arith.constant 4784 : index
    %swap3A_102 = tpu.vector_load %arg6[%swap3A_101] {strides = array<i32>} : memref<5120xf32, #tpu.memory_space<vmem>>, vector<16xf32>,
    tpu.vector_store %arg6[%swap3A_101], %add3A_100 {strides = array<i32>} : memref<5120xf32, #tpu.memory_space<vmem>>, vector<16xf32>,
    %get3A_103 = arith.constant 21824 : index
    %get3A_104 = tpu.vector_load %arg5[%get3A_103] {strides = array<i32>} : memref<22272xf32, #tpu.memory_space<vmem>>, vector<16xf32>,
    %get3A_105 = arith.constant 22208 : index
    %get3A_106 = tpu.vector_load %arg5[%get3A_105] {strides = array<i32>} : memref<22272xf32, #tpu.memory_space<vmem>>, vector<16xf32>,
    %add3A_107 = arith.addf %get3A_104, %get3A_106 : vector<16xf32>
    %swap3A_108 = arith.constant 4800 : index
    %swap3A_109 = tpu.vector_load %arg6[%swap3A_108] {strides = array<i32>} : memref<5120xf32, #tpu.memory_space<vmem>>, vector<16xf32>,
    tpu.vector_store %arg6[%swap3A_108], %add3A_107 {strides = array<i32>} : memref<5120xf32, #tpu.memory_space<vmem>>, vector<16xf32>,
    %get3A_110 = arith.constant 21840 : index
    %get3A_111 = tpu.vector_load %arg5[%get3A_110] {strides = array<i32>} : memref<22272xf32, #tpu.memory_space<vmem>>, vector<16xf32>,
    %get3A_112 = arith.constant 22224 : index
    %get3A_113 = tpu.vector_load %arg5[%get3A_112] {strides = array<i32>} : memref<22272xf32, #tpu.memory_space<vmem>>, vector<16xf32>,
    %add3A_114 = arith.addf %get3A_111, %get3A_113 : vector<16xf32>
    %swap3A_115 = arith.constant 4816 : index
    %swap3A_116 = tpu.vector_load %arg6[%swap3A_115] {strides = array<i32>} : memref<5120xf32, #tpu.memory_space<vmem>>, vector<16xf32>,
    tpu.vector_store %arg6[%swap3A_115], %add3A_114 {strides = array<i32>} : memref<5120xf32, #tpu.memory_space<vmem>>, vector<16xf32>,
    %get3A_117 = arith.constant 21856 : index
    %get3A_118 = tpu.vector_load %arg5[%get3A_117] {strides = array<i32>} : memref<22272xf32, #tpu.memory_space<vmem>>, vector<16xf32>,
    %get3A_119 = arith.constant 22240 : index
    %get3A_120 = tpu.vector_load %arg5[%get3A_119] {strides = array<i32>} : memref<22272xf32, #tpu.memory_space<vmem>>, vector<16xf32>,
    %add3A_121 = arith.addf %get3A_118, %get3A_120 : vector<16xf32>
    %swap3A_122 = arith.constant 4832 : index
    %swap3A_123 = tpu.vector_load %arg6[%swap3A_122] {strides = array<i32>} : memref<5120xf32, #tpu.memory_space<vmem>>, vector<16xf32>,
    tpu.vector_store %arg6[%swap3A_122], %add3A_121 {strides = array<i32>} : memref<5120xf32, #tpu.memory_space<vmem>>, vector<16xf32>,
    %get3A_124 = arith.constant 21872 : index
    %get3A_125 = tpu.vector_load %arg5[%get3A_124] {strides = array<i32>} : memref<22272xf32, #tpu.memory_space<vmem>>, vector<16xf32>,
    %get3A_126 = arith.constant 22256 : index
    %get3A_127 = tpu.vector_load %arg5[%get3A_126] {strides = array<i32>} : memref<22272xf32, #tpu.memory_space<vmem>>, vector<16xf32>,
    %add3A_128 = arith.addf %get3A_125, %get3A_127 : vector<16xf32>
    %swap3A_129 = arith.constant 4848 : index
    %swap3A_130 = tpu.vector_load %arg6[%swap3A_129] {strides = array<i32>} : memref<5120xf32, #tpu.memory_space<vmem>>, vector<16xf32>,
    tpu.vector_store %arg6[%swap3A_129], %add3A_128 {strides = array<i32>} : memref<5120xf32, #tpu.memory_space<vmem>>, vector<16xf32>,
    %get3A_131 = arith.constant 21888 : index
    %get3A_132 = tpu.vector_load %arg5[%get3A_131] {strides = array<i32>} : memref<22272xf32, #tpu.memory_space<vmem>>, vector<16xf32>,
    %get3A_133 = arith.constant 22016 : index
    %get3A_134 = tpu.vector_load %arg5[%get3A_133] {strides = array<i32>} : memref<22272xf32, #tpu.memory_space<vmem>>, vector<16xf32>,
    %add3A_135 = arith.addf %get3A_132, %get3A_134 : vector<16xf32>
    %swap3A_136 = arith.constant 4864 : index
    %swap3A_137 = tpu.vector_load %arg6[%swap3A_136] {strides = array<i32>} : memref<5120xf32, #tpu.memory_space<vmem>>, vector<16xf32>,
    tpu.vector_store %arg6[%swap3A_136], %add3A_135 {strides = array<i32>} : memref<5120xf32, #tpu.memory_space<vmem>>, vector<16xf32>,
    %get3A_138 = arith.constant 21904 : index
    %get3A_139 = tpu.vector_load %arg5[%get3A_138] {strides = array<i32>} : memref<22272xf32, #tpu.memory_space<vmem>>, vector<16xf32>,
    %get3A_140 = arith.constant 22032 : index
    %get3A_141 = tpu.vector_load %arg5[%get3A_140] {strides = array<i32>} : memref<22272xf32, #tpu.memory_space<vmem>>, vector<16xf32>,
    %add3A_142 = arith.addf %get3A_139, %get3A_141 : vector<16xf32>
    %swap3A_143 = arith.constant 4880 : index
    %swap3A_144 = tpu.vector_load %arg6[%swap3A_143] {strides = array<i32>} : memref<5120xf32, #tpu.memory_space<vmem>>, vector<16xf32>,
    tpu.vector_store %arg6[%swap3A_143], %add3A_142 {strides = array<i32>} : memref<5120xf32, #tpu.memory_space<vmem>>, vector<16xf32>,
    %get3A_145 = arith.constant 21920 : index
    %get3A_146 = tpu.vector_load %arg5[%get3A_145] {strides = array<i32>} : memref<22272xf32, #tpu.memory_space<vmem>>, vector<16xf32>,
    %get3A_147 = arith.constant 22048 : index
    %get3A_148 = tpu.vector_load %arg5[%get3A_147] {strides = array<i32>} : memref<22272xf32, #tpu.memory_space<vmem>>, vector<16xf32>,
    %add3A_149 = arith.addf %get3A_146, %get3A_148 : vector<16xf32>
    %swap3A_150 = arith.constant 4896 : index
    %swap3A_151 = tpu.vector_load %arg6[%swap3A_150] {strides = array<i32>} : memref<5120xf32, #tpu.memory_space<vmem>>, vector<16xf32>,
    tpu.vector_store %arg6[%swap3A_150], %add3A_149 {strides = array<i32>} : memref<5120xf32, #tpu.memory_space<vmem>>, vector<16xf32>,
    %get3A_152 = arith.constant 21936 : index
    %get3A_153 = tpu.vector_load %arg5[%get3A_152] {strides = array<i32>} : memref<22272xf32, #tpu.memory_space<vmem>>, vector<16xf32>,
    %get3A_154 = arith.constant 22064 : index
    %get3A_155 = tpu.vector_load %arg5[%get3A_154] {strides = array<i32>} : memref<22272xf32, #tpu.memory_space<vmem>>, vector<16xf32>,
    %add3A_156 = arith.addf %get3A_153, %get3A_155 : vector<16xf32>
    %swap3A_157 = arith.constant 4912 : index
    %swap3A_158 = tpu.vector_load %arg6[%swap3A_157] {strides = array<i32>} : memref<5120xf32, #tpu.memory_space<vmem>>, vector<16xf32>,
    tpu.vector_store %arg6[%swap3A_157], %add3A_156 {strides = array<i32>} : memref<5120xf32, #tpu.memory_space<vmem>>, vector<16xf32>,
    %get3A_159 = arith.constant 21952 : index
    %get3A_160 = tpu.vector_load %arg5[%get3A_159] {strides = array<i32>} : memref<22272xf32, #tpu.memory_space<vmem>>, vector<16xf32>,
    %get3A_161 = arith.constant 22080 : index
    %get3A_162 = tpu.vector_load %arg5[%get3A_161] {strides = array<i32>} : memref<22272xf32, #tpu.memory_space<vmem>>, vector<16xf32>,
    %add3A_163 = arith.addf %get3A_160, %get3A_162 : vector<16xf32>
    %swap3A_164 = arith.constant 4928 : index
    %swap3A_165 = tpu.vector_load %arg6[%swap3A_164] {strides = array<i32>} : memref<5120xf32, #tpu.memory_space<vmem>>, vector<16xf32>,
    tpu.vector_store %arg6[%swap3A_164], %add3A_163 {strides = array<i32>} : memref<5120xf32, #tpu.memory_space<vmem>>, vector<16xf32>,
    %get3A_166 = arith.constant 21968 : index
    %get3A_167 = tpu.vector_load %arg5[%get3A_166] {strides = array<i32>} : memref<22272xf32, #tpu.memory_space<vmem>>, vector<16xf32>,
    %get3A_168 = arith.constant 22096 : index
    %get3A_169 = tpu.vector_load %arg5[%get3A_168] {strides = array<i32>} : memref<22272xf32, #tpu.memory_space<vmem>>, vector<16xf32>,
    %add3A_170 = arith.addf %get3A_167, %get3A_169 : vector<16xf32>
    %swap3A_171 = arith.constant 4944 : index
    %swap3A_172 = tpu.vector_load %arg6[%swap3A_171] {strides = array<i32>} : memref<5120xf32, #tpu.memory_space<vmem>>, vector<16xf32>,
    tpu.vector_store %arg6[%swap3A_171], %add3A_170 {strides = array<i32>} : memref<5120xf32, #tpu.memory_space<vmem>>, vector<16xf32>,
    %get3A_173 = arith.constant 21984 : index
    %get3A_174 = tpu.vector_load %arg5[%get3A_173] {strides = array<i32>} : memref<22272xf32, #tpu.memory_space<vmem>>, vector<16xf32>,
    %get3A_175 = arith.constant 22112 : index
    %get3A_176 = tpu.vector_load %arg5[%get3A_175] {strides = array<i32>} : memref<22272xf32, #tpu.memory_space<vmem>>, vector<16xf32>,
    %add3A_177 = arith.addf %get3A_174, %get3A_176 : vector<16xf32>
    %swap3A_178 = arith.constant 4960 : index
    %swap3A_179 = tpu.vector_load %arg6[%swap3A_178] {strides = array<i32>} : memref<5120xf32, #tpu.memory_space<vmem>>, vector<16xf32>,
    tpu.vector_store %arg6[%swap3A_178], %add3A_177 {strides = array<i32>} : memref<5120xf32, #tpu.memory_space<vmem>>, vector<16xf32>,
    %get3A_180 = arith.constant 22000 : index
    %get3A_181 = tpu.vector_load %arg5[%get3A_180] {strides = array<i32>} : memref<22272xf32, #tpu.memory_space<vmem>>, vector<16xf32>,
    %get3A_182 = arith.constant 22128 : index
    %get3A_183 = tpu.vector_load %arg5[%get3A_182] {strides = array<i32>} : memref<22272xf32, #tpu.memory_space<vmem>>, vector<16xf32>,
    %add3A_184 = arith.addf %get3A_181, %get3A_183 : vector<16xf32>
    %swap3A_185 = arith.constant 4976 : index
    %swap3A_186 = tpu.vector_load %arg6[%swap3A_185] {strides = array<i32>} : memref<5120xf32, #tpu.memory_space<vmem>>, vector<16xf32>,
    tpu.vector_store %arg6[%swap3A_185], %add3A_184 {strides = array<i32>} : memref<5120xf32, #tpu.memory_space<vmem>>, vector<16xf32>,
    %get3A_187 = arith.constant 21888 : index
    %get3A_188 = tpu.vector_load %arg5[%get3A_187] {strides = array<i32>} : memref<22272xf32, #tpu.memory_space<vmem>>, vector<16xf32>,
    %get3A_189 = arith.constant 22144 : index
    %get3A_190 = tpu.vector_load %arg5[%get3A_189] {strides = array<i32>} : memref<22272xf32, #tpu.memory_space<vmem>>, vector<16xf32>,
    %add3A_191 = arith.addf %get3A_188, %get3A_190 : vector<16xf32>
    %swap3A_192 = arith.constant 4992 : index
    %swap3A_193 = tpu.vector_load %arg6[%swap3A_192] {strides = array<i32>} : memref<5120xf32, #tpu.memory_space<vmem>>, vector<16xf32>,
    tpu.vector_store %arg6[%swap3A_192], %add3A_191 {strides = array<i32>} : memref<5120xf32, #tpu.memory_space<vmem>>, vector<16xf32>,
    %get3A_194 = arith.constant 21904 : index
    %get3A_195 = tpu.vector_load %arg5[%get3A_194] {strides = array<i32>} : memref<22272xf32, #tpu.memory_space<vmem>>, vector<16xf32>,
    %get3A_196 = arith.constant 22160 : index
    %get3A_197 = tpu.vector_load %arg5[%get3A_196] {strides = array<i32>} : memref<22272xf32, #tpu.memory_space<vmem>>, vector<16xf32>,
    %add3A_198 = arith.addf %get3A_195, %get3A_197 : vector<16xf32>
    %swap3A_199 = arith.constant 5008 : index
    %swap3A_200 = tpu.vector_load %arg6[%swap3A_199] {strides = array<i32>} : memref<5120xf32, #tpu.memory_space<vmem>>, vector<16xf32>,
    tpu.vector_store %arg6[%swap3A_199], %add3A_198 {strides = array<i32>} : memref<5120xf32, #tpu.memory_space<vmem>>, vector<16xf32>,
    %get3A_201 = arith.constant 21920 : index
    %get3A_202 = tpu.vector_load %arg5[%get3A_201] {strides = array<i32>} : memref<22272xf32, #tpu.memory_space<vmem>>, vector<16xf32>,
    %get3A_203 = arith.constant 22176 : index
    %get3A_204 = tpu.vector_load %arg5[%get3A_203] {strides = array<i32>} : memref<22272xf32, #tpu.memory_space<vmem>>, vector<16xf32>,
    %add3A_205 = arith.addf %get3A_202, %get3A_204 : vector<16xf32>
    %swap3A_206 = arith.constant 5024 : index
    %swap3A_207 = tpu.vector_load %arg6[%swap3A_206] {strides = array<i32>} : memref<5120xf32, #tpu.memory_space<vmem>>, vector<16xf32>,
    tpu.vector_store %arg6[%swap3A_206], %add3A_205 {strides = array<i32>} : memref<5120xf32, #tpu.memory_space<vmem>>, vector<16xf32>,
    %get3A_208 = arith.constant 21936 : index
    %get3A_209 = tpu.vector_load %arg5[%get3A_208] {strides = array<i32>} : memref<22272xf32, #tpu.memory_space<vmem>>, vector<16xf32>,
    %get3A_210 = arith.constant 22192 : index
    %get3A_211 = tpu.vector_load %arg5[%get3A_210] {strides = array<i32>} : memref<22272xf32, #tpu.memory_space<vmem>>, vector<16xf32>,
    %add3A_212 = arith.addf %get3A_209, %get3A_211 : vector<16xf32>
    %swap3A_213 = arith.constant 5040 : index
    %swap3A_214 = tpu.vector_load %arg6[%swap3A_213] {strides = array<i32>} : memref<5120xf32, #tpu.memory_space<vmem>>, vector<16xf32>,
    tpu.vector_store %arg6[%swap3A_213], %add3A_212 {strides = array<i32>} : memref<5120xf32, #tpu.memory_space<vmem>>, vector<16xf32>,
    %get3A_215 = arith.constant 21952 : index
    %get3A_216 = tpu.vector_load %arg5[%get3A_215] {strides = array<i32>} : memref<22272xf32, #tpu.memory_space<vmem>>, vector<16xf32>,
    %get3A_217 = arith.constant 22208 : index
    %get3A_218 = tpu.vector_load %arg5[%get3A_217] {strides = array<i32>} : memref<22272xf32, #tpu.memory_space<vmem>>, vector<16xf32>,
    %add3A_219 = arith.addf %get3A_216, %get3A_218 : vector<16xf32>
    %swap3A_220 = arith.constant 5056 : index
    %swap3A_221 = tpu.vector_load %arg6[%swap3A_220] {strides = array<i32>} : memref<5120xf32, #tpu.memory_space<vmem>>, vector<16xf32>,
    tpu.vector_store %arg6[%swap3A_220], %add3A_219 {strides = array<i32>} : memref<5120xf32, #tpu.memory_space<vmem>>, vector<16xf32>,
    %get3A_222 = arith.constant 21968 : index
    %get3A_223 = tpu.vector_load %arg5[%get3A_222] {strides = array<i32>} : memref<22272xf32, #tpu.memory_space<vmem>>, vector<16xf32>,
    %get3A_224 = arith.constant 22224 : index
    %get3A_225 = tpu.vector_load %arg5[%get3A_224] {strides = array<i32>} : memref<22272xf32, #tpu.memory_space<vmem>>, vector<16xf32>,
    %add3A_226 = arith.addf %get3A_223, %get3A_225 : vector<16xf32>
    %swap3A_227 = arith.constant 5072 : index
    %swap3A_228 = tpu.vector_load %arg6[%swap3A_227] {strides = array<i32>} : memref<5120xf32, #tpu.memory_space<vmem>>, vector<16xf32>,
    tpu.vector_store %arg6[%swap3A_227], %add3A_226 {strides = array<i32>} : memref<5120xf32, #tpu.memory_space<vmem>>, vector<16xf32>,
    %get3A_229 = arith.constant 21984 : index
    %get3A_230 = tpu.vector_load %arg5[%get3A_229] {strides = array<i32>} : memref<22272xf32, #tpu.memory_space<vmem>>, vector<16xf32>,
    %get3A_231 = arith.constant 22240 : index
    %get3A_232 = tpu.vector_load %arg5[%get3A_231] {strides = array<i32>} : memref<22272xf32, #tpu.memory_space<vmem>>, vector<16xf32>,
    %add3A_233 = arith.addf %get3A_230, %get3A_232 : vector<16xf32>
    %swap3A_234 = arith.constant 5088 : index
    %swap3A_235 = tpu.vector_load %arg6[%swap3A_234] {strides = array<i32>} : memref<5120xf32, #tpu.memory_space<vmem>>, vector<16xf32>,
    tpu.vector_store %arg6[%swap3A_234], %add3A_233 {strides = array<i32>} : memref<5120xf32, #tpu.memory_space<vmem>>, vector<16xf32>,
    %get3A_236 = arith.constant 22000 : index
    %get3A_237 = tpu.vector_load %arg5[%get3A_236] {strides = array<i32>} : memref<22272xf32, #tpu.memory_space<vmem>>, vector<16xf32>,
    %get3A_238 = arith.constant 22256 : index
    %get3A_239 = tpu.vector_load %arg5[%get3A_238] {strides = array<i32>} : memref<22272xf32, #tpu.memory_space<vmem>>, vector<16xf32>,
    %add3A_240 = arith.addf %get3A_237, %get3A_239 : vector<16xf32>
    %swap3A_241 = arith.constant 5104 : index
    %swap3A_242 = tpu.vector_load %arg6[%swap3A_241] {strides = array<i32>} : memref<5120xf32, #tpu.memory_space<vmem>>, vector<16xf32>,
    tpu.vector_store %arg6[%swap3A_241], %add3A_240 {strides = array<i32>} : memref<5120xf32, #tpu.memory_space<vmem>>, vector<16xf32>,
    %scan3A_243 = arith.constant 0 : i32
    %scan3A_244 = arith.constant 0 : i32
    %scan3A_245 = arith.constant 36 : i32
    %scan3A_246 = arith.addi %scan3A_244, %scan3A_245 : i32
    %scan3A_247 = arith.constant 1 : i32
    %scan3A_248 = scf.for %scan3A_981 = %scan3A_244 to %scan3A_246 step %scan3A_247 iter_args(%scan3A_982 = %scan3A_243) -> (i32)  : i32 {
      %parallel_loop3A_983 = arith.constant 0 : i32
      %parallel_loop3A_984 = arith.constant 4 : i32
      %parallel_loop3A_985 = arith.constant 1 : i32
      scf.for %parallel_loop3A_987 = %parallel_loop3A_983 to %parallel_loop3A_984 step %parallel_loop3A_985  : i32 {
        %parallel_loop3A_988 = arith.constant 128 : i32
        %parallel_loop3A_989 = arith.muli %scan3A_981, %parallel_loop3A_988 : i32
        %parallel_loop3A_990 = arith.constant 36 : i32
        %parallel_loop3A_991 = arith.addi %parallel_loop3A_990, %parallel_loop3A_987 : i32
        %parallel_loop3A_992 = arith.constant 128 : i32
        %parallel_loop3A_993 = arith.muli %parallel_loop3A_991, %parallel_loop3A_992 : i32
        %parallel_loop3A_994 = arith.constant 4 : i32
        %parallel_loop3A_995 = arith.muli %scan3A_981, %parallel_loop3A_994 : i32
        %parallel_loop3A_996 = arith.constant 299 : i32
        %parallel_loop3A_997 = arith.addi %parallel_loop3A_996, %parallel_loop3A_995 : i32
        %parallel_loop3A_998 = arith.addi %parallel_loop3A_997, %parallel_loop3A_987 : i32
        %parallel_loop3A_999 = arith.constant 0 : i32
        %parallel_loop3A_1000 = arith.addi %parallel_loop3A_989, %parallel_loop3A_999 : i32
        %parallel_loop3A_1001 = arith.index_cast %parallel_loop3A_1000 : i32 to index
        %parallel_loop3A_1002 = tpu.vector_load %arg6[%parallel_loop3A_1001] {strides = array<i32>} : memref<5120xf32, #tpu.memory_space<vmem>>, vector<16xf32>,
        %parallel_loop3A_1003 = arith.constant 0 : i32
        %parallel_loop3A_1004 = arith.addi %parallel_loop3A_993, %parallel_loop3A_1003 : i32
        %parallel_loop3A_1005 = arith.index_cast %parallel_loop3A_1004 : i32 to index
        %parallel_loop3A_1006 = tpu.vector_load %arg6[%parallel_loop3A_1005] {strides = array<i32>} : memref<5120xf32, #tpu.memory_space<vmem>>, vector<16xf32>,
        %parallel_loop3A_1007 = arith.addf %parallel_loop3A_1002, %parallel_loop3A_1006 : vector<16xf32>
        %parallel_loop3A_1008 = arith.constant 0 : i32
        %parallel_loop3A_1009 = arith.addi %parallel_loop3A_989, %parallel_loop3A_1008 : i32
        %parallel_loop3A_1010 = arith.constant 16 : i32
        %parallel_loop3A_1011 = arith.addi %parallel_loop3A_1009, %parallel_loop3A_1010 : i32
        %parallel_loop3A_1012 = arith.index_cast %parallel_loop3A_1011 : i32 to index
        %parallel_loop3A_1013 = tpu.vector_load %arg6[%parallel_loop3A_1012] {strides = array<i32>} : memref<5120xf32, #tpu.memory_space<vmem>>, vector<16xf32>,
        %parallel_loop3A_1014 = arith.constant 0 : i32
        %parallel_loop3A_1015 = arith.addi %parallel_loop3A_993, %parallel_loop3A_1014 : i32
        %parallel_loop3A_1016 = arith.constant 16 : i32
        %parallel_loop3A_1017 = arith.addi %parallel_loop3A_1015, %parallel_loop3A_1016 : i32
        %parallel_loop3A_1018 = arith.index_cast %parallel_loop3A_1017 : i32 to index
        %parallel_loop3A_1019 = tpu.vector_load %arg6[%parallel_loop3A_1018] {strides = array<i32>} : memref<5120xf32, #tpu.memory_space<vmem>>, vector<16xf32>,
        %parallel_loop3A_1020 = arith.addf %parallel_loop3A_1013, %parallel_loop3A_1019 : vector<16xf32>
        %parallel_loop3A_1021 = tpu.pack_subelements %parallel_loop3A_1007, %parallel_loop3A_1020 {pack_format = #tpu.pack_format<interleaved>, positions = array<i32: 0, 1>} : vector<16xf32>, vector<16xf32> -> vector<32xbf16>
        %parallel_loop3A_1022 = vector.bitcast %parallel_loop3A_1021 : vector<32xbf16> to vector<16xi32>
        %parallel_loop3A_1023 = arith.constant 64 : i32
        %parallel_loop3A_1024 = arith.muli %parallel_loop3A_998, %parallel_loop3A_1023 : i32
        %parallel_loop3A_1025 = arith.constant 0 : i32
        %parallel_loop3A_1026 = arith.addi %parallel_loop3A_1024, %parallel_loop3A_1025 : i32
        %parallel_loop3A_1027 = arith.index_cast %parallel_loop3A_1026 : i32 to index
        %parallel_loop3A_1028 = tpu.vector_load %arg7[%parallel_loop3A_1027] {strides = array<i32>} : memref<28352xi32, #tpu.memory_space<vmem>>, vector<16xi32>,
        tpu.vector_store %arg7[%parallel_loop3A_1027], %parallel_loop3A_1022 {strides = array<i32>} : memref<28352xi32, #tpu.memory_space<vmem>>, vector<16xi32>,
        %parallel_loop3A_1029 = arith.constant 4 : i32
        %parallel_loop3A_1030 = arith.muli %scan3A_981, %parallel_loop3A_1029 : i32
        %parallel_loop3A_1031 = arith.constant 299 : i32
        %parallel_loop3A_1032 = arith.addi %parallel_loop3A_1031, %parallel_loop3A_1030 : i32
        %parallel_loop3A_1033 = arith.addi %parallel_loop3A_1032, %parallel_loop3A_987 : i32
        %parallel_loop3A_1034 = arith.constant 32 : i32
        %parallel_loop3A_1035 = arith.addi %parallel_loop3A_989, %parallel_loop3A_1034 : i32
        %parallel_loop3A_1036 = arith.index_cast %parallel_loop3A_1035 : i32 to index
        %parallel_loop3A_1037 = tpu.vector_load %arg6[%parallel_loop3A_1036] {strides = array<i32>} : memref<5120xf32, #tpu.memory_space<vmem>>, vector<16xf32>,
        %parallel_loop3A_1038 = arith.constant 32 : i32
        %parallel_loop3A_1039 = arith.addi %parallel_loop3A_993, %parallel_loop3A_1038 : i32
        %parallel_loop3A_1040 = arith.index_cast %parallel_loop3A_1039 : i32 to index
        %parallel_loop3A_1041 = tpu.vector_load %arg6[%parallel_loop3A_1040] {strides = array<i32>} : memref<5120xf32, #tpu.memory_space<vmem>>, vector<16xf32>,
        %parallel_loop3A_1042 = arith.addf %parallel_loop3A_1037, %parallel_loop3A_1041 : vector<16xf32>
        %parallel_loop3A_1043 = arith.constant 32 : i32
        %parallel_loop3A_1044 = arith.addi %parallel_loop3A_989, %parallel_loop3A_1043 : i32
        %parallel_loop3A_1045 = arith.constant 16 : i32
        %parallel_loop3A_1046 = arith.addi %parallel_loop3A_1044, %parallel_loop3A_1045 : i32
        %parallel_loop3A_1047 = arith.index_cast %parallel_loop3A_1046 : i32 to index
        %parallel_loop3A_1048 = tpu.vector_load %arg6[%parallel_loop3A_1047] {strides = array<i32>} : memref<5120xf32, #tpu.memory_space<vmem>>, vector<16xf32>,
        %parallel_loop3A_1049 = arith.constant 32 : i32
        %parallel_loop3A_1050 = arith.addi %parallel_loop3A_993, %parallel_loop3A_1049 : i32
        %parallel_loop3A_1051 = arith.constant 16 : i32
        %parallel_loop3A_1052 = arith.addi %parallel_loop3A_1050, %parallel_loop3A_1051 : i32
        %parallel_loop3A_1053 = arith.index_cast %parallel_loop3A_1052 : i32 to index
        %parallel_loop3A_1054 = tpu.vector_load %arg6[%parallel_loop3A_1053] {strides = array<i32>} : memref<5120xf32, #tpu.memory_space<vmem>>, vector<16xf32>,
        %parallel_loop3A_1055 = arith.addf %parallel_loop3A_1048, %parallel_loop3A_1054 : vector<16xf32>
        %parallel_loop3A_1056 = tpu.pack_subelements %parallel_loop3A_1042, %parallel_loop3A_1055 {pack_format = #tpu.pack_format<interleaved>, positions = array<i32: 0, 1>} : vector<16xf32>, vector<16xf32> -> vector<32xbf16>
        %parallel_loop3A_1057 = vector.bitcast %parallel_loop3A_1056 : vector<32xbf16> to vector<16xi32>
        %parallel_loop3A_1058 = arith.constant 64 : i32
        %parallel_loop3A_1059 = arith.muli %parallel_loop3A_1033, %parallel_loop3A_1058 : i32
        %parallel_loop3A_1060 = arith.constant 16 : i32
        %parallel_loop3A_1061 = arith.addi %parallel_loop3A_1059, %parallel_loop3A_1060 : i32
        %parallel_loop3A_1062 = arith.index_cast %parallel_loop3A_1061 : i32 to index
        %parallel_loop3A_1063 = tpu.vector_load %arg7[%parallel_loop3A_1062] {strides = array<i32>} : memref<28352xi32, #tpu.memory_space<vmem>>, vector<16xi32>,
        tpu.vector_store %arg7[%parallel_loop3A_1062], %parallel_loop3A_1057 {strides = array<i32>} : memref<28352xi32, #tpu.memory_space<vmem>>, vector<16xi32>,
        %parallel_loop3A_1064 = arith.constant 4 : i32
        %parallel_loop3A_1065 = arith.muli %scan3A_981, %parallel_loop3A_1064 : i32
        %parallel_loop3A_1066 = arith.constant 299 : i32
        %parallel_loop3A_1067 = arith.addi %parallel_loop3A_1066, %parallel_loop3A_1065 : i32
        %parallel_loop3A_1068 = arith.addi %parallel_loop3A_1067, %parallel_loop3A_987 : i32
        %parallel_loop3A_1069 = arith.constant 64 : i32
        %parallel_loop3A_1070 = arith.addi %parallel_loop3A_989, %parallel_loop3A_1069 : i32
        %parallel_loop3A_1071 = arith.index_cast %parallel_loop3A_1070 : i32 to index
        %parallel_loop3A_1072 = tpu.vector_load %arg6[%parallel_loop3A_1071] {strides = array<i32>} : memref<5120xf32, #tpu.memory_space<vmem>>, vector<16xf32>,
        %parallel_loop3A_1073 = arith.constant 64 : i32
        %parallel_loop3A_1074 = arith.addi %parallel_loop3A_993, %parallel_loop3A_1073 : i32
        %parallel_loop3A_1075 = arith.index_cast %parallel_loop3A_1074 : i32 to index
        %parallel_loop3A_1076 = tpu.vector_load %arg6[%parallel_loop3A_1075] {strides = array<i32>} : memref<5120xf32, #tpu.memory_space<vmem>>, vector<16xf32>,
        %parallel_loop3A_1077 = arith.addf %parallel_loop3A_1072, %parallel_loop3A_1076 : vector<16xf32>
        %parallel_loop3A_1078 = arith.constant 64 : i32
        %parallel_loop3A_1079 = arith.addi %parallel_loop3A_989, %parallel_loop3A_1078 : i32
        %parallel_loop3A_1080 = arith.constant 16 : i32
        %parallel_loop3A_1081 = arith.addi %parallel_loop3A_1079, %parallel_loop3A_1080 : i32
        %parallel_loop3A_1082 = arith.index_cast %parallel_loop3A_1081 : i32 to index
        %parallel_loop3A_1083 = tpu.vector_load %arg6[%parallel_loop3A_1082] {strides = array<i32>} : memref<5120xf32, #tpu.memory_space<vmem>>, vector<16xf32>,
        %parallel_loop3A_1084 = arith.constant 64 : i32
        %parallel_loop3A_1085 = arith.addi %parallel_loop3A_993, %parallel_loop3A_1084 : i32
        %parallel_loop3A_1086 = arith.constant 16 : i32
        %parallel_loop3A_1087 = arith.addi %parallel_loop3A_1085, %parallel_loop3A_1086 : i32
        %parallel_loop3A_1088 = arith.index_cast %parallel_loop3A_1087 : i32 to index
        %parallel_loop3A_1089 = tpu.vector_load %arg6[%parallel_loop3A_1088] {strides = array<i32>} : memref<5120xf32, #tpu.memory_space<vmem>>, vector<16xf32>,
        %parallel_loop3A_1090 = arith.addf %parallel_loop3A_1083, %parallel_loop3A_1089 : vector<16xf32>
        %parallel_loop3A_1091 = tpu.pack_subelements %parallel_loop3A_1077, %parallel_loop3A_1090 {pack_format = #tpu.pack_format<interleaved>, positions = array<i32: 0, 1>} : vector<16xf32>, vector<16xf32> -> vector<32xbf16>
        %parallel_loop3A_1092 = vector.bitcast %parallel_loop3A_1091 : vector<32xbf16> to vector<16xi32>
        %parallel_loop3A_1093 = arith.constant 64 : i32
        %parallel_loop3A_1094 = arith.muli %parallel_loop3A_1068, %parallel_loop3A_1093 : i32
        %parallel_loop3A_1095 = arith.constant 32 : i32
        %parallel_loop3A_1096 = arith.addi %parallel_loop3A_1094, %parallel_loop3A_1095 : i32
        %parallel_loop3A_1097 = arith.index_cast %parallel_loop3A_1096 : i32 to index
        %parallel_loop3A_1098 = tpu.vector_load %arg7[%parallel_loop3A_1097] {strides = array<i32>} : memref<28352xi32, #tpu.memory_space<vmem>>, vector<16xi32>,
        tpu.vector_store %arg7[%parallel_loop3A_1097], %parallel_loop3A_1092 {strides = array<i32>} : memref<28352xi32, #tpu.memory_space<vmem>>, vector<16xi32>,
        %parallel_loop3A_1099 = arith.constant 4 : i32
        %parallel_loop3A_1100 = arith.muli %scan3A_981, %parallel_loop3A_1099 : i32
        %parallel_loop3A_1101 = arith.constant 299 : i32
        %parallel_loop3A_1102 = arith.addi %parallel_loop3A_1101, %parallel_loop3A_1100 : i32
        %parallel_loop3A_1103 = arith.addi %parallel_loop3A_1102, %parallel_loop3A_987 : i32
        %parallel_loop3A_1104 = arith.constant 96 : i32
        %parallel_loop3A_1105 = arith.addi %parallel_loop3A_989, %parallel_loop3A_1104 : i32
        %parallel_loop3A_1106 = arith.index_cast %parallel_loop3A_1105 : i32 to index
        %parallel_loop3A_1107 = tpu.vector_load %arg6[%parallel_loop3A_1106] {strides = array<i32>} : memref<5120xf32, #tpu.memory_space<vmem>>, vector<16xf32>,
        %parallel_loop3A_1108 = arith.constant 96 : i32
        %parallel_loop3A_1109 = arith.addi %parallel_loop3A_993, %parallel_loop3A_1108 : i32
        %parallel_loop3A_1110 = arith.index_cast %parallel_loop3A_1109 : i32 to index
        %parallel_loop3A_1111 = tpu.vector_load %arg6[%parallel_loop3A_1110] {strides = array<i32>} : memref<5120xf32, #tpu.memory_space<vmem>>, vector<16xf32>,
        %parallel_loop3A_1112 = arith.addf %parallel_loop3A_1107, %parallel_loop3A_1111 : vector<16xf32>
        %parallel_loop3A_1113 = arith.constant 96 : i32
        %parallel_loop3A_1114 = arith.addi %parallel_loop3A_989, %parallel_loop3A_1113 : i32
        %parallel_loop3A_1115 = arith.constant 16 : i32
        %parallel_loop3A_1116 = arith.addi %parallel_loop3A_1114, %parallel_loop3A_1115 : i32
        %parallel_loop3A_1117 = arith.index_cast %parallel_loop3A_1116 : i32 to index
        %parallel_loop3A_1118 = tpu.vector_load %arg6[%parallel_loop3A_1117] {strides = array<i32>} : memref<5120xf32, #tpu.memory_space<vmem>>, vector<16xf32>,
        %parallel_loop3A_1119 = arith.constant 96 : i32
        %parallel_loop3A_1120 = arith.addi %parallel_loop3A_993, %parallel_loop3A_1119 : i32
        %parallel_loop3A_1121 = arith.constant 16 : i32
        %parallel_loop3A_1122 = arith.addi %parallel_loop3A_1120, %parallel_loop3A_1121 : i32
        %parallel_loop3A_1123 = arith.index_cast %parallel_loop3A_1122 : i32 to index
        %parallel_loop3A_1124 = tpu.vector_load %arg6[%parallel_loop3A_1123] {strides = array<i32>} : memref<5120xf32, #tpu.memory_space<vmem>>, vector<16xf32>,
        %parallel_loop3A_1125 = arith.addf %parallel_loop3A_1118, %parallel_loop3A_1124 : vector<16xf32>
        %parallel_loop3A_1126 = tpu.pack_subelements %parallel_loop3A_1112, %parallel_loop3A_1125 {pack_format = #tpu.pack_format<interleaved>, positions = array<i32: 0, 1>} : vector<16xf32>, vector<16xf32> -> vector<32xbf16>
        %parallel_loop3A_1127 = vector.bitcast %parallel_loop3A_1126 : vector<32xbf16> to vector<16xi32>
        %parallel_loop3A_1128 = arith.constant 64 : i32
        %parallel_loop3A_1129 = arith.muli %parallel_loop3A_1103, %parallel_loop3A_1128 : i32
        %parallel_loop3A_1130 = arith.constant 48 : i32
        %parallel_loop3A_1131 = arith.addi %parallel_loop3A_1129, %parallel_loop3A_1130 : i32
        %parallel_loop3A_1132 = arith.index_cast %parallel_loop3A_1131 : i32 to index
        %parallel_loop3A_1133 = tpu.vector_load %arg7[%parallel_loop3A_1132] {strides = array<i32>} : memref<28352xi32, #tpu.memory_space<vmem>>, vector<16xi32>,
        tpu.vector_store %arg7[%parallel_loop3A_1132], %parallel_loop3A_1127 {strides = array<i32>} : memref<28352xi32, #tpu.memory_space<vmem>>, vector<16xi32>,
      } {sc.loop_unroll_factor = 2 : i64, sc.parallel_access}
      %scan3A_986 = arith.constant 0 : i32
      scf.yield %scan3A_986 : i32
    }
    %scan3A_249 = arith.constant 36 : i32
    %mul3A = arith.constant 2 : i32
    %mul3A_250 = arith.muli %arg1, %mul3A : i32
    %add3A_251 = arith.addi %mul3A_250, %arg0 : i32
    %mul3A_252 = arith.constant 3200 : i32
    %mul3A_253 = arith.muli %add3A_251, %mul3A_252 : i32
    %min3A = arith.constant 96800 : i32
    %min3A_254 = arith.minsi %mul3A_253, %min3A : i32
    %eq3A = arith.constant 31 : i32
    %eq3A_255 = arith.cmpi eq, %add3A_251, %eq3A : i32
    %mul3A_256 = arith.constant 3200 : i32
    %mul3A_257 = arith.muli %add3A_251, %mul3A_256 : i32
    %jit3A = arith.constant 102400 : i32
    %select_n3A = arith.select %eq3A_255, %jit3A, %mul3A_257 : i32
    %iota3A = tpu.iota {dimensions = array<i32: 0>} : vector<16xi32>
    %broadcast_in_dim3A = arith.constant 0 : i32
    %broadcast_in_dim3A_258 = vector.broadcast %broadcast_in_dim3A : i32 to vector<16xi32>
    %dma_start3A = arith.constant 0 : i32
    %dma_start3A_259 = tpu.memref_slice %arg2[%dma_start3A, %select_n3A] : memref<9x105600xi32, #tpu.memory_space<hbm>> -> memref<9x128xi32, #tpu.memory_space<hbm>>
    %dma_start3A_260 = arith.constant 0 : i32
    %dma_start3A_261 = tpu.memref_slice %arg2[%dma_start3A_260, %select_n3A] : memref<9x105600xi32, #tpu.memory_space<hbm>> -> memref<9x128xi32, #tpu.memory_space<hbm>>
    tpu.enqueue_dma source(%dma_start3A_261 : memref<9x128xi32, #tpu.memory_space<hbm>>) target(%arg8 : memref<9x128xi32, #tpu.memory_space<vmem>>) target_semaphore(%arg13 : memref<!tpu.dma_semaphore, #tpu.memory_space<semaphore_mem>>)
    %scan3A_262 = arith.constant 0 : i32
    %scan3A_263 = arith.constant 0 : i32
    %scan3A_264 = arith.constant 12 : i32
    %scan3A_265 = arith.addi %scan3A_263, %scan3A_264 : i32
    %scan3A_266 = arith.constant 1 : i32
    %scan3A_267 = scf.for %scan3A_981 = %scan3A_263 to %scan3A_265 step %scan3A_266 iter_args(%scan3A_982 = %scan3A_262) -> (i32)  : i32 {
      %mul3A_983 = arith.constant 2 : i32
      %mul3A_984 = arith.muli %scan3A_981, %mul3A_983 : i32
      %mul3A_985 = arith.constant 128 : i32
      %mul3A_986 = arith.muli %mul3A_984, %mul3A_985 : i32
      %add3A_987 = arith.addi %min3A_254, %mul3A_986 : i32
      %mul3A_988 = arith.constant 128 : i32
      %mul3A_989 = arith.muli %mul3A_984, %mul3A_988 : i32
      %add3A_990 = arith.addi %select_n3A, %mul3A_989 : i32
      %dma_wait3A_991 = arith.constant 0 : i32
      %dma_wait3A_992 = tpu.memref_slice %arg2[%dma_wait3A_991, %add3A_990] : memref<9x105600xi32, #tpu.memory_space<hbm>> -> memref<9x128xi32, #tpu.memory_space<hbm>>
      %dma_wait3A_993 = arith.constant 0 : i32
      %dma_wait3A_994 = tpu.memref_slice %arg2[%dma_wait3A_993, %add3A_990] : memref<9x105600xi32, #tpu.memory_space<hbm>> -> memref<9x128xi32, #tpu.memory_space<hbm>>
      tpu.wait_dma2 semaphore(%arg13 : memref<!tpu.dma_semaphore, #tpu.memory_space<semaphore_mem>>) src(%dma_wait3A_994 : memref<9x128xi32, #tpu.memory_space<hbm>>) dst(%arg8 : memref<9x128xi32, #tpu.memory_space<vmem>>)
      %add3A_995 = arith.constant 1 : i32
      %add3A_996 = arith.addi %mul3A_984, %add3A_995 : i32
      %lt3A_997 = arith.constant 25 : i32
      %lt3A_998 = arith.cmpi slt, %add3A_996, %lt3A_997 : i32
      %convert_element_type3A_999 = arith.extui %lt3A_998 : i1 to i32
      %cond3A_1000 = arith.constant 0 : i32
      %cond3A_1001 = arith.cmpi ne, %convert_element_type3A_999, %cond3A_1000 : i32
      scf.if %cond3A_1001 {
        %add3A_2408 = arith.constant 128 : i32
        %add3A_2409 = arith.addi %add3A_990, %add3A_2408 : i32
        %dma_start3A_2410 = arith.constant 0 : i32
        %dma_start3A_2411 = tpu.memref_slice %arg2[%dma_start3A_2410, %add3A_2409] : memref<9x105600xi32, #tpu.memory_space<hbm>> -> memref<9x128xi32, #tpu.memory_space<hbm>>
        %dma_start3A_2412 = arith.constant 0 : i32
        %dma_start3A_2413 = tpu.memref_slice %arg2[%dma_start3A_2412, %add3A_2409] : memref<9x105600xi32, #tpu.memory_space<hbm>> -> memref<9x128xi32, #tpu.memory_space<hbm>>
        tpu.enqueue_dma source(%dma_start3A_2413 : memref<9x128xi32, #tpu.memory_space<hbm>>) target(%arg9 : memref<9x128xi32, #tpu.memory_space<vmem>>) target_semaphore(%arg13 : memref<!tpu.dma_semaphore, #tpu.memory_space<semaphore_mem>>)
      } else {
      }
      %get3A_1002 = arith.constant 0 : i32
      %get3A_1003 = arith.index_cast %get3A_1002 : i32 to index
      %get3A_1004 = arith.constant 0 : index
      %get3A_1005 = tpu.vector_load %arg8[%get3A_1003, %get3A_1004] {strides = array<i32>} : memref<9x128xi32, #tpu.memory_space<vmem>>, vector<16xi32>,
      %get3A_1006 = arith.constant 1 : i32
      %get3A_1007 = arith.index_cast %get3A_1006 : i32 to index
      %get3A_1008 = arith.constant 0 : index
      %get3A_1009 = tpu.vector_load %arg8[%get3A_1007, %get3A_1008] {strides = array<i32>} : memref<9x128xi32, #tpu.memory_space<vmem>>, vector<16xi32>,
      %get3A_1010 = arith.constant 2 : i32
      %get3A_1011 = arith.index_cast %get3A_1010 : i32 to index
      %get3A_1012 = arith.constant 0 : index
      %get3A_1013 = tpu.vector_load %arg8[%get3A_1011, %get3A_1012] {strides = array<i32>} : memref<9x128xi32, #tpu.memory_space<vmem>>, vector<16xi32>,
      %get3A_1014 = arith.constant 3 : i32
      %get3A_1015 = arith.index_cast %get3A_1014 : i32 to index
      %get3A_1016 = arith.constant 0 : index
      %get3A_1017 = tpu.vector_load %arg8[%get3A_1015, %get3A_1016] {strides = array<i32>} : memref<9x128xi32, #tpu.memory_space<vmem>>, vector<16xi32>,
      %get3A_1018 = arith.constant 4 : i32
      %get3A_1019 = arith.index_cast %get3A_1018 : i32 to index
      %get3A_1020 = arith.constant 0 : index
      %get3A_1021 = tpu.vector_load %arg8[%get3A_1019, %get3A_1020] {strides = array<i32>} : memref<9x128xi32, #tpu.memory_space<vmem>>, vector<16xi32>,
      %get3A_1022 = arith.constant 5 : i32
      %get3A_1023 = arith.index_cast %get3A_1022 : i32 to index
      %get3A_1024 = arith.constant 0 : index
      %get3A_1025 = tpu.vector_load %arg8[%get3A_1023, %get3A_1024] {strides = array<i32>} : memref<9x128xi32, #tpu.memory_space<vmem>>, vector<16xi32>,
      %get3A_1026 = arith.constant 6 : i32
      %get3A_1027 = arith.index_cast %get3A_1026 : i32 to index
      %get3A_1028 = arith.constant 0 : index
      %get3A_1029 = tpu.vector_load %arg8[%get3A_1027, %get3A_1028] {strides = array<i32>} : memref<9x128xi32, #tpu.memory_space<vmem>>, vector<16xi32>,
      %get3A_1030 = arith.constant 7 : i32
      %get3A_1031 = arith.index_cast %get3A_1030 : i32 to index
      %get3A_1032 = arith.constant 0 : index
      %get3A_1033 = tpu.vector_load %arg8[%get3A_1031, %get3A_1032] {strides = array<i32>} : memref<9x128xi32, #tpu.memory_space<vmem>>, vector<16xi32>,
      %get3A_1034 = arith.constant 8 : i32
      %get3A_1035 = arith.index_cast %get3A_1034 : i32 to index
      %get3A_1036 = arith.constant 0 : index
      %get3A_1037 = tpu.vector_load %arg8[%get3A_1035, %get3A_1036] {strides = array<i32>} : memref<9x128xi32, #tpu.memory_space<vmem>>, vector<16xi32>,
      %mul3A_1038 = arith.constant 64 : i32
      %mul3A_1039 = vector.broadcast %mul3A_1038 : i32 to vector<16xi32>
      %mul3A_1040 = arith.muli %get3A_1005, %mul3A_1039 : vector<16xi32>
      %swap3A_1041 = arith.constant 0 : index
      %swap3A_1042 = tpu.vector_load %arg10[%swap3A_1041] {strides = array<i32>} : memref<512xi32, #tpu.memory_space<vmem>>, vector<16xi32>,
      tpu.vector_store %arg10[%swap3A_1041], %mul3A_1040 {strides = array<i32>} : memref<512xi32, #tpu.memory_space<vmem>>, vector<16xi32>,
      %mul3A_1043 = arith.constant 12 : i32
      %mul3A_1044 = vector.broadcast %mul3A_1043 : i32 to vector<16xi32>
      %mul3A_1045 = arith.muli %get3A_1009, %mul3A_1044 : vector<16xi32>
      %add3A_1046 = arith.constant 119 : i32
      %add3A_1047 = vector.broadcast %add3A_1046 : i32 to vector<16xi32>
      %add3A_1048 = arith.addi %add3A_1047, %mul3A_1045 : vector<16xi32>
      %add3A_1049 = arith.addi %add3A_1048, %get3A_1013 : vector<16xi32>
      %mul3A_1050 = arith.constant 64 : i32
      %mul3A_1051 = vector.broadcast %mul3A_1050 : i32 to vector<16xi32>
      %mul3A_1052 = arith.muli %add3A_1049, %mul3A_1051 : vector<16xi32>
      %swap3A_1053 = arith.constant 128 : index
      %swap3A_1054 = tpu.vector_load %arg10[%swap3A_1053] {strides = array<i32>} : memref<512xi32, #tpu.memory_space<vmem>>, vector<16xi32>,
      tpu.vector_store %arg10[%swap3A_1053], %mul3A_1052 {strides = array<i32>} : memref<512xi32, #tpu.memory_space<vmem>>, vector<16xi32>,
      %mul3A_1055 = arith.constant 10 : i32
      %mul3A_1056 = vector.broadcast %mul3A_1055 : i32 to vector<16xi32>
      %mul3A_1057 = arith.muli %get3A_1017, %mul3A_1056 : vector<16xi32>
      %add3A_1058 = arith.constant 179 : i32
      %add3A_1059 = vector.broadcast %add3A_1058 : i32 to vector<16xi32>
      %add3A_1060 = arith.addi %add3A_1059, %mul3A_1057 : vector<16xi32>
      %add3A_1061 = arith.addi %add3A_1060, %get3A_1021 : vector<16xi32>
      %mul3A_1062 = arith.constant 64 : i32
      %mul3A_1063 = vector.broadcast %mul3A_1062 : i32 to vector<16xi32>
      %mul3A_1064 = arith.muli %add3A_1061, %mul3A_1063 : vector<16xi32>
      %swap3A_1065 = arith.constant 256 : index
      %swap3A_1066 = tpu.vector_load %arg10[%swap3A_1065] {strides = array<i32>} : memref<512xi32, #tpu.memory_space<vmem>>, vector<16xi32>,
      tpu.vector_store %arg10[%swap3A_1065], %mul3A_1064 {strides = array<i32>} : memref<512xi32, #tpu.memory_space<vmem>>, vector<16xi32>,
      %mul3A_1067 = arith.constant 6 : i32
      %mul3A_1068 = vector.broadcast %mul3A_1067 : i32 to vector<16xi32>
      %mul3A_1069 = arith.muli %get3A_1025, %mul3A_1068 : vector<16xi32>
      %add3A_1070 = arith.addi %mul3A_1069, %get3A_1029 : vector<16xi32>
      %mul3A_1071 = arith.constant 2 : i32
      %mul3A_1072 = vector.broadcast %mul3A_1071 : i32 to vector<16xi32>
      %mul3A_1073 = arith.muli %add3A_1070, %mul3A_1072 : vector<16xi32>
      %add3A_1074 = arith.addi %mul3A_1073, %get3A_1033 : vector<16xi32>
      %mul3A_1075 = arith.constant 2 : i32
      %mul3A_1076 = vector.broadcast %mul3A_1075 : i32 to vector<16xi32>
      %mul3A_1077 = arith.muli %add3A_1074, %mul3A_1076 : vector<16xi32>
      %add3A_1078 = arith.constant 299 : i32
      %add3A_1079 = vector.broadcast %add3A_1078 : i32 to vector<16xi32>
      %add3A_1080 = arith.addi %add3A_1079, %mul3A_1077 : vector<16xi32>
      %add3A_1081 = arith.addi %add3A_1080, %get3A_1037 : vector<16xi32>
      %mul3A_1082 = arith.constant 64 : i32
      %mul3A_1083 = vector.broadcast %mul3A_1082 : i32 to vector<16xi32>
      %mul3A_1084 = arith.muli %add3A_1081, %mul3A_1083 : vector<16xi32>
      %swap3A_1085 = arith.constant 384 : index
      %swap3A_1086 = tpu.vector_load %arg10[%swap3A_1085] {strides = array<i32>} : memref<512xi32, #tpu.memory_space<vmem>>, vector<16xi32>,
      tpu.vector_store %arg10[%swap3A_1085], %mul3A_1084 {strides = array<i32>} : memref<512xi32, #tpu.memory_space<vmem>>, vector<16xi32>,
      %get3A_1087 = arith.constant 0 : i32
      %get3A_1088 = arith.index_cast %get3A_1087 : i32 to index
      %get3A_1089 = arith.constant 16 : index
      %get3A_1090 = tpu.vector_load %arg8[%get3A_1088, %get3A_1089] {strides = array<i32>} : memref<9x128xi32, #tpu.memory_space<vmem>>, vector<16xi32>,
      %get3A_1091 = arith.constant 1 : i32
      %get3A_1092 = arith.index_cast %get3A_1091 : i32 to index
      %get3A_1093 = arith.constant 16 : index
      %get3A_1094 = tpu.vector_load %arg8[%get3A_1092, %get3A_1093] {strides = array<i32>} : memref<9x128xi32, #tpu.memory_space<vmem>>, vector<16xi32>,
      %get3A_1095 = arith.constant 2 : i32
      %get3A_1096 = arith.index_cast %get3A_1095 : i32 to index
      %get3A_1097 = arith.constant 16 : index
      %get3A_1098 = tpu.vector_load %arg8[%get3A_1096, %get3A_1097] {strides = array<i32>} : memref<9x128xi32, #tpu.memory_space<vmem>>, vector<16xi32>,
      %get3A_1099 = arith.constant 3 : i32
      %get3A_1100 = arith.index_cast %get3A_1099 : i32 to index
      %get3A_1101 = arith.constant 16 : index
      %get3A_1102 = tpu.vector_load %arg8[%get3A_1100, %get3A_1101] {strides = array<i32>} : memref<9x128xi32, #tpu.memory_space<vmem>>, vector<16xi32>,
      %get3A_1103 = arith.constant 4 : i32
      %get3A_1104 = arith.index_cast %get3A_1103 : i32 to index
      %get3A_1105 = arith.constant 16 : index
      %get3A_1106 = tpu.vector_load %arg8[%get3A_1104, %get3A_1105] {strides = array<i32>} : memref<9x128xi32, #tpu.memory_space<vmem>>, vector<16xi32>,
      %get3A_1107 = arith.constant 5 : i32
      %get3A_1108 = arith.index_cast %get3A_1107 : i32 to index
      %get3A_1109 = arith.constant 16 : index
      %get3A_1110 = tpu.vector_load %arg8[%get3A_1108, %get3A_1109] {strides = array<i32>} : memref<9x128xi32, #tpu.memory_space<vmem>>, vector<16xi32>,
      %get3A_1111 = arith.constant 6 : i32
      %get3A_1112 = arith.index_cast %get3A_1111 : i32 to index
      %get3A_1113 = arith.constant 16 : index
      %get3A_1114 = tpu.vector_load %arg8[%get3A_1112, %get3A_1113] {strides = array<i32>} : memref<9x128xi32, #tpu.memory_space<vmem>>, vector<16xi32>,
      %get3A_1115 = arith.constant 7 : i32
      %get3A_1116 = arith.index_cast %get3A_1115 : i32 to index
      %get3A_1117 = arith.constant 16 : index
      %get3A_1118 = tpu.vector_load %arg8[%get3A_1116, %get3A_1117] {strides = array<i32>} : memref<9x128xi32, #tpu.memory_space<vmem>>, vector<16xi32>,
      %get3A_1119 = arith.constant 8 : i32
      %get3A_1120 = arith.index_cast %get3A_1119 : i32 to index
      %get3A_1121 = arith.constant 16 : index
      %get3A_1122 = tpu.vector_load %arg8[%get3A_1120, %get3A_1121] {strides = array<i32>} : memref<9x128xi32, #tpu.memory_space<vmem>>, vector<16xi32>,
      %mul3A_1123 = arith.constant 64 : i32
      %mul3A_1124 = vector.broadcast %mul3A_1123 : i32 to vector<16xi32>
      %mul3A_1125 = arith.muli %get3A_1090, %mul3A_1124 : vector<16xi32>
      %swap3A_1126 = arith.constant 16 : index
      %swap3A_1127 = tpu.vector_load %arg10[%swap3A_1126] {strides = array<i32>} : memref<512xi32, #tpu.memory_space<vmem>>, vector<16xi32>,
      tpu.vector_store %arg10[%swap3A_1126], %mul3A_1125 {strides = array<i32>} : memref<512xi32, #tpu.memory_space<vmem>>, vector<16xi32>,
      %mul3A_1128 = arith.constant 12 : i32
      %mul3A_1129 = vector.broadcast %mul3A_1128 : i32 to vector<16xi32>
      %mul3A_1130 = arith.muli %get3A_1094, %mul3A_1129 : vector<16xi32>
      %add3A_1131 = arith.constant 119 : i32
      %add3A_1132 = vector.broadcast %add3A_1131 : i32 to vector<16xi32>
      %add3A_1133 = arith.addi %add3A_1132, %mul3A_1130 : vector<16xi32>
      %add3A_1134 = arith.addi %add3A_1133, %get3A_1098 : vector<16xi32>
      %mul3A_1135 = arith.constant 64 : i32
      %mul3A_1136 = vector.broadcast %mul3A_1135 : i32 to vector<16xi32>
      %mul3A_1137 = arith.muli %add3A_1134, %mul3A_1136 : vector<16xi32>
      %swap3A_1138 = arith.constant 144 : index
      %swap3A_1139 = tpu.vector_load %arg10[%swap3A_1138] {strides = array<i32>} : memref<512xi32, #tpu.memory_space<vmem>>, vector<16xi32>,
      tpu.vector_store %arg10[%swap3A_1138], %mul3A_1137 {strides = array<i32>} : memref<512xi32, #tpu.memory_space<vmem>>, vector<16xi32>,
      %mul3A_1140 = arith.constant 10 : i32
      %mul3A_1141 = vector.broadcast %mul3A_1140 : i32 to vector<16xi32>
      %mul3A_1142 = arith.muli %get3A_1102, %mul3A_1141 : vector<16xi32>
      %add3A_1143 = arith.constant 179 : i32
      %add3A_1144 = vector.broadcast %add3A_1143 : i32 to vector<16xi32>
      %add3A_1145 = arith.addi %add3A_1144, %mul3A_1142 : vector<16xi32>
      %add3A_1146 = arith.addi %add3A_1145, %get3A_1106 : vector<16xi32>
      %mul3A_1147 = arith.constant 64 : i32
      %mul3A_1148 = vector.broadcast %mul3A_1147 : i32 to vector<16xi32>
      %mul3A_1149 = arith.muli %add3A_1146, %mul3A_1148 : vector<16xi32>
      %swap3A_1150 = arith.constant 272 : index
      %swap3A_1151 = tpu.vector_load %arg10[%swap3A_1150] {strides = array<i32>} : memref<512xi32, #tpu.memory_space<vmem>>, vector<16xi32>,
      tpu.vector_store %arg10[%swap3A_1150], %mul3A_1149 {strides = array<i32>} : memref<512xi32, #tpu.memory_space<vmem>>, vector<16xi32>,
      %mul3A_1152 = arith.constant 6 : i32
      %mul3A_1153 = vector.broadcast %mul3A_1152 : i32 to vector<16xi32>
      %mul3A_1154 = arith.muli %get3A_1110, %mul3A_1153 : vector<16xi32>
      %add3A_1155 = arith.addi %mul3A_1154, %get3A_1114 : vector<16xi32>
      %mul3A_1156 = arith.constant 2 : i32
      %mul3A_1157 = vector.broadcast %mul3A_1156 : i32 to vector<16xi32>
      %mul3A_1158 = arith.muli %add3A_1155, %mul3A_1157 : vector<16xi32>
      %add3A_1159 = arith.addi %mul3A_1158, %get3A_1118 : vector<16xi32>
      %mul3A_1160 = arith.constant 2 : i32
      %mul3A_1161 = vector.broadcast %mul3A_1160 : i32 to vector<16xi32>
      %mul3A_1162 = arith.muli %add3A_1159, %mul3A_1161 : vector<16xi32>
      %add3A_1163 = arith.constant 299 : i32
      %add3A_1164 = vector.broadcast %add3A_1163 : i32 to vector<16xi32>
      %add3A_1165 = arith.addi %add3A_1164, %mul3A_1162 : vector<16xi32>
      %add3A_1166 = arith.addi %add3A_1165, %get3A_1122 : vector<16xi32>
      %mul3A_1167 = arith.constant 64 : i32
      %mul3A_1168 = vector.broadcast %mul3A_1167 : i32 to vector<16xi32>
      %mul3A_1169 = arith.muli %add3A_1166, %mul3A_1168 : vector<16xi32>
      %swap3A_1170 = arith.constant 400 : index
      %swap3A_1171 = tpu.vector_load %arg10[%swap3A_1170] {strides = array<i32>} : memref<512xi32, #tpu.memory_space<vmem>>, vector<16xi32>,
      tpu.vector_store %arg10[%swap3A_1170], %mul3A_1169 {strides = array<i32>} : memref<512xi32, #tpu.memory_space<vmem>>, vector<16xi32>,
      %get3A_1172 = arith.constant 0 : i32
      %get3A_1173 = arith.index_cast %get3A_1172 : i32 to index
      %get3A_1174 = arith.constant 32 : index
      %get3A_1175 = tpu.vector_load %arg8[%get3A_1173, %get3A_1174] {strides = array<i32>} : memref<9x128xi32, #tpu.memory_space<vmem>>, vector<16xi32>,
      %get3A_1176 = arith.constant 1 : i32
      %get3A_1177 = arith.index_cast %get3A_1176 : i32 to index
      %get3A_1178 = arith.constant 32 : index
      %get3A_1179 = tpu.vector_load %arg8[%get3A_1177, %get3A_1178] {strides = array<i32>} : memref<9x128xi32, #tpu.memory_space<vmem>>, vector<16xi32>,
      %get3A_1180 = arith.constant 2 : i32
      %get3A_1181 = arith.index_cast %get3A_1180 : i32 to index
      %get3A_1182 = arith.constant 32 : index
      %get3A_1183 = tpu.vector_load %arg8[%get3A_1181, %get3A_1182] {strides = array<i32>} : memref<9x128xi32, #tpu.memory_space<vmem>>, vector<16xi32>,
      %get3A_1184 = arith.constant 3 : i32
      %get3A_1185 = arith.index_cast %get3A_1184 : i32 to index
      %get3A_1186 = arith.constant 32 : index
      %get3A_1187 = tpu.vector_load %arg8[%get3A_1185, %get3A_1186] {strides = array<i32>} : memref<9x128xi32, #tpu.memory_space<vmem>>, vector<16xi32>,
      %get3A_1188 = arith.constant 4 : i32
      %get3A_1189 = arith.index_cast %get3A_1188 : i32 to index
      %get3A_1190 = arith.constant 32 : index
      %get3A_1191 = tpu.vector_load %arg8[%get3A_1189, %get3A_1190] {strides = array<i32>} : memref<9x128xi32, #tpu.memory_space<vmem>>, vector<16xi32>,
      %get3A_1192 = arith.constant 5 : i32
      %get3A_1193 = arith.index_cast %get3A_1192 : i32 to index
      %get3A_1194 = arith.constant 32 : index
      %get3A_1195 = tpu.vector_load %arg8[%get3A_1193, %get3A_1194] {strides = array<i32>} : memref<9x128xi32, #tpu.memory_space<vmem>>, vector<16xi32>,
      %get3A_1196 = arith.constant 6 : i32
      %get3A_1197 = arith.index_cast %get3A_1196 : i32 to index
      %get3A_1198 = arith.constant 32 : index
      %get3A_1199 = tpu.vector_load %arg8[%get3A_1197, %get3A_1198] {strides = array<i32>} : memref<9x128xi32, #tpu.memory_space<vmem>>, vector<16xi32>,
      %get3A_1200 = arith.constant 7 : i32
      %get3A_1201 = arith.index_cast %get3A_1200 : i32 to index
      %get3A_1202 = arith.constant 32 : index
      %get3A_1203 = tpu.vector_load %arg8[%get3A_1201, %get3A_1202] {strides = array<i32>} : memref<9x128xi32, #tpu.memory_space<vmem>>, vector<16xi32>,
      %get3A_1204 = arith.constant 8 : i32
      %get3A_1205 = arith.index_cast %get3A_1204 : i32 to index
      %get3A_1206 = arith.constant 32 : index
      %get3A_1207 = tpu.vector_load %arg8[%get3A_1205, %get3A_1206] {strides = array<i32>} : memref<9x128xi32, #tpu.memory_space<vmem>>, vector<16xi32>,
      %mul3A_1208 = arith.constant 64 : i32
      %mul3A_1209 = vector.broadcast %mul3A_1208 : i32 to vector<16xi32>
      %mul3A_1210 = arith.muli %get3A_1175, %mul3A_1209 : vector<16xi32>
      %swap3A_1211 = arith.constant 32 : index
      %swap3A_1212 = tpu.vector_load %arg10[%swap3A_1211] {strides = array<i32>} : memref<512xi32, #tpu.memory_space<vmem>>, vector<16xi32>,
      tpu.vector_store %arg10[%swap3A_1211], %mul3A_1210 {strides = array<i32>} : memref<512xi32, #tpu.memory_space<vmem>>, vector<16xi32>,
      %mul3A_1213 = arith.constant 12 : i32
      %mul3A_1214 = vector.broadcast %mul3A_1213 : i32 to vector<16xi32>
      %mul3A_1215 = arith.muli %get3A_1179, %mul3A_1214 : vector<16xi32>
      %add3A_1216 = arith.constant 119 : i32
      %add3A_1217 = vector.broadcast %add3A_1216 : i32 to vector<16xi32>
      %add3A_1218 = arith.addi %add3A_1217, %mul3A_1215 : vector<16xi32>
      %add3A_1219 = arith.addi %add3A_1218, %get3A_1183 : vector<16xi32>
      %mul3A_1220 = arith.constant 64 : i32
      %mul3A_1221 = vector.broadcast %mul3A_1220 : i32 to vector<16xi32>
      %mul3A_1222 = arith.muli %add3A_1219, %mul3A_1221 : vector<16xi32>
      %swap3A_1223 = arith.constant 160 : index
      %swap3A_1224 = tpu.vector_load %arg10[%swap3A_1223] {strides = array<i32>} : memref<512xi32, #tpu.memory_space<vmem>>, vector<16xi32>,
      tpu.vector_store %arg10[%swap3A_1223], %mul3A_1222 {strides = array<i32>} : memref<512xi32, #tpu.memory_space<vmem>>, vector<16xi32>,
      %mul3A_1225 = arith.constant 10 : i32
      %mul3A_1226 = vector.broadcast %mul3A_1225 : i32 to vector<16xi32>
      %mul3A_1227 = arith.muli %get3A_1187, %mul3A_1226 : vector<16xi32>
      %add3A_1228 = arith.constant 179 : i32
      %add3A_1229 = vector.broadcast %add3A_1228 : i32 to vector<16xi32>
      %add3A_1230 = arith.addi %add3A_1229, %mul3A_1227 : vector<16xi32>
      %add3A_1231 = arith.addi %add3A_1230, %get3A_1191 : vector<16xi32>
      %mul3A_1232 = arith.constant 64 : i32
      %mul3A_1233 = vector.broadcast %mul3A_1232 : i32 to vector<16xi32>
      %mul3A_1234 = arith.muli %add3A_1231, %mul3A_1233 : vector<16xi32>
      %swap3A_1235 = arith.constant 288 : index
      %swap3A_1236 = tpu.vector_load %arg10[%swap3A_1235] {strides = array<i32>} : memref<512xi32, #tpu.memory_space<vmem>>, vector<16xi32>,
      tpu.vector_store %arg10[%swap3A_1235], %mul3A_1234 {strides = array<i32>} : memref<512xi32, #tpu.memory_space<vmem>>, vector<16xi32>,
      %mul3A_1237 = arith.constant 6 : i32
      %mul3A_1238 = vector.broadcast %mul3A_1237 : i32 to vector<16xi32>
      %mul3A_1239 = arith.muli %get3A_1195, %mul3A_1238 : vector<16xi32>
      %add3A_1240 = arith.addi %mul3A_1239, %get3A_1199 : vector<16xi32>
      %mul3A_1241 = arith.constant 2 : i32
      %mul3A_1242 = vector.broadcast %mul3A_1241 : i32 to vector<16xi32>
      %mul3A_1243 = arith.muli %add3A_1240, %mul3A_1242 : vector<16xi32>
      %add3A_1244 = arith.addi %mul3A_1243, %get3A_1203 : vector<16xi32>
      %mul3A_1245 = arith.constant 2 : i32
      %mul3A_1246 = vector.broadcast %mul3A_1245 : i32 to vector<16xi32>
      %mul3A_1247 = arith.muli %add3A_1244, %mul3A_1246 : vector<16xi32>
      %add3A_1248 = arith.constant 299 : i32
      %add3A_1249 = vector.broadcast %add3A_1248 : i32 to vector<16xi32>
      %add3A_1250 = arith.addi %add3A_1249, %mul3A_1247 : vector<16xi32>
      %add3A_1251 = arith.addi %add3A_1250, %get3A_1207 : vector<16xi32>
      %mul3A_1252 = arith.constant 64 : i32
      %mul3A_1253 = vector.broadcast %mul3A_1252 : i32 to vector<16xi32>
      %mul3A_1254 = arith.muli %add3A_1251, %mul3A_1253 : vector<16xi32>
      %swap3A_1255 = arith.constant 416 : index
      %swap3A_1256 = tpu.vector_load %arg10[%swap3A_1255] {strides = array<i32>} : memref<512xi32, #tpu.memory_space<vmem>>, vector<16xi32>,
      tpu.vector_store %arg10[%swap3A_1255], %mul3A_1254 {strides = array<i32>} : memref<512xi32, #tpu.memory_space<vmem>>, vector<16xi32>,
      %get3A_1257 = arith.constant 0 : i32
      %get3A_1258 = arith.index_cast %get3A_1257 : i32 to index
      %get3A_1259 = arith.constant 48 : index
      %get3A_1260 = tpu.vector_load %arg8[%get3A_1258, %get3A_1259] {strides = array<i32>} : memref<9x128xi32, #tpu.memory_space<vmem>>, vector<16xi32>,
      %get3A_1261 = arith.constant 1 : i32
      %get3A_1262 = arith.index_cast %get3A_1261 : i32 to index
      %get3A_1263 = arith.constant 48 : index
      %get3A_1264 = tpu.vector_load %arg8[%get3A_1262, %get3A_1263] {strides = array<i32>} : memref<9x128xi32, #tpu.memory_space<vmem>>, vector<16xi32>,
      %get3A_1265 = arith.constant 2 : i32
      %get3A_1266 = arith.index_cast %get3A_1265 : i32 to index
      %get3A_1267 = arith.constant 48 : index
      %get3A_1268 = tpu.vector_load %arg8[%get3A_1266, %get3A_1267] {strides = array<i32>} : memref<9x128xi32, #tpu.memory_space<vmem>>, vector<16xi32>,
      %get3A_1269 = arith.constant 3 : i32
      %get3A_1270 = arith.index_cast %get3A_1269 : i32 to index
      %get3A_1271 = arith.constant 48 : index
      %get3A_1272 = tpu.vector_load %arg8[%get3A_1270, %get3A_1271] {strides = array<i32>} : memref<9x128xi32, #tpu.memory_space<vmem>>, vector<16xi32>,
      %get3A_1273 = arith.constant 4 : i32
      %get3A_1274 = arith.index_cast %get3A_1273 : i32 to index
      %get3A_1275 = arith.constant 48 : index
      %get3A_1276 = tpu.vector_load %arg8[%get3A_1274, %get3A_1275] {strides = array<i32>} : memref<9x128xi32, #tpu.memory_space<vmem>>, vector<16xi32>,
      %get3A_1277 = arith.constant 5 : i32
      %get3A_1278 = arith.index_cast %get3A_1277 : i32 to index
      %get3A_1279 = arith.constant 48 : index
      %get3A_1280 = tpu.vector_load %arg8[%get3A_1278, %get3A_1279] {strides = array<i32>} : memref<9x128xi32, #tpu.memory_space<vmem>>, vector<16xi32>,
      %get3A_1281 = arith.constant 6 : i32
      %get3A_1282 = arith.index_cast %get3A_1281 : i32 to index
      %get3A_1283 = arith.constant 48 : index
      %get3A_1284 = tpu.vector_load %arg8[%get3A_1282, %get3A_1283] {strides = array<i32>} : memref<9x128xi32, #tpu.memory_space<vmem>>, vector<16xi32>,
      %get3A_1285 = arith.constant 7 : i32
      %get3A_1286 = arith.index_cast %get3A_1285 : i32 to index
      %get3A_1287 = arith.constant 48 : index
      %get3A_1288 = tpu.vector_load %arg8[%get3A_1286, %get3A_1287] {strides = array<i32>} : memref<9x128xi32, #tpu.memory_space<vmem>>, vector<16xi32>,
      %get3A_1289 = arith.constant 8 : i32
      %get3A_1290 = arith.index_cast %get3A_1289 : i32 to index
      %get3A_1291 = arith.constant 48 : index
      %get3A_1292 = tpu.vector_load %arg8[%get3A_1290, %get3A_1291] {strides = array<i32>} : memref<9x128xi32, #tpu.memory_space<vmem>>, vector<16xi32>,
      %mul3A_1293 = arith.constant 64 : i32
      %mul3A_1294 = vector.broadcast %mul3A_1293 : i32 to vector<16xi32>
      %mul3A_1295 = arith.muli %get3A_1260, %mul3A_1294 : vector<16xi32>
      %swap3A_1296 = arith.constant 48 : index
      %swap3A_1297 = tpu.vector_load %arg10[%swap3A_1296] {strides = array<i32>} : memref<512xi32, #tpu.memory_space<vmem>>, vector<16xi32>,
      tpu.vector_store %arg10[%swap3A_1296], %mul3A_1295 {strides = array<i32>} : memref<512xi32, #tpu.memory_space<vmem>>, vector<16xi32>,
      %mul3A_1298 = arith.constant 12 : i32
      %mul3A_1299 = vector.broadcast %mul3A_1298 : i32 to vector<16xi32>
      %mul3A_1300 = arith.muli %get3A_1264, %mul3A_1299 : vector<16xi32>
      %add3A_1301 = arith.constant 119 : i32
      %add3A_1302 = vector.broadcast %add3A_1301 : i32 to vector<16xi32>
      %add3A_1303 = arith.addi %add3A_1302, %mul3A_1300 : vector<16xi32>
      %add3A_1304 = arith.addi %add3A_1303, %get3A_1268 : vector<16xi32>
      %mul3A_1305 = arith.constant 64 : i32
      %mul3A_1306 = vector.broadcast %mul3A_1305 : i32 to vector<16xi32>
      %mul3A_1307 = arith.muli %add3A_1304, %mul3A_1306 : vector<16xi32>
      %swap3A_1308 = arith.constant 176 : index
      %swap3A_1309 = tpu.vector_load %arg10[%swap3A_1308] {strides = array<i32>} : memref<512xi32, #tpu.memory_space<vmem>>, vector<16xi32>,
      tpu.vector_store %arg10[%swap3A_1308], %mul3A_1307 {strides = array<i32>} : memref<512xi32, #tpu.memory_space<vmem>>, vector<16xi32>,
      %mul3A_1310 = arith.constant 10 : i32
      %mul3A_1311 = vector.broadcast %mul3A_1310 : i32 to vector<16xi32>
      %mul3A_1312 = arith.muli %get3A_1272, %mul3A_1311 : vector<16xi32>
      %add3A_1313 = arith.constant 179 : i32
      %add3A_1314 = vector.broadcast %add3A_1313 : i32 to vector<16xi32>
      %add3A_1315 = arith.addi %add3A_1314, %mul3A_1312 : vector<16xi32>
      %add3A_1316 = arith.addi %add3A_1315, %get3A_1276 : vector<16xi32>
      %mul3A_1317 = arith.constant 64 : i32
      %mul3A_1318 = vector.broadcast %mul3A_1317 : i32 to vector<16xi32>
      %mul3A_1319 = arith.muli %add3A_1316, %mul3A_1318 : vector<16xi32>
      %swap3A_1320 = arith.constant 304 : index
      %swap3A_1321 = tpu.vector_load %arg10[%swap3A_1320] {strides = array<i32>} : memref<512xi32, #tpu.memory_space<vmem>>, vector<16xi32>,
      tpu.vector_store %arg10[%swap3A_1320], %mul3A_1319 {strides = array<i32>} : memref<512xi32, #tpu.memory_space<vmem>>, vector<16xi32>,
      %mul3A_1322 = arith.constant 6 : i32
      %mul3A_1323 = vector.broadcast %mul3A_1322 : i32 to vector<16xi32>
      %mul3A_1324 = arith.muli %get3A_1280, %mul3A_1323 : vector<16xi32>
      %add3A_1325 = arith.addi %mul3A_1324, %get3A_1284 : vector<16xi32>
      %mul3A_1326 = arith.constant 2 : i32
      %mul3A_1327 = vector.broadcast %mul3A_1326 : i32 to vector<16xi32>
      %mul3A_1328 = arith.muli %add3A_1325, %mul3A_1327 : vector<16xi32>
      %add3A_1329 = arith.addi %mul3A_1328, %get3A_1288 : vector<16xi32>
      %mul3A_1330 = arith.constant 2 : i32
      %mul3A_1331 = vector.broadcast %mul3A_1330 : i32 to vector<16xi32>
      %mul3A_1332 = arith.muli %add3A_1329, %mul3A_1331 : vector<16xi32>
      %add3A_1333 = arith.constant 299 : i32
      %add3A_1334 = vector.broadcast %add3A_1333 : i32 to vector<16xi32>
      %add3A_1335 = arith.addi %add3A_1334, %mul3A_1332 : vector<16xi32>
      %add3A_1336 = arith.addi %add3A_1335, %get3A_1292 : vector<16xi32>
      %mul3A_1337 = arith.constant 64 : i32
      %mul3A_1338 = vector.broadcast %mul3A_1337 : i32 to vector<16xi32>
      %mul3A_1339 = arith.muli %add3A_1336, %mul3A_1338 : vector<16xi32>
      %swap3A_1340 = arith.constant 432 : index
      %swap3A_1341 = tpu.vector_load %arg10[%swap3A_1340] {strides = array<i32>} : memref<512xi32, #tpu.memory_space<vmem>>, vector<16xi32>,
      tpu.vector_store %arg10[%swap3A_1340], %mul3A_1339 {strides = array<i32>} : memref<512xi32, #tpu.memory_space<vmem>>, vector<16xi32>,
      %get3A_1342 = arith.constant 0 : i32
      %get3A_1343 = arith.index_cast %get3A_1342 : i32 to index
      %get3A_1344 = arith.constant 64 : index
      %get3A_1345 = tpu.vector_load %arg8[%get3A_1343, %get3A_1344] {strides = array<i32>} : memref<9x128xi32, #tpu.memory_space<vmem>>, vector<16xi32>,
      %get3A_1346 = arith.constant 1 : i32
      %get3A_1347 = arith.index_cast %get3A_1346 : i32 to index
      %get3A_1348 = arith.constant 64 : index
      %get3A_1349 = tpu.vector_load %arg8[%get3A_1347, %get3A_1348] {strides = array<i32>} : memref<9x128xi32, #tpu.memory_space<vmem>>, vector<16xi32>,
      %get3A_1350 = arith.constant 2 : i32
      %get3A_1351 = arith.index_cast %get3A_1350 : i32 to index
      %get3A_1352 = arith.constant 64 : index
      %get3A_1353 = tpu.vector_load %arg8[%get3A_1351, %get3A_1352] {strides = array<i32>} : memref<9x128xi32, #tpu.memory_space<vmem>>, vector<16xi32>,
      %get3A_1354 = arith.constant 3 : i32
      %get3A_1355 = arith.index_cast %get3A_1354 : i32 to index
      %get3A_1356 = arith.constant 64 : index
      %get3A_1357 = tpu.vector_load %arg8[%get3A_1355, %get3A_1356] {strides = array<i32>} : memref<9x128xi32, #tpu.memory_space<vmem>>, vector<16xi32>,
      %get3A_1358 = arith.constant 4 : i32
      %get3A_1359 = arith.index_cast %get3A_1358 : i32 to index
      %get3A_1360 = arith.constant 64 : index
      %get3A_1361 = tpu.vector_load %arg8[%get3A_1359, %get3A_1360] {strides = array<i32>} : memref<9x128xi32, #tpu.memory_space<vmem>>, vector<16xi32>,
      %get3A_1362 = arith.constant 5 : i32
      %get3A_1363 = arith.index_cast %get3A_1362 : i32 to index
      %get3A_1364 = arith.constant 64 : index
      %get3A_1365 = tpu.vector_load %arg8[%get3A_1363, %get3A_1364] {strides = array<i32>} : memref<9x128xi32, #tpu.memory_space<vmem>>, vector<16xi32>,
      %get3A_1366 = arith.constant 6 : i32
      %get3A_1367 = arith.index_cast %get3A_1366 : i32 to index
      %get3A_1368 = arith.constant 64 : index
      %get3A_1369 = tpu.vector_load %arg8[%get3A_1367, %get3A_1368] {strides = array<i32>} : memref<9x128xi32, #tpu.memory_space<vmem>>, vector<16xi32>,
      %get3A_1370 = arith.constant 7 : i32
      %get3A_1371 = arith.index_cast %get3A_1370 : i32 to index
      %get3A_1372 = arith.constant 64 : index
      %get3A_1373 = tpu.vector_load %arg8[%get3A_1371, %get3A_1372] {strides = array<i32>} : memref<9x128xi32, #tpu.memory_space<vmem>>, vector<16xi32>,
      %get3A_1374 = arith.constant 8 : i32
      %get3A_1375 = arith.index_cast %get3A_1374 : i32 to index
      %get3A_1376 = arith.constant 64 : index
      %get3A_1377 = tpu.vector_load %arg8[%get3A_1375, %get3A_1376] {strides = array<i32>} : memref<9x128xi32, #tpu.memory_space<vmem>>, vector<16xi32>,
      %mul3A_1378 = arith.constant 64 : i32
      %mul3A_1379 = vector.broadcast %mul3A_1378 : i32 to vector<16xi32>
      %mul3A_1380 = arith.muli %get3A_1345, %mul3A_1379 : vector<16xi32>
      %swap3A_1381 = arith.constant 64 : index
      %swap3A_1382 = tpu.vector_load %arg10[%swap3A_1381] {strides = array<i32>} : memref<512xi32, #tpu.memory_space<vmem>>, vector<16xi32>,
      tpu.vector_store %arg10[%swap3A_1381], %mul3A_1380 {strides = array<i32>} : memref<512xi32, #tpu.memory_space<vmem>>, vector<16xi32>,
      %mul3A_1383 = arith.constant 12 : i32
      %mul3A_1384 = vector.broadcast %mul3A_1383 : i32 to vector<16xi32>
      %mul3A_1385 = arith.muli %get3A_1349, %mul3A_1384 : vector<16xi32>
      %add3A_1386 = arith.constant 119 : i32
      %add3A_1387 = vector.broadcast %add3A_1386 : i32 to vector<16xi32>
      %add3A_1388 = arith.addi %add3A_1387, %mul3A_1385 : vector<16xi32>
      %add3A_1389 = arith.addi %add3A_1388, %get3A_1353 : vector<16xi32>
      %mul3A_1390 = arith.constant 64 : i32
      %mul3A_1391 = vector.broadcast %mul3A_1390 : i32 to vector<16xi32>
      %mul3A_1392 = arith.muli %add3A_1389, %mul3A_1391 : vector<16xi32>
      %swap3A_1393 = arith.constant 192 : index
      %swap3A_1394 = tpu.vector_load %arg10[%swap3A_1393] {strides = array<i32>} : memref<512xi32, #tpu.memory_space<vmem>>, vector<16xi32>,
      tpu.vector_store %arg10[%swap3A_1393], %mul3A_1392 {strides = array<i32>} : memref<512xi32, #tpu.memory_space<vmem>>, vector<16xi32>,
      %mul3A_1395 = arith.constant 10 : i32
      %mul3A_1396 = vector.broadcast %mul3A_1395 : i32 to vector<16xi32>
      %mul3A_1397 = arith.muli %get3A_1357, %mul3A_1396 : vector<16xi32>
      %add3A_1398 = arith.constant 179 : i32
      %add3A_1399 = vector.broadcast %add3A_1398 : i32 to vector<16xi32>
      %add3A_1400 = arith.addi %add3A_1399, %mul3A_1397 : vector<16xi32>
      %add3A_1401 = arith.addi %add3A_1400, %get3A_1361 : vector<16xi32>
      %mul3A_1402 = arith.constant 64 : i32
      %mul3A_1403 = vector.broadcast %mul3A_1402 : i32 to vector<16xi32>
      %mul3A_1404 = arith.muli %add3A_1401, %mul3A_1403 : vector<16xi32>
      %swap3A_1405 = arith.constant 320 : index
      %swap3A_1406 = tpu.vector_load %arg10[%swap3A_1405] {strides = array<i32>} : memref<512xi32, #tpu.memory_space<vmem>>, vector<16xi32>,
      tpu.vector_store %arg10[%swap3A_1405], %mul3A_1404 {strides = array<i32>} : memref<512xi32, #tpu.memory_space<vmem>>, vector<16xi32>,
      %mul3A_1407 = arith.constant 6 : i32
      %mul3A_1408 = vector.broadcast %mul3A_1407 : i32 to vector<16xi32>
      %mul3A_1409 = arith.muli %get3A_1365, %mul3A_1408 : vector<16xi32>
      %add3A_1410 = arith.addi %mul3A_1409, %get3A_1369 : vector<16xi32>
      %mul3A_1411 = arith.constant 2 : i32
      %mul3A_1412 = vector.broadcast %mul3A_1411 : i32 to vector<16xi32>
      %mul3A_1413 = arith.muli %add3A_1410, %mul3A_1412 : vector<16xi32>
      %add3A_1414 = arith.addi %mul3A_1413, %get3A_1373 : vector<16xi32>
      %mul3A_1415 = arith.constant 2 : i32
      %mul3A_1416 = vector.broadcast %mul3A_1415 : i32 to vector<16xi32>
      %mul3A_1417 = arith.muli %add3A_1414, %mul3A_1416 : vector<16xi32>
      %add3A_1418 = arith.constant 299 : i32
      %add3A_1419 = vector.broadcast %add3A_1418 : i32 to vector<16xi32>
      %add3A_1420 = arith.addi %add3A_1419, %mul3A_1417 : vector<16xi32>
      %add3A_1421 = arith.addi %add3A_1420, %get3A_1377 : vector<16xi32>
      %mul3A_1422 = arith.constant 64 : i32
      %mul3A_1423 = vector.broadcast %mul3A_1422 : i32 to vector<16xi32>
      %mul3A_1424 = arith.muli %add3A_1421, %mul3A_1423 : vector<16xi32>
      %swap3A_1425 = arith.constant 448 : index
      %swap3A_1426 = tpu.vector_load %arg10[%swap3A_1425] {strides = array<i32>} : memref<512xi32, #tpu.memory_space<vmem>>, vector<16xi32>,
      tpu.vector_store %arg10[%swap3A_1425], %mul3A_1424 {strides = array<i32>} : memref<512xi32, #tpu.memory_space<vmem>>, vector<16xi32>,
      %get3A_1427 = arith.constant 0 : i32
      %get3A_1428 = arith.index_cast %get3A_1427 : i32 to index
      %get3A_1429 = arith.constant 80 : index
      %get3A_1430 = tpu.vector_load %arg8[%get3A_1428, %get3A_1429] {strides = array<i32>} : memref<9x128xi32, #tpu.memory_space<vmem>>, vector<16xi32>,
      %get3A_1431 = arith.constant 1 : i32
      %get3A_1432 = arith.index_cast %get3A_1431 : i32 to index
      %get3A_1433 = arith.constant 80 : index
      %get3A_1434 = tpu.vector_load %arg8[%get3A_1432, %get3A_1433] {strides = array<i32>} : memref<9x128xi32, #tpu.memory_space<vmem>>, vector<16xi32>,
      %get3A_1435 = arith.constant 2 : i32
      %get3A_1436 = arith.index_cast %get3A_1435 : i32 to index
      %get3A_1437 = arith.constant 80 : index
      %get3A_1438 = tpu.vector_load %arg8[%get3A_1436, %get3A_1437] {strides = array<i32>} : memref<9x128xi32, #tpu.memory_space<vmem>>, vector<16xi32>,
      %get3A_1439 = arith.constant 3 : i32
      %get3A_1440 = arith.index_cast %get3A_1439 : i32 to index
      %get3A_1441 = arith.constant 80 : index
      %get3A_1442 = tpu.vector_load %arg8[%get3A_1440, %get3A_1441] {strides = array<i32>} : memref<9x128xi32, #tpu.memory_space<vmem>>, vector<16xi32>,
      %get3A_1443 = arith.constant 4 : i32
      %get3A_1444 = arith.index_cast %get3A_1443 : i32 to index
      %get3A_1445 = arith.constant 80 : index
      %get3A_1446 = tpu.vector_load %arg8[%get3A_1444, %get3A_1445] {strides = array<i32>} : memref<9x128xi32, #tpu.memory_space<vmem>>, vector<16xi32>,
      %get3A_1447 = arith.constant 5 : i32
      %get3A_1448 = arith.index_cast %get3A_1447 : i32 to index
      %get3A_1449 = arith.constant 80 : index
      %get3A_1450 = tpu.vector_load %arg8[%get3A_1448, %get3A_1449] {strides = array<i32>} : memref<9x128xi32, #tpu.memory_space<vmem>>, vector<16xi32>,
      %get3A_1451 = arith.constant 6 : i32
      %get3A_1452 = arith.index_cast %get3A_1451 : i32 to index
      %get3A_1453 = arith.constant 80 : index
      %get3A_1454 = tpu.vector_load %arg8[%get3A_1452, %get3A_1453] {strides = array<i32>} : memref<9x128xi32, #tpu.memory_space<vmem>>, vector<16xi32>,
      %get3A_1455 = arith.constant 7 : i32
      %get3A_1456 = arith.index_cast %get3A_1455 : i32 to index
      %get3A_1457 = arith.constant 80 : index
      %get3A_1458 = tpu.vector_load %arg8[%get3A_1456, %get3A_1457] {strides = array<i32>} : memref<9x128xi32, #tpu.memory_space<vmem>>, vector<16xi32>,
      %get3A_1459 = arith.constant 8 : i32
      %get3A_1460 = arith.index_cast %get3A_1459 : i32 to index
      %get3A_1461 = arith.constant 80 : index
      %get3A_1462 = tpu.vector_load %arg8[%get3A_1460, %get3A_1461] {strides = array<i32>} : memref<9x128xi32, #tpu.memory_space<vmem>>, vector<16xi32>,
      %mul3A_1463 = arith.constant 64 : i32
      %mul3A_1464 = vector.broadcast %mul3A_1463 : i32 to vector<16xi32>
      %mul3A_1465 = arith.muli %get3A_1430, %mul3A_1464 : vector<16xi32>
      %swap3A_1466 = arith.constant 80 : index
      %swap3A_1467 = tpu.vector_load %arg10[%swap3A_1466] {strides = array<i32>} : memref<512xi32, #tpu.memory_space<vmem>>, vector<16xi32>,
      tpu.vector_store %arg10[%swap3A_1466], %mul3A_1465 {strides = array<i32>} : memref<512xi32, #tpu.memory_space<vmem>>, vector<16xi32>,
      %mul3A_1468 = arith.constant 12 : i32
      %mul3A_1469 = vector.broadcast %mul3A_1468 : i32 to vector<16xi32>
      %mul3A_1470 = arith.muli %get3A_1434, %mul3A_1469 : vector<16xi32>
      %add3A_1471 = arith.constant 119 : i32
      %add3A_1472 = vector.broadcast %add3A_1471 : i32 to vector<16xi32>
      %add3A_1473 = arith.addi %add3A_1472, %mul3A_1470 : vector<16xi32>
      %add3A_1474 = arith.addi %add3A_1473, %get3A_1438 : vector<16xi32>
      %mul3A_1475 = arith.constant 64 : i32
      %mul3A_1476 = vector.broadcast %mul3A_1475 : i32 to vector<16xi32>
      %mul3A_1477 = arith.muli %add3A_1474, %mul3A_1476 : vector<16xi32>
      %swap3A_1478 = arith.constant 208 : index
      %swap3A_1479 = tpu.vector_load %arg10[%swap3A_1478] {strides = array<i32>} : memref<512xi32, #tpu.memory_space<vmem>>, vector<16xi32>,
      tpu.vector_store %arg10[%swap3A_1478], %mul3A_1477 {strides = array<i32>} : memref<512xi32, #tpu.memory_space<vmem>>, vector<16xi32>,
      %mul3A_1480 = arith.constant 10 : i32
      %mul3A_1481 = vector.broadcast %mul3A_1480 : i32 to vector<16xi32>
      %mul3A_1482 = arith.muli %get3A_1442, %mul3A_1481 : vector<16xi32>
      %add3A_1483 = arith.constant 179 : i32
      %add3A_1484 = vector.broadcast %add3A_1483 : i32 to vector<16xi32>
      %add3A_1485 = arith.addi %add3A_1484, %mul3A_1482 : vector<16xi32>
      %add3A_1486 = arith.addi %add3A_1485, %get3A_1446 : vector<16xi32>
      %mul3A_1487 = arith.constant 64 : i32
      %mul3A_1488 = vector.broadcast %mul3A_1487 : i32 to vector<16xi32>
      %mul3A_1489 = arith.muli %add3A_1486, %mul3A_1488 : vector<16xi32>
      %swap3A_1490 = arith.constant 336 : index
      %swap3A_1491 = tpu.vector_load %arg10[%swap3A_1490] {strides = array<i32>} : memref<512xi32, #tpu.memory_space<vmem>>, vector<16xi32>,
      tpu.vector_store %arg10[%swap3A_1490], %mul3A_1489 {strides = array<i32>} : memref<512xi32, #tpu.memory_space<vmem>>, vector<16xi32>,
      %mul3A_1492 = arith.constant 6 : i32
      %mul3A_1493 = vector.broadcast %mul3A_1492 : i32 to vector<16xi32>
      %mul3A_1494 = arith.muli %get3A_1450, %mul3A_1493 : vector<16xi32>
      %add3A_1495 = arith.addi %mul3A_1494, %get3A_1454 : vector<16xi32>
      %mul3A_1496 = arith.constant 2 : i32
      %mul3A_1497 = vector.broadcast %mul3A_1496 : i32 to vector<16xi32>
      %mul3A_1498 = arith.muli %add3A_1495, %mul3A_1497 : vector<16xi32>
      %add3A_1499 = arith.addi %mul3A_1498, %get3A_1458 : vector<16xi32>
      %mul3A_1500 = arith.constant 2 : i32
      %mul3A_1501 = vector.broadcast %mul3A_1500 : i32 to vector<16xi32>
      %mul3A_1502 = arith.muli %add3A_1499, %mul3A_1501 : vector<16xi32>
      %add3A_1503 = arith.constant 299 : i32
      %add3A_1504 = vector.broadcast %add3A_1503 : i32 to vector<16xi32>
      %add3A_1505 = arith.addi %add3A_1504, %mul3A_1502 : vector<16xi32>
      %add3A_1506 = arith.addi %add3A_1505, %get3A_1462 : vector<16xi32>
      %mul3A_1507 = arith.constant 64 : i32
      %mul3A_1508 = vector.broadcast %mul3A_1507 : i32 to vector<16xi32>
      %mul3A_1509 = arith.muli %add3A_1506, %mul3A_1508 : vector<16xi32>
      %swap3A_1510 = arith.constant 464 : index
      %swap3A_1511 = tpu.vector_load %arg10[%swap3A_1510] {strides = array<i32>} : memref<512xi32, #tpu.memory_space<vmem>>, vector<16xi32>,
      tpu.vector_store %arg10[%swap3A_1510], %mul3A_1509 {strides = array<i32>} : memref<512xi32, #tpu.memory_space<vmem>>, vector<16xi32>,
      %get3A_1512 = arith.constant 0 : i32
      %get3A_1513 = arith.index_cast %get3A_1512 : i32 to index
      %get3A_1514 = arith.constant 96 : index
      %get3A_1515 = tpu.vector_load %arg8[%get3A_1513, %get3A_1514] {strides = array<i32>} : memref<9x128xi32, #tpu.memory_space<vmem>>, vector<16xi32>,
      %get3A_1516 = arith.constant 1 : i32
      %get3A_1517 = arith.index_cast %get3A_1516 : i32 to index
      %get3A_1518 = arith.constant 96 : index
      %get3A_1519 = tpu.vector_load %arg8[%get3A_1517, %get3A_1518] {strides = array<i32>} : memref<9x128xi32, #tpu.memory_space<vmem>>, vector<16xi32>,
      %get3A_1520 = arith.constant 2 : i32
      %get3A_1521 = arith.index_cast %get3A_1520 : i32 to index
      %get3A_1522 = arith.constant 96 : index
      %get3A_1523 = tpu.vector_load %arg8[%get3A_1521, %get3A_1522] {strides = array<i32>} : memref<9x128xi32, #tpu.memory_space<vmem>>, vector<16xi32>,
      %get3A_1524 = arith.constant 3 : i32
      %get3A_1525 = arith.index_cast %get3A_1524 : i32 to index
      %get3A_1526 = arith.constant 96 : index
      %get3A_1527 = tpu.vector_load %arg8[%get3A_1525, %get3A_1526] {strides = array<i32>} : memref<9x128xi32, #tpu.memory_space<vmem>>, vector<16xi32>,
      %get3A_1528 = arith.constant 4 : i32
      %get3A_1529 = arith.index_cast %get3A_1528 : i32 to index
      %get3A_1530 = arith.constant 96 : index
      %get3A_1531 = tpu.vector_load %arg8[%get3A_1529, %get3A_1530] {strides = array<i32>} : memref<9x128xi32, #tpu.memory_space<vmem>>, vector<16xi32>,
      %get3A_1532 = arith.constant 5 : i32
      %get3A_1533 = arith.index_cast %get3A_1532 : i32 to index
      %get3A_1534 = arith.constant 96 : index
      %get3A_1535 = tpu.vector_load %arg8[%get3A_1533, %get3A_1534] {strides = array<i32>} : memref<9x128xi32, #tpu.memory_space<vmem>>, vector<16xi32>,
      %get3A_1536 = arith.constant 6 : i32
      %get3A_1537 = arith.index_cast %get3A_1536 : i32 to index
      %get3A_1538 = arith.constant 96 : index
      %get3A_1539 = tpu.vector_load %arg8[%get3A_1537, %get3A_1538] {strides = array<i32>} : memref<9x128xi32, #tpu.memory_space<vmem>>, vector<16xi32>,
      %get3A_1540 = arith.constant 7 : i32
      %get3A_1541 = arith.index_cast %get3A_1540 : i32 to index
      %get3A_1542 = arith.constant 96 : index
      %get3A_1543 = tpu.vector_load %arg8[%get3A_1541, %get3A_1542] {strides = array<i32>} : memref<9x128xi32, #tpu.memory_space<vmem>>, vector<16xi32>,
      %get3A_1544 = arith.constant 8 : i32
      %get3A_1545 = arith.index_cast %get3A_1544 : i32 to index
      %get3A_1546 = arith.constant 96 : index
      %get3A_1547 = tpu.vector_load %arg8[%get3A_1545, %get3A_1546] {strides = array<i32>} : memref<9x128xi32, #tpu.memory_space<vmem>>, vector<16xi32>,
      %mul3A_1548 = arith.constant 64 : i32
      %mul3A_1549 = vector.broadcast %mul3A_1548 : i32 to vector<16xi32>
      %mul3A_1550 = arith.muli %get3A_1515, %mul3A_1549 : vector<16xi32>
      %swap3A_1551 = arith.constant 96 : index
      %swap3A_1552 = tpu.vector_load %arg10[%swap3A_1551] {strides = array<i32>} : memref<512xi32, #tpu.memory_space<vmem>>, vector<16xi32>,
      tpu.vector_store %arg10[%swap3A_1551], %mul3A_1550 {strides = array<i32>} : memref<512xi32, #tpu.memory_space<vmem>>, vector<16xi32>,
      %mul3A_1553 = arith.constant 12 : i32
      %mul3A_1554 = vector.broadcast %mul3A_1553 : i32 to vector<16xi32>
      %mul3A_1555 = arith.muli %get3A_1519, %mul3A_1554 : vector<16xi32>
      %add3A_1556 = arith.constant 119 : i32
      %add3A_1557 = vector.broadcast %add3A_1556 : i32 to vector<16xi32>
      %add3A_1558 = arith.addi %add3A_1557, %mul3A_1555 : vector<16xi32>
      %add3A_1559 = arith.addi %add3A_1558, %get3A_1523 : vector<16xi32>
      %mul3A_1560 = arith.constant 64 : i32
      %mul3A_1561 = vector.broadcast %mul3A_1560 : i32 to vector<16xi32>
      %mul3A_1562 = arith.muli %add3A_1559, %mul3A_1561 : vector<16xi32>
      %swap3A_1563 = arith.constant 224 : index
      %swap3A_1564 = tpu.vector_load %arg10[%swap3A_1563] {strides = array<i32>} : memref<512xi32, #tpu.memory_space<vmem>>, vector<16xi32>,
      tpu.vector_store %arg10[%swap3A_1563], %mul3A_1562 {strides = array<i32>} : memref<512xi32, #tpu.memory_space<vmem>>, vector<16xi32>,
      %mul3A_1565 = arith.constant 10 : i32
      %mul3A_1566 = vector.broadcast %mul3A_1565 : i32 to vector<16xi32>
      %mul3A_1567 = arith.muli %get3A_1527, %mul3A_1566 : vector<16xi32>
      %add3A_1568 = arith.constant 179 : i32
      %add3A_1569 = vector.broadcast %add3A_1568 : i32 to vector<16xi32>
      %add3A_1570 = arith.addi %add3A_1569, %mul3A_1567 : vector<16xi32>
      %add3A_1571 = arith.addi %add3A_1570, %get3A_1531 : vector<16xi32>
      %mul3A_1572 = arith.constant 64 : i32
      %mul3A_1573 = vector.broadcast %mul3A_1572 : i32 to vector<16xi32>
      %mul3A_1574 = arith.muli %add3A_1571, %mul3A_1573 : vector<16xi32>
      %swap3A_1575 = arith.constant 352 : index
      %swap3A_1576 = tpu.vector_load %arg10[%swap3A_1575] {strides = array<i32>} : memref<512xi32, #tpu.memory_space<vmem>>, vector<16xi32>,
      tpu.vector_store %arg10[%swap3A_1575], %mul3A_1574 {strides = array<i32>} : memref<512xi32, #tpu.memory_space<vmem>>, vector<16xi32>,
      %mul3A_1577 = arith.constant 6 : i32
      %mul3A_1578 = vector.broadcast %mul3A_1577 : i32 to vector<16xi32>
      %mul3A_1579 = arith.muli %get3A_1535, %mul3A_1578 : vector<16xi32>
      %add3A_1580 = arith.addi %mul3A_1579, %get3A_1539 : vector<16xi32>
      %mul3A_1581 = arith.constant 2 : i32
      %mul3A_1582 = vector.broadcast %mul3A_1581 : i32 to vector<16xi32>
      %mul3A_1583 = arith.muli %add3A_1580, %mul3A_1582 : vector<16xi32>
      %add3A_1584 = arith.addi %mul3A_1583, %get3A_1543 : vector<16xi32>
      %mul3A_1585 = arith.constant 2 : i32
      %mul3A_1586 = vector.broadcast %mul3A_1585 : i32 to vector<16xi32>
      %mul3A_1587 = arith.muli %add3A_1584, %mul3A_1586 : vector<16xi32>
      %add3A_1588 = arith.constant 299 : i32
      %add3A_1589 = vector.broadcast %add3A_1588 : i32 to vector<16xi32>
      %add3A_1590 = arith.addi %add3A_1589, %mul3A_1587 : vector<16xi32>
      %add3A_1591 = arith.addi %add3A_1590, %get3A_1547 : vector<16xi32>
      %mul3A_1592 = arith.constant 64 : i32
      %mul3A_1593 = vector.broadcast %mul3A_1592 : i32 to vector<16xi32>
      %mul3A_1594 = arith.muli %add3A_1591, %mul3A_1593 : vector<16xi32>
      %swap3A_1595 = arith.constant 480 : index
      %swap3A_1596 = tpu.vector_load %arg10[%swap3A_1595] {strides = array<i32>} : memref<512xi32, #tpu.memory_space<vmem>>, vector<16xi32>,
      tpu.vector_store %arg10[%swap3A_1595], %mul3A_1594 {strides = array<i32>} : memref<512xi32, #tpu.memory_space<vmem>>, vector<16xi32>,
      %get3A_1597 = arith.constant 0 : i32
      %get3A_1598 = arith.index_cast %get3A_1597 : i32 to index
      %get3A_1599 = arith.constant 112 : index
      %get3A_1600 = tpu.vector_load %arg8[%get3A_1598, %get3A_1599] {strides = array<i32>} : memref<9x128xi32, #tpu.memory_space<vmem>>, vector<16xi32>,
      %get3A_1601 = arith.constant 1 : i32
      %get3A_1602 = arith.index_cast %get3A_1601 : i32 to index
      %get3A_1603 = arith.constant 112 : index
      %get3A_1604 = tpu.vector_load %arg8[%get3A_1602, %get3A_1603] {strides = array<i32>} : memref<9x128xi32, #tpu.memory_space<vmem>>, vector<16xi32>,
      %get3A_1605 = arith.constant 2 : i32
      %get3A_1606 = arith.index_cast %get3A_1605 : i32 to index
      %get3A_1607 = arith.constant 112 : index
      %get3A_1608 = tpu.vector_load %arg8[%get3A_1606, %get3A_1607] {strides = array<i32>} : memref<9x128xi32, #tpu.memory_space<vmem>>, vector<16xi32>,
      %get3A_1609 = arith.constant 3 : i32
      %get3A_1610 = arith.index_cast %get3A_1609 : i32 to index
      %get3A_1611 = arith.constant 112 : index
      %get3A_1612 = tpu.vector_load %arg8[%get3A_1610, %get3A_1611] {strides = array<i32>} : memref<9x128xi32, #tpu.memory_space<vmem>>, vector<16xi32>,
      %get3A_1613 = arith.constant 4 : i32
      %get3A_1614 = arith.index_cast %get3A_1613 : i32 to index
      %get3A_1615 = arith.constant 112 : index
      %get3A_1616 = tpu.vector_load %arg8[%get3A_1614, %get3A_1615] {strides = array<i32>} : memref<9x128xi32, #tpu.memory_space<vmem>>, vector<16xi32>,
      %get3A_1617 = arith.constant 5 : i32
      %get3A_1618 = arith.index_cast %get3A_1617 : i32 to index
      %get3A_1619 = arith.constant 112 : index
      %get3A_1620 = tpu.vector_load %arg8[%get3A_1618, %get3A_1619] {strides = array<i32>} : memref<9x128xi32, #tpu.memory_space<vmem>>, vector<16xi32>,
      %get3A_1621 = arith.constant 6 : i32
      %get3A_1622 = arith.index_cast %get3A_1621 : i32 to index
      %get3A_1623 = arith.constant 112 : index
      %get3A_1624 = tpu.vector_load %arg8[%get3A_1622, %get3A_1623] {strides = array<i32>} : memref<9x128xi32, #tpu.memory_space<vmem>>, vector<16xi32>,
      %get3A_1625 = arith.constant 7 : i32
      %get3A_1626 = arith.index_cast %get3A_1625 : i32 to index
      %get3A_1627 = arith.constant 112 : index
      %get3A_1628 = tpu.vector_load %arg8[%get3A_1626, %get3A_1627] {strides = array<i32>} : memref<9x128xi32, #tpu.memory_space<vmem>>, vector<16xi32>,
      %get3A_1629 = arith.constant 8 : i32
      %get3A_1630 = arith.index_cast %get3A_1629 : i32 to index
      %get3A_1631 = arith.constant 112 : index
      %get3A_1632 = tpu.vector_load %arg8[%get3A_1630, %get3A_1631] {strides = array<i32>} : memref<9x128xi32, #tpu.memory_space<vmem>>, vector<16xi32>,
      %mul3A_1633 = arith.constant 64 : i32
      %mul3A_1634 = vector.broadcast %mul3A_1633 : i32 to vector<16xi32>
      %mul3A_1635 = arith.muli %get3A_1600, %mul3A_1634 : vector<16xi32>
      %swap3A_1636 = arith.constant 112 : index
      %swap3A_1637 = tpu.vector_load %arg10[%swap3A_1636] {strides = array<i32>} : memref<512xi32, #tpu.memory_space<vmem>>, vector<16xi32>,
      tpu.vector_store %arg10[%swap3A_1636], %mul3A_1635 {strides = array<i32>} : memref<512xi32, #tpu.memory_space<vmem>>, vector<16xi32>,
      %mul3A_1638 = arith.constant 12 : i32
      %mul3A_1639 = vector.broadcast %mul3A_1638 : i32 to vector<16xi32>
      %mul3A_1640 = arith.muli %get3A_1604, %mul3A_1639 : vector<16xi32>
      %add3A_1641 = arith.constant 119 : i32
      %add3A_1642 = vector.broadcast %add3A_1641 : i32 to vector<16xi32>
      %add3A_1643 = arith.addi %add3A_1642, %mul3A_1640 : vector<16xi32>
      %add3A_1644 = arith.addi %add3A_1643, %get3A_1608 : vector<16xi32>
      %mul3A_1645 = arith.constant 64 : i32
      %mul3A_1646 = vector.broadcast %mul3A_1645 : i32 to vector<16xi32>
      %mul3A_1647 = arith.muli %add3A_1644, %mul3A_1646 : vector<16xi32>
      %swap3A_1648 = arith.constant 240 : index
      %swap3A_1649 = tpu.vector_load %arg10[%swap3A_1648] {strides = array<i32>} : memref<512xi32, #tpu.memory_space<vmem>>, vector<16xi32>,
      tpu.vector_store %arg10[%swap3A_1648], %mul3A_1647 {strides = array<i32>} : memref<512xi32, #tpu.memory_space<vmem>>, vector<16xi32>,
      %mul3A_1650 = arith.constant 10 : i32
      %mul3A_1651 = vector.broadcast %mul3A_1650 : i32 to vector<16xi32>
      %mul3A_1652 = arith.muli %get3A_1612, %mul3A_1651 : vector<16xi32>
      %add3A_1653 = arith.constant 179 : i32
      %add3A_1654 = vector.broadcast %add3A_1653 : i32 to vector<16xi32>
      %add3A_1655 = arith.addi %add3A_1654, %mul3A_1652 : vector<16xi32>
      %add3A_1656 = arith.addi %add3A_1655, %get3A_1616 : vector<16xi32>
      %mul3A_1657 = arith.constant 64 : i32
      %mul3A_1658 = vector.broadcast %mul3A_1657 : i32 to vector<16xi32>
      %mul3A_1659 = arith.muli %add3A_1656, %mul3A_1658 : vector<16xi32>
      %swap3A_1660 = arith.constant 368 : index
      %swap3A_1661 = tpu.vector_load %arg10[%swap3A_1660] {strides = array<i32>} : memref<512xi32, #tpu.memory_space<vmem>>, vector<16xi32>,
      tpu.vector_store %arg10[%swap3A_1660], %mul3A_1659 {strides = array<i32>} : memref<512xi32, #tpu.memory_space<vmem>>, vector<16xi32>,
      %mul3A_1662 = arith.constant 6 : i32
      %mul3A_1663 = vector.broadcast %mul3A_1662 : i32 to vector<16xi32>
      %mul3A_1664 = arith.muli %get3A_1620, %mul3A_1663 : vector<16xi32>
      %add3A_1665 = arith.addi %mul3A_1664, %get3A_1624 : vector<16xi32>
      %mul3A_1666 = arith.constant 2 : i32
      %mul3A_1667 = vector.broadcast %mul3A_1666 : i32 to vector<16xi32>
      %mul3A_1668 = arith.muli %add3A_1665, %mul3A_1667 : vector<16xi32>
      %add3A_1669 = arith.addi %mul3A_1668, %get3A_1628 : vector<16xi32>
      %mul3A_1670 = arith.constant 2 : i32
      %mul3A_1671 = vector.broadcast %mul3A_1670 : i32 to vector<16xi32>
      %mul3A_1672 = arith.muli %add3A_1669, %mul3A_1671 : vector<16xi32>
      %add3A_1673 = arith.constant 299 : i32
      %add3A_1674 = vector.broadcast %add3A_1673 : i32 to vector<16xi32>
      %add3A_1675 = arith.addi %add3A_1674, %mul3A_1672 : vector<16xi32>
      %add3A_1676 = arith.addi %add3A_1675, %get3A_1632 : vector<16xi32>
      %mul3A_1677 = arith.constant 64 : i32
      %mul3A_1678 = vector.broadcast %mul3A_1677 : i32 to vector<16xi32>
      %mul3A_1679 = arith.muli %add3A_1676, %mul3A_1678 : vector<16xi32>
      %swap3A_1680 = arith.constant 496 : index
      %swap3A_1681 = tpu.vector_load %arg10[%swap3A_1680] {strides = array<i32>} : memref<512xi32, #tpu.memory_space<vmem>>, vector<16xi32>,
      tpu.vector_store %arg10[%swap3A_1680], %mul3A_1679 {strides = array<i32>} : memref<512xi32, #tpu.memory_space<vmem>>, vector<16xi32>,
      %ge3A_1682 = arith.constant 2 : i32
      %ge3A_1683 = arith.cmpi sge, %mul3A_984, %ge3A_1682 : i32
      %convert_element_type3A_1684 = arith.extui %ge3A_1683 : i1 to i32
      %cond3A_1685 = arith.constant 0 : i32
      %cond3A_1686 = arith.cmpi ne, %convert_element_type3A_1684, %cond3A_1685 : i32
      scf.if %cond3A_1686 {
        %sub3A = arith.constant 256 : i32
        %sub3A_2408 = arith.subi %add3A_987, %sub3A : i32
        %dma_wait3A_2409 = arith.constant 0 : i32
        %dma_wait3A_2410 = tpu.memref_slice %arg4[%sub3A_2408, %dma_wait3A_2409] : memref<100000x128xf32, #tpu.memory_space<hbm>> -> memref<128x128xf32, #tpu.memory_space<hbm>>
        %dma_wait3A_2411 = arith.constant 0 : i32
        %dma_wait3A_2412 = tpu.memref_slice %arg4[%sub3A_2408, %dma_wait3A_2411] : memref<100000x128xf32, #tpu.memory_space<hbm>> -> memref<128x128xf32, #tpu.memory_space<hbm>>
        tpu.wait_dma2 semaphore(%arg14 : memref<!tpu.dma_semaphore, #tpu.memory_space<semaphore_mem>>) src(%arg11 : memref<128x128xf32, #tpu.memory_space<vmem>>) dst(%dma_wait3A_2412 : memref<128x128xf32, #tpu.memory_space<hbm>>)
      } else {
      }
      %parallel_loop3A_1687 = arith.constant 0 : i32
      %parallel_loop3A_1688 = arith.constant 128 : i32
      %parallel_loop3A_1689 = arith.constant 1 : i32
      scf.for %parallel_loop3A_2408 = %parallel_loop3A_1687 to %parallel_loop3A_1688 step %parallel_loop3A_1689  : i32 {
        %parallel_loop3A_2409 = vector.broadcast %parallel_loop3A_2408 : i32 to vector<16xi32>
        %parallel_loop3A_2410 = arith.addi %broadcast_in_dim3A_258, %parallel_loop3A_2409 : vector<16xi32>
        %parallel_loop3A_2411 = tpu.vector_load_idx %arg10[%parallel_loop3A_2410] : memref<512xi32, #tpu.memory_space<vmem>>[vector<16xi32>], vector<16xi32>,
        %parallel_loop3A_2412 = arith.constant 128 : i32
        %parallel_loop3A_2413 = vector.broadcast %parallel_loop3A_2412 : i32 to vector<16xi32>
        %parallel_loop3A_2414 = arith.addi %parallel_loop3A_2410, %parallel_loop3A_2413 : vector<16xi32>
        %parallel_loop3A_2415 = tpu.vector_load_idx %arg10[%parallel_loop3A_2414] : memref<512xi32, #tpu.memory_space<vmem>>[vector<16xi32>], vector<16xi32>,
        %parallel_loop3A_2416 = arith.constant 256 : i32
        %parallel_loop3A_2417 = vector.broadcast %parallel_loop3A_2416 : i32 to vector<16xi32>
        %parallel_loop3A_2418 = arith.addi %parallel_loop3A_2410, %parallel_loop3A_2417 : vector<16xi32>
        %parallel_loop3A_2419 = tpu.vector_load_idx %arg10[%parallel_loop3A_2418] : memref<512xi32, #tpu.memory_space<vmem>>[vector<16xi32>], vector<16xi32>,
        %parallel_loop3A_2420 = arith.constant 384 : i32
        %parallel_loop3A_2421 = vector.broadcast %parallel_loop3A_2420 : i32 to vector<16xi32>
        %parallel_loop3A_2422 = arith.addi %parallel_loop3A_2410, %parallel_loop3A_2421 : vector<16xi32>
        %parallel_loop3A_2423 = tpu.vector_load_idx %arg10[%parallel_loop3A_2422] : memref<512xi32, #tpu.memory_space<vmem>>[vector<16xi32>], vector<16xi32>,
        %parallel_loop3A_2424 = arith.constant 0 : i32
        %parallel_loop3A_2425 = vector.broadcast %parallel_loop3A_2424 : i32 to vector<16xi32>
        %parallel_loop3A_2426 = arith.addi %iota3A, %parallel_loop3A_2425 : vector<16xi32>
        %parallel_loop3A_2427 = arith.addi %parallel_loop3A_2411, %parallel_loop3A_2426 : vector<16xi32>
        %parallel_loop3A_2428 = tpu.vector_load_idx %arg7[%parallel_loop3A_2427] : memref<28352xi32, #tpu.memory_space<vmem>>[vector<16xi32>], vector<16xi32>,
        %parallel_loop3A_2429 = vector.bitcast %parallel_loop3A_2428 : vector<16xi32> to vector<32xbf16>
        %parallel_loop3A_2430 = arith.addi %parallel_loop3A_2415, %parallel_loop3A_2426 : vector<16xi32>
        %parallel_loop3A_2431 = tpu.vector_load_idx %arg7[%parallel_loop3A_2430] : memref<28352xi32, #tpu.memory_space<vmem>>[vector<16xi32>], vector<16xi32>,
        %parallel_loop3A_2432 = vector.bitcast %parallel_loop3A_2431 : vector<16xi32> to vector<32xbf16>
        %parallel_loop3A_2433 = arith.addi %parallel_loop3A_2419, %parallel_loop3A_2426 : vector<16xi32>
        %parallel_loop3A_2434 = tpu.vector_load_idx %arg7[%parallel_loop3A_2433] : memref<28352xi32, #tpu.memory_space<vmem>>[vector<16xi32>], vector<16xi32>,
        %parallel_loop3A_2435 = vector.bitcast %parallel_loop3A_2434 : vector<16xi32> to vector<32xbf16>
        %parallel_loop3A_2436 = arith.addi %parallel_loop3A_2423, %parallel_loop3A_2426 : vector<16xi32>
        %parallel_loop3A_2437 = tpu.vector_load_idx %arg7[%parallel_loop3A_2436] : memref<28352xi32, #tpu.memory_space<vmem>>[vector<16xi32>], vector<16xi32>,
        %parallel_loop3A_2438 = vector.bitcast %parallel_loop3A_2437 : vector<16xi32> to vector<32xbf16>
        %parallel_loop3A_2439 = arith.addf %parallel_loop3A_2429, %parallel_loop3A_2432 : vector<32xbf16>
        %parallel_loop3A_2440 = arith.addf %parallel_loop3A_2435, %parallel_loop3A_2438 : vector<32xbf16>
        %parallel_loop3A_2441 = arith.addf %parallel_loop3A_2439, %parallel_loop3A_2440 : vector<32xbf16>
        %parallel_loop3A_2442 = tpu.unpack_subelements %parallel_loop3A_2441, 0 {pack_format = #tpu.pack_format<interleaved>} : vector<32xbf16> -> vector<16xf32>
        %parallel_loop3A_2443 = tpu.unpack_subelements %parallel_loop3A_2441, 1 {pack_format = #tpu.pack_format<interleaved>} : vector<32xbf16> -> vector<16xf32>
        %parallel_loop3A_2444 = arith.index_cast %parallel_loop3A_2408 : i32 to index
        %parallel_loop3A_2445 = arith.constant 0 : index
        %parallel_loop3A_2446 = tpu.vector_load %arg11[%parallel_loop3A_2444, %parallel_loop3A_2445] {strides = array<i32>} : memref<128x128xf32, #tpu.memory_space<vmem>>, vector<16xf32>,
        tpu.vector_store %arg11[%parallel_loop3A_2444, %parallel_loop3A_2445], %parallel_loop3A_2442 {strides = array<i32>} : memref<128x128xf32, #tpu.memory_space<vmem>>, vector<16xf32>,
        %parallel_loop3A_2447 = arith.index_cast %parallel_loop3A_2408 : i32 to index
        %parallel_loop3A_2448 = arith.constant 16 : index
        %parallel_loop3A_2449 = tpu.vector_load %arg11[%parallel_loop3A_2447, %parallel_loop3A_2448] {strides = array<i32>} : memref<128x128xf32, #tpu.memory_space<vmem>>, vector<16xf32>,
        tpu.vector_store %arg11[%parallel_loop3A_2447, %parallel_loop3A_2448], %parallel_loop3A_2443 {strides = array<i32>} : memref<128x128xf32, #tpu.memory_space<vmem>>, vector<16xf32>,
        %parallel_loop3A_2450 = arith.constant 16 : i32
        %parallel_loop3A_2451 = vector.broadcast %parallel_loop3A_2450 : i32 to vector<16xi32>
        %parallel_loop3A_2452 = arith.addi %iota3A, %parallel_loop3A_2451 : vector<16xi32>
        %parallel_loop3A_2453 = arith.addi %parallel_loop3A_2411, %parallel_loop3A_2452 : vector<16xi32>
        %parallel_loop3A_2454 = tpu.vector_load_idx %arg7[%parallel_loop3A_2453] : memref<28352xi32, #tpu.memory_space<vmem>>[vector<16xi32>], vector<16xi32>,
        %parallel_loop3A_2455 = vector.bitcast %parallel_loop3A_2454 : vector<16xi32> to vector<32xbf16>
        %parallel_loop3A_2456 = arith.addi %parallel_loop3A_2415, %parallel_loop3A_2452 : vector<16xi32>
        %parallel_loop3A_2457 = tpu.vector_load_idx %arg7[%parallel_loop3A_2456] : memref<28352xi32, #tpu.memory_space<vmem>>[vector<16xi32>], vector<16xi32>,
        %parallel_loop3A_2458 = vector.bitcast %parallel_loop3A_2457 : vector<16xi32> to vector<32xbf16>
        %parallel_loop3A_2459 = arith.addi %parallel_loop3A_2419, %parallel_loop3A_2452 : vector<16xi32>
        %parallel_loop3A_2460 = tpu.vector_load_idx %arg7[%parallel_loop3A_2459] : memref<28352xi32, #tpu.memory_space<vmem>>[vector<16xi32>], vector<16xi32>,
        %parallel_loop3A_2461 = vector.bitcast %parallel_loop3A_2460 : vector<16xi32> to vector<32xbf16>
        %parallel_loop3A_2462 = arith.addi %parallel_loop3A_2423, %parallel_loop3A_2452 : vector<16xi32>
        %parallel_loop3A_2463 = tpu.vector_load_idx %arg7[%parallel_loop3A_2462] : memref<28352xi32, #tpu.memory_space<vmem>>[vector<16xi32>], vector<16xi32>,
        %parallel_loop3A_2464 = vector.bitcast %parallel_loop3A_2463 : vector<16xi32> to vector<32xbf16>
        %parallel_loop3A_2465 = arith.addf %parallel_loop3A_2455, %parallel_loop3A_2458 : vector<32xbf16>
        %parallel_loop3A_2466 = arith.addf %parallel_loop3A_2461, %parallel_loop3A_2464 : vector<32xbf16>
        %parallel_loop3A_2467 = arith.addf %parallel_loop3A_2465, %parallel_loop3A_2466 : vector<32xbf16>
        %parallel_loop3A_2468 = tpu.unpack_subelements %parallel_loop3A_2467, 0 {pack_format = #tpu.pack_format<interleaved>} : vector<32xbf16> -> vector<16xf32>
        %parallel_loop3A_2469 = tpu.unpack_subelements %parallel_loop3A_2467, 1 {pack_format = #tpu.pack_format<interleaved>} : vector<32xbf16> -> vector<16xf32>
        %parallel_loop3A_2470 = arith.index_cast %parallel_loop3A_2408 : i32 to index
        %parallel_loop3A_2471 = arith.constant 32 : index
        %parallel_loop3A_2472 = tpu.vector_load %arg11[%parallel_loop3A_2470, %parallel_loop3A_2471] {strides = array<i32>} : memref<128x128xf32, #tpu.memory_space<vmem>>, vector<16xf32>,
        tpu.vector_store %arg11[%parallel_loop3A_2470, %parallel_loop3A_2471], %parallel_loop3A_2468 {strides = array<i32>} : memref<128x128xf32, #tpu.memory_space<vmem>>, vector<16xf32>,
        %parallel_loop3A_2473 = arith.index_cast %parallel_loop3A_2408 : i32 to index
        %parallel_loop3A_2474 = arith.constant 48 : index
        %parallel_loop3A_2475 = tpu.vector_load %arg11[%parallel_loop3A_2473, %parallel_loop3A_2474] {strides = array<i32>} : memref<128x128xf32, #tpu.memory_space<vmem>>, vector<16xf32>,
        tpu.vector_store %arg11[%parallel_loop3A_2473, %parallel_loop3A_2474], %parallel_loop3A_2469 {strides = array<i32>} : memref<128x128xf32, #tpu.memory_space<vmem>>, vector<16xf32>,
        %parallel_loop3A_2476 = arith.constant 32 : i32
        %parallel_loop3A_2477 = vector.broadcast %parallel_loop3A_2476 : i32 to vector<16xi32>
        %parallel_loop3A_2478 = arith.addi %iota3A, %parallel_loop3A_2477 : vector<16xi32>
        %parallel_loop3A_2479 = arith.addi %parallel_loop3A_2411, %parallel_loop3A_2478 : vector<16xi32>
        %parallel_loop3A_2480 = tpu.vector_load_idx %arg7[%parallel_loop3A_2479] : memref<28352xi32, #tpu.memory_space<vmem>>[vector<16xi32>], vector<16xi32>,
        %parallel_loop3A_2481 = vector.bitcast %parallel_loop3A_2480 : vector<16xi32> to vector<32xbf16>
        %parallel_loop3A_2482 = arith.addi %parallel_loop3A_2415, %parallel_loop3A_2478 : vector<16xi32>
        %parallel_loop3A_2483 = tpu.vector_load_idx %arg7[%parallel_loop3A_2482] : memref<28352xi32, #tpu.memory_space<vmem>>[vector<16xi32>], vector<16xi32>,
        %parallel_loop3A_2484 = vector.bitcast %parallel_loop3A_2483 : vector<16xi32> to vector<32xbf16>
        %parallel_loop3A_2485 = arith.addi %parallel_loop3A_2419, %parallel_loop3A_2478 : vector<16xi32>
        %parallel_loop3A_2486 = tpu.vector_load_idx %arg7[%parallel_loop3A_2485] : memref<28352xi32, #tpu.memory_space<vmem>>[vector<16xi32>], vector<16xi32>,
        %parallel_loop3A_2487 = vector.bitcast %parallel_loop3A_2486 : vector<16xi32> to vector<32xbf16>
        %parallel_loop3A_2488 = arith.addi %parallel_loop3A_2423, %parallel_loop3A_2478 : vector<16xi32>
        %parallel_loop3A_2489 = tpu.vector_load_idx %arg7[%parallel_loop3A_2488] : memref<28352xi32, #tpu.memory_space<vmem>>[vector<16xi32>], vector<16xi32>,
        %parallel_loop3A_2490 = vector.bitcast %parallel_loop3A_2489 : vector<16xi32> to vector<32xbf16>
        %parallel_loop3A_2491 = arith.addf %parallel_loop3A_2481, %parallel_loop3A_2484 : vector<32xbf16>
        %parallel_loop3A_2492 = arith.addf %parallel_loop3A_2487, %parallel_loop3A_2490 : vector<32xbf16>
        %parallel_loop3A_2493 = arith.addf %parallel_loop3A_2491, %parallel_loop3A_2492 : vector<32xbf16>
        %parallel_loop3A_2494 = tpu.unpack_subelements %parallel_loop3A_2493, 0 {pack_format = #tpu.pack_format<interleaved>} : vector<32xbf16> -> vector<16xf32>
        %parallel_loop3A_2495 = tpu.unpack_subelements %parallel_loop3A_2493, 1 {pack_format = #tpu.pack_format<interleaved>} : vector<32xbf16> -> vector<16xf32>
        %parallel_loop3A_2496 = arith.index_cast %parallel_loop3A_2408 : i32 to index
        %parallel_loop3A_2497 = arith.constant 64 : index
        %parallel_loop3A_2498 = tpu.vector_load %arg11[%parallel_loop3A_2496, %parallel_loop3A_2497] {strides = array<i32>} : memref<128x128xf32, #tpu.memory_space<vmem>>, vector<16xf32>,
        tpu.vector_store %arg11[%parallel_loop3A_2496, %parallel_loop3A_2497], %parallel_loop3A_2494 {strides = array<i32>} : memref<128x128xf32, #tpu.memory_space<vmem>>, vector<16xf32>,
        %parallel_loop3A_2499 = arith.index_cast %parallel_loop3A_2408 : i32 to index
        %parallel_loop3A_2500 = arith.constant 80 : index
        %parallel_loop3A_2501 = tpu.vector_load %arg11[%parallel_loop3A_2499, %parallel_loop3A_2500] {strides = array<i32>} : memref<128x128xf32, #tpu.memory_space<vmem>>, vector<16xf32>,
        tpu.vector_store %arg11[%parallel_loop3A_2499, %parallel_loop3A_2500], %parallel_loop3A_2495 {strides = array<i32>} : memref<128x128xf32, #tpu.memory_space<vmem>>, vector<16xf32>,
        %parallel_loop3A_2502 = arith.constant 48 : i32
        %parallel_loop3A_2503 = vector.broadcast %parallel_loop3A_2502 : i32 to vector<16xi32>
        %parallel_loop3A_2504 = arith.addi %iota3A, %parallel_loop3A_2503 : vector<16xi32>
        %parallel_loop3A_2505 = arith.addi %parallel_loop3A_2411, %parallel_loop3A_2504 : vector<16xi32>
        %parallel_loop3A_2506 = tpu.vector_load_idx %arg7[%parallel_loop3A_2505] : memref<28352xi32, #tpu.memory_space<vmem>>[vector<16xi32>], vector<16xi32>,
        %parallel_loop3A_2507 = vector.bitcast %parallel_loop3A_2506 : vector<16xi32> to vector<32xbf16>
        %parallel_loop3A_2508 = arith.addi %parallel_loop3A_2415, %parallel_loop3A_2504 : vector<16xi32>
        %parallel_loop3A_2509 = tpu.vector_load_idx %arg7[%parallel_loop3A_2508] : memref<28352xi32, #tpu.memory_space<vmem>>[vector<16xi32>], vector<16xi32>,
        %parallel_loop3A_2510 = vector.bitcast %parallel_loop3A_2509 : vector<16xi32> to vector<32xbf16>
        %parallel_loop3A_2511 = arith.addi %parallel_loop3A_2419, %parallel_loop3A_2504 : vector<16xi32>
        %parallel_loop3A_2512 = tpu.vector_load_idx %arg7[%parallel_loop3A_2511] : memref<28352xi32, #tpu.memory_space<vmem>>[vector<16xi32>], vector<16xi32>,
        %parallel_loop3A_2513 = vector.bitcast %parallel_loop3A_2512 : vector<16xi32> to vector<32xbf16>
        %parallel_loop3A_2514 = arith.addi %parallel_loop3A_2423, %parallel_loop3A_2504 : vector<16xi32>
        %parallel_loop3A_2515 = tpu.vector_load_idx %arg7[%parallel_loop3A_2514] : memref<28352xi32, #tpu.memory_space<vmem>>[vector<16xi32>], vector<16xi32>,
        %parallel_loop3A_2516 = vector.bitcast %parallel_loop3A_2515 : vector<16xi32> to vector<32xbf16>
        %parallel_loop3A_2517 = arith.addf %parallel_loop3A_2507, %parallel_loop3A_2510 : vector<32xbf16>
        %parallel_loop3A_2518 = arith.addf %parallel_loop3A_2513, %parallel_loop3A_2516 : vector<32xbf16>
        %parallel_loop3A_2519 = arith.addf %parallel_loop3A_2517, %parallel_loop3A_2518 : vector<32xbf16>
        %parallel_loop3A_2520 = tpu.unpack_subelements %parallel_loop3A_2519, 0 {pack_format = #tpu.pack_format<interleaved>} : vector<32xbf16> -> vector<16xf32>
        %parallel_loop3A_2521 = tpu.unpack_subelements %parallel_loop3A_2519, 1 {pack_format = #tpu.pack_format<interleaved>} : vector<32xbf16> -> vector<16xf32>
        %parallel_loop3A_2522 = arith.index_cast %parallel_loop3A_2408 : i32 to index
        %parallel_loop3A_2523 = arith.constant 96 : index
        %parallel_loop3A_2524 = tpu.vector_load %arg11[%parallel_loop3A_2522, %parallel_loop3A_2523] {strides = array<i32>} : memref<128x128xf32, #tpu.memory_space<vmem>>, vector<16xf32>,
        tpu.vector_store %arg11[%parallel_loop3A_2522, %parallel_loop3A_2523], %parallel_loop3A_2520 {strides = array<i32>} : memref<128x128xf32, #tpu.memory_space<vmem>>, vector<16xf32>,
        %parallel_loop3A_2525 = arith.index_cast %parallel_loop3A_2408 : i32 to index
        %parallel_loop3A_2526 = arith.constant 112 : index
        %parallel_loop3A_2527 = tpu.vector_load %arg11[%parallel_loop3A_2525, %parallel_loop3A_2526] {strides = array<i32>} : memref<128x128xf32, #tpu.memory_space<vmem>>, vector<16xf32>,
        tpu.vector_store %arg11[%parallel_loop3A_2525, %parallel_loop3A_2526], %parallel_loop3A_2521 {strides = array<i32>} : memref<128x128xf32, #tpu.memory_space<vmem>>, vector<16xf32>,
      } {sc.loop_unroll_factor = 4 : i64, sc.parallel_access}
      %dma_start3A_1690 = arith.constant 0 : i32
      %dma_start3A_1691 = tpu.memref_slice %arg4[%add3A_987, %dma_start3A_1690] : memref<100000x128xf32, #tpu.memory_space<hbm>> -> memref<128x128xf32, #tpu.memory_space<hbm>>
      %dma_start3A_1692 = arith.constant 0 : i32
      %dma_start3A_1693 = tpu.memref_slice %arg4[%add3A_987, %dma_start3A_1692] : memref<100000x128xf32, #tpu.memory_space<hbm>> -> memref<128x128xf32, #tpu.memory_space<hbm>>
      tpu.enqueue_dma source(%arg11 : memref<128x128xf32, #tpu.memory_space<vmem>>) target(%dma_start3A_1693 : memref<128x128xf32, #tpu.memory_space<hbm>>) target_semaphore(%arg14 : memref<!tpu.dma_semaphore, #tpu.memory_space<semaphore_mem>>)
      %mul3A_1694 = arith.constant 2 : i32
      %mul3A_1695 = arith.muli %scan3A_981, %mul3A_1694 : i32
      %add3A_1696 = arith.constant 1 : i32
      %add3A_1697 = arith.addi %mul3A_1695, %add3A_1696 : i32
      %mul3A_1698 = arith.constant 128 : i32
      %mul3A_1699 = arith.muli %add3A_1697, %mul3A_1698 : i32
      %add3A_1700 = arith.addi %min3A_254, %mul3A_1699 : i32
      %mul3A_1701 = arith.constant 128 : i32
      %mul3A_1702 = arith.muli %add3A_1697, %mul3A_1701 : i32
      %add3A_1703 = arith.addi %select_n3A, %mul3A_1702 : i32
      %dma_wait3A_1704 = arith.constant 0 : i32
      %dma_wait3A_1705 = tpu.memref_slice %arg2[%dma_wait3A_1704, %add3A_1703] : memref<9x105600xi32, #tpu.memory_space<hbm>> -> memref<9x128xi32, #tpu.memory_space<hbm>>
      %dma_wait3A_1706 = arith.constant 0 : i32
      %dma_wait3A_1707 = tpu.memref_slice %arg2[%dma_wait3A_1706, %add3A_1703] : memref<9x105600xi32, #tpu.memory_space<hbm>> -> memref<9x128xi32, #tpu.memory_space<hbm>>
      tpu.wait_dma2 semaphore(%arg13 : memref<!tpu.dma_semaphore, #tpu.memory_space<semaphore_mem>>) src(%dma_wait3A_1707 : memref<9x128xi32, #tpu.memory_space<hbm>>) dst(%arg9 : memref<9x128xi32, #tpu.memory_space<vmem>>)
      %add3A_1708 = arith.constant 1 : i32
      %add3A_1709 = arith.addi %add3A_1697, %add3A_1708 : i32
      %lt3A_1710 = arith.constant 25 : i32
      %lt3A_1711 = arith.cmpi slt, %add3A_1709, %lt3A_1710 : i32
      %convert_element_type3A_1712 = arith.extui %lt3A_1711 : i1 to i32
      %cond3A_1713 = arith.constant 0 : i32
      %cond3A_1714 = arith.cmpi ne, %convert_element_type3A_1712, %cond3A_1713 : i32
      scf.if %cond3A_1714 {
        %add3A_2408 = arith.constant 128 : i32
        %add3A_2409 = arith.addi %add3A_1703, %add3A_2408 : i32
        %dma_start3A_2410 = arith.constant 0 : i32
        %dma_start3A_2411 = tpu.memref_slice %arg2[%dma_start3A_2410, %add3A_2409] : memref<9x105600xi32, #tpu.memory_space<hbm>> -> memref<9x128xi32, #tpu.memory_space<hbm>>
        %dma_start3A_2412 = arith.constant 0 : i32
        %dma_start3A_2413 = tpu.memref_slice %arg2[%dma_start3A_2412, %add3A_2409] : memref<9x105600xi32, #tpu.memory_space<hbm>> -> memref<9x128xi32, #tpu.memory_space<hbm>>
        tpu.enqueue_dma source(%dma_start3A_2413 : memref<9x128xi32, #tpu.memory_space<hbm>>) target(%arg8 : memref<9x128xi32, #tpu.memory_space<vmem>>) target_semaphore(%arg13 : memref<!tpu.dma_semaphore, #tpu.memory_space<semaphore_mem>>)
      } else {
      }
      %get3A_1715 = arith.constant 0 : i32
      %get3A_1716 = arith.index_cast %get3A_1715 : i32 to index
      %get3A_1717 = arith.constant 0 : index
      %get3A_1718 = tpu.vector_load %arg9[%get3A_1716, %get3A_1717] {strides = array<i32>} : memref<9x128xi32, #tpu.memory_space<vmem>>, vector<16xi32>,
      %get3A_1719 = arith.constant 1 : i32
      %get3A_1720 = arith.index_cast %get3A_1719 : i32 to index
      %get3A_1721 = arith.constant 0 : index
      %get3A_1722 = tpu.vector_load %arg9[%get3A_1720, %get3A_1721] {strides = array<i32>} : memref<9x128xi32, #tpu.memory_space<vmem>>, vector<16xi32>,
      %get3A_1723 = arith.constant 2 : i32
      %get3A_1724 = arith.index_cast %get3A_1723 : i32 to index
      %get3A_1725 = arith.constant 0 : index
      %get3A_1726 = tpu.vector_load %arg9[%get3A_1724, %get3A_1725] {strides = array<i32>} : memref<9x128xi32, #tpu.memory_space<vmem>>, vector<16xi32>,
      %get3A_1727 = arith.constant 3 : i32
      %get3A_1728 = arith.index_cast %get3A_1727 : i32 to index
      %get3A_1729 = arith.constant 0 : index
      %get3A_1730 = tpu.vector_load %arg9[%get3A_1728, %get3A_1729] {strides = array<i32>} : memref<9x128xi32, #tpu.memory_space<vmem>>, vector<16xi32>,
      %get3A_1731 = arith.constant 4 : i32
      %get3A_1732 = arith.index_cast %get3A_1731 : i32 to index
      %get3A_1733 = arith.constant 0 : index
      %get3A_1734 = tpu.vector_load %arg9[%get3A_1732, %get3A_1733] {strides = array<i32>} : memref<9x128xi32, #tpu.memory_space<vmem>>, vector<16xi32>,
      %get3A_1735 = arith.constant 5 : i32
      %get3A_1736 = arith.index_cast %get3A_1735 : i32 to index
      %get3A_1737 = arith.constant 0 : index
      %get3A_1738 = tpu.vector_load %arg9[%get3A_1736, %get3A_1737] {strides = array<i32>} : memref<9x128xi32, #tpu.memory_space<vmem>>, vector<16xi32>,
      %get3A_1739 = arith.constant 6 : i32
      %get3A_1740 = arith.index_cast %get3A_1739 : i32 to index
      %get3A_1741 = arith.constant 0 : index
      %get3A_1742 = tpu.vector_load %arg9[%get3A_1740, %get3A_1741] {strides = array<i32>} : memref<9x128xi32, #tpu.memory_space<vmem>>, vector<16xi32>,
      %get3A_1743 = arith.constant 7 : i32
      %get3A_1744 = arith.index_cast %get3A_1743 : i32 to index
      %get3A_1745 = arith.constant 0 : index
      %get3A_1746 = tpu.vector_load %arg9[%get3A_1744, %get3A_1745] {strides = array<i32>} : memref<9x128xi32, #tpu.memory_space<vmem>>, vector<16xi32>,
      %get3A_1747 = arith.constant 8 : i32
      %get3A_1748 = arith.index_cast %get3A_1747 : i32 to index
      %get3A_1749 = arith.constant 0 : index
      %get3A_1750 = tpu.vector_load %arg9[%get3A_1748, %get3A_1749] {strides = array<i32>} : memref<9x128xi32, #tpu.memory_space<vmem>>, vector<16xi32>,
      %mul3A_1751 = arith.constant 64 : i32
      %mul3A_1752 = vector.broadcast %mul3A_1751 : i32 to vector<16xi32>
      %mul3A_1753 = arith.muli %get3A_1718, %mul3A_1752 : vector<16xi32>
      %swap3A_1754 = arith.constant 0 : index
      %swap3A_1755 = tpu.vector_load %arg10[%swap3A_1754] {strides = array<i32>} : memref<512xi32, #tpu.memory_space<vmem>>, vector<16xi32>,
      tpu.vector_store %arg10[%swap3A_1754], %mul3A_1753 {strides = array<i32>} : memref<512xi32, #tpu.memory_space<vmem>>, vector<16xi32>,
      %mul3A_1756 = arith.constant 12 : i32
      %mul3A_1757 = vector.broadcast %mul3A_1756 : i32 to vector<16xi32>
      %mul3A_1758 = arith.muli %get3A_1722, %mul3A_1757 : vector<16xi32>
      %add3A_1759 = arith.constant 119 : i32
      %add3A_1760 = vector.broadcast %add3A_1759 : i32 to vector<16xi32>
      %add3A_1761 = arith.addi %add3A_1760, %mul3A_1758 : vector<16xi32>
      %add3A_1762 = arith.addi %add3A_1761, %get3A_1726 : vector<16xi32>
      %mul3A_1763 = arith.constant 64 : i32
      %mul3A_1764 = vector.broadcast %mul3A_1763 : i32 to vector<16xi32>
      %mul3A_1765 = arith.muli %add3A_1762, %mul3A_1764 : vector<16xi32>
      %swap3A_1766 = arith.constant 128 : index
      %swap3A_1767 = tpu.vector_load %arg10[%swap3A_1766] {strides = array<i32>} : memref<512xi32, #tpu.memory_space<vmem>>, vector<16xi32>,
      tpu.vector_store %arg10[%swap3A_1766], %mul3A_1765 {strides = array<i32>} : memref<512xi32, #tpu.memory_space<vmem>>, vector<16xi32>,
      %mul3A_1768 = arith.constant 10 : i32
      %mul3A_1769 = vector.broadcast %mul3A_1768 : i32 to vector<16xi32>
      %mul3A_1770 = arith.muli %get3A_1730, %mul3A_1769 : vector<16xi32>
      %add3A_1771 = arith.constant 179 : i32
      %add3A_1772 = vector.broadcast %add3A_1771 : i32 to vector<16xi32>
      %add3A_1773 = arith.addi %add3A_1772, %mul3A_1770 : vector<16xi32>
      %add3A_1774 = arith.addi %add3A_1773, %get3A_1734 : vector<16xi32>
      %mul3A_1775 = arith.constant 64 : i32
      %mul3A_1776 = vector.broadcast %mul3A_1775 : i32 to vector<16xi32>
      %mul3A_1777 = arith.muli %add3A_1774, %mul3A_1776 : vector<16xi32>
      %swap3A_1778 = arith.constant 256 : index
      %swap3A_1779 = tpu.vector_load %arg10[%swap3A_1778] {strides = array<i32>} : memref<512xi32, #tpu.memory_space<vmem>>, vector<16xi32>,
      tpu.vector_store %arg10[%swap3A_1778], %mul3A_1777 {strides = array<i32>} : memref<512xi32, #tpu.memory_space<vmem>>, vector<16xi32>,
      %mul3A_1780 = arith.constant 6 : i32
      %mul3A_1781 = vector.broadcast %mul3A_1780 : i32 to vector<16xi32>
      %mul3A_1782 = arith.muli %get3A_1738, %mul3A_1781 : vector<16xi32>
      %add3A_1783 = arith.addi %mul3A_1782, %get3A_1742 : vector<16xi32>
      %mul3A_1784 = arith.constant 2 : i32
      %mul3A_1785 = vector.broadcast %mul3A_1784 : i32 to vector<16xi32>
      %mul3A_1786 = arith.muli %add3A_1783, %mul3A_1785 : vector<16xi32>
      %add3A_1787 = arith.addi %mul3A_1786, %get3A_1746 : vector<16xi32>
      %mul3A_1788 = arith.constant 2 : i32
      %mul3A_1789 = vector.broadcast %mul3A_1788 : i32 to vector<16xi32>
      %mul3A_1790 = arith.muli %add3A_1787, %mul3A_1789 : vector<16xi32>
      %add3A_1791 = arith.constant 299 : i32
      %add3A_1792 = vector.broadcast %add3A_1791 : i32 to vector<16xi32>
      %add3A_1793 = arith.addi %add3A_1792, %mul3A_1790 : vector<16xi32>
      %add3A_1794 = arith.addi %add3A_1793, %get3A_1750 : vector<16xi32>
      %mul3A_1795 = arith.constant 64 : i32
      %mul3A_1796 = vector.broadcast %mul3A_1795 : i32 to vector<16xi32>
      %mul3A_1797 = arith.muli %add3A_1794, %mul3A_1796 : vector<16xi32>
      %swap3A_1798 = arith.constant 384 : index
      %swap3A_1799 = tpu.vector_load %arg10[%swap3A_1798] {strides = array<i32>} : memref<512xi32, #tpu.memory_space<vmem>>, vector<16xi32>,
      tpu.vector_store %arg10[%swap3A_1798], %mul3A_1797 {strides = array<i32>} : memref<512xi32, #tpu.memory_space<vmem>>, vector<16xi32>,
      %get3A_1800 = arith.constant 0 : i32
      %get3A_1801 = arith.index_cast %get3A_1800 : i32 to index
      %get3A_1802 = arith.constant 16 : index
      %get3A_1803 = tpu.vector_load %arg9[%get3A_1801, %get3A_1802] {strides = array<i32>} : memref<9x128xi32, #tpu.memory_space<vmem>>, vector<16xi32>,
      %get3A_1804 = arith.constant 1 : i32
      %get3A_1805 = arith.index_cast %get3A_1804 : i32 to index
      %get3A_1806 = arith.constant 16 : index
      %get3A_1807 = tpu.vector_load %arg9[%get3A_1805, %get3A_1806] {strides = array<i32>} : memref<9x128xi32, #tpu.memory_space<vmem>>, vector<16xi32>,
      %get3A_1808 = arith.constant 2 : i32
      %get3A_1809 = arith.index_cast %get3A_1808 : i32 to index
      %get3A_1810 = arith.constant 16 : index
      %get3A_1811 = tpu.vector_load %arg9[%get3A_1809, %get3A_1810] {strides = array<i32>} : memref<9x128xi32, #tpu.memory_space<vmem>>, vector<16xi32>,
      %get3A_1812 = arith.constant 3 : i32
      %get3A_1813 = arith.index_cast %get3A_1812 : i32 to index
      %get3A_1814 = arith.constant 16 : index
      %get3A_1815 = tpu.vector_load %arg9[%get3A_1813, %get3A_1814] {strides = array<i32>} : memref<9x128xi32, #tpu.memory_space<vmem>>, vector<16xi32>,
      %get3A_1816 = arith.constant 4 : i32
      %get3A_1817 = arith.index_cast %get3A_1816 : i32 to index
      %get3A_1818 = arith.constant 16 : index
      %get3A_1819 = tpu.vector_load %arg9[%get3A_1817, %get3A_1818] {strides = array<i32>} : memref<9x128xi32, #tpu.memory_space<vmem>>, vector<16xi32>,
      %get3A_1820 = arith.constant 5 : i32
      %get3A_1821 = arith.index_cast %get3A_1820 : i32 to index
      %get3A_1822 = arith.constant 16 : index
      %get3A_1823 = tpu.vector_load %arg9[%get3A_1821, %get3A_1822] {strides = array<i32>} : memref<9x128xi32, #tpu.memory_space<vmem>>, vector<16xi32>,
      %get3A_1824 = arith.constant 6 : i32
      %get3A_1825 = arith.index_cast %get3A_1824 : i32 to index
      %get3A_1826 = arith.constant 16 : index
      %get3A_1827 = tpu.vector_load %arg9[%get3A_1825, %get3A_1826] {strides = array<i32>} : memref<9x128xi32, #tpu.memory_space<vmem>>, vector<16xi32>,
      %get3A_1828 = arith.constant 7 : i32
      %get3A_1829 = arith.index_cast %get3A_1828 : i32 to index
      %get3A_1830 = arith.constant 16 : index
      %get3A_1831 = tpu.vector_load %arg9[%get3A_1829, %get3A_1830] {strides = array<i32>} : memref<9x128xi32, #tpu.memory_space<vmem>>, vector<16xi32>,
      %get3A_1832 = arith.constant 8 : i32
      %get3A_1833 = arith.index_cast %get3A_1832 : i32 to index
      %get3A_1834 = arith.constant 16 : index
      %get3A_1835 = tpu.vector_load %arg9[%get3A_1833, %get3A_1834] {strides = array<i32>} : memref<9x128xi32, #tpu.memory_space<vmem>>, vector<16xi32>,
      %mul3A_1836 = arith.constant 64 : i32
      %mul3A_1837 = vector.broadcast %mul3A_1836 : i32 to vector<16xi32>
      %mul3A_1838 = arith.muli %get3A_1803, %mul3A_1837 : vector<16xi32>
      %swap3A_1839 = arith.constant 16 : index
      %swap3A_1840 = tpu.vector_load %arg10[%swap3A_1839] {strides = array<i32>} : memref<512xi32, #tpu.memory_space<vmem>>, vector<16xi32>,
      tpu.vector_store %arg10[%swap3A_1839], %mul3A_1838 {strides = array<i32>} : memref<512xi32, #tpu.memory_space<vmem>>, vector<16xi32>,
      %mul3A_1841 = arith.constant 12 : i32
      %mul3A_1842 = vector.broadcast %mul3A_1841 : i32 to vector<16xi32>
      %mul3A_1843 = arith.muli %get3A_1807, %mul3A_1842 : vector<16xi32>
      %add3A_1844 = arith.constant 119 : i32
      %add3A_1845 = vector.broadcast %add3A_1844 : i32 to vector<16xi32>
      %add3A_1846 = arith.addi %add3A_1845, %mul3A_1843 : vector<16xi32>
      %add3A_1847 = arith.addi %add3A_1846, %get3A_1811 : vector<16xi32>
      %mul3A_1848 = arith.constant 64 : i32
      %mul3A_1849 = vector.broadcast %mul3A_1848 : i32 to vector<16xi32>
      %mul3A_1850 = arith.muli %add3A_1847, %mul3A_1849 : vector<16xi32>
      %swap3A_1851 = arith.constant 144 : index
      %swap3A_1852 = tpu.vector_load %arg10[%swap3A_1851] {strides = array<i32>} : memref<512xi32, #tpu.memory_space<vmem>>, vector<16xi32>,
      tpu.vector_store %arg10[%swap3A_1851], %mul3A_1850 {strides = array<i32>} : memref<512xi32, #tpu.memory_space<vmem>>, vector<16xi32>,
      %mul3A_1853 = arith.constant 10 : i32
      %mul3A_1854 = vector.broadcast %mul3A_1853 : i32 to vector<16xi32>
      %mul3A_1855 = arith.muli %get3A_1815, %mul3A_1854 : vector<16xi32>
      %add3A_1856 = arith.constant 179 : i32
      %add3A_1857 = vector.broadcast %add3A_1856 : i32 to vector<16xi32>
      %add3A_1858 = arith.addi %add3A_1857, %mul3A_1855 : vector<16xi32>
      %add3A_1859 = arith.addi %add3A_1858, %get3A_1819 : vector<16xi32>
      %mul3A_1860 = arith.constant 64 : i32
      %mul3A_1861 = vector.broadcast %mul3A_1860 : i32 to vector<16xi32>
      %mul3A_1862 = arith.muli %add3A_1859, %mul3A_1861 : vector<16xi32>
      %swap3A_1863 = arith.constant 272 : index
      %swap3A_1864 = tpu.vector_load %arg10[%swap3A_1863] {strides = array<i32>} : memref<512xi32, #tpu.memory_space<vmem>>, vector<16xi32>,
      tpu.vector_store %arg10[%swap3A_1863], %mul3A_1862 {strides = array<i32>} : memref<512xi32, #tpu.memory_space<vmem>>, vector<16xi32>,
      %mul3A_1865 = arith.constant 6 : i32
      %mul3A_1866 = vector.broadcast %mul3A_1865 : i32 to vector<16xi32>
      %mul3A_1867 = arith.muli %get3A_1823, %mul3A_1866 : vector<16xi32>
      %add3A_1868 = arith.addi %mul3A_1867, %get3A_1827 : vector<16xi32>
      %mul3A_1869 = arith.constant 2 : i32
      %mul3A_1870 = vector.broadcast %mul3A_1869 : i32 to vector<16xi32>
      %mul3A_1871 = arith.muli %add3A_1868, %mul3A_1870 : vector<16xi32>
      %add3A_1872 = arith.addi %mul3A_1871, %get3A_1831 : vector<16xi32>
      %mul3A_1873 = arith.constant 2 : i32
      %mul3A_1874 = vector.broadcast %mul3A_1873 : i32 to vector<16xi32>
      %mul3A_1875 = arith.muli %add3A_1872, %mul3A_1874 : vector<16xi32>
      %add3A_1876 = arith.constant 299 : i32
      %add3A_1877 = vector.broadcast %add3A_1876 : i32 to vector<16xi32>
      %add3A_1878 = arith.addi %add3A_1877, %mul3A_1875 : vector<16xi32>
      %add3A_1879 = arith.addi %add3A_1878, %get3A_1835 : vector<16xi32>
      %mul3A_1880 = arith.constant 64 : i32
      %mul3A_1881 = vector.broadcast %mul3A_1880 : i32 to vector<16xi32>
      %mul3A_1882 = arith.muli %add3A_1879, %mul3A_1881 : vector<16xi32>
      %swap3A_1883 = arith.constant 400 : index
      %swap3A_1884 = tpu.vector_load %arg10[%swap3A_1883] {strides = array<i32>} : memref<512xi32, #tpu.memory_space<vmem>>, vector<16xi32>,
      tpu.vector_store %arg10[%swap3A_1883], %mul3A_1882 {strides = array<i32>} : memref<512xi32, #tpu.memory_space<vmem>>, vector<16xi32>,
      %get3A_1885 = arith.constant 0 : i32
      %get3A_1886 = arith.index_cast %get3A_1885 : i32 to index
      %get3A_1887 = arith.constant 32 : index
      %get3A_1888 = tpu.vector_load %arg9[%get3A_1886, %get3A_1887] {strides = array<i32>} : memref<9x128xi32, #tpu.memory_space<vmem>>, vector<16xi32>,
      %get3A_1889 = arith.constant 1 : i32
      %get3A_1890 = arith.index_cast %get3A_1889 : i32 to index
      %get3A_1891 = arith.constant 32 : index
      %get3A_1892 = tpu.vector_load %arg9[%get3A_1890, %get3A_1891] {strides = array<i32>} : memref<9x128xi32, #tpu.memory_space<vmem>>, vector<16xi32>,
      %get3A_1893 = arith.constant 2 : i32
      %get3A_1894 = arith.index_cast %get3A_1893 : i32 to index
      %get3A_1895 = arith.constant 32 : index
      %get3A_1896 = tpu.vector_load %arg9[%get3A_1894, %get3A_1895] {strides = array<i32>} : memref<9x128xi32, #tpu.memory_space<vmem>>, vector<16xi32>,
      %get3A_1897 = arith.constant 3 : i32
      %get3A_1898 = arith.index_cast %get3A_1897 : i32 to index
      %get3A_1899 = arith.constant 32 : index
      %get3A_1900 = tpu.vector_load %arg9[%get3A_1898, %get3A_1899] {strides = array<i32>} : memref<9x128xi32, #tpu.memory_space<vmem>>, vector<16xi32>,
      %get3A_1901 = arith.constant 4 : i32
      %get3A_1902 = arith.index_cast %get3A_1901 : i32 to index
      %get3A_1903 = arith.constant 32 : index
      %get3A_1904 = tpu.vector_load %arg9[%get3A_1902, %get3A_1903] {strides = array<i32>} : memref<9x128xi32, #tpu.memory_space<vmem>>, vector<16xi32>,
      %get3A_1905 = arith.constant 5 : i32
      %get3A_1906 = arith.index_cast %get3A_1905 : i32 to index
      %get3A_1907 = arith.constant 32 : index
      %get3A_1908 = tpu.vector_load %arg9[%get3A_1906, %get3A_1907] {strides = array<i32>} : memref<9x128xi32, #tpu.memory_space<vmem>>, vector<16xi32>,
      %get3A_1909 = arith.constant 6 : i32
      %get3A_1910 = arith.index_cast %get3A_1909 : i32 to index
      %get3A_1911 = arith.constant 32 : index
      %get3A_1912 = tpu.vector_load %arg9[%get3A_1910, %get3A_1911] {strides = array<i32>} : memref<9x128xi32, #tpu.memory_space<vmem>>, vector<16xi32>,
      %get3A_1913 = arith.constant 7 : i32
      %get3A_1914 = arith.index_cast %get3A_1913 : i32 to index
      %get3A_1915 = arith.constant 32 : index
      %get3A_1916 = tpu.vector_load %arg9[%get3A_1914, %get3A_1915] {strides = array<i32>} : memref<9x128xi32, #tpu.memory_space<vmem>>, vector<16xi32>,
      %get3A_1917 = arith.constant 8 : i32
      %get3A_1918 = arith.index_cast %get3A_1917 : i32 to index
      %get3A_1919 = arith.constant 32 : index
      %get3A_1920 = tpu.vector_load %arg9[%get3A_1918, %get3A_1919] {strides = array<i32>} : memref<9x128xi32, #tpu.memory_space<vmem>>, vector<16xi32>,
      %mul3A_1921 = arith.constant 64 : i32
      %mul3A_1922 = vector.broadcast %mul3A_1921 : i32 to vector<16xi32>
      %mul3A_1923 = arith.muli %get3A_1888, %mul3A_1922 : vector<16xi32>
      %swap3A_1924 = arith.constant 32 : index
      %swap3A_1925 = tpu.vector_load %arg10[%swap3A_1924] {strides = array<i32>} : memref<512xi32, #tpu.memory_space<vmem>>, vector<16xi32>,
      tpu.vector_store %arg10[%swap3A_1924], %mul3A_1923 {strides = array<i32>} : memref<512xi32, #tpu.memory_space<vmem>>, vector<16xi32>,
      %mul3A_1926 = arith.constant 12 : i32
      %mul3A_1927 = vector.broadcast %mul3A_1926 : i32 to vector<16xi32>
      %mul3A_1928 = arith.muli %get3A_1892, %mul3A_1927 : vector<16xi32>
      %add3A_1929 = arith.constant 119 : i32
      %add3A_1930 = vector.broadcast %add3A_1929 : i32 to vector<16xi32>
      %add3A_1931 = arith.addi %add3A_1930, %mul3A_1928 : vector<16xi32>
      %add3A_1932 = arith.addi %add3A_1931, %get3A_1896 : vector<16xi32>
      %mul3A_1933 = arith.constant 64 : i32
      %mul3A_1934 = vector.broadcast %mul3A_1933 : i32 to vector<16xi32>
      %mul3A_1935 = arith.muli %add3A_1932, %mul3A_1934 : vector<16xi32>
      %swap3A_1936 = arith.constant 160 : index
      %swap3A_1937 = tpu.vector_load %arg10[%swap3A_1936] {strides = array<i32>} : memref<512xi32, #tpu.memory_space<vmem>>, vector<16xi32>,
      tpu.vector_store %arg10[%swap3A_1936], %mul3A_1935 {strides = array<i32>} : memref<512xi32, #tpu.memory_space<vmem>>, vector<16xi32>,
      %mul3A_1938 = arith.constant 10 : i32
      %mul3A_1939 = vector.broadcast %mul3A_1938 : i32 to vector<16xi32>
      %mul3A_1940 = arith.muli %get3A_1900, %mul3A_1939 : vector<16xi32>
      %add3A_1941 = arith.constant 179 : i32
      %add3A_1942 = vector.broadcast %add3A_1941 : i32 to vector<16xi32>
      %add3A_1943 = arith.addi %add3A_1942, %mul3A_1940 : vector<16xi32>
      %add3A_1944 = arith.addi %add3A_1943, %get3A_1904 : vector<16xi32>
      %mul3A_1945 = arith.constant 64 : i32
      %mul3A_1946 = vector.broadcast %mul3A_1945 : i32 to vector<16xi32>
      %mul3A_1947 = arith.muli %add3A_1944, %mul3A_1946 : vector<16xi32>
      %swap3A_1948 = arith.constant 288 : index
      %swap3A_1949 = tpu.vector_load %arg10[%swap3A_1948] {strides = array<i32>} : memref<512xi32, #tpu.memory_space<vmem>>, vector<16xi32>,
      tpu.vector_store %arg10[%swap3A_1948], %mul3A_1947 {strides = array<i32>} : memref<512xi32, #tpu.memory_space<vmem>>, vector<16xi32>,
      %mul3A_1950 = arith.constant 6 : i32
      %mul3A_1951 = vector.broadcast %mul3A_1950 : i32 to vector<16xi32>
      %mul3A_1952 = arith.muli %get3A_1908, %mul3A_1951 : vector<16xi32>
      %add3A_1953 = arith.addi %mul3A_1952, %get3A_1912 : vector<16xi32>
      %mul3A_1954 = arith.constant 2 : i32
      %mul3A_1955 = vector.broadcast %mul3A_1954 : i32 to vector<16xi32>
      %mul3A_1956 = arith.muli %add3A_1953, %mul3A_1955 : vector<16xi32>
      %add3A_1957 = arith.addi %mul3A_1956, %get3A_1916 : vector<16xi32>
      %mul3A_1958 = arith.constant 2 : i32
      %mul3A_1959 = vector.broadcast %mul3A_1958 : i32 to vector<16xi32>
      %mul3A_1960 = arith.muli %add3A_1957, %mul3A_1959 : vector<16xi32>
      %add3A_1961 = arith.constant 299 : i32
      %add3A_1962 = vector.broadcast %add3A_1961 : i32 to vector<16xi32>
      %add3A_1963 = arith.addi %add3A_1962, %mul3A_1960 : vector<16xi32>
      %add3A_1964 = arith.addi %add3A_1963, %get3A_1920 : vector<16xi32>
      %mul3A_1965 = arith.constant 64 : i32
      %mul3A_1966 = vector.broadcast %mul3A_1965 : i32 to vector<16xi32>
      %mul3A_1967 = arith.muli %add3A_1964, %mul3A_1966 : vector<16xi32>
      %swap3A_1968 = arith.constant 416 : index
      %swap3A_1969 = tpu.vector_load %arg10[%swap3A_1968] {strides = array<i32>} : memref<512xi32, #tpu.memory_space<vmem>>, vector<16xi32>,
      tpu.vector_store %arg10[%swap3A_1968], %mul3A_1967 {strides = array<i32>} : memref<512xi32, #tpu.memory_space<vmem>>, vector<16xi32>,
      %get3A_1970 = arith.constant 0 : i32
      %get3A_1971 = arith.index_cast %get3A_1970 : i32 to index
      %get3A_1972 = arith.constant 48 : index
      %get3A_1973 = tpu.vector_load %arg9[%get3A_1971, %get3A_1972] {strides = array<i32>} : memref<9x128xi32, #tpu.memory_space<vmem>>, vector<16xi32>,
      %get3A_1974 = arith.constant 1 : i32
      %get3A_1975 = arith.index_cast %get3A_1974 : i32 to index
      %get3A_1976 = arith.constant 48 : index
      %get3A_1977 = tpu.vector_load %arg9[%get3A_1975, %get3A_1976] {strides = array<i32>} : memref<9x128xi32, #tpu.memory_space<vmem>>, vector<16xi32>,
      %get3A_1978 = arith.constant 2 : i32
      %get3A_1979 = arith.index_cast %get3A_1978 : i32 to index
      %get3A_1980 = arith.constant 48 : index
      %get3A_1981 = tpu.vector_load %arg9[%get3A_1979, %get3A_1980] {strides = array<i32>} : memref<9x128xi32, #tpu.memory_space<vmem>>, vector<16xi32>,
      %get3A_1982 = arith.constant 3 : i32
      %get3A_1983 = arith.index_cast %get3A_1982 : i32 to index
      %get3A_1984 = arith.constant 48 : index
      %get3A_1985 = tpu.vector_load %arg9[%get3A_1983, %get3A_1984] {strides = array<i32>} : memref<9x128xi32, #tpu.memory_space<vmem>>, vector<16xi32>,
      %get3A_1986 = arith.constant 4 : i32
      %get3A_1987 = arith.index_cast %get3A_1986 : i32 to index
      %get3A_1988 = arith.constant 48 : index
      %get3A_1989 = tpu.vector_load %arg9[%get3A_1987, %get3A_1988] {strides = array<i32>} : memref<9x128xi32, #tpu.memory_space<vmem>>, vector<16xi32>,
      %get3A_1990 = arith.constant 5 : i32
      %get3A_1991 = arith.index_cast %get3A_1990 : i32 to index
      %get3A_1992 = arith.constant 48 : index
      %get3A_1993 = tpu.vector_load %arg9[%get3A_1991, %get3A_1992] {strides = array<i32>} : memref<9x128xi32, #tpu.memory_space<vmem>>, vector<16xi32>,
      %get3A_1994 = arith.constant 6 : i32
      %get3A_1995 = arith.index_cast %get3A_1994 : i32 to index
      %get3A_1996 = arith.constant 48 : index
      %get3A_1997 = tpu.vector_load %arg9[%get3A_1995, %get3A_1996] {strides = array<i32>} : memref<9x128xi32, #tpu.memory_space<vmem>>, vector<16xi32>,
      %get3A_1998 = arith.constant 7 : i32
      %get3A_1999 = arith.index_cast %get3A_1998 : i32 to index
      %get3A_2000 = arith.constant 48 : index
      %get3A_2001 = tpu.vector_load %arg9[%get3A_1999, %get3A_2000] {strides = array<i32>} : memref<9x128xi32, #tpu.memory_space<vmem>>, vector<16xi32>,
      %get3A_2002 = arith.constant 8 : i32
      %get3A_2003 = arith.index_cast %get3A_2002 : i32 to index
      %get3A_2004 = arith.constant 48 : index
      %get3A_2005 = tpu.vector_load %arg9[%get3A_2003, %get3A_2004] {strides = array<i32>} : memref<9x128xi32, #tpu.memory_space<vmem>>, vector<16xi32>,
      %mul3A_2006 = arith.constant 64 : i32
      %mul3A_2007 = vector.broadcast %mul3A_2006 : i32 to vector<16xi32>
      %mul3A_2008 = arith.muli %get3A_1973, %mul3A_2007 : vector<16xi32>
      %swap3A_2009 = arith.constant 48 : index
      %swap3A_2010 = tpu.vector_load %arg10[%swap3A_2009] {strides = array<i32>} : memref<512xi32, #tpu.memory_space<vmem>>, vector<16xi32>,
      tpu.vector_store %arg10[%swap3A_2009], %mul3A_2008 {strides = array<i32>} : memref<512xi32, #tpu.memory_space<vmem>>, vector<16xi32>,
      %mul3A_2011 = arith.constant 12 : i32
      %mul3A_2012 = vector.broadcast %mul3A_2011 : i32 to vector<16xi32>
      %mul3A_2013 = arith.muli %get3A_1977, %mul3A_2012 : vector<16xi32>
      %add3A_2014 = arith.constant 119 : i32
      %add3A_2015 = vector.broadcast %add3A_2014 : i32 to vector<16xi32>
      %add3A_2016 = arith.addi %add3A_2015, %mul3A_2013 : vector<16xi32>
      %add3A_2017 = arith.addi %add3A_2016, %get3A_1981 : vector<16xi32>
      %mul3A_2018 = arith.constant 64 : i32
      %mul3A_2019 = vector.broadcast %mul3A_2018 : i32 to vector<16xi32>
      %mul3A_2020 = arith.muli %add3A_2017, %mul3A_2019 : vector<16xi32>
      %swap3A_2021 = arith.constant 176 : index
      %swap3A_2022 = tpu.vector_load %arg10[%swap3A_2021] {strides = array<i32>} : memref<512xi32, #tpu.memory_space<vmem>>, vector<16xi32>,
      tpu.vector_store %arg10[%swap3A_2021], %mul3A_2020 {strides = array<i32>} : memref<512xi32, #tpu.memory_space<vmem>>, vector<16xi32>,
      %mul3A_2023 = arith.constant 10 : i32
      %mul3A_2024 = vector.broadcast %mul3A_2023 : i32 to vector<16xi32>
      %mul3A_2025 = arith.muli %get3A_1985, %mul3A_2024 : vector<16xi32>
      %add3A_2026 = arith.constant 179 : i32
      %add3A_2027 = vector.broadcast %add3A_2026 : i32 to vector<16xi32>
      %add3A_2028 = arith.addi %add3A_2027, %mul3A_2025 : vector<16xi32>
      %add3A_2029 = arith.addi %add3A_2028, %get3A_1989 : vector<16xi32>
      %mul3A_2030 = arith.constant 64 : i32
      %mul3A_2031 = vector.broadcast %mul3A_2030 : i32 to vector<16xi32>
      %mul3A_2032 = arith.muli %add3A_2029, %mul3A_2031 : vector<16xi32>
      %swap3A_2033 = arith.constant 304 : index
      %swap3A_2034 = tpu.vector_load %arg10[%swap3A_2033] {strides = array<i32>} : memref<512xi32, #tpu.memory_space<vmem>>, vector<16xi32>,
      tpu.vector_store %arg10[%swap3A_2033], %mul3A_2032 {strides = array<i32>} : memref<512xi32, #tpu.memory_space<vmem>>, vector<16xi32>,
      %mul3A_2035 = arith.constant 6 : i32
      %mul3A_2036 = vector.broadcast %mul3A_2035 : i32 to vector<16xi32>
      %mul3A_2037 = arith.muli %get3A_1993, %mul3A_2036 : vector<16xi32>
      %add3A_2038 = arith.addi %mul3A_2037, %get3A_1997 : vector<16xi32>
      %mul3A_2039 = arith.constant 2 : i32
      %mul3A_2040 = vector.broadcast %mul3A_2039 : i32 to vector<16xi32>
      %mul3A_2041 = arith.muli %add3A_2038, %mul3A_2040 : vector<16xi32>
      %add3A_2042 = arith.addi %mul3A_2041, %get3A_2001 : vector<16xi32>
      %mul3A_2043 = arith.constant 2 : i32
      %mul3A_2044 = vector.broadcast %mul3A_2043 : i32 to vector<16xi32>
      %mul3A_2045 = arith.muli %add3A_2042, %mul3A_2044 : vector<16xi32>
      %add3A_2046 = arith.constant 299 : i32
      %add3A_2047 = vector.broadcast %add3A_2046 : i32 to vector<16xi32>
      %add3A_2048 = arith.addi %add3A_2047, %mul3A_2045 : vector<16xi32>
      %add3A_2049 = arith.addi %add3A_2048, %get3A_2005 : vector<16xi32>
      %mul3A_2050 = arith.constant 64 : i32
      %mul3A_2051 = vector.broadcast %mul3A_2050 : i32 to vector<16xi32>
      %mul3A_2052 = arith.muli %add3A_2049, %mul3A_2051 : vector<16xi32>
      %swap3A_2053 = arith.constant 432 : index
      %swap3A_2054 = tpu.vector_load %arg10[%swap3A_2053] {strides = array<i32>} : memref<512xi32, #tpu.memory_space<vmem>>, vector<16xi32>,
      tpu.vector_store %arg10[%swap3A_2053], %mul3A_2052 {strides = array<i32>} : memref<512xi32, #tpu.memory_space<vmem>>, vector<16xi32>,
      %get3A_2055 = arith.constant 0 : i32
      %get3A_2056 = arith.index_cast %get3A_2055 : i32 to index
      %get3A_2057 = arith.constant 64 : index
      %get3A_2058 = tpu.vector_load %arg9[%get3A_2056, %get3A_2057] {strides = array<i32>} : memref<9x128xi32, #tpu.memory_space<vmem>>, vector<16xi32>,
      %get3A_2059 = arith.constant 1 : i32
      %get3A_2060 = arith.index_cast %get3A_2059 : i32 to index
      %get3A_2061 = arith.constant 64 : index
      %get3A_2062 = tpu.vector_load %arg9[%get3A_2060, %get3A_2061] {strides = array<i32>} : memref<9x128xi32, #tpu.memory_space<vmem>>, vector<16xi32>,
      %get3A_2063 = arith.constant 2 : i32
      %get3A_2064 = arith.index_cast %get3A_2063 : i32 to index
      %get3A_2065 = arith.constant 64 : index
      %get3A_2066 = tpu.vector_load %arg9[%get3A_2064, %get3A_2065] {strides = array<i32>} : memref<9x128xi32, #tpu.memory_space<vmem>>, vector<16xi32>,
      %get3A_2067 = arith.constant 3 : i32
      %get3A_2068 = arith.index_cast %get3A_2067 : i32 to index
      %get3A_2069 = arith.constant 64 : index
      %get3A_2070 = tpu.vector_load %arg9[%get3A_2068, %get3A_2069] {strides = array<i32>} : memref<9x128xi32, #tpu.memory_space<vmem>>, vector<16xi32>,
      %get3A_2071 = arith.constant 4 : i32
      %get3A_2072 = arith.index_cast %get3A_2071 : i32 to index
      %get3A_2073 = arith.constant 64 : index
      %get3A_2074 = tpu.vector_load %arg9[%get3A_2072, %get3A_2073] {strides = array<i32>} : memref<9x128xi32, #tpu.memory_space<vmem>>, vector<16xi32>,
      %get3A_2075 = arith.constant 5 : i32
      %get3A_2076 = arith.index_cast %get3A_2075 : i32 to index
      %get3A_2077 = arith.constant 64 : index
      %get3A_2078 = tpu.vector_load %arg9[%get3A_2076, %get3A_2077] {strides = array<i32>} : memref<9x128xi32, #tpu.memory_space<vmem>>, vector<16xi32>,
      %get3A_2079 = arith.constant 6 : i32
      %get3A_2080 = arith.index_cast %get3A_2079 : i32 to index
      %get3A_2081 = arith.constant 64 : index
      %get3A_2082 = tpu.vector_load %arg9[%get3A_2080, %get3A_2081] {strides = array<i32>} : memref<9x128xi32, #tpu.memory_space<vmem>>, vector<16xi32>,
      %get3A_2083 = arith.constant 7 : i32
      %get3A_2084 = arith.index_cast %get3A_2083 : i32 to index
      %get3A_2085 = arith.constant 64 : index
      %get3A_2086 = tpu.vector_load %arg9[%get3A_2084, %get3A_2085] {strides = array<i32>} : memref<9x128xi32, #tpu.memory_space<vmem>>, vector<16xi32>,
      %get3A_2087 = arith.constant 8 : i32
      %get3A_2088 = arith.index_cast %get3A_2087 : i32 to index
      %get3A_2089 = arith.constant 64 : index
      %get3A_2090 = tpu.vector_load %arg9[%get3A_2088, %get3A_2089] {strides = array<i32>} : memref<9x128xi32, #tpu.memory_space<vmem>>, vector<16xi32>,
      %mul3A_2091 = arith.constant 64 : i32
      %mul3A_2092 = vector.broadcast %mul3A_2091 : i32 to vector<16xi32>
      %mul3A_2093 = arith.muli %get3A_2058, %mul3A_2092 : vector<16xi32>
      %swap3A_2094 = arith.constant 64 : index
      %swap3A_2095 = tpu.vector_load %arg10[%swap3A_2094] {strides = array<i32>} : memref<512xi32, #tpu.memory_space<vmem>>, vector<16xi32>,
      tpu.vector_store %arg10[%swap3A_2094], %mul3A_2093 {strides = array<i32>} : memref<512xi32, #tpu.memory_space<vmem>>, vector<16xi32>,
      %mul3A_2096 = arith.constant 12 : i32
      %mul3A_2097 = vector.broadcast %mul3A_2096 : i32 to vector<16xi32>
      %mul3A_2098 = arith.muli %get3A_2062, %mul3A_2097 : vector<16xi32>
      %add3A_2099 = arith.constant 119 : i32
      %add3A_2100 = vector.broadcast %add3A_2099 : i32 to vector<16xi32>
      %add3A_2101 = arith.addi %add3A_2100, %mul3A_2098 : vector<16xi32>
      %add3A_2102 = arith.addi %add3A_2101, %get3A_2066 : vector<16xi32>
      %mul3A_2103 = arith.constant 64 : i32
      %mul3A_2104 = vector.broadcast %mul3A_2103 : i32 to vector<16xi32>
      %mul3A_2105 = arith.muli %add3A_2102, %mul3A_2104 : vector<16xi32>
      %swap3A_2106 = arith.constant 192 : index
      %swap3A_2107 = tpu.vector_load %arg10[%swap3A_2106] {strides = array<i32>} : memref<512xi32, #tpu.memory_space<vmem>>, vector<16xi32>,
      tpu.vector_store %arg10[%swap3A_2106], %mul3A_2105 {strides = array<i32>} : memref<512xi32, #tpu.memory_space<vmem>>, vector<16xi32>,
      %mul3A_2108 = arith.constant 10 : i32
      %mul3A_2109 = vector.broadcast %mul3A_2108 : i32 to vector<16xi32>
      %mul3A_2110 = arith.muli %get3A_2070, %mul3A_2109 : vector<16xi32>
      %add3A_2111 = arith.constant 179 : i32
      %add3A_2112 = vector.broadcast %add3A_2111 : i32 to vector<16xi32>
      %add3A_2113 = arith.addi %add3A_2112, %mul3A_2110 : vector<16xi32>
      %add3A_2114 = arith.addi %add3A_2113, %get3A_2074 : vector<16xi32>
      %mul3A_2115 = arith.constant 64 : i32
      %mul3A_2116 = vector.broadcast %mul3A_2115 : i32 to vector<16xi32>
      %mul3A_2117 = arith.muli %add3A_2114, %mul3A_2116 : vector<16xi32>
      %swap3A_2118 = arith.constant 320 : index
      %swap3A_2119 = tpu.vector_load %arg10[%swap3A_2118] {strides = array<i32>} : memref<512xi32, #tpu.memory_space<vmem>>, vector<16xi32>,
      tpu.vector_store %arg10[%swap3A_2118], %mul3A_2117 {strides = array<i32>} : memref<512xi32, #tpu.memory_space<vmem>>, vector<16xi32>,
      %mul3A_2120 = arith.constant 6 : i32
      %mul3A_2121 = vector.broadcast %mul3A_2120 : i32 to vector<16xi32>
      %mul3A_2122 = arith.muli %get3A_2078, %mul3A_2121 : vector<16xi32>
      %add3A_2123 = arith.addi %mul3A_2122, %get3A_2082 : vector<16xi32>
      %mul3A_2124 = arith.constant 2 : i32
      %mul3A_2125 = vector.broadcast %mul3A_2124 : i32 to vector<16xi32>
      %mul3A_2126 = arith.muli %add3A_2123, %mul3A_2125 : vector<16xi32>
      %add3A_2127 = arith.addi %mul3A_2126, %get3A_2086 : vector<16xi32>
      %mul3A_2128 = arith.constant 2 : i32
      %mul3A_2129 = vector.broadcast %mul3A_2128 : i32 to vector<16xi32>
      %mul3A_2130 = arith.muli %add3A_2127, %mul3A_2129 : vector<16xi32>
      %add3A_2131 = arith.constant 299 : i32
      %add3A_2132 = vector.broadcast %add3A_2131 : i32 to vector<16xi32>
      %add3A_2133 = arith.addi %add3A_2132, %mul3A_2130 : vector<16xi32>
      %add3A_2134 = arith.addi %add3A_2133, %get3A_2090 : vector<16xi32>
      %mul3A_2135 = arith.constant 64 : i32
      %mul3A_2136 = vector.broadcast %mul3A_2135 : i32 to vector<16xi32>
      %mul3A_2137 = arith.muli %add3A_2134, %mul3A_2136 : vector<16xi32>
      %swap3A_2138 = arith.constant 448 : index
      %swap3A_2139 = tpu.vector_load %arg10[%swap3A_2138] {strides = array<i32>} : memref<512xi32, #tpu.memory_space<vmem>>, vector<16xi32>,
      tpu.vector_store %arg10[%swap3A_2138], %mul3A_2137 {strides = array<i32>} : memref<512xi32, #tpu.memory_space<vmem>>, vector<16xi32>,
      %get3A_2140 = arith.constant 0 : i32
      %get3A_2141 = arith.index_cast %get3A_2140 : i32 to index
      %get3A_2142 = arith.constant 80 : index
      %get3A_2143 = tpu.vector_load %arg9[%get3A_2141, %get3A_2142] {strides = array<i32>} : memref<9x128xi32, #tpu.memory_space<vmem>>, vector<16xi32>,
      %get3A_2144 = arith.constant 1 : i32
      %get3A_2145 = arith.index_cast %get3A_2144 : i32 to index
      %get3A_2146 = arith.constant 80 : index
      %get3A_2147 = tpu.vector_load %arg9[%get3A_2145, %get3A_2146] {strides = array<i32>} : memref<9x128xi32, #tpu.memory_space<vmem>>, vector<16xi32>,
      %get3A_2148 = arith.constant 2 : i32
      %get3A_2149 = arith.index_cast %get3A_2148 : i32 to index
      %get3A_2150 = arith.constant 80 : index
      %get3A_2151 = tpu.vector_load %arg9[%get3A_2149, %get3A_2150] {strides = array<i32>} : memref<9x128xi32, #tpu.memory_space<vmem>>, vector<16xi32>,
      %get3A_2152 = arith.constant 3 : i32
      %get3A_2153 = arith.index_cast %get3A_2152 : i32 to index
      %get3A_2154 = arith.constant 80 : index
      %get3A_2155 = tpu.vector_load %arg9[%get3A_2153, %get3A_2154] {strides = array<i32>} : memref<9x128xi32, #tpu.memory_space<vmem>>, vector<16xi32>,
      %get3A_2156 = arith.constant 4 : i32
      %get3A_2157 = arith.index_cast %get3A_2156 : i32 to index
      %get3A_2158 = arith.constant 80 : index
      %get3A_2159 = tpu.vector_load %arg9[%get3A_2157, %get3A_2158] {strides = array<i32>} : memref<9x128xi32, #tpu.memory_space<vmem>>, vector<16xi32>,
      %get3A_2160 = arith.constant 5 : i32
      %get3A_2161 = arith.index_cast %get3A_2160 : i32 to index
      %get3A_2162 = arith.constant 80 : index
      %get3A_2163 = tpu.vector_load %arg9[%get3A_2161, %get3A_2162] {strides = array<i32>} : memref<9x128xi32, #tpu.memory_space<vmem>>, vector<16xi32>,
      %get3A_2164 = arith.constant 6 : i32
      %get3A_2165 = arith.index_cast %get3A_2164 : i32 to index
      %get3A_2166 = arith.constant 80 : index
      %get3A_2167 = tpu.vector_load %arg9[%get3A_2165, %get3A_2166] {strides = array<i32>} : memref<9x128xi32, #tpu.memory_space<vmem>>, vector<16xi32>,
      %get3A_2168 = arith.constant 7 : i32
      %get3A_2169 = arith.index_cast %get3A_2168 : i32 to index
      %get3A_2170 = arith.constant 80 : index
      %get3A_2171 = tpu.vector_load %arg9[%get3A_2169, %get3A_2170] {strides = array<i32>} : memref<9x128xi32, #tpu.memory_space<vmem>>, vector<16xi32>,
      %get3A_2172 = arith.constant 8 : i32
      %get3A_2173 = arith.index_cast %get3A_2172 : i32 to index
      %get3A_2174 = arith.constant 80 : index
      %get3A_2175 = tpu.vector_load %arg9[%get3A_2173, %get3A_2174] {strides = array<i32>} : memref<9x128xi32, #tpu.memory_space<vmem>>, vector<16xi32>,
      %mul3A_2176 = arith.constant 64 : i32
      %mul3A_2177 = vector.broadcast %mul3A_2176 : i32 to vector<16xi32>
      %mul3A_2178 = arith.muli %get3A_2143, %mul3A_2177 : vector<16xi32>
      %swap3A_2179 = arith.constant 80 : index
      %swap3A_2180 = tpu.vector_load %arg10[%swap3A_2179] {strides = array<i32>} : memref<512xi32, #tpu.memory_space<vmem>>, vector<16xi32>,
      tpu.vector_store %arg10[%swap3A_2179], %mul3A_2178 {strides = array<i32>} : memref<512xi32, #tpu.memory_space<vmem>>, vector<16xi32>,
      %mul3A_2181 = arith.constant 12 : i32
      %mul3A_2182 = vector.broadcast %mul3A_2181 : i32 to vector<16xi32>
      %mul3A_2183 = arith.muli %get3A_2147, %mul3A_2182 : vector<16xi32>
      %add3A_2184 = arith.constant 119 : i32
      %add3A_2185 = vector.broadcast %add3A_2184 : i32 to vector<16xi32>
      %add3A_2186 = arith.addi %add3A_2185, %mul3A_2183 : vector<16xi32>
      %add3A_2187 = arith.addi %add3A_2186, %get3A_2151 : vector<16xi32>
      %mul3A_2188 = arith.constant 64 : i32
      %mul3A_2189 = vector.broadcast %mul3A_2188 : i32 to vector<16xi32>
      %mul3A_2190 = arith.muli %add3A_2187, %mul3A_2189 : vector<16xi32>
      %swap3A_2191 = arith.constant 208 : index
      %swap3A_2192 = tpu.vector_load %arg10[%swap3A_2191] {strides = array<i32>} : memref<512xi32, #tpu.memory_space<vmem>>, vector<16xi32>,
      tpu.vector_store %arg10[%swap3A_2191], %mul3A_2190 {strides = array<i32>} : memref<512xi32, #tpu.memory_space<vmem>>, vector<16xi32>,
      %mul3A_2193 = arith.constant 10 : i32
      %mul3A_2194 = vector.broadcast %mul3A_2193 : i32 to vector<16xi32>
      %mul3A_2195 = arith.muli %get3A_2155, %mul3A_2194 : vector<16xi32>
      %add3A_2196 = arith.constant 179 : i32
      %add3A_2197 = vector.broadcast %add3A_2196 : i32 to vector<16xi32>
      %add3A_2198 = arith.addi %add3A_2197, %mul3A_2195 : vector<16xi32>
      %add3A_2199 = arith.addi %add3A_2198, %get3A_2159 : vector<16xi32>
      %mul3A_2200 = arith.constant 64 : i32
      %mul3A_2201 = vector.broadcast %mul3A_2200 : i32 to vector<16xi32>
      %mul3A_2202 = arith.muli %add3A_2199, %mul3A_2201 : vector<16xi32>
      %swap3A_2203 = arith.constant 336 : index
      %swap3A_2204 = tpu.vector_load %arg10[%swap3A_2203] {strides = array<i32>} : memref<512xi32, #tpu.memory_space<vmem>>, vector<16xi32>,
      tpu.vector_store %arg10[%swap3A_2203], %mul3A_2202 {strides = array<i32>} : memref<512xi32, #tpu.memory_space<vmem>>, vector<16xi32>,
      %mul3A_2205 = arith.constant 6 : i32
      %mul3A_2206 = vector.broadcast %mul3A_2205 : i32 to vector<16xi32>
      %mul3A_2207 = arith.muli %get3A_2163, %mul3A_2206 : vector<16xi32>
      %add3A_2208 = arith.addi %mul3A_2207, %get3A_2167 : vector<16xi32>
      %mul3A_2209 = arith.constant 2 : i32
      %mul3A_2210 = vector.broadcast %mul3A_2209 : i32 to vector<16xi32>
      %mul3A_2211 = arith.muli %add3A_2208, %mul3A_2210 : vector<16xi32>
      %add3A_2212 = arith.addi %mul3A_2211, %get3A_2171 : vector<16xi32>
      %mul3A_2213 = arith.constant 2 : i32
      %mul3A_2214 = vector.broadcast %mul3A_2213 : i32 to vector<16xi32>
      %mul3A_2215 = arith.muli %add3A_2212, %mul3A_2214 : vector<16xi32>
      %add3A_2216 = arith.constant 299 : i32
      %add3A_2217 = vector.broadcast %add3A_2216 : i32 to vector<16xi32>
      %add3A_2218 = arith.addi %add3A_2217, %mul3A_2215 : vector<16xi32>
      %add3A_2219 = arith.addi %add3A_2218, %get3A_2175 : vector<16xi32>
      %mul3A_2220 = arith.constant 64 : i32
      %mul3A_2221 = vector.broadcast %mul3A_2220 : i32 to vector<16xi32>
      %mul3A_2222 = arith.muli %add3A_2219, %mul3A_2221 : vector<16xi32>
      %swap3A_2223 = arith.constant 464 : index
      %swap3A_2224 = tpu.vector_load %arg10[%swap3A_2223] {strides = array<i32>} : memref<512xi32, #tpu.memory_space<vmem>>, vector<16xi32>,
      tpu.vector_store %arg10[%swap3A_2223], %mul3A_2222 {strides = array<i32>} : memref<512xi32, #tpu.memory_space<vmem>>, vector<16xi32>,
      %get3A_2225 = arith.constant 0 : i32
      %get3A_2226 = arith.index_cast %get3A_2225 : i32 to index
      %get3A_2227 = arith.constant 96 : index
      %get3A_2228 = tpu.vector_load %arg9[%get3A_2226, %get3A_2227] {strides = array<i32>} : memref<9x128xi32, #tpu.memory_space<vmem>>, vector<16xi32>,
      %get3A_2229 = arith.constant 1 : i32
      %get3A_2230 = arith.index_cast %get3A_2229 : i32 to index
      %get3A_2231 = arith.constant 96 : index
      %get3A_2232 = tpu.vector_load %arg9[%get3A_2230, %get3A_2231] {strides = array<i32>} : memref<9x128xi32, #tpu.memory_space<vmem>>, vector<16xi32>,
      %get3A_2233 = arith.constant 2 : i32
      %get3A_2234 = arith.index_cast %get3A_2233 : i32 to index
      %get3A_2235 = arith.constant 96 : index
      %get3A_2236 = tpu.vector_load %arg9[%get3A_2234, %get3A_2235] {strides = array<i32>} : memref<9x128xi32, #tpu.memory_space<vmem>>, vector<16xi32>,
      %get3A_2237 = arith.constant 3 : i32
      %get3A_2238 = arith.index_cast %get3A_2237 : i32 to index
      %get3A_2239 = arith.constant 96 : index
      %get3A_2240 = tpu.vector_load %arg9[%get3A_2238, %get3A_2239] {strides = array<i32>} : memref<9x128xi32, #tpu.memory_space<vmem>>, vector<16xi32>,
      %get3A_2241 = arith.constant 4 : i32
      %get3A_2242 = arith.index_cast %get3A_2241 : i32 to index
      %get3A_2243 = arith.constant 96 : index
      %get3A_2244 = tpu.vector_load %arg9[%get3A_2242, %get3A_2243] {strides = array<i32>} : memref<9x128xi32, #tpu.memory_space<vmem>>, vector<16xi32>,
      %get3A_2245 = arith.constant 5 : i32
      %get3A_2246 = arith.index_cast %get3A_2245 : i32 to index
      %get3A_2247 = arith.constant 96 : index
      %get3A_2248 = tpu.vector_load %arg9[%get3A_2246, %get3A_2247] {strides = array<i32>} : memref<9x128xi32, #tpu.memory_space<vmem>>, vector<16xi32>,
      %get3A_2249 = arith.constant 6 : i32
      %get3A_2250 = arith.index_cast %get3A_2249 : i32 to index
      %get3A_2251 = arith.constant 96 : index
      %get3A_2252 = tpu.vector_load %arg9[%get3A_2250, %get3A_2251] {strides = array<i32>} : memref<9x128xi32, #tpu.memory_space<vmem>>, vector<16xi32>,
      %get3A_2253 = arith.constant 7 : i32
      %get3A_2254 = arith.index_cast %get3A_2253 : i32 to index
      %get3A_2255 = arith.constant 96 : index
      %get3A_2256 = tpu.vector_load %arg9[%get3A_2254, %get3A_2255] {strides = array<i32>} : memref<9x128xi32, #tpu.memory_space<vmem>>, vector<16xi32>,
      %get3A_2257 = arith.constant 8 : i32
      %get3A_2258 = arith.index_cast %get3A_2257 : i32 to index
      %get3A_2259 = arith.constant 96 : index
      %get3A_2260 = tpu.vector_load %arg9[%get3A_2258, %get3A_2259] {strides = array<i32>} : memref<9x128xi32, #tpu.memory_space<vmem>>, vector<16xi32>,
      %mul3A_2261 = arith.constant 64 : i32
      %mul3A_2262 = vector.broadcast %mul3A_2261 : i32 to vector<16xi32>
      %mul3A_2263 = arith.muli %get3A_2228, %mul3A_2262 : vector<16xi32>
      %swap3A_2264 = arith.constant 96 : index
      %swap3A_2265 = tpu.vector_load %arg10[%swap3A_2264] {strides = array<i32>} : memref<512xi32, #tpu.memory_space<vmem>>, vector<16xi32>,
      tpu.vector_store %arg10[%swap3A_2264], %mul3A_2263 {strides = array<i32>} : memref<512xi32, #tpu.memory_space<vmem>>, vector<16xi32>,
      %mul3A_2266 = arith.constant 12 : i32
      %mul3A_2267 = vector.broadcast %mul3A_2266 : i32 to vector<16xi32>
      %mul3A_2268 = arith.muli %get3A_2232, %mul3A_2267 : vector<16xi32>
      %add3A_2269 = arith.constant 119 : i32
      %add3A_2270 = vector.broadcast %add3A_2269 : i32 to vector<16xi32>
      %add3A_2271 = arith.addi %add3A_2270, %mul3A_2268 : vector<16xi32>
      %add3A_2272 = arith.addi %add3A_2271, %get3A_2236 : vector<16xi32>
      %mul3A_2273 = arith.constant 64 : i32
      %mul3A_2274 = vector.broadcast %mul3A_2273 : i32 to vector<16xi32>
      %mul3A_2275 = arith.muli %add3A_2272, %mul3A_2274 : vector<16xi32>
      %swap3A_2276 = arith.constant 224 : index
      %swap3A_2277 = tpu.vector_load %arg10[%swap3A_2276] {strides = array<i32>} : memref<512xi32, #tpu.memory_space<vmem>>, vector<16xi32>,
      tpu.vector_store %arg10[%swap3A_2276], %mul3A_2275 {strides = array<i32>} : memref<512xi32, #tpu.memory_space<vmem>>, vector<16xi32>,
      %mul3A_2278 = arith.constant 10 : i32
      %mul3A_2279 = vector.broadcast %mul3A_2278 : i32 to vector<16xi32>
      %mul3A_2280 = arith.muli %get3A_2240, %mul3A_2279 : vector<16xi32>
      %add3A_2281 = arith.constant 179 : i32
      %add3A_2282 = vector.broadcast %add3A_2281 : i32 to vector<16xi32>
      %add3A_2283 = arith.addi %add3A_2282, %mul3A_2280 : vector<16xi32>
      %add3A_2284 = arith.addi %add3A_2283, %get3A_2244 : vector<16xi32>
      %mul3A_2285 = arith.constant 64 : i32
      %mul3A_2286 = vector.broadcast %mul3A_2285 : i32 to vector<16xi32>
      %mul3A_2287 = arith.muli %add3A_2284, %mul3A_2286 : vector<16xi32>
      %swap3A_2288 = arith.constant 352 : index
      %swap3A_2289 = tpu.vector_load %arg10[%swap3A_2288] {strides = array<i32>} : memref<512xi32, #tpu.memory_space<vmem>>, vector<16xi32>,
      tpu.vector_store %arg10[%swap3A_2288], %mul3A_2287 {strides = array<i32>} : memref<512xi32, #tpu.memory_space<vmem>>, vector<16xi32>,
      %mul3A_2290 = arith.constant 6 : i32
      %mul3A_2291 = vector.broadcast %mul3A_2290 : i32 to vector<16xi32>
      %mul3A_2292 = arith.muli %get3A_2248, %mul3A_2291 : vector<16xi32>
      %add3A_2293 = arith.addi %mul3A_2292, %get3A_2252 : vector<16xi32>
      %mul3A_2294 = arith.constant 2 : i32
      %mul3A_2295 = vector.broadcast %mul3A_2294 : i32 to vector<16xi32>
      %mul3A_2296 = arith.muli %add3A_2293, %mul3A_2295 : vector<16xi32>
      %add3A_2297 = arith.addi %mul3A_2296, %get3A_2256 : vector<16xi32>
      %mul3A_2298 = arith.constant 2 : i32
      %mul3A_2299 = vector.broadcast %mul3A_2298 : i32 to vector<16xi32>
      %mul3A_2300 = arith.muli %add3A_2297, %mul3A_2299 : vector<16xi32>
      %add3A_2301 = arith.constant 299 : i32
      %add3A_2302 = vector.broadcast %add3A_2301 : i32 to vector<16xi32>
      %add3A_2303 = arith.addi %add3A_2302, %mul3A_2300 : vector<16xi32>
      %add3A_2304 = arith.addi %add3A_2303, %get3A_2260 : vector<16xi32>
      %mul3A_2305 = arith.constant 64 : i32
      %mul3A_2306 = vector.broadcast %mul3A_2305 : i32 to vector<16xi32>
      %mul3A_2307 = arith.muli %add3A_2304, %mul3A_2306 : vector<16xi32>
      %swap3A_2308 = arith.constant 480 : index
      %swap3A_2309 = tpu.vector_load %arg10[%swap3A_2308] {strides = array<i32>} : memref<512xi32, #tpu.memory_space<vmem>>, vector<16xi32>,
      tpu.vector_store %arg10[%swap3A_2308], %mul3A_2307 {strides = array<i32>} : memref<512xi32, #tpu.memory_space<vmem>>, vector<16xi32>,
      %get3A_2310 = arith.constant 0 : i32
      %get3A_2311 = arith.index_cast %get3A_2310 : i32 to index
      %get3A_2312 = arith.constant 112 : index
      %get3A_2313 = tpu.vector_load %arg9[%get3A_2311, %get3A_2312] {strides = array<i32>} : memref<9x128xi32, #tpu.memory_space<vmem>>, vector<16xi32>,
      %get3A_2314 = arith.constant 1 : i32
      %get3A_2315 = arith.index_cast %get3A_2314 : i32 to index
      %get3A_2316 = arith.constant 112 : index
      %get3A_2317 = tpu.vector_load %arg9[%get3A_2315, %get3A_2316] {strides = array<i32>} : memref<9x128xi32, #tpu.memory_space<vmem>>, vector<16xi32>,
      %get3A_2318 = arith.constant 2 : i32
      %get3A_2319 = arith.index_cast %get3A_2318 : i32 to index
      %get3A_2320 = arith.constant 112 : index
      %get3A_2321 = tpu.vector_load %arg9[%get3A_2319, %get3A_2320] {strides = array<i32>} : memref<9x128xi32, #tpu.memory_space<vmem>>, vector<16xi32>,
      %get3A_2322 = arith.constant 3 : i32
      %get3A_2323 = arith.index_cast %get3A_2322 : i32 to index
      %get3A_2324 = arith.constant 112 : index
      %get3A_2325 = tpu.vector_load %arg9[%get3A_2323, %get3A_2324] {strides = array<i32>} : memref<9x128xi32, #tpu.memory_space<vmem>>, vector<16xi32>,
      %get3A_2326 = arith.constant 4 : i32
      %get3A_2327 = arith.index_cast %get3A_2326 : i32 to index
      %get3A_2328 = arith.constant 112 : index
      %get3A_2329 = tpu.vector_load %arg9[%get3A_2327, %get3A_2328] {strides = array<i32>} : memref<9x128xi32, #tpu.memory_space<vmem>>, vector<16xi32>,
      %get3A_2330 = arith.constant 5 : i32
      %get3A_2331 = arith.index_cast %get3A_2330 : i32 to index
      %get3A_2332 = arith.constant 112 : index
      %get3A_2333 = tpu.vector_load %arg9[%get3A_2331, %get3A_2332] {strides = array<i32>} : memref<9x128xi32, #tpu.memory_space<vmem>>, vector<16xi32>,
      %get3A_2334 = arith.constant 6 : i32
      %get3A_2335 = arith.index_cast %get3A_2334 : i32 to index
      %get3A_2336 = arith.constant 112 : index
      %get3A_2337 = tpu.vector_load %arg9[%get3A_2335, %get3A_2336] {strides = array<i32>} : memref<9x128xi32, #tpu.memory_space<vmem>>, vector<16xi32>,
      %get3A_2338 = arith.constant 7 : i32
      %get3A_2339 = arith.index_cast %get3A_2338 : i32 to index
      %get3A_2340 = arith.constant 112 : index
      %get3A_2341 = tpu.vector_load %arg9[%get3A_2339, %get3A_2340] {strides = array<i32>} : memref<9x128xi32, #tpu.memory_space<vmem>>, vector<16xi32>,
      %get3A_2342 = arith.constant 8 : i32
      %get3A_2343 = arith.index_cast %get3A_2342 : i32 to index
      %get3A_2344 = arith.constant 112 : index
      %get3A_2345 = tpu.vector_load %arg9[%get3A_2343, %get3A_2344] {strides = array<i32>} : memref<9x128xi32, #tpu.memory_space<vmem>>, vector<16xi32>,
      %mul3A_2346 = arith.constant 64 : i32
      %mul3A_2347 = vector.broadcast %mul3A_2346 : i32 to vector<16xi32>
      %mul3A_2348 = arith.muli %get3A_2313, %mul3A_2347 : vector<16xi32>
      %swap3A_2349 = arith.constant 112 : index
      %swap3A_2350 = tpu.vector_load %arg10[%swap3A_2349] {strides = array<i32>} : memref<512xi32, #tpu.memory_space<vmem>>, vector<16xi32>,
      tpu.vector_store %arg10[%swap3A_2349], %mul3A_2348 {strides = array<i32>} : memref<512xi32, #tpu.memory_space<vmem>>, vector<16xi32>,
      %mul3A_2351 = arith.constant 12 : i32
      %mul3A_2352 = vector.broadcast %mul3A_2351 : i32 to vector<16xi32>
      %mul3A_2353 = arith.muli %get3A_2317, %mul3A_2352 : vector<16xi32>
      %add3A_2354 = arith.constant 119 : i32
      %add3A_2355 = vector.broadcast %add3A_2354 : i32 to vector<16xi32>
      %add3A_2356 = arith.addi %add3A_2355, %mul3A_2353 : vector<16xi32>
      %add3A_2357 = arith.addi %add3A_2356, %get3A_2321 : vector<16xi32>
      %mul3A_2358 = arith.constant 64 : i32
      %mul3A_2359 = vector.broadcast %mul3A_2358 : i32 to vector<16xi32>
      %mul3A_2360 = arith.muli %add3A_2357, %mul3A_2359 : vector<16xi32>
      %swap3A_2361 = arith.constant 240 : index
      %swap3A_2362 = tpu.vector_load %arg10[%swap3A_2361] {strides = array<i32>} : memref<512xi32, #tpu.memory_space<vmem>>, vector<16xi32>,
      tpu.vector_store %arg10[%swap3A_2361], %mul3A_2360 {strides = array<i32>} : memref<512xi32, #tpu.memory_space<vmem>>, vector<16xi32>,
      %mul3A_2363 = arith.constant 10 : i32
      %mul3A_2364 = vector.broadcast %mul3A_2363 : i32 to vector<16xi32>
      %mul3A_2365 = arith.muli %get3A_2325, %mul3A_2364 : vector<16xi32>
      %add3A_2366 = arith.constant 179 : i32
      %add3A_2367 = vector.broadcast %add3A_2366 : i32 to vector<16xi32>
      %add3A_2368 = arith.addi %add3A_2367, %mul3A_2365 : vector<16xi32>
      %add3A_2369 = arith.addi %add3A_2368, %get3A_2329 : vector<16xi32>
      %mul3A_2370 = arith.constant 64 : i32
      %mul3A_2371 = vector.broadcast %mul3A_2370 : i32 to vector<16xi32>
      %mul3A_2372 = arith.muli %add3A_2369, %mul3A_2371 : vector<16xi32>
      %swap3A_2373 = arith.constant 368 : index
      %swap3A_2374 = tpu.vector_load %arg10[%swap3A_2373] {strides = array<i32>} : memref<512xi32, #tpu.memory_space<vmem>>, vector<16xi32>,
      tpu.vector_store %arg10[%swap3A_2373], %mul3A_2372 {strides = array<i32>} : memref<512xi32, #tpu.memory_space<vmem>>, vector<16xi32>,
      %mul3A_2375 = arith.constant 6 : i32
      %mul3A_2376 = vector.broadcast %mul3A_2375 : i32 to vector<16xi32>
      %mul3A_2377 = arith.muli %get3A_2333, %mul3A_2376 : vector<16xi32>
      %add3A_2378 = arith.addi %mul3A_2377, %get3A_2337 : vector<16xi32>
      %mul3A_2379 = arith.constant 2 : i32
      %mul3A_2380 = vector.broadcast %mul3A_2379 : i32 to vector<16xi32>
      %mul3A_2381 = arith.muli %add3A_2378, %mul3A_2380 : vector<16xi32>
      %add3A_2382 = arith.addi %mul3A_2381, %get3A_2341 : vector<16xi32>
      %mul3A_2383 = arith.constant 2 : i32
      %mul3A_2384 = vector.broadcast %mul3A_2383 : i32 to vector<16xi32>
      %mul3A_2385 = arith.muli %add3A_2382, %mul3A_2384 : vector<16xi32>
      %add3A_2386 = arith.constant 299 : i32
      %add3A_2387 = vector.broadcast %add3A_2386 : i32 to vector<16xi32>
      %add3A_2388 = arith.addi %add3A_2387, %mul3A_2385 : vector<16xi32>
      %add3A_2389 = arith.addi %add3A_2388, %get3A_2345 : vector<16xi32>
      %mul3A_2390 = arith.constant 64 : i32
      %mul3A_2391 = vector.broadcast %mul3A_2390 : i32 to vector<16xi32>
      %mul3A_2392 = arith.muli %add3A_2389, %mul3A_2391 : vector<16xi32>
      %swap3A_2393 = arith.constant 496 : index
      %swap3A_2394 = tpu.vector_load %arg10[%swap3A_2393] {strides = array<i32>} : memref<512xi32, #tpu.memory_space<vmem>>, vector<16xi32>,
      tpu.vector_store %arg10[%swap3A_2393], %mul3A_2392 {strides = array<i32>} : memref<512xi32, #tpu.memory_space<vmem>>, vector<16xi32>,
      %ge3A_2395 = arith.constant 2 : i32
      %ge3A_2396 = arith.cmpi sge, %add3A_1697, %ge3A_2395 : i32
      %convert_element_type3A_2397 = arith.extui %ge3A_2396 : i1 to i32
      %cond3A_2398 = arith.constant 0 : i32
      %cond3A_2399 = arith.cmpi ne, %convert_element_type3A_2397, %cond3A_2398 : i32
      scf.if %cond3A_2399 {
        %sub3A = arith.constant 256 : i32
        %sub3A_2408 = arith.subi %add3A_1700, %sub3A : i32
        %dma_wait3A_2409 = arith.constant 0 : i32
        %dma_wait3A_2410 = tpu.memref_slice %arg4[%sub3A_2408, %dma_wait3A_2409] : memref<100000x128xf32, #tpu.memory_space<hbm>> -> memref<128x128xf32, #tpu.memory_space<hbm>>
        %dma_wait3A_2411 = arith.constant 0 : i32
        %dma_wait3A_2412 = tpu.memref_slice %arg4[%sub3A_2408, %dma_wait3A_2411] : memref<100000x128xf32, #tpu.memory_space<hbm>> -> memref<128x128xf32, #tpu.memory_space<hbm>>
        tpu.wait_dma2 semaphore(%arg14 : memref<!tpu.dma_semaphore, #tpu.memory_space<semaphore_mem>>) src(%arg12 : memref<128x128xf32, #tpu.memory_space<vmem>>) dst(%dma_wait3A_2412 : memref<128x128xf32, #tpu.memory_space<hbm>>)
      } else {
      }
      %parallel_loop3A_2400 = arith.constant 0 : i32
      %parallel_loop3A_2401 = arith.constant 128 : i32
      %parallel_loop3A_2402 = arith.constant 1 : i32
      scf.for %parallel_loop3A_2408 = %parallel_loop3A_2400 to %parallel_loop3A_2401 step %parallel_loop3A_2402  : i32 {
        %parallel_loop3A_2409 = vector.broadcast %parallel_loop3A_2408 : i32 to vector<16xi32>
        %parallel_loop3A_2410 = arith.addi %broadcast_in_dim3A_258, %parallel_loop3A_2409 : vector<16xi32>
        %parallel_loop3A_2411 = tpu.vector_load_idx %arg10[%parallel_loop3A_2410] : memref<512xi32, #tpu.memory_space<vmem>>[vector<16xi32>], vector<16xi32>,
        %parallel_loop3A_2412 = arith.constant 128 : i32
        %parallel_loop3A_2413 = vector.broadcast %parallel_loop3A_2412 : i32 to vector<16xi32>
        %parallel_loop3A_2414 = arith.addi %parallel_loop3A_2410, %parallel_loop3A_2413 : vector<16xi32>
        %parallel_loop3A_2415 = tpu.vector_load_idx %arg10[%parallel_loop3A_2414] : memref<512xi32, #tpu.memory_space<vmem>>[vector<16xi32>], vector<16xi32>,
        %parallel_loop3A_2416 = arith.constant 256 : i32
        %parallel_loop3A_2417 = vector.broadcast %parallel_loop3A_2416 : i32 to vector<16xi32>
        %parallel_loop3A_2418 = arith.addi %parallel_loop3A_2410, %parallel_loop3A_2417 : vector<16xi32>
        %parallel_loop3A_2419 = tpu.vector_load_idx %arg10[%parallel_loop3A_2418] : memref<512xi32, #tpu.memory_space<vmem>>[vector<16xi32>], vector<16xi32>,
        %parallel_loop3A_2420 = arith.constant 384 : i32
        %parallel_loop3A_2421 = vector.broadcast %parallel_loop3A_2420 : i32 to vector<16xi32>
        %parallel_loop3A_2422 = arith.addi %parallel_loop3A_2410, %parallel_loop3A_2421 : vector<16xi32>
        %parallel_loop3A_2423 = tpu.vector_load_idx %arg10[%parallel_loop3A_2422] : memref<512xi32, #tpu.memory_space<vmem>>[vector<16xi32>], vector<16xi32>,
        %parallel_loop3A_2424 = arith.constant 0 : i32
        %parallel_loop3A_2425 = vector.broadcast %parallel_loop3A_2424 : i32 to vector<16xi32>
        %parallel_loop3A_2426 = arith.addi %iota3A, %parallel_loop3A_2425 : vector<16xi32>
        %parallel_loop3A_2427 = arith.addi %parallel_loop3A_2411, %parallel_loop3A_2426 : vector<16xi32>
        %parallel_loop3A_2428 = tpu.vector_load_idx %arg7[%parallel_loop3A_2427] : memref<28352xi32, #tpu.memory_space<vmem>>[vector<16xi32>], vector<16xi32>,
        %parallel_loop3A_2429 = vector.bitcast %parallel_loop3A_2428 : vector<16xi32> to vector<32xbf16>
        %parallel_loop3A_2430 = arith.addi %parallel_loop3A_2415, %parallel_loop3A_2426 : vector<16xi32>
        %parallel_loop3A_2431 = tpu.vector_load_idx %arg7[%parallel_loop3A_2430] : memref<28352xi32, #tpu.memory_space<vmem>>[vector<16xi32>], vector<16xi32>,
        %parallel_loop3A_2432 = vector.bitcast %parallel_loop3A_2431 : vector<16xi32> to vector<32xbf16>
        %parallel_loop3A_2433 = arith.addi %parallel_loop3A_2419, %parallel_loop3A_2426 : vector<16xi32>
        %parallel_loop3A_2434 = tpu.vector_load_idx %arg7[%parallel_loop3A_2433] : memref<28352xi32, #tpu.memory_space<vmem>>[vector<16xi32>], vector<16xi32>,
        %parallel_loop3A_2435 = vector.bitcast %parallel_loop3A_2434 : vector<16xi32> to vector<32xbf16>
        %parallel_loop3A_2436 = arith.addi %parallel_loop3A_2423, %parallel_loop3A_2426 : vector<16xi32>
        %parallel_loop3A_2437 = tpu.vector_load_idx %arg7[%parallel_loop3A_2436] : memref<28352xi32, #tpu.memory_space<vmem>>[vector<16xi32>], vector<16xi32>,
        %parallel_loop3A_2438 = vector.bitcast %parallel_loop3A_2437 : vector<16xi32> to vector<32xbf16>
        %parallel_loop3A_2439 = arith.addf %parallel_loop3A_2429, %parallel_loop3A_2432 : vector<32xbf16>
        %parallel_loop3A_2440 = arith.addf %parallel_loop3A_2435, %parallel_loop3A_2438 : vector<32xbf16>
        %parallel_loop3A_2441 = arith.addf %parallel_loop3A_2439, %parallel_loop3A_2440 : vector<32xbf16>
        %parallel_loop3A_2442 = tpu.unpack_subelements %parallel_loop3A_2441, 0 {pack_format = #tpu.pack_format<interleaved>} : vector<32xbf16> -> vector<16xf32>
        %parallel_loop3A_2443 = tpu.unpack_subelements %parallel_loop3A_2441, 1 {pack_format = #tpu.pack_format<interleaved>} : vector<32xbf16> -> vector<16xf32>
        %parallel_loop3A_2444 = arith.index_cast %parallel_loop3A_2408 : i32 to index
        %parallel_loop3A_2445 = arith.constant 0 : index
        %parallel_loop3A_2446 = tpu.vector_load %arg12[%parallel_loop3A_2444, %parallel_loop3A_2445] {strides = array<i32>} : memref<128x128xf32, #tpu.memory_space<vmem>>, vector<16xf32>,
        tpu.vector_store %arg12[%parallel_loop3A_2444, %parallel_loop3A_2445], %parallel_loop3A_2442 {strides = array<i32>} : memref<128x128xf32, #tpu.memory_space<vmem>>, vector<16xf32>,
        %parallel_loop3A_2447 = arith.index_cast %parallel_loop3A_2408 : i32 to index
        %parallel_loop3A_2448 = arith.constant 16 : index
        %parallel_loop3A_2449 = tpu.vector_load %arg12[%parallel_loop3A_2447, %parallel_loop3A_2448] {strides = array<i32>} : memref<128x128xf32, #tpu.memory_space<vmem>>, vector<16xf32>,
        tpu.vector_store %arg12[%parallel_loop3A_2447, %parallel_loop3A_2448], %parallel_loop3A_2443 {strides = array<i32>} : memref<128x128xf32, #tpu.memory_space<vmem>>, vector<16xf32>,
        %parallel_loop3A_2450 = arith.constant 16 : i32
        %parallel_loop3A_2451 = vector.broadcast %parallel_loop3A_2450 : i32 to vector<16xi32>
        %parallel_loop3A_2452 = arith.addi %iota3A, %parallel_loop3A_2451 : vector<16xi32>
        %parallel_loop3A_2453 = arith.addi %parallel_loop3A_2411, %parallel_loop3A_2452 : vector<16xi32>
        %parallel_loop3A_2454 = tpu.vector_load_idx %arg7[%parallel_loop3A_2453] : memref<28352xi32, #tpu.memory_space<vmem>>[vector<16xi32>], vector<16xi32>,
        %parallel_loop3A_2455 = vector.bitcast %parallel_loop3A_2454 : vector<16xi32> to vector<32xbf16>
        %parallel_loop3A_2456 = arith.addi %parallel_loop3A_2415, %parallel_loop3A_2452 : vector<16xi32>
        %parallel_loop3A_2457 = tpu.vector_load_idx %arg7[%parallel_loop3A_2456] : memref<28352xi32, #tpu.memory_space<vmem>>[vector<16xi32>], vector<16xi32>,
        %parallel_loop3A_2458 = vector.bitcast %parallel_loop3A_2457 : vector<16xi32> to vector<32xbf16>
        %parallel_loop3A_2459 = arith.addi %parallel_loop3A_2419, %parallel_loop3A_2452 : vector<16xi32>
        %parallel_loop3A_2460 = tpu.vector_load_idx %arg7[%parallel_loop3A_2459] : memref<28352xi32, #tpu.memory_space<vmem>>[vector<16xi32>], vector<16xi32>,
        %parallel_loop3A_2461 = vector.bitcast %parallel_loop3A_2460 : vector<16xi32> to vector<32xbf16>
        %parallel_loop3A_2462 = arith.addi %parallel_loop3A_2423, %parallel_loop3A_2452 : vector<16xi32>
        %parallel_loop3A_2463 = tpu.vector_load_idx %arg7[%parallel_loop3A_2462] : memref<28352xi32, #tpu.memory_space<vmem>>[vector<16xi32>], vector<16xi32>,
        %parallel_loop3A_2464 = vector.bitcast %parallel_loop3A_2463 : vector<16xi32> to vector<32xbf16>
        %parallel_loop3A_2465 = arith.addf %parallel_loop3A_2455, %parallel_loop3A_2458 : vector<32xbf16>
        %parallel_loop3A_2466 = arith.addf %parallel_loop3A_2461, %parallel_loop3A_2464 : vector<32xbf16>
        %parallel_loop3A_2467 = arith.addf %parallel_loop3A_2465, %parallel_loop3A_2466 : vector<32xbf16>
        %parallel_loop3A_2468 = tpu.unpack_subelements %parallel_loop3A_2467, 0 {pack_format = #tpu.pack_format<interleaved>} : vector<32xbf16> -> vector<16xf32>
        %parallel_loop3A_2469 = tpu.unpack_subelements %parallel_loop3A_2467, 1 {pack_format = #tpu.pack_format<interleaved>} : vector<32xbf16> -> vector<16xf32>
        %parallel_loop3A_2470 = arith.index_cast %parallel_loop3A_2408 : i32 to index
        %parallel_loop3A_2471 = arith.constant 32 : index
        %parallel_loop3A_2472 = tpu.vector_load %arg12[%parallel_loop3A_2470, %parallel_loop3A_2471] {strides = array<i32>} : memref<128x128xf32, #tpu.memory_space<vmem>>, vector<16xf32>,
        tpu.vector_store %arg12[%parallel_loop3A_2470, %parallel_loop3A_2471], %parallel_loop3A_2468 {strides = array<i32>} : memref<128x128xf32, #tpu.memory_space<vmem>>, vector<16xf32>,
        %parallel_loop3A_2473 = arith.index_cast %parallel_loop3A_2408 : i32 to index
        %parallel_loop3A_2474 = arith.constant 48 : index
        %parallel_loop3A_2475 = tpu.vector_load %arg12[%parallel_loop3A_2473, %parallel_loop3A_2474] {strides = array<i32>} : memref<128x128xf32, #tpu.memory_space<vmem>>, vector<16xf32>,
        tpu.vector_store %arg12[%parallel_loop3A_2473, %parallel_loop3A_2474], %parallel_loop3A_2469 {strides = array<i32>} : memref<128x128xf32, #tpu.memory_space<vmem>>, vector<16xf32>,
        %parallel_loop3A_2476 = arith.constant 32 : i32
        %parallel_loop3A_2477 = vector.broadcast %parallel_loop3A_2476 : i32 to vector<16xi32>
        %parallel_loop3A_2478 = arith.addi %iota3A, %parallel_loop3A_2477 : vector<16xi32>
        %parallel_loop3A_2479 = arith.addi %parallel_loop3A_2411, %parallel_loop3A_2478 : vector<16xi32>
        %parallel_loop3A_2480 = tpu.vector_load_idx %arg7[%parallel_loop3A_2479] : memref<28352xi32, #tpu.memory_space<vmem>>[vector<16xi32>], vector<16xi32>,
        %parallel_loop3A_2481 = vector.bitcast %parallel_loop3A_2480 : vector<16xi32> to vector<32xbf16>
        %parallel_loop3A_2482 = arith.addi %parallel_loop3A_2415, %parallel_loop3A_2478 : vector<16xi32>
        %parallel_loop3A_2483 = tpu.vector_load_idx %arg7[%parallel_loop3A_2482] : memref<28352xi32, #tpu.memory_space<vmem>>[vector<16xi32>], vector<16xi32>,
        %parallel_loop3A_2484 = vector.bitcast %parallel_loop3A_2483 : vector<16xi32> to vector<32xbf16>
        %parallel_loop3A_2485 = arith.addi %parallel_loop3A_2419, %parallel_loop3A_2478 : vector<16xi32>
        %parallel_loop3A_2486 = tpu.vector_load_idx %arg7[%parallel_loop3A_2485] : memref<28352xi32, #tpu.memory_space<vmem>>[vector<16xi32>], vector<16xi32>,
        %parallel_loop3A_2487 = vector.bitcast %parallel_loop3A_2486 : vector<16xi32> to vector<32xbf16>
        %parallel_loop3A_2488 = arith.addi %parallel_loop3A_2423, %parallel_loop3A_2478 : vector<16xi32>
        %parallel_loop3A_2489 = tpu.vector_load_idx %arg7[%parallel_loop3A_2488] : memref<28352xi32, #tpu.memory_space<vmem>>[vector<16xi32>], vector<16xi32>,
        %parallel_loop3A_2490 = vector.bitcast %parallel_loop3A_2489 : vector<16xi32> to vector<32xbf16>
        %parallel_loop3A_2491 = arith.addf %parallel_loop3A_2481, %parallel_loop3A_2484 : vector<32xbf16>
        %parallel_loop3A_2492 = arith.addf %parallel_loop3A_2487, %parallel_loop3A_2490 : vector<32xbf16>
        %parallel_loop3A_2493 = arith.addf %parallel_loop3A_2491, %parallel_loop3A_2492 : vector<32xbf16>
        %parallel_loop3A_2494 = tpu.unpack_subelements %parallel_loop3A_2493, 0 {pack_format = #tpu.pack_format<interleaved>} : vector<32xbf16> -> vector<16xf32>
        %parallel_loop3A_2495 = tpu.unpack_subelements %parallel_loop3A_2493, 1 {pack_format = #tpu.pack_format<interleaved>} : vector<32xbf16> -> vector<16xf32>
        %parallel_loop3A_2496 = arith.index_cast %parallel_loop3A_2408 : i32 to index
        %parallel_loop3A_2497 = arith.constant 64 : index
        %parallel_loop3A_2498 = tpu.vector_load %arg12[%parallel_loop3A_2496, %parallel_loop3A_2497] {strides = array<i32>} : memref<128x128xf32, #tpu.memory_space<vmem>>, vector<16xf32>,
        tpu.vector_store %arg12[%parallel_loop3A_2496, %parallel_loop3A_2497], %parallel_loop3A_2494 {strides = array<i32>} : memref<128x128xf32, #tpu.memory_space<vmem>>, vector<16xf32>,
        %parallel_loop3A_2499 = arith.index_cast %parallel_loop3A_2408 : i32 to index
        %parallel_loop3A_2500 = arith.constant 80 : index
        %parallel_loop3A_2501 = tpu.vector_load %arg12[%parallel_loop3A_2499, %parallel_loop3A_2500] {strides = array<i32>} : memref<128x128xf32, #tpu.memory_space<vmem>>, vector<16xf32>,
        tpu.vector_store %arg12[%parallel_loop3A_2499, %parallel_loop3A_2500], %parallel_loop3A_2495 {strides = array<i32>} : memref<128x128xf32, #tpu.memory_space<vmem>>, vector<16xf32>,
        %parallel_loop3A_2502 = arith.constant 48 : i32
        %parallel_loop3A_2503 = vector.broadcast %parallel_loop3A_2502 : i32 to vector<16xi32>
        %parallel_loop3A_2504 = arith.addi %iota3A, %parallel_loop3A_2503 : vector<16xi32>
        %parallel_loop3A_2505 = arith.addi %parallel_loop3A_2411, %parallel_loop3A_2504 : vector<16xi32>
        %parallel_loop3A_2506 = tpu.vector_load_idx %arg7[%parallel_loop3A_2505] : memref<28352xi32, #tpu.memory_space<vmem>>[vector<16xi32>], vector<16xi32>,
        %parallel_loop3A_2507 = vector.bitcast %parallel_loop3A_2506 : vector<16xi32> to vector<32xbf16>
        %parallel_loop3A_2508 = arith.addi %parallel_loop3A_2415, %parallel_loop3A_2504 : vector<16xi32>
        %parallel_loop3A_2509 = tpu.vector_load_idx %arg7[%parallel_loop3A_2508] : memref<28352xi32, #tpu.memory_space<vmem>>[vector<16xi32>], vector<16xi32>,
        %parallel_loop3A_2510 = vector.bitcast %parallel_loop3A_2509 : vector<16xi32> to vector<32xbf16>
        %parallel_loop3A_2511 = arith.addi %parallel_loop3A_2419, %parallel_loop3A_2504 : vector<16xi32>
        %parallel_loop3A_2512 = tpu.vector_load_idx %arg7[%parallel_loop3A_2511] : memref<28352xi32, #tpu.memory_space<vmem>>[vector<16xi32>], vector<16xi32>,
        %parallel_loop3A_2513 = vector.bitcast %parallel_loop3A_2512 : vector<16xi32> to vector<32xbf16>
        %parallel_loop3A_2514 = arith.addi %parallel_loop3A_2423, %parallel_loop3A_2504 : vector<16xi32>
        %parallel_loop3A_2515 = tpu.vector_load_idx %arg7[%parallel_loop3A_2514] : memref<28352xi32, #tpu.memory_space<vmem>>[vector<16xi32>], vector<16xi32>,
        %parallel_loop3A_2516 = vector.bitcast %parallel_loop3A_2515 : vector<16xi32> to vector<32xbf16>
        %parallel_loop3A_2517 = arith.addf %parallel_loop3A_2507, %parallel_loop3A_2510 : vector<32xbf16>
        %parallel_loop3A_2518 = arith.addf %parallel_loop3A_2513, %parallel_loop3A_2516 : vector<32xbf16>
        %parallel_loop3A_2519 = arith.addf %parallel_loop3A_2517, %parallel_loop3A_2518 : vector<32xbf16>
        %parallel_loop3A_2520 = tpu.unpack_subelements %parallel_loop3A_2519, 0 {pack_format = #tpu.pack_format<interleaved>} : vector<32xbf16> -> vector<16xf32>
        %parallel_loop3A_2521 = tpu.unpack_subelements %parallel_loop3A_2519, 1 {pack_format = #tpu.pack_format<interleaved>} : vector<32xbf16> -> vector<16xf32>
        %parallel_loop3A_2522 = arith.index_cast %parallel_loop3A_2408 : i32 to index
        %parallel_loop3A_2523 = arith.constant 96 : index
        %parallel_loop3A_2524 = tpu.vector_load %arg12[%parallel_loop3A_2522, %parallel_loop3A_2523] {strides = array<i32>} : memref<128x128xf32, #tpu.memory_space<vmem>>, vector<16xf32>,
        tpu.vector_store %arg12[%parallel_loop3A_2522, %parallel_loop3A_2523], %parallel_loop3A_2520 {strides = array<i32>} : memref<128x128xf32, #tpu.memory_space<vmem>>, vector<16xf32>,
        %parallel_loop3A_2525 = arith.index_cast %parallel_loop3A_2408 : i32 to index
        %parallel_loop3A_2526 = arith.constant 112 : index
        %parallel_loop3A_2527 = tpu.vector_load %arg12[%parallel_loop3A_2525, %parallel_loop3A_2526] {strides = array<i32>} : memref<128x128xf32, #tpu.memory_space<vmem>>, vector<16xf32>,
        tpu.vector_store %arg12[%parallel_loop3A_2525, %parallel_loop3A_2526], %parallel_loop3A_2521 {strides = array<i32>} : memref<128x128xf32, #tpu.memory_space<vmem>>, vector<16xf32>,
      } {sc.loop_unroll_factor = 4 : i64, sc.parallel_access}
      %dma_start3A_2403 = arith.constant 0 : i32
      %dma_start3A_2404 = tpu.memref_slice %arg4[%add3A_1700, %dma_start3A_2403] : memref<100000x128xf32, #tpu.memory_space<hbm>> -> memref<128x128xf32, #tpu.memory_space<hbm>>
      %dma_start3A_2405 = arith.constant 0 : i32
      %dma_start3A_2406 = tpu.memref_slice %arg4[%add3A_1700, %dma_start3A_2405] : memref<100000x128xf32, #tpu.memory_space<hbm>> -> memref<128x128xf32, #tpu.memory_space<hbm>>
      tpu.enqueue_dma source(%arg12 : memref<128x128xf32, #tpu.memory_space<vmem>>) target(%dma_start3A_2406 : memref<128x128xf32, #tpu.memory_space<hbm>>) target_semaphore(%arg14 : memref<!tpu.dma_semaphore, #tpu.memory_space<semaphore_mem>>)
      %scan3A_2407 = arith.constant 0 : i32
      scf.yield %scan3A_2407 : i32
    }
    %scan3A_268 = arith.constant 12 : i32
    %add3A_269 = arith.constant 3072 : i32
    %add3A_270 = arith.addi %min3A_254, %add3A_269 : i32
    %add3A_271 = arith.constant 3072 : i32
    %add3A_272 = arith.addi %select_n3A, %add3A_271 : i32
    %dma_wait3A = arith.constant 0 : i32
    %dma_wait3A_273 = tpu.memref_slice %arg2[%dma_wait3A, %add3A_272] : memref<9x105600xi32, #tpu.memory_space<hbm>> -> memref<9x128xi32, #tpu.memory_space<hbm>>
    %dma_wait3A_274 = arith.constant 0 : i32
    %dma_wait3A_275 = tpu.memref_slice %arg2[%dma_wait3A_274, %add3A_272] : memref<9x105600xi32, #tpu.memory_space<hbm>> -> memref<9x128xi32, #tpu.memory_space<hbm>>
    tpu.wait_dma2 semaphore(%arg13 : memref<!tpu.dma_semaphore, #tpu.memory_space<semaphore_mem>>) src(%dma_wait3A_275 : memref<9x128xi32, #tpu.memory_space<hbm>>) dst(%arg8 : memref<9x128xi32, #tpu.memory_space<vmem>>)
    %add3A_276 = arith.constant 24 : i32
    %add3A_277 = arith.constant 1 : i32
    %add3A_278 = arith.addi %add3A_276, %add3A_277 : i32
    %lt3A = arith.constant 25 : i32
    %lt3A_279 = arith.cmpi slt, %add3A_278, %lt3A : i32
    %convert_element_type3A = arith.extui %lt3A_279 : i1 to i32
    %cond3A = arith.constant 0 : i32
    %cond3A_280 = arith.cmpi ne, %convert_element_type3A, %cond3A : i32
    scf.if %cond3A_280 {
      %add3A_981 = arith.constant 128 : i32
      %add3A_982 = arith.addi %add3A_272, %add3A_981 : i32
      %dma_start3A_983 = arith.constant 0 : i32
      %dma_start3A_984 = tpu.memref_slice %arg2[%dma_start3A_983, %add3A_982] : memref<9x105600xi32, #tpu.memory_space<hbm>> -> memref<9x128xi32, #tpu.memory_space<hbm>>
      %dma_start3A_985 = arith.constant 0 : i32
      %dma_start3A_986 = tpu.memref_slice %arg2[%dma_start3A_985, %add3A_982] : memref<9x105600xi32, #tpu.memory_space<hbm>> -> memref<9x128xi32, #tpu.memory_space<hbm>>
      tpu.enqueue_dma source(%dma_start3A_986 : memref<9x128xi32, #tpu.memory_space<hbm>>) target(%arg9 : memref<9x128xi32, #tpu.memory_space<vmem>>) target_semaphore(%arg13 : memref<!tpu.dma_semaphore, #tpu.memory_space<semaphore_mem>>)
    } else {
    }
    %get3A_281 = arith.constant 0 : i32
    %get3A_282 = arith.index_cast %get3A_281 : i32 to index
    %get3A_283 = arith.constant 0 : index
    %get3A_284 = tpu.vector_load %arg8[%get3A_282, %get3A_283] {strides = array<i32>} : memref<9x128xi32, #tpu.memory_space<vmem>>, vector<16xi32>,
    %get3A_285 = arith.constant 1 : i32
    %get3A_286 = arith.index_cast %get3A_285 : i32 to index
    %get3A_287 = arith.constant 0 : index
    %get3A_288 = tpu.vector_load %arg8[%get3A_286, %get3A_287] {strides = array<i32>} : memref<9x128xi32, #tpu.memory_space<vmem>>, vector<16xi32>,
    %get3A_289 = arith.constant 2 : i32
    %get3A_290 = arith.index_cast %get3A_289 : i32 to index
    %get3A_291 = arith.constant 0 : index
    %get3A_292 = tpu.vector_load %arg8[%get3A_290, %get3A_291] {strides = array<i32>} : memref<9x128xi32, #tpu.memory_space<vmem>>, vector<16xi32>,
    %get3A_293 = arith.constant 3 : i32
    %get3A_294 = arith.index_cast %get3A_293 : i32 to index
    %get3A_295 = arith.constant 0 : index
    %get3A_296 = tpu.vector_load %arg8[%get3A_294, %get3A_295] {strides = array<i32>} : memref<9x128xi32, #tpu.memory_space<vmem>>, vector<16xi32>,
    %get3A_297 = arith.constant 4 : i32
    %get3A_298 = arith.index_cast %get3A_297 : i32 to index
    %get3A_299 = arith.constant 0 : index
    %get3A_300 = tpu.vector_load %arg8[%get3A_298, %get3A_299] {strides = array<i32>} : memref<9x128xi32, #tpu.memory_space<vmem>>, vector<16xi32>,
    %get3A_301 = arith.constant 5 : i32
    %get3A_302 = arith.index_cast %get3A_301 : i32 to index
    %get3A_303 = arith.constant 0 : index
    %get3A_304 = tpu.vector_load %arg8[%get3A_302, %get3A_303] {strides = array<i32>} : memref<9x128xi32, #tpu.memory_space<vmem>>, vector<16xi32>,
    %get3A_305 = arith.constant 6 : i32
    %get3A_306 = arith.index_cast %get3A_305 : i32 to index
    %get3A_307 = arith.constant 0 : index
    %get3A_308 = tpu.vector_load %arg8[%get3A_306, %get3A_307] {strides = array<i32>} : memref<9x128xi32, #tpu.memory_space<vmem>>, vector<16xi32>,
    %get3A_309 = arith.constant 7 : i32
    %get3A_310 = arith.index_cast %get3A_309 : i32 to index
    %get3A_311 = arith.constant 0 : index
    %get3A_312 = tpu.vector_load %arg8[%get3A_310, %get3A_311] {strides = array<i32>} : memref<9x128xi32, #tpu.memory_space<vmem>>, vector<16xi32>,
    %get3A_313 = arith.constant 8 : i32
    %get3A_314 = arith.index_cast %get3A_313 : i32 to index
    %get3A_315 = arith.constant 0 : index
    %get3A_316 = tpu.vector_load %arg8[%get3A_314, %get3A_315] {strides = array<i32>} : memref<9x128xi32, #tpu.memory_space<vmem>>, vector<16xi32>,
    %mul3A_317 = arith.constant 64 : i32
    %mul3A_318 = vector.broadcast %mul3A_317 : i32 to vector<16xi32>
    %mul3A_319 = arith.muli %get3A_284, %mul3A_318 : vector<16xi32>
    %swap3A_320 = arith.constant 0 : index
    %swap3A_321 = tpu.vector_load %arg10[%swap3A_320] {strides = array<i32>} : memref<512xi32, #tpu.memory_space<vmem>>, vector<16xi32>,
    tpu.vector_store %arg10[%swap3A_320], %mul3A_319 {strides = array<i32>} : memref<512xi32, #tpu.memory_space<vmem>>, vector<16xi32>,
    %mul3A_322 = arith.constant 12 : i32
    %mul3A_323 = vector.broadcast %mul3A_322 : i32 to vector<16xi32>
    %mul3A_324 = arith.muli %get3A_288, %mul3A_323 : vector<16xi32>
    %add3A_325 = arith.constant 119 : i32
    %add3A_326 = vector.broadcast %add3A_325 : i32 to vector<16xi32>
    %add3A_327 = arith.addi %add3A_326, %mul3A_324 : vector<16xi32>
    %add3A_328 = arith.addi %add3A_327, %get3A_292 : vector<16xi32>
    %mul3A_329 = arith.constant 64 : i32
    %mul3A_330 = vector.broadcast %mul3A_329 : i32 to vector<16xi32>
    %mul3A_331 = arith.muli %add3A_328, %mul3A_330 : vector<16xi32>
    %swap3A_332 = arith.constant 128 : index
    %swap3A_333 = tpu.vector_load %arg10[%swap3A_332] {strides = array<i32>} : memref<512xi32, #tpu.memory_space<vmem>>, vector<16xi32>,
    tpu.vector_store %arg10[%swap3A_332], %mul3A_331 {strides = array<i32>} : memref<512xi32, #tpu.memory_space<vmem>>, vector<16xi32>,
    %mul3A_334 = arith.constant 10 : i32
    %mul3A_335 = vector.broadcast %mul3A_334 : i32 to vector<16xi32>
    %mul3A_336 = arith.muli %get3A_296, %mul3A_335 : vector<16xi32>
    %add3A_337 = arith.constant 179 : i32
    %add3A_338 = vector.broadcast %add3A_337 : i32 to vector<16xi32>
    %add3A_339 = arith.addi %add3A_338, %mul3A_336 : vector<16xi32>
    %add3A_340 = arith.addi %add3A_339, %get3A_300 : vector<16xi32>
    %mul3A_341 = arith.constant 64 : i32
    %mul3A_342 = vector.broadcast %mul3A_341 : i32 to vector<16xi32>
    %mul3A_343 = arith.muli %add3A_340, %mul3A_342 : vector<16xi32>
    %swap3A_344 = arith.constant 256 : index
    %swap3A_345 = tpu.vector_load %arg10[%swap3A_344] {strides = array<i32>} : memref<512xi32, #tpu.memory_space<vmem>>, vector<16xi32>,
    tpu.vector_store %arg10[%swap3A_344], %mul3A_343 {strides = array<i32>} : memref<512xi32, #tpu.memory_space<vmem>>, vector<16xi32>,
    %mul3A_346 = arith.constant 6 : i32
    %mul3A_347 = vector.broadcast %mul3A_346 : i32 to vector<16xi32>
    %mul3A_348 = arith.muli %get3A_304, %mul3A_347 : vector<16xi32>
    %add3A_349 = arith.addi %mul3A_348, %get3A_308 : vector<16xi32>
    %mul3A_350 = arith.constant 2 : i32
    %mul3A_351 = vector.broadcast %mul3A_350 : i32 to vector<16xi32>
    %mul3A_352 = arith.muli %add3A_349, %mul3A_351 : vector<16xi32>
    %add3A_353 = arith.addi %mul3A_352, %get3A_312 : vector<16xi32>
    %mul3A_354 = arith.constant 2 : i32
    %mul3A_355 = vector.broadcast %mul3A_354 : i32 to vector<16xi32>
    %mul3A_356 = arith.muli %add3A_353, %mul3A_355 : vector<16xi32>
    %add3A_357 = arith.constant 299 : i32
    %add3A_358 = vector.broadcast %add3A_357 : i32 to vector<16xi32>
    %add3A_359 = arith.addi %add3A_358, %mul3A_356 : vector<16xi32>
    %add3A_360 = arith.addi %add3A_359, %get3A_316 : vector<16xi32>
    %mul3A_361 = arith.constant 64 : i32
    %mul3A_362 = vector.broadcast %mul3A_361 : i32 to vector<16xi32>
    %mul3A_363 = arith.muli %add3A_360, %mul3A_362 : vector<16xi32>
    %swap3A_364 = arith.constant 384 : index
    %swap3A_365 = tpu.vector_load %arg10[%swap3A_364] {strides = array<i32>} : memref<512xi32, #tpu.memory_space<vmem>>, vector<16xi32>,
    tpu.vector_store %arg10[%swap3A_364], %mul3A_363 {strides = array<i32>} : memref<512xi32, #tpu.memory_space<vmem>>, vector<16xi32>,
    %get3A_366 = arith.constant 0 : i32
    %get3A_367 = arith.index_cast %get3A_366 : i32 to index
    %get3A_368 = arith.constant 16 : index
    %get3A_369 = tpu.vector_load %arg8[%get3A_367, %get3A_368] {strides = array<i32>} : memref<9x128xi32, #tpu.memory_space<vmem>>, vector<16xi32>,
    %get3A_370 = arith.constant 1 : i32
    %get3A_371 = arith.index_cast %get3A_370 : i32 to index
    %get3A_372 = arith.constant 16 : index
    %get3A_373 = tpu.vector_load %arg8[%get3A_371, %get3A_372] {strides = array<i32>} : memref<9x128xi32, #tpu.memory_space<vmem>>, vector<16xi32>,
    %get3A_374 = arith.constant 2 : i32
    %get3A_375 = arith.index_cast %get3A_374 : i32 to index
    %get3A_376 = arith.constant 16 : index
    %get3A_377 = tpu.vector_load %arg8[%get3A_375, %get3A_376] {strides = array<i32>} : memref<9x128xi32, #tpu.memory_space<vmem>>, vector<16xi32>,
    %get3A_378 = arith.constant 3 : i32
    %get3A_379 = arith.index_cast %get3A_378 : i32 to index
    %get3A_380 = arith.constant 16 : index
    %get3A_381 = tpu.vector_load %arg8[%get3A_379, %get3A_380] {strides = array<i32>} : memref<9x128xi32, #tpu.memory_space<vmem>>, vector<16xi32>,
    %get3A_382 = arith.constant 4 : i32
    %get3A_383 = arith.index_cast %get3A_382 : i32 to index
    %get3A_384 = arith.constant 16 : index
    %get3A_385 = tpu.vector_load %arg8[%get3A_383, %get3A_384] {strides = array<i32>} : memref<9x128xi32, #tpu.memory_space<vmem>>, vector<16xi32>,
    %get3A_386 = arith.constant 5 : i32
    %get3A_387 = arith.index_cast %get3A_386 : i32 to index
    %get3A_388 = arith.constant 16 : index
    %get3A_389 = tpu.vector_load %arg8[%get3A_387, %get3A_388] {strides = array<i32>} : memref<9x128xi32, #tpu.memory_space<vmem>>, vector<16xi32>,
    %get3A_390 = arith.constant 6 : i32
    %get3A_391 = arith.index_cast %get3A_390 : i32 to index
    %get3A_392 = arith.constant 16 : index
    %get3A_393 = tpu.vector_load %arg8[%get3A_391, %get3A_392] {strides = array<i32>} : memref<9x128xi32, #tpu.memory_space<vmem>>, vector<16xi32>,
    %get3A_394 = arith.constant 7 : i32
    %get3A_395 = arith.index_cast %get3A_394 : i32 to index
    %get3A_396 = arith.constant 16 : index
    %get3A_397 = tpu.vector_load %arg8[%get3A_395, %get3A_396] {strides = array<i32>} : memref<9x128xi32, #tpu.memory_space<vmem>>, vector<16xi32>,
    %get3A_398 = arith.constant 8 : i32
    %get3A_399 = arith.index_cast %get3A_398 : i32 to index
    %get3A_400 = arith.constant 16 : index
    %get3A_401 = tpu.vector_load %arg8[%get3A_399, %get3A_400] {strides = array<i32>} : memref<9x128xi32, #tpu.memory_space<vmem>>, vector<16xi32>,
    %mul3A_402 = arith.constant 64 : i32
    %mul3A_403 = vector.broadcast %mul3A_402 : i32 to vector<16xi32>
    %mul3A_404 = arith.muli %get3A_369, %mul3A_403 : vector<16xi32>
    %swap3A_405 = arith.constant 16 : index
    %swap3A_406 = tpu.vector_load %arg10[%swap3A_405] {strides = array<i32>} : memref<512xi32, #tpu.memory_space<vmem>>, vector<16xi32>,
    tpu.vector_store %arg10[%swap3A_405], %mul3A_404 {strides = array<i32>} : memref<512xi32, #tpu.memory_space<vmem>>, vector<16xi32>,
    %mul3A_407 = arith.constant 12 : i32
    %mul3A_408 = vector.broadcast %mul3A_407 : i32 to vector<16xi32>
    %mul3A_409 = arith.muli %get3A_373, %mul3A_408 : vector<16xi32>
    %add3A_410 = arith.constant 119 : i32
    %add3A_411 = vector.broadcast %add3A_410 : i32 to vector<16xi32>
    %add3A_412 = arith.addi %add3A_411, %mul3A_409 : vector<16xi32>
    %add3A_413 = arith.addi %add3A_412, %get3A_377 : vector<16xi32>
    %mul3A_414 = arith.constant 64 : i32
    %mul3A_415 = vector.broadcast %mul3A_414 : i32 to vector<16xi32>
    %mul3A_416 = arith.muli %add3A_413, %mul3A_415 : vector<16xi32>
    %swap3A_417 = arith.constant 144 : index
    %swap3A_418 = tpu.vector_load %arg10[%swap3A_417] {strides = array<i32>} : memref<512xi32, #tpu.memory_space<vmem>>, vector<16xi32>,
    tpu.vector_store %arg10[%swap3A_417], %mul3A_416 {strides = array<i32>} : memref<512xi32, #tpu.memory_space<vmem>>, vector<16xi32>,
    %mul3A_419 = arith.constant 10 : i32
    %mul3A_420 = vector.broadcast %mul3A_419 : i32 to vector<16xi32>
    %mul3A_421 = arith.muli %get3A_381, %mul3A_420 : vector<16xi32>
    %add3A_422 = arith.constant 179 : i32
    %add3A_423 = vector.broadcast %add3A_422 : i32 to vector<16xi32>
    %add3A_424 = arith.addi %add3A_423, %mul3A_421 : vector<16xi32>
    %add3A_425 = arith.addi %add3A_424, %get3A_385 : vector<16xi32>
    %mul3A_426 = arith.constant 64 : i32
    %mul3A_427 = vector.broadcast %mul3A_426 : i32 to vector<16xi32>
    %mul3A_428 = arith.muli %add3A_425, %mul3A_427 : vector<16xi32>
    %swap3A_429 = arith.constant 272 : index
    %swap3A_430 = tpu.vector_load %arg10[%swap3A_429] {strides = array<i32>} : memref<512xi32, #tpu.memory_space<vmem>>, vector<16xi32>,
    tpu.vector_store %arg10[%swap3A_429], %mul3A_428 {strides = array<i32>} : memref<512xi32, #tpu.memory_space<vmem>>, vector<16xi32>,
    %mul3A_431 = arith.constant 6 : i32
    %mul3A_432 = vector.broadcast %mul3A_431 : i32 to vector<16xi32>
    %mul3A_433 = arith.muli %get3A_389, %mul3A_432 : vector<16xi32>
    %add3A_434 = arith.addi %mul3A_433, %get3A_393 : vector<16xi32>
    %mul3A_435 = arith.constant 2 : i32
    %mul3A_436 = vector.broadcast %mul3A_435 : i32 to vector<16xi32>
    %mul3A_437 = arith.muli %add3A_434, %mul3A_436 : vector<16xi32>
    %add3A_438 = arith.addi %mul3A_437, %get3A_397 : vector<16xi32>
    %mul3A_439 = arith.constant 2 : i32
    %mul3A_440 = vector.broadcast %mul3A_439 : i32 to vector<16xi32>
    %mul3A_441 = arith.muli %add3A_438, %mul3A_440 : vector<16xi32>
    %add3A_442 = arith.constant 299 : i32
    %add3A_443 = vector.broadcast %add3A_442 : i32 to vector<16xi32>
    %add3A_444 = arith.addi %add3A_443, %mul3A_441 : vector<16xi32>
    %add3A_445 = arith.addi %add3A_444, %get3A_401 : vector<16xi32>
    %mul3A_446 = arith.constant 64 : i32
    %mul3A_447 = vector.broadcast %mul3A_446 : i32 to vector<16xi32>
    %mul3A_448 = arith.muli %add3A_445, %mul3A_447 : vector<16xi32>
    %swap3A_449 = arith.constant 400 : index
    %swap3A_450 = tpu.vector_load %arg10[%swap3A_449] {strides = array<i32>} : memref<512xi32, #tpu.memory_space<vmem>>, vector<16xi32>,
    tpu.vector_store %arg10[%swap3A_449], %mul3A_448 {strides = array<i32>} : memref<512xi32, #tpu.memory_space<vmem>>, vector<16xi32>,
    %get3A_451 = arith.constant 0 : i32
    %get3A_452 = arith.index_cast %get3A_451 : i32 to index
    %get3A_453 = arith.constant 32 : index
    %get3A_454 = tpu.vector_load %arg8[%get3A_452, %get3A_453] {strides = array<i32>} : memref<9x128xi32, #tpu.memory_space<vmem>>, vector<16xi32>,
    %get3A_455 = arith.constant 1 : i32
    %get3A_456 = arith.index_cast %get3A_455 : i32 to index
    %get3A_457 = arith.constant 32 : index
    %get3A_458 = tpu.vector_load %arg8[%get3A_456, %get3A_457] {strides = array<i32>} : memref<9x128xi32, #tpu.memory_space<vmem>>, vector<16xi32>,
    %get3A_459 = arith.constant 2 : i32
    %get3A_460 = arith.index_cast %get3A_459 : i32 to index
    %get3A_461 = arith.constant 32 : index
    %get3A_462 = tpu.vector_load %arg8[%get3A_460, %get3A_461] {strides = array<i32>} : memref<9x128xi32, #tpu.memory_space<vmem>>, vector<16xi32>,
    %get3A_463 = arith.constant 3 : i32
    %get3A_464 = arith.index_cast %get3A_463 : i32 to index
    %get3A_465 = arith.constant 32 : index
    %get3A_466 = tpu.vector_load %arg8[%get3A_464, %get3A_465] {strides = array<i32>} : memref<9x128xi32, #tpu.memory_space<vmem>>, vector<16xi32>,
    %get3A_467 = arith.constant 4 : i32
    %get3A_468 = arith.index_cast %get3A_467 : i32 to index
    %get3A_469 = arith.constant 32 : index
    %get3A_470 = tpu.vector_load %arg8[%get3A_468, %get3A_469] {strides = array<i32>} : memref<9x128xi32, #tpu.memory_space<vmem>>, vector<16xi32>,
    %get3A_471 = arith.constant 5 : i32
    %get3A_472 = arith.index_cast %get3A_471 : i32 to index
    %get3A_473 = arith.constant 32 : index
    %get3A_474 = tpu.vector_load %arg8[%get3A_472, %get3A_473] {strides = array<i32>} : memref<9x128xi32, #tpu.memory_space<vmem>>, vector<16xi32>,
    %get3A_475 = arith.constant 6 : i32
    %get3A_476 = arith.index_cast %get3A_475 : i32 to index
    %get3A_477 = arith.constant 32 : index
    %get3A_478 = tpu.vector_load %arg8[%get3A_476, %get3A_477] {strides = array<i32>} : memref<9x128xi32, #tpu.memory_space<vmem>>, vector<16xi32>,
    %get3A_479 = arith.constant 7 : i32
    %get3A_480 = arith.index_cast %get3A_479 : i32 to index
    %get3A_481 = arith.constant 32 : index
    %get3A_482 = tpu.vector_load %arg8[%get3A_480, %get3A_481] {strides = array<i32>} : memref<9x128xi32, #tpu.memory_space<vmem>>, vector<16xi32>,
    %get3A_483 = arith.constant 8 : i32
    %get3A_484 = arith.index_cast %get3A_483 : i32 to index
    %get3A_485 = arith.constant 32 : index
    %get3A_486 = tpu.vector_load %arg8[%get3A_484, %get3A_485] {strides = array<i32>} : memref<9x128xi32, #tpu.memory_space<vmem>>, vector<16xi32>,
    %mul3A_487 = arith.constant 64 : i32
    %mul3A_488 = vector.broadcast %mul3A_487 : i32 to vector<16xi32>
    %mul3A_489 = arith.muli %get3A_454, %mul3A_488 : vector<16xi32>
    %swap3A_490 = arith.constant 32 : index
    %swap3A_491 = tpu.vector_load %arg10[%swap3A_490] {strides = array<i32>} : memref<512xi32, #tpu.memory_space<vmem>>, vector<16xi32>,
    tpu.vector_store %arg10[%swap3A_490], %mul3A_489 {strides = array<i32>} : memref<512xi32, #tpu.memory_space<vmem>>, vector<16xi32>,
    %mul3A_492 = arith.constant 12 : i32
    %mul3A_493 = vector.broadcast %mul3A_492 : i32 to vector<16xi32>
    %mul3A_494 = arith.muli %get3A_458, %mul3A_493 : vector<16xi32>
    %add3A_495 = arith.constant 119 : i32
    %add3A_496 = vector.broadcast %add3A_495 : i32 to vector<16xi32>
    %add3A_497 = arith.addi %add3A_496, %mul3A_494 : vector<16xi32>
    %add3A_498 = arith.addi %add3A_497, %get3A_462 : vector<16xi32>
    %mul3A_499 = arith.constant 64 : i32
    %mul3A_500 = vector.broadcast %mul3A_499 : i32 to vector<16xi32>
    %mul3A_501 = arith.muli %add3A_498, %mul3A_500 : vector<16xi32>
    %swap3A_502 = arith.constant 160 : index
    %swap3A_503 = tpu.vector_load %arg10[%swap3A_502] {strides = array<i32>} : memref<512xi32, #tpu.memory_space<vmem>>, vector<16xi32>,
    tpu.vector_store %arg10[%swap3A_502], %mul3A_501 {strides = array<i32>} : memref<512xi32, #tpu.memory_space<vmem>>, vector<16xi32>,
    %mul3A_504 = arith.constant 10 : i32
    %mul3A_505 = vector.broadcast %mul3A_504 : i32 to vector<16xi32>
    %mul3A_506 = arith.muli %get3A_466, %mul3A_505 : vector<16xi32>
    %add3A_507 = arith.constant 179 : i32
    %add3A_508 = vector.broadcast %add3A_507 : i32 to vector<16xi32>
    %add3A_509 = arith.addi %add3A_508, %mul3A_506 : vector<16xi32>
    %add3A_510 = arith.addi %add3A_509, %get3A_470 : vector<16xi32>
    %mul3A_511 = arith.constant 64 : i32
    %mul3A_512 = vector.broadcast %mul3A_511 : i32 to vector<16xi32>
    %mul3A_513 = arith.muli %add3A_510, %mul3A_512 : vector<16xi32>
    %swap3A_514 = arith.constant 288 : index
    %swap3A_515 = tpu.vector_load %arg10[%swap3A_514] {strides = array<i32>} : memref<512xi32, #tpu.memory_space<vmem>>, vector<16xi32>,
    tpu.vector_store %arg10[%swap3A_514], %mul3A_513 {strides = array<i32>} : memref<512xi32, #tpu.memory_space<vmem>>, vector<16xi32>,
    %mul3A_516 = arith.constant 6 : i32
    %mul3A_517 = vector.broadcast %mul3A_516 : i32 to vector<16xi32>
    %mul3A_518 = arith.muli %get3A_474, %mul3A_517 : vector<16xi32>
    %add3A_519 = arith.addi %mul3A_518, %get3A_478 : vector<16xi32>
    %mul3A_520 = arith.constant 2 : i32
    %mul3A_521 = vector.broadcast %mul3A_520 : i32 to vector<16xi32>
    %mul3A_522 = arith.muli %add3A_519, %mul3A_521 : vector<16xi32>
    %add3A_523 = arith.addi %mul3A_522, %get3A_482 : vector<16xi32>
    %mul3A_524 = arith.constant 2 : i32
    %mul3A_525 = vector.broadcast %mul3A_524 : i32 to vector<16xi32>
    %mul3A_526 = arith.muli %add3A_523, %mul3A_525 : vector<16xi32>
    %add3A_527 = arith.constant 299 : i32
    %add3A_528 = vector.broadcast %add3A_527 : i32 to vector<16xi32>
    %add3A_529 = arith.addi %add3A_528, %mul3A_526 : vector<16xi32>
    %add3A_530 = arith.addi %add3A_529, %get3A_486 : vector<16xi32>
    %mul3A_531 = arith.constant 64 : i32
    %mul3A_532 = vector.broadcast %mul3A_531 : i32 to vector<16xi32>
    %mul3A_533 = arith.muli %add3A_530, %mul3A_532 : vector<16xi32>
    %swap3A_534 = arith.constant 416 : index
    %swap3A_535 = tpu.vector_load %arg10[%swap3A_534] {strides = array<i32>} : memref<512xi32, #tpu.memory_space<vmem>>, vector<16xi32>,
    tpu.vector_store %arg10[%swap3A_534], %mul3A_533 {strides = array<i32>} : memref<512xi32, #tpu.memory_space<vmem>>, vector<16xi32>,
    %get3A_536 = arith.constant 0 : i32
    %get3A_537 = arith.index_cast %get3A_536 : i32 to index
    %get3A_538 = arith.constant 48 : index
    %get3A_539 = tpu.vector_load %arg8[%get3A_537, %get3A_538] {strides = array<i32>} : memref<9x128xi32, #tpu.memory_space<vmem>>, vector<16xi32>,
    %get3A_540 = arith.constant 1 : i32
    %get3A_541 = arith.index_cast %get3A_540 : i32 to index
    %get3A_542 = arith.constant 48 : index
    %get3A_543 = tpu.vector_load %arg8[%get3A_541, %get3A_542] {strides = array<i32>} : memref<9x128xi32, #tpu.memory_space<vmem>>, vector<16xi32>,
    %get3A_544 = arith.constant 2 : i32
    %get3A_545 = arith.index_cast %get3A_544 : i32 to index
    %get3A_546 = arith.constant 48 : index
    %get3A_547 = tpu.vector_load %arg8[%get3A_545, %get3A_546] {strides = array<i32>} : memref<9x128xi32, #tpu.memory_space<vmem>>, vector<16xi32>,
    %get3A_548 = arith.constant 3 : i32
    %get3A_549 = arith.index_cast %get3A_548 : i32 to index
    %get3A_550 = arith.constant 48 : index
    %get3A_551 = tpu.vector_load %arg8[%get3A_549, %get3A_550] {strides = array<i32>} : memref<9x128xi32, #tpu.memory_space<vmem>>, vector<16xi32>,
    %get3A_552 = arith.constant 4 : i32
    %get3A_553 = arith.index_cast %get3A_552 : i32 to index
    %get3A_554 = arith.constant 48 : index
    %get3A_555 = tpu.vector_load %arg8[%get3A_553, %get3A_554] {strides = array<i32>} : memref<9x128xi32, #tpu.memory_space<vmem>>, vector<16xi32>,
    %get3A_556 = arith.constant 5 : i32
    %get3A_557 = arith.index_cast %get3A_556 : i32 to index
    %get3A_558 = arith.constant 48 : index
    %get3A_559 = tpu.vector_load %arg8[%get3A_557, %get3A_558] {strides = array<i32>} : memref<9x128xi32, #tpu.memory_space<vmem>>, vector<16xi32>,
    %get3A_560 = arith.constant 6 : i32
    %get3A_561 = arith.index_cast %get3A_560 : i32 to index
    %get3A_562 = arith.constant 48 : index
    %get3A_563 = tpu.vector_load %arg8[%get3A_561, %get3A_562] {strides = array<i32>} : memref<9x128xi32, #tpu.memory_space<vmem>>, vector<16xi32>,
    %get3A_564 = arith.constant 7 : i32
    %get3A_565 = arith.index_cast %get3A_564 : i32 to index
    %get3A_566 = arith.constant 48 : index
    %get3A_567 = tpu.vector_load %arg8[%get3A_565, %get3A_566] {strides = array<i32>} : memref<9x128xi32, #tpu.memory_space<vmem>>, vector<16xi32>,
    %get3A_568 = arith.constant 8 : i32
    %get3A_569 = arith.index_cast %get3A_568 : i32 to index
    %get3A_570 = arith.constant 48 : index
    %get3A_571 = tpu.vector_load %arg8[%get3A_569, %get3A_570] {strides = array<i32>} : memref<9x128xi32, #tpu.memory_space<vmem>>, vector<16xi32>,
    %mul3A_572 = arith.constant 64 : i32
    %mul3A_573 = vector.broadcast %mul3A_572 : i32 to vector<16xi32>
    %mul3A_574 = arith.muli %get3A_539, %mul3A_573 : vector<16xi32>
    %swap3A_575 = arith.constant 48 : index
    %swap3A_576 = tpu.vector_load %arg10[%swap3A_575] {strides = array<i32>} : memref<512xi32, #tpu.memory_space<vmem>>, vector<16xi32>,
    tpu.vector_store %arg10[%swap3A_575], %mul3A_574 {strides = array<i32>} : memref<512xi32, #tpu.memory_space<vmem>>, vector<16xi32>,
    %mul3A_577 = arith.constant 12 : i32
    %mul3A_578 = vector.broadcast %mul3A_577 : i32 to vector<16xi32>
    %mul3A_579 = arith.muli %get3A_543, %mul3A_578 : vector<16xi32>
    %add3A_580 = arith.constant 119 : i32
    %add3A_581 = vector.broadcast %add3A_580 : i32 to vector<16xi32>
    %add3A_582 = arith.addi %add3A_581, %mul3A_579 : vector<16xi32>
    %add3A_583 = arith.addi %add3A_582, %get3A_547 : vector<16xi32>
    %mul3A_584 = arith.constant 64 : i32
    %mul3A_585 = vector.broadcast %mul3A_584 : i32 to vector<16xi32>
    %mul3A_586 = arith.muli %add3A_583, %mul3A_585 : vector<16xi32>
    %swap3A_587 = arith.constant 176 : index
    %swap3A_588 = tpu.vector_load %arg10[%swap3A_587] {strides = array<i32>} : memref<512xi32, #tpu.memory_space<vmem>>, vector<16xi32>,
    tpu.vector_store %arg10[%swap3A_587], %mul3A_586 {strides = array<i32>} : memref<512xi32, #tpu.memory_space<vmem>>, vector<16xi32>,
    %mul3A_589 = arith.constant 10 : i32
    %mul3A_590 = vector.broadcast %mul3A_589 : i32 to vector<16xi32>
    %mul3A_591 = arith.muli %get3A_551, %mul3A_590 : vector<16xi32>
    %add3A_592 = arith.constant 179 : i32
    %add3A_593 = vector.broadcast %add3A_592 : i32 to vector<16xi32>
    %add3A_594 = arith.addi %add3A_593, %mul3A_591 : vector<16xi32>
    %add3A_595 = arith.addi %add3A_594, %get3A_555 : vector<16xi32>
    %mul3A_596 = arith.constant 64 : i32
    %mul3A_597 = vector.broadcast %mul3A_596 : i32 to vector<16xi32>
    %mul3A_598 = arith.muli %add3A_595, %mul3A_597 : vector<16xi32>
    %swap3A_599 = arith.constant 304 : index
    %swap3A_600 = tpu.vector_load %arg10[%swap3A_599] {strides = array<i32>} : memref<512xi32, #tpu.memory_space<vmem>>, vector<16xi32>,
    tpu.vector_store %arg10[%swap3A_599], %mul3A_598 {strides = array<i32>} : memref<512xi32, #tpu.memory_space<vmem>>, vector<16xi32>,
    %mul3A_601 = arith.constant 6 : i32
    %mul3A_602 = vector.broadcast %mul3A_601 : i32 to vector<16xi32>
    %mul3A_603 = arith.muli %get3A_559, %mul3A_602 : vector<16xi32>
    %add3A_604 = arith.addi %mul3A_603, %get3A_563 : vector<16xi32>
    %mul3A_605 = arith.constant 2 : i32
    %mul3A_606 = vector.broadcast %mul3A_605 : i32 to vector<16xi32>
    %mul3A_607 = arith.muli %add3A_604, %mul3A_606 : vector<16xi32>
    %add3A_608 = arith.addi %mul3A_607, %get3A_567 : vector<16xi32>
    %mul3A_609 = arith.constant 2 : i32
    %mul3A_610 = vector.broadcast %mul3A_609 : i32 to vector<16xi32>
    %mul3A_611 = arith.muli %add3A_608, %mul3A_610 : vector<16xi32>
    %add3A_612 = arith.constant 299 : i32
    %add3A_613 = vector.broadcast %add3A_612 : i32 to vector<16xi32>
    %add3A_614 = arith.addi %add3A_613, %mul3A_611 : vector<16xi32>
    %add3A_615 = arith.addi %add3A_614, %get3A_571 : vector<16xi32>
    %mul3A_616 = arith.constant 64 : i32
    %mul3A_617 = vector.broadcast %mul3A_616 : i32 to vector<16xi32>
    %mul3A_618 = arith.muli %add3A_615, %mul3A_617 : vector<16xi32>
    %swap3A_619 = arith.constant 432 : index
    %swap3A_620 = tpu.vector_load %arg10[%swap3A_619] {strides = array<i32>} : memref<512xi32, #tpu.memory_space<vmem>>, vector<16xi32>,
    tpu.vector_store %arg10[%swap3A_619], %mul3A_618 {strides = array<i32>} : memref<512xi32, #tpu.memory_space<vmem>>, vector<16xi32>,
    %get3A_621 = arith.constant 0 : i32
    %get3A_622 = arith.index_cast %get3A_621 : i32 to index
    %get3A_623 = arith.constant 64 : index
    %get3A_624 = tpu.vector_load %arg8[%get3A_622, %get3A_623] {strides = array<i32>} : memref<9x128xi32, #tpu.memory_space<vmem>>, vector<16xi32>,
    %get3A_625 = arith.constant 1 : i32
    %get3A_626 = arith.index_cast %get3A_625 : i32 to index
    %get3A_627 = arith.constant 64 : index
    %get3A_628 = tpu.vector_load %arg8[%get3A_626, %get3A_627] {strides = array<i32>} : memref<9x128xi32, #tpu.memory_space<vmem>>, vector<16xi32>,
    %get3A_629 = arith.constant 2 : i32
    %get3A_630 = arith.index_cast %get3A_629 : i32 to index
    %get3A_631 = arith.constant 64 : index
    %get3A_632 = tpu.vector_load %arg8[%get3A_630, %get3A_631] {strides = array<i32>} : memref<9x128xi32, #tpu.memory_space<vmem>>, vector<16xi32>,
    %get3A_633 = arith.constant 3 : i32
    %get3A_634 = arith.index_cast %get3A_633 : i32 to index
    %get3A_635 = arith.constant 64 : index
    %get3A_636 = tpu.vector_load %arg8[%get3A_634, %get3A_635] {strides = array<i32>} : memref<9x128xi32, #tpu.memory_space<vmem>>, vector<16xi32>,
    %get3A_637 = arith.constant 4 : i32
    %get3A_638 = arith.index_cast %get3A_637 : i32 to index
    %get3A_639 = arith.constant 64 : index
    %get3A_640 = tpu.vector_load %arg8[%get3A_638, %get3A_639] {strides = array<i32>} : memref<9x128xi32, #tpu.memory_space<vmem>>, vector<16xi32>,
    %get3A_641 = arith.constant 5 : i32
    %get3A_642 = arith.index_cast %get3A_641 : i32 to index
    %get3A_643 = arith.constant 64 : index
    %get3A_644 = tpu.vector_load %arg8[%get3A_642, %get3A_643] {strides = array<i32>} : memref<9x128xi32, #tpu.memory_space<vmem>>, vector<16xi32>,
    %get3A_645 = arith.constant 6 : i32
    %get3A_646 = arith.index_cast %get3A_645 : i32 to index
    %get3A_647 = arith.constant 64 : index
    %get3A_648 = tpu.vector_load %arg8[%get3A_646, %get3A_647] {strides = array<i32>} : memref<9x128xi32, #tpu.memory_space<vmem>>, vector<16xi32>,
    %get3A_649 = arith.constant 7 : i32
    %get3A_650 = arith.index_cast %get3A_649 : i32 to index
    %get3A_651 = arith.constant 64 : index
    %get3A_652 = tpu.vector_load %arg8[%get3A_650, %get3A_651] {strides = array<i32>} : memref<9x128xi32, #tpu.memory_space<vmem>>, vector<16xi32>,
    %get3A_653 = arith.constant 8 : i32
    %get3A_654 = arith.index_cast %get3A_653 : i32 to index
    %get3A_655 = arith.constant 64 : index
    %get3A_656 = tpu.vector_load %arg8[%get3A_654, %get3A_655] {strides = array<i32>} : memref<9x128xi32, #tpu.memory_space<vmem>>, vector<16xi32>,
    %mul3A_657 = arith.constant 64 : i32
    %mul3A_658 = vector.broadcast %mul3A_657 : i32 to vector<16xi32>
    %mul3A_659 = arith.muli %get3A_624, %mul3A_658 : vector<16xi32>
    %swap3A_660 = arith.constant 64 : index
    %swap3A_661 = tpu.vector_load %arg10[%swap3A_660] {strides = array<i32>} : memref<512xi32, #tpu.memory_space<vmem>>, vector<16xi32>,
    tpu.vector_store %arg10[%swap3A_660], %mul3A_659 {strides = array<i32>} : memref<512xi32, #tpu.memory_space<vmem>>, vector<16xi32>,
    %mul3A_662 = arith.constant 12 : i32
    %mul3A_663 = vector.broadcast %mul3A_662 : i32 to vector<16xi32>
    %mul3A_664 = arith.muli %get3A_628, %mul3A_663 : vector<16xi32>
    %add3A_665 = arith.constant 119 : i32
    %add3A_666 = vector.broadcast %add3A_665 : i32 to vector<16xi32>
    %add3A_667 = arith.addi %add3A_666, %mul3A_664 : vector<16xi32>
    %add3A_668 = arith.addi %add3A_667, %get3A_632 : vector<16xi32>
    %mul3A_669 = arith.constant 64 : i32
    %mul3A_670 = vector.broadcast %mul3A_669 : i32 to vector<16xi32>
    %mul3A_671 = arith.muli %add3A_668, %mul3A_670 : vector<16xi32>
    %swap3A_672 = arith.constant 192 : index
    %swap3A_673 = tpu.vector_load %arg10[%swap3A_672] {strides = array<i32>} : memref<512xi32, #tpu.memory_space<vmem>>, vector<16xi32>,
    tpu.vector_store %arg10[%swap3A_672], %mul3A_671 {strides = array<i32>} : memref<512xi32, #tpu.memory_space<vmem>>, vector<16xi32>,
    %mul3A_674 = arith.constant 10 : i32
    %mul3A_675 = vector.broadcast %mul3A_674 : i32 to vector<16xi32>
    %mul3A_676 = arith.muli %get3A_636, %mul3A_675 : vector<16xi32>
    %add3A_677 = arith.constant 179 : i32
    %add3A_678 = vector.broadcast %add3A_677 : i32 to vector<16xi32>
    %add3A_679 = arith.addi %add3A_678, %mul3A_676 : vector<16xi32>
    %add3A_680 = arith.addi %add3A_679, %get3A_640 : vector<16xi32>
    %mul3A_681 = arith.constant 64 : i32
    %mul3A_682 = vector.broadcast %mul3A_681 : i32 to vector<16xi32>
    %mul3A_683 = arith.muli %add3A_680, %mul3A_682 : vector<16xi32>
    %swap3A_684 = arith.constant 320 : index
    %swap3A_685 = tpu.vector_load %arg10[%swap3A_684] {strides = array<i32>} : memref<512xi32, #tpu.memory_space<vmem>>, vector<16xi32>,
    tpu.vector_store %arg10[%swap3A_684], %mul3A_683 {strides = array<i32>} : memref<512xi32, #tpu.memory_space<vmem>>, vector<16xi32>,
    %mul3A_686 = arith.constant 6 : i32
    %mul3A_687 = vector.broadcast %mul3A_686 : i32 to vector<16xi32>
    %mul3A_688 = arith.muli %get3A_644, %mul3A_687 : vector<16xi32>
    %add3A_689 = arith.addi %mul3A_688, %get3A_648 : vector<16xi32>
    %mul3A_690 = arith.constant 2 : i32
    %mul3A_691 = vector.broadcast %mul3A_690 : i32 to vector<16xi32>
    %mul3A_692 = arith.muli %add3A_689, %mul3A_691 : vector<16xi32>
    %add3A_693 = arith.addi %mul3A_692, %get3A_652 : vector<16xi32>
    %mul3A_694 = arith.constant 2 : i32
    %mul3A_695 = vector.broadcast %mul3A_694 : i32 to vector<16xi32>
    %mul3A_696 = arith.muli %add3A_693, %mul3A_695 : vector<16xi32>
    %add3A_697 = arith.constant 299 : i32
    %add3A_698 = vector.broadcast %add3A_697 : i32 to vector<16xi32>
    %add3A_699 = arith.addi %add3A_698, %mul3A_696 : vector<16xi32>
    %add3A_700 = arith.addi %add3A_699, %get3A_656 : vector<16xi32>
    %mul3A_701 = arith.constant 64 : i32
    %mul3A_702 = vector.broadcast %mul3A_701 : i32 to vector<16xi32>
    %mul3A_703 = arith.muli %add3A_700, %mul3A_702 : vector<16xi32>
    %swap3A_704 = arith.constant 448 : index
    %swap3A_705 = tpu.vector_load %arg10[%swap3A_704] {strides = array<i32>} : memref<512xi32, #tpu.memory_space<vmem>>, vector<16xi32>,
    tpu.vector_store %arg10[%swap3A_704], %mul3A_703 {strides = array<i32>} : memref<512xi32, #tpu.memory_space<vmem>>, vector<16xi32>,
    %get3A_706 = arith.constant 0 : i32
    %get3A_707 = arith.index_cast %get3A_706 : i32 to index
    %get3A_708 = arith.constant 80 : index
    %get3A_709 = tpu.vector_load %arg8[%get3A_707, %get3A_708] {strides = array<i32>} : memref<9x128xi32, #tpu.memory_space<vmem>>, vector<16xi32>,
    %get3A_710 = arith.constant 1 : i32
    %get3A_711 = arith.index_cast %get3A_710 : i32 to index
    %get3A_712 = arith.constant 80 : index
    %get3A_713 = tpu.vector_load %arg8[%get3A_711, %get3A_712] {strides = array<i32>} : memref<9x128xi32, #tpu.memory_space<vmem>>, vector<16xi32>,
    %get3A_714 = arith.constant 2 : i32
    %get3A_715 = arith.index_cast %get3A_714 : i32 to index
    %get3A_716 = arith.constant 80 : index
    %get3A_717 = tpu.vector_load %arg8[%get3A_715, %get3A_716] {strides = array<i32>} : memref<9x128xi32, #tpu.memory_space<vmem>>, vector<16xi32>,
    %get3A_718 = arith.constant 3 : i32
    %get3A_719 = arith.index_cast %get3A_718 : i32 to index
    %get3A_720 = arith.constant 80 : index
    %get3A_721 = tpu.vector_load %arg8[%get3A_719, %get3A_720] {strides = array<i32>} : memref<9x128xi32, #tpu.memory_space<vmem>>, vector<16xi32>,
    %get3A_722 = arith.constant 4 : i32
    %get3A_723 = arith.index_cast %get3A_722 : i32 to index
    %get3A_724 = arith.constant 80 : index
    %get3A_725 = tpu.vector_load %arg8[%get3A_723, %get3A_724] {strides = array<i32>} : memref<9x128xi32, #tpu.memory_space<vmem>>, vector<16xi32>,
    %get3A_726 = arith.constant 5 : i32
    %get3A_727 = arith.index_cast %get3A_726 : i32 to index
    %get3A_728 = arith.constant 80 : index
    %get3A_729 = tpu.vector_load %arg8[%get3A_727, %get3A_728] {strides = array<i32>} : memref<9x128xi32, #tpu.memory_space<vmem>>, vector<16xi32>,
    %get3A_730 = arith.constant 6 : i32
    %get3A_731 = arith.index_cast %get3A_730 : i32 to index
    %get3A_732 = arith.constant 80 : index
    %get3A_733 = tpu.vector_load %arg8[%get3A_731, %get3A_732] {strides = array<i32>} : memref<9x128xi32, #tpu.memory_space<vmem>>, vector<16xi32>,
    %get3A_734 = arith.constant 7 : i32
    %get3A_735 = arith.index_cast %get3A_734 : i32 to index
    %get3A_736 = arith.constant 80 : index
    %get3A_737 = tpu.vector_load %arg8[%get3A_735, %get3A_736] {strides = array<i32>} : memref<9x128xi32, #tpu.memory_space<vmem>>, vector<16xi32>,
    %get3A_738 = arith.constant 8 : i32
    %get3A_739 = arith.index_cast %get3A_738 : i32 to index
    %get3A_740 = arith.constant 80 : index
    %get3A_741 = tpu.vector_load %arg8[%get3A_739, %get3A_740] {strides = array<i32>} : memref<9x128xi32, #tpu.memory_space<vmem>>, vector<16xi32>,
    %mul3A_742 = arith.constant 64 : i32
    %mul3A_743 = vector.broadcast %mul3A_742 : i32 to vector<16xi32>
    %mul3A_744 = arith.muli %get3A_709, %mul3A_743 : vector<16xi32>
    %swap3A_745 = arith.constant 80 : index
    %swap3A_746 = tpu.vector_load %arg10[%swap3A_745] {strides = array<i32>} : memref<512xi32, #tpu.memory_space<vmem>>, vector<16xi32>,
    tpu.vector_store %arg10[%swap3A_745], %mul3A_744 {strides = array<i32>} : memref<512xi32, #tpu.memory_space<vmem>>, vector<16xi32>,
    %mul3A_747 = arith.constant 12 : i32
    %mul3A_748 = vector.broadcast %mul3A_747 : i32 to vector<16xi32>
    %mul3A_749 = arith.muli %get3A_713, %mul3A_748 : vector<16xi32>
    %add3A_750 = arith.constant 119 : i32
    %add3A_751 = vector.broadcast %add3A_750 : i32 to vector<16xi32>
    %add3A_752 = arith.addi %add3A_751, %mul3A_749 : vector<16xi32>
    %add3A_753 = arith.addi %add3A_752, %get3A_717 : vector<16xi32>
    %mul3A_754 = arith.constant 64 : i32
    %mul3A_755 = vector.broadcast %mul3A_754 : i32 to vector<16xi32>
    %mul3A_756 = arith.muli %add3A_753, %mul3A_755 : vector<16xi32>
    %swap3A_757 = arith.constant 208 : index
    %swap3A_758 = tpu.vector_load %arg10[%swap3A_757] {strides = array<i32>} : memref<512xi32, #tpu.memory_space<vmem>>, vector<16xi32>,
    tpu.vector_store %arg10[%swap3A_757], %mul3A_756 {strides = array<i32>} : memref<512xi32, #tpu.memory_space<vmem>>, vector<16xi32>,
    %mul3A_759 = arith.constant 10 : i32
    %mul3A_760 = vector.broadcast %mul3A_759 : i32 to vector<16xi32>
    %mul3A_761 = arith.muli %get3A_721, %mul3A_760 : vector<16xi32>
    %add3A_762 = arith.constant 179 : i32
    %add3A_763 = vector.broadcast %add3A_762 : i32 to vector<16xi32>
    %add3A_764 = arith.addi %add3A_763, %mul3A_761 : vector<16xi32>
    %add3A_765 = arith.addi %add3A_764, %get3A_725 : vector<16xi32>
    %mul3A_766 = arith.constant 64 : i32
    %mul3A_767 = vector.broadcast %mul3A_766 : i32 to vector<16xi32>
    %mul3A_768 = arith.muli %add3A_765, %mul3A_767 : vector<16xi32>
    %swap3A_769 = arith.constant 336 : index
    %swap3A_770 = tpu.vector_load %arg10[%swap3A_769] {strides = array<i32>} : memref<512xi32, #tpu.memory_space<vmem>>, vector<16xi32>,
    tpu.vector_store %arg10[%swap3A_769], %mul3A_768 {strides = array<i32>} : memref<512xi32, #tpu.memory_space<vmem>>, vector<16xi32>,
    %mul3A_771 = arith.constant 6 : i32
    %mul3A_772 = vector.broadcast %mul3A_771 : i32 to vector<16xi32>
    %mul3A_773 = arith.muli %get3A_729, %mul3A_772 : vector<16xi32>
    %add3A_774 = arith.addi %mul3A_773, %get3A_733 : vector<16xi32>
    %mul3A_775 = arith.constant 2 : i32
    %mul3A_776 = vector.broadcast %mul3A_775 : i32 to vector<16xi32>
    %mul3A_777 = arith.muli %add3A_774, %mul3A_776 : vector<16xi32>
    %add3A_778 = arith.addi %mul3A_777, %get3A_737 : vector<16xi32>
    %mul3A_779 = arith.constant 2 : i32
    %mul3A_780 = vector.broadcast %mul3A_779 : i32 to vector<16xi32>
    %mul3A_781 = arith.muli %add3A_778, %mul3A_780 : vector<16xi32>
    %add3A_782 = arith.constant 299 : i32
    %add3A_783 = vector.broadcast %add3A_782 : i32 to vector<16xi32>
    %add3A_784 = arith.addi %add3A_783, %mul3A_781 : vector<16xi32>
    %add3A_785 = arith.addi %add3A_784, %get3A_741 : vector<16xi32>
    %mul3A_786 = arith.constant 64 : i32
    %mul3A_787 = vector.broadcast %mul3A_786 : i32 to vector<16xi32>
    %mul3A_788 = arith.muli %add3A_785, %mul3A_787 : vector<16xi32>
    %swap3A_789 = arith.constant 464 : index
    %swap3A_790 = tpu.vector_load %arg10[%swap3A_789] {strides = array<i32>} : memref<512xi32, #tpu.memory_space<vmem>>, vector<16xi32>,
    tpu.vector_store %arg10[%swap3A_789], %mul3A_788 {strides = array<i32>} : memref<512xi32, #tpu.memory_space<vmem>>, vector<16xi32>,
    %get3A_791 = arith.constant 0 : i32
    %get3A_792 = arith.index_cast %get3A_791 : i32 to index
    %get3A_793 = arith.constant 96 : index
    %get3A_794 = tpu.vector_load %arg8[%get3A_792, %get3A_793] {strides = array<i32>} : memref<9x128xi32, #tpu.memory_space<vmem>>, vector<16xi32>,
    %get3A_795 = arith.constant 1 : i32
    %get3A_796 = arith.index_cast %get3A_795 : i32 to index
    %get3A_797 = arith.constant 96 : index
    %get3A_798 = tpu.vector_load %arg8[%get3A_796, %get3A_797] {strides = array<i32>} : memref<9x128xi32, #tpu.memory_space<vmem>>, vector<16xi32>,
    %get3A_799 = arith.constant 2 : i32
    %get3A_800 = arith.index_cast %get3A_799 : i32 to index
    %get3A_801 = arith.constant 96 : index
    %get3A_802 = tpu.vector_load %arg8[%get3A_800, %get3A_801] {strides = array<i32>} : memref<9x128xi32, #tpu.memory_space<vmem>>, vector<16xi32>,
    %get3A_803 = arith.constant 3 : i32
    %get3A_804 = arith.index_cast %get3A_803 : i32 to index
    %get3A_805 = arith.constant 96 : index
    %get3A_806 = tpu.vector_load %arg8[%get3A_804, %get3A_805] {strides = array<i32>} : memref<9x128xi32, #tpu.memory_space<vmem>>, vector<16xi32>,
    %get3A_807 = arith.constant 4 : i32
    %get3A_808 = arith.index_cast %get3A_807 : i32 to index
    %get3A_809 = arith.constant 96 : index
    %get3A_810 = tpu.vector_load %arg8[%get3A_808, %get3A_809] {strides = array<i32>} : memref<9x128xi32, #tpu.memory_space<vmem>>, vector<16xi32>,
    %get3A_811 = arith.constant 5 : i32
    %get3A_812 = arith.index_cast %get3A_811 : i32 to index
    %get3A_813 = arith.constant 96 : index
    %get3A_814 = tpu.vector_load %arg8[%get3A_812, %get3A_813] {strides = array<i32>} : memref<9x128xi32, #tpu.memory_space<vmem>>, vector<16xi32>,
    %get3A_815 = arith.constant 6 : i32
    %get3A_816 = arith.index_cast %get3A_815 : i32 to index
    %get3A_817 = arith.constant 96 : index
    %get3A_818 = tpu.vector_load %arg8[%get3A_816, %get3A_817] {strides = array<i32>} : memref<9x128xi32, #tpu.memory_space<vmem>>, vector<16xi32>,
    %get3A_819 = arith.constant 7 : i32
    %get3A_820 = arith.index_cast %get3A_819 : i32 to index
    %get3A_821 = arith.constant 96 : index
    %get3A_822 = tpu.vector_load %arg8[%get3A_820, %get3A_821] {strides = array<i32>} : memref<9x128xi32, #tpu.memory_space<vmem>>, vector<16xi32>,
    %get3A_823 = arith.constant 8 : i32
    %get3A_824 = arith.index_cast %get3A_823 : i32 to index
    %get3A_825 = arith.constant 96 : index
    %get3A_826 = tpu.vector_load %arg8[%get3A_824, %get3A_825] {strides = array<i32>} : memref<9x128xi32, #tpu.memory_space<vmem>>, vector<16xi32>,
    %mul3A_827 = arith.constant 64 : i32
    %mul3A_828 = vector.broadcast %mul3A_827 : i32 to vector<16xi32>
    %mul3A_829 = arith.muli %get3A_794, %mul3A_828 : vector<16xi32>
    %swap3A_830 = arith.constant 96 : index
    %swap3A_831 = tpu.vector_load %arg10[%swap3A_830] {strides = array<i32>} : memref<512xi32, #tpu.memory_space<vmem>>, vector<16xi32>,
    tpu.vector_store %arg10[%swap3A_830], %mul3A_829 {strides = array<i32>} : memref<512xi32, #tpu.memory_space<vmem>>, vector<16xi32>,
    %mul3A_832 = arith.constant 12 : i32
    %mul3A_833 = vector.broadcast %mul3A_832 : i32 to vector<16xi32>
    %mul3A_834 = arith.muli %get3A_798, %mul3A_833 : vector<16xi32>
    %add3A_835 = arith.constant 119 : i32
    %add3A_836 = vector.broadcast %add3A_835 : i32 to vector<16xi32>
    %add3A_837 = arith.addi %add3A_836, %mul3A_834 : vector<16xi32>
    %add3A_838 = arith.addi %add3A_837, %get3A_802 : vector<16xi32>
    %mul3A_839 = arith.constant 64 : i32
    %mul3A_840 = vector.broadcast %mul3A_839 : i32 to vector<16xi32>
    %mul3A_841 = arith.muli %add3A_838, %mul3A_840 : vector<16xi32>
    %swap3A_842 = arith.constant 224 : index
    %swap3A_843 = tpu.vector_load %arg10[%swap3A_842] {strides = array<i32>} : memref<512xi32, #tpu.memory_space<vmem>>, vector<16xi32>,
    tpu.vector_store %arg10[%swap3A_842], %mul3A_841 {strides = array<i32>} : memref<512xi32, #tpu.memory_space<vmem>>, vector<16xi32>,
    %mul3A_844 = arith.constant 10 : i32
    %mul3A_845 = vector.broadcast %mul3A_844 : i32 to vector<16xi32>
    %mul3A_846 = arith.muli %get3A_806, %mul3A_845 : vector<16xi32>
    %add3A_847 = arith.constant 179 : i32
    %add3A_848 = vector.broadcast %add3A_847 : i32 to vector<16xi32>
    %add3A_849 = arith.addi %add3A_848, %mul3A_846 : vector<16xi32>
    %add3A_850 = arith.addi %add3A_849, %get3A_810 : vector<16xi32>
    %mul3A_851 = arith.constant 64 : i32
    %mul3A_852 = vector.broadcast %mul3A_851 : i32 to vector<16xi32>
    %mul3A_853 = arith.muli %add3A_850, %mul3A_852 : vector<16xi32>
    %swap3A_854 = arith.constant 352 : index
    %swap3A_855 = tpu.vector_load %arg10[%swap3A_854] {strides = array<i32>} : memref<512xi32, #tpu.memory_space<vmem>>, vector<16xi32>,
    tpu.vector_store %arg10[%swap3A_854], %mul3A_853 {strides = array<i32>} : memref<512xi32, #tpu.memory_space<vmem>>, vector<16xi32>,
    %mul3A_856 = arith.constant 6 : i32
    %mul3A_857 = vector.broadcast %mul3A_856 : i32 to vector<16xi32>
    %mul3A_858 = arith.muli %get3A_814, %mul3A_857 : vector<16xi32>
    %add3A_859 = arith.addi %mul3A_858, %get3A_818 : vector<16xi32>
    %mul3A_860 = arith.constant 2 : i32
    %mul3A_861 = vector.broadcast %mul3A_860 : i32 to vector<16xi32>
    %mul3A_862 = arith.muli %add3A_859, %mul3A_861 : vector<16xi32>
    %add3A_863 = arith.addi %mul3A_862, %get3A_822 : vector<16xi32>
    %mul3A_864 = arith.constant 2 : i32
    %mul3A_865 = vector.broadcast %mul3A_864 : i32 to vector<16xi32>
    %mul3A_866 = arith.muli %add3A_863, %mul3A_865 : vector<16xi32>
    %add3A_867 = arith.constant 299 : i32
    %add3A_868 = vector.broadcast %add3A_867 : i32 to vector<16xi32>
    %add3A_869 = arith.addi %add3A_868, %mul3A_866 : vector<16xi32>
    %add3A_870 = arith.addi %add3A_869, %get3A_826 : vector<16xi32>
    %mul3A_871 = arith.constant 64 : i32
    %mul3A_872 = vector.broadcast %mul3A_871 : i32 to vector<16xi32>
    %mul3A_873 = arith.muli %add3A_870, %mul3A_872 : vector<16xi32>
    %swap3A_874 = arith.constant 480 : index
    %swap3A_875 = tpu.vector_load %arg10[%swap3A_874] {strides = array<i32>} : memref<512xi32, #tpu.memory_space<vmem>>, vector<16xi32>,
    tpu.vector_store %arg10[%swap3A_874], %mul3A_873 {strides = array<i32>} : memref<512xi32, #tpu.memory_space<vmem>>, vector<16xi32>,
    %get3A_876 = arith.constant 0 : i32
    %get3A_877 = arith.index_cast %get3A_876 : i32 to index
    %get3A_878 = arith.constant 112 : index
    %get3A_879 = tpu.vector_load %arg8[%get3A_877, %get3A_878] {strides = array<i32>} : memref<9x128xi32, #tpu.memory_space<vmem>>, vector<16xi32>,
    %get3A_880 = arith.constant 1 : i32
    %get3A_881 = arith.index_cast %get3A_880 : i32 to index
    %get3A_882 = arith.constant 112 : index
    %get3A_883 = tpu.vector_load %arg8[%get3A_881, %get3A_882] {strides = array<i32>} : memref<9x128xi32, #tpu.memory_space<vmem>>, vector<16xi32>,
    %get3A_884 = arith.constant 2 : i32
    %get3A_885 = arith.index_cast %get3A_884 : i32 to index
    %get3A_886 = arith.constant 112 : index
    %get3A_887 = tpu.vector_load %arg8[%get3A_885, %get3A_886] {strides = array<i32>} : memref<9x128xi32, #tpu.memory_space<vmem>>, vector<16xi32>,
    %get3A_888 = arith.constant 3 : i32
    %get3A_889 = arith.index_cast %get3A_888 : i32 to index
    %get3A_890 = arith.constant 112 : index
    %get3A_891 = tpu.vector_load %arg8[%get3A_889, %get3A_890] {strides = array<i32>} : memref<9x128xi32, #tpu.memory_space<vmem>>, vector<16xi32>,
    %get3A_892 = arith.constant 4 : i32
    %get3A_893 = arith.index_cast %get3A_892 : i32 to index
    %get3A_894 = arith.constant 112 : index
    %get3A_895 = tpu.vector_load %arg8[%get3A_893, %get3A_894] {strides = array<i32>} : memref<9x128xi32, #tpu.memory_space<vmem>>, vector<16xi32>,
    %get3A_896 = arith.constant 5 : i32
    %get3A_897 = arith.index_cast %get3A_896 : i32 to index
    %get3A_898 = arith.constant 112 : index
    %get3A_899 = tpu.vector_load %arg8[%get3A_897, %get3A_898] {strides = array<i32>} : memref<9x128xi32, #tpu.memory_space<vmem>>, vector<16xi32>,
    %get3A_900 = arith.constant 6 : i32
    %get3A_901 = arith.index_cast %get3A_900 : i32 to index
    %get3A_902 = arith.constant 112 : index
    %get3A_903 = tpu.vector_load %arg8[%get3A_901, %get3A_902] {strides = array<i32>} : memref<9x128xi32, #tpu.memory_space<vmem>>, vector<16xi32>,
    %get3A_904 = arith.constant 7 : i32
    %get3A_905 = arith.index_cast %get3A_904 : i32 to index
    %get3A_906 = arith.constant 112 : index
    %get3A_907 = tpu.vector_load %arg8[%get3A_905, %get3A_906] {strides = array<i32>} : memref<9x128xi32, #tpu.memory_space<vmem>>, vector<16xi32>,
    %get3A_908 = arith.constant 8 : i32
    %get3A_909 = arith.index_cast %get3A_908 : i32 to index
    %get3A_910 = arith.constant 112 : index
    %get3A_911 = tpu.vector_load %arg8[%get3A_909, %get3A_910] {strides = array<i32>} : memref<9x128xi32, #tpu.memory_space<vmem>>, vector<16xi32>,
    %mul3A_912 = arith.constant 64 : i32
    %mul3A_913 = vector.broadcast %mul3A_912 : i32 to vector<16xi32>
    %mul3A_914 = arith.muli %get3A_879, %mul3A_913 : vector<16xi32>
    %swap3A_915 = arith.constant 112 : index
    %swap3A_916 = tpu.vector_load %arg10[%swap3A_915] {strides = array<i32>} : memref<512xi32, #tpu.memory_space<vmem>>, vector<16xi32>,
    tpu.vector_store %arg10[%swap3A_915], %mul3A_914 {strides = array<i32>} : memref<512xi32, #tpu.memory_space<vmem>>, vector<16xi32>,
    %mul3A_917 = arith.constant 12 : i32
    %mul3A_918 = vector.broadcast %mul3A_917 : i32 to vector<16xi32>
    %mul3A_919 = arith.muli %get3A_883, %mul3A_918 : vector<16xi32>
    %add3A_920 = arith.constant 119 : i32
    %add3A_921 = vector.broadcast %add3A_920 : i32 to vector<16xi32>
    %add3A_922 = arith.addi %add3A_921, %mul3A_919 : vector<16xi32>
    %add3A_923 = arith.addi %add3A_922, %get3A_887 : vector<16xi32>
    %mul3A_924 = arith.constant 64 : i32
    %mul3A_925 = vector.broadcast %mul3A_924 : i32 to vector<16xi32>
    %mul3A_926 = arith.muli %add3A_923, %mul3A_925 : vector<16xi32>
    %swap3A_927 = arith.constant 240 : index
    %swap3A_928 = tpu.vector_load %arg10[%swap3A_927] {strides = array<i32>} : memref<512xi32, #tpu.memory_space<vmem>>, vector<16xi32>,
    tpu.vector_store %arg10[%swap3A_927], %mul3A_926 {strides = array<i32>} : memref<512xi32, #tpu.memory_space<vmem>>, vector<16xi32>,
    %mul3A_929 = arith.constant 10 : i32
    %mul3A_930 = vector.broadcast %mul3A_929 : i32 to vector<16xi32>
    %mul3A_931 = arith.muli %get3A_891, %mul3A_930 : vector<16xi32>
    %add3A_932 = arith.constant 179 : i32
    %add3A_933 = vector.broadcast %add3A_932 : i32 to vector<16xi32>
    %add3A_934 = arith.addi %add3A_933, %mul3A_931 : vector<16xi32>
    %add3A_935 = arith.addi %add3A_934, %get3A_895 : vector<16xi32>
    %mul3A_936 = arith.constant 64 : i32
    %mul3A_937 = vector.broadcast %mul3A_936 : i32 to vector<16xi32>
    %mul3A_938 = arith.muli %add3A_935, %mul3A_937 : vector<16xi32>
    %swap3A_939 = arith.constant 368 : index
    %swap3A_940 = tpu.vector_load %arg10[%swap3A_939] {strides = array<i32>} : memref<512xi32, #tpu.memory_space<vmem>>, vector<16xi32>,
    tpu.vector_store %arg10[%swap3A_939], %mul3A_938 {strides = array<i32>} : memref<512xi32, #tpu.memory_space<vmem>>, vector<16xi32>,
    %mul3A_941 = arith.constant 6 : i32
    %mul3A_942 = vector.broadcast %mul3A_941 : i32 to vector<16xi32>
    %mul3A_943 = arith.muli %get3A_899, %mul3A_942 : vector<16xi32>
    %add3A_944 = arith.addi %mul3A_943, %get3A_903 : vector<16xi32>
    %mul3A_945 = arith.constant 2 : i32
    %mul3A_946 = vector.broadcast %mul3A_945 : i32 to vector<16xi32>
    %mul3A_947 = arith.muli %add3A_944, %mul3A_946 : vector<16xi32>
    %add3A_948 = arith.addi %mul3A_947, %get3A_907 : vector<16xi32>
    %mul3A_949 = arith.constant 2 : i32
    %mul3A_950 = vector.broadcast %mul3A_949 : i32 to vector<16xi32>
    %mul3A_951 = arith.muli %add3A_948, %mul3A_950 : vector<16xi32>
    %add3A_952 = arith.constant 299 : i32
    %add3A_953 = vector.broadcast %add3A_952 : i32 to vector<16xi32>
    %add3A_954 = arith.addi %add3A_953, %mul3A_951 : vector<16xi32>
    %add3A_955 = arith.addi %add3A_954, %get3A_911 : vector<16xi32>
    %mul3A_956 = arith.constant 64 : i32
    %mul3A_957 = vector.broadcast %mul3A_956 : i32 to vector<16xi32>
    %mul3A_958 = arith.muli %add3A_955, %mul3A_957 : vector<16xi32>
    %swap3A_959 = arith.constant 496 : index
    %swap3A_960 = tpu.vector_load %arg10[%swap3A_959] {strides = array<i32>} : memref<512xi32, #tpu.memory_space<vmem>>, vector<16xi32>,
    tpu.vector_store %arg10[%swap3A_959], %mul3A_958 {strides = array<i32>} : memref<512xi32, #tpu.memory_space<vmem>>, vector<16xi32>,
    %ge3A = arith.constant 24 : i32
    %ge3A_961 = arith.constant 2 : i32
    %ge3A_962 = arith.cmpi sge, %ge3A, %ge3A_961 : i32
    %convert_element_type3A_963 = arith.extui %ge3A_962 : i1 to i32
    %cond3A_964 = arith.constant 0 : i32
    %cond3A_965 = arith.cmpi ne, %convert_element_type3A_963, %cond3A_964 : i32
    scf.if %cond3A_965 {
      %sub3A = arith.constant 256 : i32
      %sub3A_981 = arith.subi %add3A_270, %sub3A : i32
      %dma_wait3A_982 = arith.constant 0 : i32
      %dma_wait3A_983 = tpu.memref_slice %arg4[%sub3A_981, %dma_wait3A_982] : memref<100000x128xf32, #tpu.memory_space<hbm>> -> memref<128x128xf32, #tpu.memory_space<hbm>>
      %dma_wait3A_984 = arith.constant 0 : i32
      %dma_wait3A_985 = tpu.memref_slice %arg4[%sub3A_981, %dma_wait3A_984] : memref<100000x128xf32, #tpu.memory_space<hbm>> -> memref<128x128xf32, #tpu.memory_space<hbm>>
      tpu.wait_dma2 semaphore(%arg14 : memref<!tpu.dma_semaphore, #tpu.memory_space<semaphore_mem>>) src(%arg11 : memref<128x128xf32, #tpu.memory_space<vmem>>) dst(%dma_wait3A_985 : memref<128x128xf32, #tpu.memory_space<hbm>>)
    } else {
    }
    %parallel_loop3A_966 = arith.constant 0 : i32
    %parallel_loop3A_967 = arith.constant 128 : i32
    %parallel_loop3A_968 = arith.constant 1 : i32
    scf.for %parallel_loop3A_981 = %parallel_loop3A_966 to %parallel_loop3A_967 step %parallel_loop3A_968  : i32 {
      %parallel_loop3A_982 = vector.broadcast %parallel_loop3A_981 : i32 to vector<16xi32>
      %parallel_loop3A_983 = arith.addi %broadcast_in_dim3A_258, %parallel_loop3A_982 : vector<16xi32>
      %parallel_loop3A_984 = tpu.vector_load_idx %arg10[%parallel_loop3A_983] : memref<512xi32, #tpu.memory_space<vmem>>[vector<16xi32>], vector<16xi32>,
      %parallel_loop3A_985 = arith.constant 128 : i32
      %parallel_loop3A_986 = vector.broadcast %parallel_loop3A_985 : i32 to vector<16xi32>
      %parallel_loop3A_987 = arith.addi %parallel_loop3A_983, %parallel_loop3A_986 : vector<16xi32>
      %parallel_loop3A_988 = tpu.vector_load_idx %arg10[%parallel_loop3A_987] : memref<512xi32, #tpu.memory_space<vmem>>[vector<16xi32>], vector<16xi32>,
      %parallel_loop3A_989 = arith.constant 256 : i32
      %parallel_loop3A_990 = vector.broadcast %parallel_loop3A_989 : i32 to vector<16xi32>
      %parallel_loop3A_991 = arith.addi %parallel_loop3A_983, %parallel_loop3A_990 : vector<16xi32>
      %parallel_loop3A_992 = tpu.vector_load_idx %arg10[%parallel_loop3A_991] : memref<512xi32, #tpu.memory_space<vmem>>[vector<16xi32>], vector<16xi32>,
      %parallel_loop3A_993 = arith.constant 384 : i32
      %parallel_loop3A_994 = vector.broadcast %parallel_loop3A_993 : i32 to vector<16xi32>
      %parallel_loop3A_995 = arith.addi %parallel_loop3A_983, %parallel_loop3A_994 : vector<16xi32>
      %parallel_loop3A_996 = tpu.vector_load_idx %arg10[%parallel_loop3A_995] : memref<512xi32, #tpu.memory_space<vmem>>[vector<16xi32>], vector<16xi32>,
      %parallel_loop3A_997 = arith.constant 0 : i32
      %parallel_loop3A_998 = vector.broadcast %parallel_loop3A_997 : i32 to vector<16xi32>
      %parallel_loop3A_999 = arith.addi %iota3A, %parallel_loop3A_998 : vector<16xi32>
      %parallel_loop3A_1000 = arith.addi %parallel_loop3A_984, %parallel_loop3A_999 : vector<16xi32>
      %parallel_loop3A_1001 = tpu.vector_load_idx %arg7[%parallel_loop3A_1000] : memref<28352xi32, #tpu.memory_space<vmem>>[vector<16xi32>], vector<16xi32>,
      %parallel_loop3A_1002 = vector.bitcast %parallel_loop3A_1001 : vector<16xi32> to vector<32xbf16>
      %parallel_loop3A_1003 = arith.addi %parallel_loop3A_988, %parallel_loop3A_999 : vector<16xi32>
      %parallel_loop3A_1004 = tpu.vector_load_idx %arg7[%parallel_loop3A_1003] : memref<28352xi32, #tpu.memory_space<vmem>>[vector<16xi32>], vector<16xi32>,
      %parallel_loop3A_1005 = vector.bitcast %parallel_loop3A_1004 : vector<16xi32> to vector<32xbf16>
      %parallel_loop3A_1006 = arith.addi %parallel_loop3A_992, %parallel_loop3A_999 : vector<16xi32>
      %parallel_loop3A_1007 = tpu.vector_load_idx %arg7[%parallel_loop3A_1006] : memref<28352xi32, #tpu.memory_space<vmem>>[vector<16xi32>], vector<16xi32>,
      %parallel_loop3A_1008 = vector.bitcast %parallel_loop3A_1007 : vector<16xi32> to vector<32xbf16>
      %parallel_loop3A_1009 = arith.addi %parallel_loop3A_996, %parallel_loop3A_999 : vector<16xi32>
      %parallel_loop3A_1010 = tpu.vector_load_idx %arg7[%parallel_loop3A_1009] : memref<28352xi32, #tpu.memory_space<vmem>>[vector<16xi32>], vector<16xi32>,
      %parallel_loop3A_1011 = vector.bitcast %parallel_loop3A_1010 : vector<16xi32> to vector<32xbf16>
      %parallel_loop3A_1012 = arith.addf %parallel_loop3A_1002, %parallel_loop3A_1005 : vector<32xbf16>
      %parallel_loop3A_1013 = arith.addf %parallel_loop3A_1008, %parallel_loop3A_1011 : vector<32xbf16>
      %parallel_loop3A_1014 = arith.addf %parallel_loop3A_1012, %parallel_loop3A_1013 : vector<32xbf16>
      %parallel_loop3A_1015 = tpu.unpack_subelements %parallel_loop3A_1014, 0 {pack_format = #tpu.pack_format<interleaved>} : vector<32xbf16> -> vector<16xf32>
      %parallel_loop3A_1016 = tpu.unpack_subelements %parallel_loop3A_1014, 1 {pack_format = #tpu.pack_format<interleaved>} : vector<32xbf16> -> vector<16xf32>
      %parallel_loop3A_1017 = arith.index_cast %parallel_loop3A_981 : i32 to index
      %parallel_loop3A_1018 = arith.constant 0 : index
      %parallel_loop3A_1019 = tpu.vector_load %arg11[%parallel_loop3A_1017, %parallel_loop3A_1018] {strides = array<i32>} : memref<128x128xf32, #tpu.memory_space<vmem>>, vector<16xf32>,
      tpu.vector_store %arg11[%parallel_loop3A_1017, %parallel_loop3A_1018], %parallel_loop3A_1015 {strides = array<i32>} : memref<128x128xf32, #tpu.memory_space<vmem>>, vector<16xf32>,
      %parallel_loop3A_1020 = arith.index_cast %parallel_loop3A_981 : i32 to index
      %parallel_loop3A_1021 = arith.constant 16 : index
      %parallel_loop3A_1022 = tpu.vector_load %arg11[%parallel_loop3A_1020, %parallel_loop3A_1021] {strides = array<i32>} : memref<128x128xf32, #tpu.memory_space<vmem>>, vector<16xf32>,
      tpu.vector_store %arg11[%parallel_loop3A_1020, %parallel_loop3A_1021], %parallel_loop3A_1016 {strides = array<i32>} : memref<128x128xf32, #tpu.memory_space<vmem>>, vector<16xf32>,
      %parallel_loop3A_1023 = arith.constant 16 : i32
      %parallel_loop3A_1024 = vector.broadcast %parallel_loop3A_1023 : i32 to vector<16xi32>
      %parallel_loop3A_1025 = arith.addi %iota3A, %parallel_loop3A_1024 : vector<16xi32>
      %parallel_loop3A_1026 = arith.addi %parallel_loop3A_984, %parallel_loop3A_1025 : vector<16xi32>
      %parallel_loop3A_1027 = tpu.vector_load_idx %arg7[%parallel_loop3A_1026] : memref<28352xi32, #tpu.memory_space<vmem>>[vector<16xi32>], vector<16xi32>,
      %parallel_loop3A_1028 = vector.bitcast %parallel_loop3A_1027 : vector<16xi32> to vector<32xbf16>
      %parallel_loop3A_1029 = arith.addi %parallel_loop3A_988, %parallel_loop3A_1025 : vector<16xi32>
      %parallel_loop3A_1030 = tpu.vector_load_idx %arg7[%parallel_loop3A_1029] : memref<28352xi32, #tpu.memory_space<vmem>>[vector<16xi32>], vector<16xi32>,
      %parallel_loop3A_1031 = vector.bitcast %parallel_loop3A_1030 : vector<16xi32> to vector<32xbf16>
      %parallel_loop3A_1032 = arith.addi %parallel_loop3A_992, %parallel_loop3A_1025 : vector<16xi32>
      %parallel_loop3A_1033 = tpu.vector_load_idx %arg7[%parallel_loop3A_1032] : memref<28352xi32, #tpu.memory_space<vmem>>[vector<16xi32>], vector<16xi32>,
      %parallel_loop3A_1034 = vector.bitcast %parallel_loop3A_1033 : vector<16xi32> to vector<32xbf16>
      %parallel_loop3A_1035 = arith.addi %parallel_loop3A_996, %parallel_loop3A_1025 : vector<16xi32>
      %parallel_loop3A_1036 = tpu.vector_load_idx %arg7[%parallel_loop3A_1035] : memref<28352xi32, #tpu.memory_space<vmem>>[vector<16xi32>], vector<16xi32>,
      %parallel_loop3A_1037 = vector.bitcast %parallel_loop3A_1036 : vector<16xi32> to vector<32xbf16>
      %parallel_loop3A_1038 = arith.addf %parallel_loop3A_1028, %parallel_loop3A_1031 : vector<32xbf16>
      %parallel_loop3A_1039 = arith.addf %parallel_loop3A_1034, %parallel_loop3A_1037 : vector<32xbf16>
      %parallel_loop3A_1040 = arith.addf %parallel_loop3A_1038, %parallel_loop3A_1039 : vector<32xbf16>
      %parallel_loop3A_1041 = tpu.unpack_subelements %parallel_loop3A_1040, 0 {pack_format = #tpu.pack_format<interleaved>} : vector<32xbf16> -> vector<16xf32>
      %parallel_loop3A_1042 = tpu.unpack_subelements %parallel_loop3A_1040, 1 {pack_format = #tpu.pack_format<interleaved>} : vector<32xbf16> -> vector<16xf32>
      %parallel_loop3A_1043 = arith.index_cast %parallel_loop3A_981 : i32 to index
      %parallel_loop3A_1044 = arith.constant 32 : index
      %parallel_loop3A_1045 = tpu.vector_load %arg11[%parallel_loop3A_1043, %parallel_loop3A_1044] {strides = array<i32>} : memref<128x128xf32, #tpu.memory_space<vmem>>, vector<16xf32>,
      tpu.vector_store %arg11[%parallel_loop3A_1043, %parallel_loop3A_1044], %parallel_loop3A_1041 {strides = array<i32>} : memref<128x128xf32, #tpu.memory_space<vmem>>, vector<16xf32>,
      %parallel_loop3A_1046 = arith.index_cast %parallel_loop3A_981 : i32 to index
      %parallel_loop3A_1047 = arith.constant 48 : index
      %parallel_loop3A_1048 = tpu.vector_load %arg11[%parallel_loop3A_1046, %parallel_loop3A_1047] {strides = array<i32>} : memref<128x128xf32, #tpu.memory_space<vmem>>, vector<16xf32>,
      tpu.vector_store %arg11[%parallel_loop3A_1046, %parallel_loop3A_1047], %parallel_loop3A_1042 {strides = array<i32>} : memref<128x128xf32, #tpu.memory_space<vmem>>, vector<16xf32>,
      %parallel_loop3A_1049 = arith.constant 32 : i32
      %parallel_loop3A_1050 = vector.broadcast %parallel_loop3A_1049 : i32 to vector<16xi32>
      %parallel_loop3A_1051 = arith.addi %iota3A, %parallel_loop3A_1050 : vector<16xi32>
      %parallel_loop3A_1052 = arith.addi %parallel_loop3A_984, %parallel_loop3A_1051 : vector<16xi32>
      %parallel_loop3A_1053 = tpu.vector_load_idx %arg7[%parallel_loop3A_1052] : memref<28352xi32, #tpu.memory_space<vmem>>[vector<16xi32>], vector<16xi32>,
      %parallel_loop3A_1054 = vector.bitcast %parallel_loop3A_1053 : vector<16xi32> to vector<32xbf16>
      %parallel_loop3A_1055 = arith.addi %parallel_loop3A_988, %parallel_loop3A_1051 : vector<16xi32>
      %parallel_loop3A_1056 = tpu.vector_load_idx %arg7[%parallel_loop3A_1055] : memref<28352xi32, #tpu.memory_space<vmem>>[vector<16xi32>], vector<16xi32>,
      %parallel_loop3A_1057 = vector.bitcast %parallel_loop3A_1056 : vector<16xi32> to vector<32xbf16>
      %parallel_loop3A_1058 = arith.addi %parallel_loop3A_992, %parallel_loop3A_1051 : vector<16xi32>
      %parallel_loop3A_1059 = tpu.vector_load_idx %arg7[%parallel_loop3A_1058] : memref<28352xi32, #tpu.memory_space<vmem>>[vector<16xi32>], vector<16xi32>,
      %parallel_loop3A_1060 = vector.bitcast %parallel_loop3A_1059 : vector<16xi32> to vector<32xbf16>
      %parallel_loop3A_1061 = arith.addi %parallel_loop3A_996, %parallel_loop3A_1051 : vector<16xi32>
      %parallel_loop3A_1062 = tpu.vector_load_idx %arg7[%parallel_loop3A_1061] : memref<28352xi32, #tpu.memory_space<vmem>>[vector<16xi32>], vector<16xi32>,
      %parallel_loop3A_1063 = vector.bitcast %parallel_loop3A_1062 : vector<16xi32> to vector<32xbf16>
      %parallel_loop3A_1064 = arith.addf %parallel_loop3A_1054, %parallel_loop3A_1057 : vector<32xbf16>
      %parallel_loop3A_1065 = arith.addf %parallel_loop3A_1060, %parallel_loop3A_1063 : vector<32xbf16>
      %parallel_loop3A_1066 = arith.addf %parallel_loop3A_1064, %parallel_loop3A_1065 : vector<32xbf16>
      %parallel_loop3A_1067 = tpu.unpack_subelements %parallel_loop3A_1066, 0 {pack_format = #tpu.pack_format<interleaved>} : vector<32xbf16> -> vector<16xf32>
      %parallel_loop3A_1068 = tpu.unpack_subelements %parallel_loop3A_1066, 1 {pack_format = #tpu.pack_format<interleaved>} : vector<32xbf16> -> vector<16xf32>
      %parallel_loop3A_1069 = arith.index_cast %parallel_loop3A_981 : i32 to index
      %parallel_loop3A_1070 = arith.constant 64 : index
      %parallel_loop3A_1071 = tpu.vector_load %arg11[%parallel_loop3A_1069, %parallel_loop3A_1070] {strides = array<i32>} : memref<128x128xf32, #tpu.memory_space<vmem>>, vector<16xf32>,
      tpu.vector_store %arg11[%parallel_loop3A_1069, %parallel_loop3A_1070], %parallel_loop3A_1067 {strides = array<i32>} : memref<128x128xf32, #tpu.memory_space<vmem>>, vector<16xf32>,
      %parallel_loop3A_1072 = arith.index_cast %parallel_loop3A_981 : i32 to index
      %parallel_loop3A_1073 = arith.constant 80 : index
      %parallel_loop3A_1074 = tpu.vector_load %arg11[%parallel_loop3A_1072, %parallel_loop3A_1073] {strides = array<i32>} : memref<128x128xf32, #tpu.memory_space<vmem>>, vector<16xf32>,
      tpu.vector_store %arg11[%parallel_loop3A_1072, %parallel_loop3A_1073], %parallel_loop3A_1068 {strides = array<i32>} : memref<128x128xf32, #tpu.memory_space<vmem>>, vector<16xf32>,
      %parallel_loop3A_1075 = arith.constant 48 : i32
      %parallel_loop3A_1076 = vector.broadcast %parallel_loop3A_1075 : i32 to vector<16xi32>
      %parallel_loop3A_1077 = arith.addi %iota3A, %parallel_loop3A_1076 : vector<16xi32>
      %parallel_loop3A_1078 = arith.addi %parallel_loop3A_984, %parallel_loop3A_1077 : vector<16xi32>
      %parallel_loop3A_1079 = tpu.vector_load_idx %arg7[%parallel_loop3A_1078] : memref<28352xi32, #tpu.memory_space<vmem>>[vector<16xi32>], vector<16xi32>,
      %parallel_loop3A_1080 = vector.bitcast %parallel_loop3A_1079 : vector<16xi32> to vector<32xbf16>
      %parallel_loop3A_1081 = arith.addi %parallel_loop3A_988, %parallel_loop3A_1077 : vector<16xi32>
      %parallel_loop3A_1082 = tpu.vector_load_idx %arg7[%parallel_loop3A_1081] : memref<28352xi32, #tpu.memory_space<vmem>>[vector<16xi32>], vector<16xi32>,
      %parallel_loop3A_1083 = vector.bitcast %parallel_loop3A_1082 : vector<16xi32> to vector<32xbf16>
      %parallel_loop3A_1084 = arith.addi %parallel_loop3A_992, %parallel_loop3A_1077 : vector<16xi32>
      %parallel_loop3A_1085 = tpu.vector_load_idx %arg7[%parallel_loop3A_1084] : memref<28352xi32, #tpu.memory_space<vmem>>[vector<16xi32>], vector<16xi32>,
      %parallel_loop3A_1086 = vector.bitcast %parallel_loop3A_1085 : vector<16xi32> to vector<32xbf16>
      %parallel_loop3A_1087 = arith.addi %parallel_loop3A_996, %parallel_loop3A_1077 : vector<16xi32>
      %parallel_loop3A_1088 = tpu.vector_load_idx %arg7[%parallel_loop3A_1087] : memref<28352xi32, #tpu.memory_space<vmem>>[vector<16xi32>], vector<16xi32>,
      %parallel_loop3A_1089 = vector.bitcast %parallel_loop3A_1088 : vector<16xi32> to vector<32xbf16>
      %parallel_loop3A_1090 = arith.addf %parallel_loop3A_1080, %parallel_loop3A_1083 : vector<32xbf16>
      %parallel_loop3A_1091 = arith.addf %parallel_loop3A_1086, %parallel_loop3A_1089 : vector<32xbf16>
      %parallel_loop3A_1092 = arith.addf %parallel_loop3A_1090, %parallel_loop3A_1091 : vector<32xbf16>
      %parallel_loop3A_1093 = tpu.unpack_subelements %parallel_loop3A_1092, 0 {pack_format = #tpu.pack_format<interleaved>} : vector<32xbf16> -> vector<16xf32>
      %parallel_loop3A_1094 = tpu.unpack_subelements %parallel_loop3A_1092, 1 {pack_format = #tpu.pack_format<interleaved>} : vector<32xbf16> -> vector<16xf32>
      %parallel_loop3A_1095 = arith.index_cast %parallel_loop3A_981 : i32 to index
      %parallel_loop3A_1096 = arith.constant 96 : index
      %parallel_loop3A_1097 = tpu.vector_load %arg11[%parallel_loop3A_1095, %parallel_loop3A_1096] {strides = array<i32>} : memref<128x128xf32, #tpu.memory_space<vmem>>, vector<16xf32>,
      tpu.vector_store %arg11[%parallel_loop3A_1095, %parallel_loop3A_1096], %parallel_loop3A_1093 {strides = array<i32>} : memref<128x128xf32, #tpu.memory_space<vmem>>, vector<16xf32>,
      %parallel_loop3A_1098 = arith.index_cast %parallel_loop3A_981 : i32 to index
      %parallel_loop3A_1099 = arith.constant 112 : index
      %parallel_loop3A_1100 = tpu.vector_load %arg11[%parallel_loop3A_1098, %parallel_loop3A_1099] {strides = array<i32>} : memref<128x128xf32, #tpu.memory_space<vmem>>, vector<16xf32>,
      tpu.vector_store %arg11[%parallel_loop3A_1098, %parallel_loop3A_1099], %parallel_loop3A_1094 {strides = array<i32>} : memref<128x128xf32, #tpu.memory_space<vmem>>, vector<16xf32>,
    } {sc.loop_unroll_factor = 4 : i64, sc.parallel_access}
    %dma_start3A_969 = arith.constant 0 : i32
    %dma_start3A_970 = tpu.memref_slice %arg4[%add3A_270, %dma_start3A_969] : memref<100000x128xf32, #tpu.memory_space<hbm>> -> memref<128x128xf32, #tpu.memory_space<hbm>>
    %dma_start3A_971 = arith.constant 0 : i32
    %dma_start3A_972 = tpu.memref_slice %arg4[%add3A_270, %dma_start3A_971] : memref<100000x128xf32, #tpu.memory_space<hbm>> -> memref<128x128xf32, #tpu.memory_space<hbm>>
    tpu.enqueue_dma source(%arg11 : memref<128x128xf32, #tpu.memory_space<vmem>>) target(%dma_start3A_972 : memref<128x128xf32, #tpu.memory_space<hbm>>) target_semaphore(%arg14 : memref<!tpu.dma_semaphore, #tpu.memory_space<semaphore_mem>>)
    %dma_wait3A_973 = arith.constant 0 : i32
    %dma_wait3A_974 = tpu.memref_slice %arg4[%min3A_254, %dma_wait3A_973] : memref<100000x128xf32, #tpu.memory_space<hbm>> -> memref<128x128xf32, #tpu.memory_space<hbm>>
    %dma_wait3A_975 = arith.constant 0 : i32
    %dma_wait3A_976 = tpu.memref_slice %arg4[%min3A_254, %dma_wait3A_975] : memref<100000x128xf32, #tpu.memory_space<hbm>> -> memref<128x128xf32, #tpu.memory_space<hbm>>
    tpu.wait_dma2 semaphore(%arg14 : memref<!tpu.dma_semaphore, #tpu.memory_space<semaphore_mem>>) src(%arg11 : memref<128x128xf32, #tpu.memory_space<vmem>>) dst(%dma_wait3A_976 : memref<128x128xf32, #tpu.memory_space<hbm>>)
    %dma_wait3A_977 = arith.constant 0 : i32
    %dma_wait3A_978 = tpu.memref_slice %arg4[%min3A_254, %dma_wait3A_977] : memref<100000x128xf32, #tpu.memory_space<hbm>> -> memref<128x128xf32, #tpu.memory_space<hbm>>
    %dma_wait3A_979 = arith.constant 0 : i32
    %dma_wait3A_980 = tpu.memref_slice %arg4[%min3A_254, %dma_wait3A_979] : memref<100000x128xf32, #tpu.memory_space<hbm>> -> memref<128x128xf32, #tpu.memory_space<hbm>>
    tpu.wait_dma2 semaphore(%arg14 : memref<!tpu.dma_semaphore, #tpu.memory_space<semaphore_mem>>) src(%arg12 : memref<128x128xf32, #tpu.memory_space<vmem>>) dst(%dma_wait3A_980 : memref<128x128xf32, #tpu.memory_space<hbm>>)
    return
  }
}

</mosaic_0001>

<sc_bundles>
// kernel: kernel.3.cloned.1.call-start
scs
__scs_entry_jumppad:
0x0: {  	(pc) =	sbr.rel $0x88, $3  }
0x1: {  	(tag) =	ssettag $0x0;
	lr =	simm.s32 $0x1  }
0x2: {  	[smem:$0x3F97] =	sst lr;
	_ =	strace $0xD0000000  }
0x3: {  	_ = 	snop  }
0x4: {  	_ = 	snop  }
0x5: {  	_ = 	snop  }
0x6: {  	_ = 	snop  }
0x7: {  	_ = 	snop  }
__scs_overlays_trampoline_lowered:
0x8: {  	[smem:$0x3FA6] =	sst s0  }
0x9: {  	[smem:$0x3FA7] =	sst s1  }
0xa: {  	[smem:$0x3FA8] =	sst s2  }
0xb: {  	[smem:$0x3FA9] =	sst s3  }
0xc: {  	[smem:$0x3FAA] =	sst s4  }
0xd: {  	[smem:$0x3FAB] =	sst s5  }
0xe: {  	[smem:$0x3FAC] =	sst s6  }
0xf: {  	[smem:$0x3FAD] =	sst s7  }
0x10: {  	[smem:$0x3FAE] =	sst s8  }
0x11: {  	[smem:$0x3FAF] =	sst s9;
	s0 =	simm.s32 @!p0 $0x0  }
0x12: {  	s1 =	sld [smem:$0x3F95];
	s0 =	simm.s32 @p0 $0x1  }
0x13: {  	[smem:$0x3FB0] =	sst s0;
	s0 =	simm.s32 @!p1 $0x0  }
0x14: {  	s2 =	sld [smem:$0x3F94];
	s0 =	simm.s32 @p1 $0x1  }
0x15: {  	[smem:$0x3FB1] =	sst s0;
	s0 =	simm.s32 @!p2 $0x0  }
0x16: {  	s3 =	sld [smem:$0x3FDB];
	s0 =	simm.s32 @p2 $0x1  }
0x17: {  	s4 =	simm.s32 $0x1BF5;
	[smem:$0x3FB3] =	sst s0  }
0x18: {  	s0 =	sld [smem:$0x3F96];
	_ =	swait.ge [sflag:s4], $0x0  }
0x19: {  	s7 =	sld [smem:$0x3F97]  }
0x1a: {  	s8 =	sadd.s32 $0xFFFFE003, lr  }
0x1b: {  	s9 =	sadd.s32 $0xFFFFFEF7, lr;
	s5 =	simm.s32 $0xFFFFFFFF;
	p2 =	slt.u32 s8, $0xFFFFF086  }
0x1c: {  	p1 =	slt.u32 s9, $0xF7A;
	s5 =	simm.s32 @!p2 $0x0  }
0x1d: {  	s5 =	simm.s32 @p1 $0x1;
	p0 =	seq.s32 s7, s2  }
0x1e: {  	s7 =	smul.u32 @!p0 $0xF7A, s2;
	p2 =	seq.s32 @!p0 s5, $0x0  }
0x1f: {  	s9 =	smul.u32 $0xF7A, s1;
	s8 =	simm.s32 @!p0 $0x1BF5;
	p2 =	por !p2, p0  }
0x20: {  	[sflag:s8] =	ssyncset.s32 @!p0 $0xFFFFF086;
	s6 =	sadd.s32 @!p0 s3, s7;
	s7 =	simm.s32 @!p0 $0x108  }
0x21: {  	s3 =	sadd.s32 s3, s9;
	s6 =	sadd.s32 @!p0 $0x88, s6;
	s7 =	simm.s32 @p2 $0x1082  }
0x22: {  	[simem:s7], [sflag:s8] =	dma.local @!p0 [hbm:s6], $0xF7A  }
0x23: {  	s9 =	sor.u32 $0xD0000000, s2;
	s6 =	simm.s32 $0x108;
	_ =	swait.ge @!p0 [sflag:s8], $0x0  }
0x24: {  	s3 =	sadd.s32 $0x88, s3;
	s6 =	simm.s32 @!p1 $0x1082;
	[sflag:s4] =	ssyncset.s32 $0xFFFFF086  }
0x25: {  	[simem:s6], [sflag:s4] =	dma.local [hbm:s3], $0xF7A  }
0x26: {  	[smem:$0x3F97] =	sst s1;
	(tag) =	ssettag s2;
	_ =	strace s9  }
0x27: {  	s1 =	sld [smem:$0x3FA7]  }
0x28: {  	s2 =	sld [smem:$0x3FA8]  }
0x29: {  	s4 =	sld [smem:$0x3FAA]  }
0x2a: {  	p0 =	seq.s32 s5, $0x0;
	s5 =	sld [smem:$0x3FAB]  }
0x2b: {  	s6 =	sld [smem:$0x3FAC]  }
0x2c: {  	s7 =	sld [smem:$0x3FAD]  }
0x2d: {  	s3 =	simm.s32 $0x108;
	s8 =	sld [smem:$0x3FAE]  }
0x2e: {  	s3 =	simm.s32 @!p0 $0x1082;
	s9 =	sld [smem:$0x3FAF]  }
0x2f: {  	lr =	sadd.s32 s0, s3;
	s0 =	sld [smem:$0x3FA6]  }
0x30: {  	s3 =	sld [smem:$0x3FA9]  }
0x31: {  	[smem:$0x3FB2] =	sst s10  }
0x32: {  	s10 =	sld [smem:$0x3FB0];
	_ =	sdelay $0x3  }
0x33: {  	p0 =	seq.s32 s10, $0x1;
	s10 =	sld [smem:$0x3FB2];
	_ =	sdelay $0x3  }
0x34: {  	[smem:$0x3FB2] =	sst s10  }
0x35: {  	s10 =	sld [smem:$0x3FB1];
	_ =	sdelay $0x3  }
0x36: {  	p1 =	seq.s32 s10, $0x1;
	s10 =	sld [smem:$0x3FB2];
	_ =	sdelay $0x3  }
0x37: {  	[smem:$0x3FB2] =	sst s10  }
0x38: {  	s10 =	sld [smem:$0x3FB3]  }
0x39: {  	_ = 	snop;
	(pc) =	sbr.ind lr, $3  }
0x3a: {  	_ = 	snop  }
0x3b: {  	_ = 	snop  }
0x3c: {  	p2 =	seq.s32 s10, $0x1;
	s10 =	sld [smem:$0x3FB2]  }
0x3d: {  	_ =	shalt  }
0x3e: {  	_ =	shalt  }
0x3f: {  	_ =	shalt  }
0x40: {  	_ =	shalt  }
0x41: {  	_ =	shalt  }
0x42: {  	_ =	shalt  }
0x43: {  	_ =	shalt  }
0x44: {  	_ =	shalt  }
0x45: {  	_ =	shalt  }
0x46: {  	_ =	shalt  }
0x47: {  	_ =	shalt  }
0x48: {  	_ =	shalt  }
0x49: {  	_ =	shalt  }
0x4a: {  	_ =	shalt  }
0x4b: {  	_ =	shalt  }
0x4c: {  	_ =	shalt  }
0x4d: {  	_ =	shalt  }
0x4e: {  	_ =	shalt  }
0x4f: {  	_ =	shalt  }
0x50: {  	_ =	shalt  }
0x51: {  	_ =	shalt  }
0x52: {  	_ =	shalt  }
0x53: {  	_ =	shalt  }
0x54: {  	_ =	shalt  }
0x55: {  	_ =	shalt  }
0x56: {  	_ =	shalt  }
0x57: {  	_ =	shalt  }
0x58: {  	_ =	shalt  }
0x59: {  	_ =	shalt  }
0x5a: {  	_ =	shalt  }
0x5b: {  	_ =	shalt  }
0x5c: {  	_ =	shalt  }
0x5d: {  	_ =	shalt  }
0x5e: {  	_ =	shalt  }
0x5f: {  	_ =	shalt  }
0x60: {  	_ =	shalt  }
0x61: {  	_ =	shalt  }
0x62: {  	_ =	shalt  }
0x63: {  	_ =	shalt  }
0x64: {  	_ =	shalt  }
0x65: {  	_ =	shalt  }
0x66: {  	_ =	shalt  }
0x67: {  	_ =	shalt  }
0x68: {  	_ =	shalt  }
0x69: {  	_ =	shalt  }
0x6a: {  	_ =	shalt  }
0x6b: {  	_ =	shalt  }
0x6c: {  	_ =	shalt  }
0x6d: {  	_ =	shalt  }
0x6e: {  	_ =	shalt  }
0x6f: {  	_ =	shalt  }
0x70: {  	_ =	shalt  }
0x71: {  	_ =	shalt  }
0x72: {  	_ =	shalt  }
0x73: {  	_ =	shalt  }
0x74: {  	_ =	shalt  }
0x75: {  	_ =	shalt  }
0x76: {  	_ =	shalt  }
0x77: {  	_ =	shalt  }
0x78: {  	_ =	shalt  }
0x79: {  	_ =	shalt  }
0x7a: {  	_ =	shalt  }
0x7b: {  	_ =	shalt  }
0x7c: {  	_ =	shalt  }
0x7d: {  	_ =	shalt  }
0x7e: {  	_ =	shalt  }
0x7f: {  	_ =	shalt  }
0x80: {  	_ =	shalt  }
0x81: {  	_ =	shalt  }
0x82: {  	_ =	shalt  }
0x83: {  	_ =	shalt  }
0x84: {  	_ =	shalt  }
0x85: {  	_ =	shalt  }
0x86: {  	_ =	shalt  }
0x87: {  	_ =	shalt  }
.Lfunc_end0:
.L_simem_size_0:
called_computation_lowered:
.L_overlay_start_0:
0x88: {  	s2 =	sld [smem:$0x3FD9]  }
0x89: {  	s3 =	sld [smem:$0x3FFE];
	_ =	sdelay $0x1  }
0x8a: {  	s1 =	srdreg.scid  }
0x8b: {  	s0 =	sand.u32 $0x1, s1  }
0x8c: {  	s17 =	sshll.u32 s0, $0xA;
	s2 =	sadd.s32 s3, s2  }
0x8d: {  	s2 =	sadd.s32 s2, s17  }
0x8e: {  	[smem:$0x3FBE] =	sst s2  }
0x8f: {  	_ = 	snop  }
0x90: {  	s2 =	sld [smem:$0x3FD0];
	(tm) =	ssettm $0x1  }
0x91: {  	s18 =	sld [smem:$0x3FFB];
	_ =	sdelay $0x3  }
0x92: {  	_ =	strace s18  }
0x93: {  	s3 =	sld [smem:$0x3FFC];
	_ =	sdelay $0x3  }
0x94: {  	_ =	strace s3  }
0x95: {  	s3 =	sld [smem:$0x3FFD];
	_ =	sdelay $0x3  }
0x96: {  	_ =	strace s3  }
0x97: {  	_ =	strace $0x8FFFFFFF  }
0x98: {  	s19 =	sld [smem:$0x3FDB];
	_ =	sdelay $0x1  }
0x99: {  	s4 =	simm.s32 $_scs_section_size  }
0x9a: {  	s5 =	simm.s32 $_size__tile_overlayer_lowered;
	s6 =	simm.s32 $_tile_overlayer_lowered  }
0x9b: {  	s22 =	simm.s32 $0x1BFF;
	s21 =	sshll.u32 s6, $0x1;
	s3 =	sadd.s32 s4, s19  }
0x9c: {  	s7 =	simm.s32 $0x0;
	s20 =	sshll.u32 s5, $0x1;
	s5 =	sadd.s32 s21, s3  }
0x9d: {  	[timem:s7], [sflag:s22] =	dma.local [hbm:s5], s20  }
0x9e: {  	_ =	swait.ge [sflag:s22], s20  }
0x9f: {  	s4 =	ssub.s32 $0x0, s20;
	[sflag:s22] =	ssyncset.done $0x0  }
0xa0: {  	[sflag:s22] =	ssyncadd.s32 s4;
	_ =	sdelay $0x1  }
0xa1: {  	s23 =	simm.s32 $0x1B8B  }
0xa2: {  	_ =	swait.ge [sflag:s23], $0x1  }
0xa3: {  	[sflag:s23] =	ssyncset.done $0x0  }
0xa4: {  	s25 =	simm.s32 $0x1B8E;
	s24 =	sld [smem:$0x3FFE];
	[sflag:s23] =	ssyncadd.s32 $0xFFFFFFFF  }
0xa5: {  	s26 =	simm.s32 $execute0_lowered;
	[smem:$0x3FD2] =	sst s25  }
0xa6: {  	s5 =	sshll.u32 s26, $0x1;
	_ =	strace $0x80000046;
	[dreg:$0x1] =	wrdreg $0xFFFFFFFF  }
0xa7: {  	s28 =	simm.s32 $_size_execute0_lowered;
	s3 =	sadd.s32 s3, s5;
	[dreg:$0x0] =	wrdreg $0x0  }
0xa8: {  	s5 =	sshll.u32 s28, $0x1;
	[dreg:$0x2] =	wrdreg s3  }
0xa9: {  	[dreg:$0x3] =	wrdreg s5  }
0xaa: {  	[dreg:$0x4] =	wrdreg $0xC0  }
0xab: {  	_ =	task [dreg:s7], $0x5FFFF  }
0xac: {  	[dreg:$0x1] =	wrdreg $0xFFFFFFFF  }
0xad: {  	[dreg:$0x0] =	wrdreg $0x60  }
0xae: {  	[dreg:$0x2] =	wrdreg s24  }
0xaf: {  	[dreg:$0x3] =	wrdreg s2  }
0xb0: {  	[dreg:$0x4] =	wrdreg $0x9  }
0xb1: {  	_ =	task.clear_ibuf [dreg:s7], $0x5FFFF;
	_ =	strace $0x90000046  }
0xb2: {  	s29 =	simm.s32 $0x9;
	_ =	strace $0x80000048  }
0xb3: {  	_ =	swait.ge [sflag:s29], $0x1  }
0xb4: {  	[sflag:s29] =	ssyncadd.s32 $0xFFFFFFFF  }
0xb5: {  	_ =	strace $0x90000048  }
0xb6: {  	_ =	sfence  }
0xb7: {  	s30 =	sld [smem:$0x0];
	_ =	sdelay $0x2  }
0xb8: {  	s31 =	sshll.u32 s1, $0xD;
	s1 =	sshrl.u32 s1, $0x2  }
0xb9: {  	s3 =	sand.u32 $0x4000, s31;
	s1 =	sadd.s32 s1, s30  }
0xba: {  	s0 =	sor.u32 s3, s0;
	s1 =	sshll.u32 s1, $0x11  }
0xbb: {  	s0 =	sor.u32 s1, s0  }
0xbc: {  	s0 =	sadd.s32 $0x8F2B, s0  }
0xbd: {  	[sflag:s0] =	ssyncadd.remote.s32 $0x1  }
0xbe: {  	_ =	sfence.sel $0xFFFF  }
0xbf: {  	[dreg:$0x0] =	wrdreg $0xFFFFFFFF;
	(pc) =	sbr.abs _section_cstart, $3  }
0xc0: {  	[dreg:$0x1] =	wrdreg $0xFFFFFFFF  }
0xc1: {  	_ =	task.clear_ibuf [dreg:s7], $0x2FFFF;
	_ =	strace $0x9FFFFFFF  }
0xc2: {  	(tm) =	ssettm $0x7FFFFFFF  }
0xc3: {  	_ =	shalt  }
tec
execute0_lowered:
.L_overlay_start_1:
0x0: {  	(tag) =	ssettag $0x1  }
0x1: {  	s0 =	srdreg.scid;
	s5 =	rddreg [dreg:$0x0]  }
0x2: {  	s1 =	stileid.u32;
	s2 =	rddreg [dreg:$0x1];
	s3 =	simm.s32 $0x0  }
0x3: {  	s10 =	simm.s32 $0x3;
	s11 =	simm.s32 $0xDA00;
	s12 =	simm.s32 $0xDE00  }
0x4: {  	s13 =	simm.s32 $0x1;
	s14 =	simm.s32 $0xE200;
	s15 =	simm.s32 $0xE600  }
0x5: {  	s16 =	simm.s32 $0xEA00;
	s17 =	simm.s32 $0x6B00;
	s18 =	simm.s32 $0xEC00  }
0x6: {  	s19 =	simm.s32 $0x12C00;
	s0 =	sand.u32 $0x1, s0;
	s1 =	sshll.u32 s1, $0x1  }
0x7: {  	s20 =	simm.s32 $0x2;
	s21 =	simm.s32 $0x0;
	s1 =	sor.u32 s0, s1  }
0x8: {  	[smem:$0x7FF] =	sst s3;
	s0 =	ssub.s32 $0x2, s0;
	s6 =	smul.u32 $0xC80, s1  }
0x9: {  	_ =	strace $0x80000047;
	p0 =	seq.s32 s1, $0x1F;
	s31 =	sshrl.u32 s0, $0x1  }
0xa: {  	s0 =	ssub.s32 s0, s31;
	s4 =	smin.u32 s6, $0x17A20;
	s6 =	simm.s32 @p0 $0x19000  }
0xb: {  	s30 =	sadd.s32 s6, s5;
	s5 =	sadd.s32 $0x35000, s5;
	s7 =	sshll.u32 s4, $0x4  }
0xc: {  	v0 =	vlaneseq.u32;
	s8 =	smax.u32 s0, $0x1;
	[dreg:$0x3] =	wrdreg s5;
	s7 =	sadd.s32 s7, s2  }
0xd: {  	v1 =	vor.u32 $0x10, v0;
	v2 =	vor.u32 $0x20, v0;
	v3 =	vor.u32 $0x30, v0;
	s6 =	sadd.s32 $0x1600, s30;
	s9 =	sadd.s32 $0x1680, s30;
	s7 =	sadd.s32 $0xC000, s7  }
.LBB2_1:
0xe: {  	s0 =	rddreg [dreg:$0x3]  }
0xf: {  	[tilespmem:s3], [sflag:$0x3] =	stream.linear.gather [hbm4b:s0+s3], $0x5700, $0x38;
	[tilespmem:$0x16C00] =	vst v63  }
0x10: {  	_ =	swait.ge [sflag:s10], $0x5700  }
0x11: {  	[sflag:s10] =	ssyncset.done $0x0  }
0x12: {  	s29 =	simm.s32 $0x80;
	[sflag:s10] =	ssyncadd.s32 $0xFFFFA900  }
0x13: {  	v4 =	vld [tilespmem:s29+$0x0]  }
0x14: {  	v5 =	vld [tilespmem:s29+$0x10];
	_ =	sdelay $0x2  }
0x15: {  	v6 =	vld [tilespmem:s29+$0xFFFFFF90]  }
0x16: {  	v7 =	vld [tilespmem:s29+$0xFFFFFF80]  }
0x17: {  	s22 =	simm.s32 $0x6B20;
	v4 =	vpack.i.f32.bf16 v5, v4  }
0x18: {  	[tilespmem:s22+$0x20] =	vst v4  }
0x19: {  	v4 =	vld [tilespmem:s29+$0x20]  }
0x1a: {  	v5 =	vld [tilespmem:s29+$0x30]  }
0x1b: {  	v6 =	vpack.i.f32.bf16 v6, v7  }
0x1c: {  	[tilespmem:s22+$0xFFFFFFE0] =	vst v6  }
0x1d: {  	v6 =	vld [tilespmem:s29+$0xFFFFFFA0]  }
0x1e: {  	s1 =	simm.s32 $0x40;
	s23 =	simm.s32 $0x180;
	v7 =	vld [tilespmem:s29+$0xFFFFFFB0]  }
0x1f: {  	s31 =	sor.u32 $0x50, s1;
	v4 =	vpack.i.f32.bf16 v5, v4;
	v5 =	vld [tilespmem:s23+$0x0]  }
0x20: {  	[tilespmem:s31+$0x6B00] =	vst v4;
	v4 =	vld [tilespmem:s23+$0x10]  }
0x21: {  	v8 =	vld [tilespmem:s29+$0x40]  }
0x22: {  	v9 =	vld [tilespmem:s29+$0x50]  }
0x23: {  	v6 =	vpack.i.f32.bf16 v7, v6;
	v7 =	vld [tilespmem:s23+$0xFFFFFF90]  }
0x24: {  	[tilespmem:s22+$0xFFFFFFF0] =	vst v6;
	v6 =	vld [tilespmem:s23+$0xFFFFFF80]  }
0x25: {  	s0 =	simm.s32 $0x6BA0;
	v10 =	vld [tilespmem:s29+$0xFFFFFFD0];
	v4 =	vpack.i.f32.bf16 v4, v5  }
0x26: {  	v5 =	vld [tilespmem:s29+$0xFFFFFFC0];
	[tilespmem:s0+$0x20] =	vst v4  }
0x27: {  	s24 =	sor.u32 $0x60, s1;
	v4 =	vpack.i.f32.bf16 v9, v8;
	v11 =	vld [tilespmem:s23+$0x20]  }
0x28: {  	v12 =	vld [tilespmem:s23+$0x30];
	[tilespmem:s24+$0x6B00] =	vst v4  }
0x29: {  	v6 =	vpack.i.f32.bf16 v7, v6;
	v4 =	vld [tilespmem:s29+$0x60]  }
0x2a: {  	[tilespmem:s0+$0xFFFFFFE0] =	vst v6;
	v6 =	vld [tilespmem:s29+$0x70]  }
0x2b: {  	v8 =	vld [tilespmem:s23+$0xFFFFFFA0];
	v5 =	vpack.i.f32.bf16 v10, v5  }
0x2c: {  	v9 =	vld [tilespmem:s23+$0xFFFFFFB0];
	[tilespmem:s22+$0x0] =	vst v5  }
0x2d: {  	s24 =	simm.s32 $0xC0;
	v5 =	vld [tilespmem:s29+$0xFFFFFFE0]  }
0x2e: {  	s25 =	simm.s32 $0x2;
	s26 =	simm.s32 $0x280;
	s28 =	sor.u32 $0x50, s24;
	v10 =	vpack.i.f32.bf16 v12, v11;
	v7 =	vld [tilespmem:s29+$0xFFFFFFF0]  }
.LBB2_2:
0x2f: {  	v11 =	vld [tilespmem:s26+$0x0];
	[tilespmem:s28+$0x6B00] =	vst v10;
	v4 =	vpack.i.f32.bf16 v6, v4;
	s28 =	sor.u32 $0x70, s1;
	s1 =	smov.u32 s24  }
0x30: {  	v6 =	vld [tilespmem:s26+$0x10];
	[tilespmem:s28+$0x6B00] =	vst v4  }
0x31: {  	v4 =	vpack.i.f32.bf16 v9, v8;
	v8 =	vld [tilespmem:s23+$0x40]  }
0x32: {  	[tilespmem:s0+$0xFFFFFFF0] =	vst v4;
	v4 =	vld [tilespmem:s23+$0x50]  }
0x33: {  	v9 =	vld [tilespmem:s26+$0xFFFFFF90];
	v5 =	vpack.i.f32.bf16 v7, v5  }
0x34: {  	v7 =	vld [tilespmem:s26+$0xFFFFFF80];
	[tilespmem:s22+$0x10] =	vst v5;
	s22 =	smov.u32 s0  }
0x35: {  	s25 =	sadd.s32 $0x2, s25;
	s0 =	sadd.s32 $0x80, s0;
	v5 =	vpack.i.f32.bf16 v6, v11;
	v10 =	vld [tilespmem:s23+$0xFFFFFFC0]  }
0x36: {  	p0 =	slt.u32 s25, $0x74;
	[tilespmem:s0+$0x20] =	vst v5;
	v5 =	vld [tilespmem:s23+$0xFFFFFFD0]  }
0x37: {  	s28 =	sor.u32 $0x60, s24;
	v11 =	vld [tilespmem:s26+$0x20];
	v4 =	vpack.i.f32.bf16 v4, v8  }
0x38: {  	v12 =	vld [tilespmem:s26+$0x30];
	[tilespmem:s28+$0x6B00] =	vst v4  }
0x39: {  	v6 =	vpack.i.f32.bf16 v9, v7;
	v4 =	vld [tilespmem:s23+$0x60]  }
.Ltmp0:
0x3a: {  	[tilespmem:s0+$0xFFFFFFE0] =	vst v6;
	v6 =	vld [tilespmem:s23+$0x70];
	(pc) =	sbr.rel @p0 .LBB2_2-.Ltmp0, $4  }
0x3b: {  	v8 =	vld [tilespmem:s26+$0xFFFFFFA0];
	v5 =	vpack.i.f32.bf16 v5, v10  }
0x3c: {  	v9 =	vld [tilespmem:s26+$0xFFFFFFB0];
	[tilespmem:s22+$0x0] =	vst v5  }
0x3d: {  	s24 =	sadd.s32 $0x80, s24;
	v5 =	vld [tilespmem:s23+$0xFFFFFFE0]  }
0x3e: {  	s28 =	sor.u32 $0x50, s24;
	v10 =	vpack.i.f32.bf16 v12, v11;
	v7 =	vld [tilespmem:s23+$0xFFFFFFF0];
	s23 =	smov.u32 s26;
	s26 =	sadd.s32 $0x100, s26  }
0x3f: {  	_ = 	snop  }
0x40: {  	[tilespmem:s28+$0x6B00] =	vst v10  }
0x41: {  	v52 =	vld [tilespmem:s23+$0x40];
	v8 =	vpack.i.f32.bf16 v9, v8  }
0x42: {  	v53 =	vld [tilespmem:s23+$0x50];
	[tilespmem:s0+$0xFFFFFFF0] =	vst v8  }
0x43: {  	v54 =	vld [tilespmem:s23+$0xFFFFFFC0]  }
0x44: {  	v11 =	vld [tilespmem:s23+$0xFFFFFFD0];
	_ =	sdelay $0x2  }
0x45: {  	s25 =	sor.u32 $0x60, s24;
	v8 =	vpack.i.f32.bf16 v53, v52  }
0x46: {  	[tilespmem:s25+$0x6B00] =	vst v8  }
0x47: {  	v8 =	vld [tilespmem:s23+$0x60];
	v55 =	vpack.i.f32.bf16 v11, v54  }
0x48: {  	v56 =	vld [tilespmem:s23+$0x70];
	[tilespmem:s0+$0x0] =	vst v55  }
0x49: {  	v9 =	vld [tilespmem:s23+$0xFFFFFFE0]  }
0x4a: {  	v57 =	vld [tilespmem:s23+$0xFFFFFFF0];
	_ =	sdelay $0x1  }
0x4b: {  	v4 =	vpack.i.f32.bf16 v6, v4;
	s1 =	sor.u32 $0x70, s1  }
0x4c: {  	[tilespmem:s1+$0x6B00] =	vst v4;
	v4 =	vpack.i.f32.bf16 v7, v5  }
0x4d: {  	s31 =	sor.u32 $0x70, s24;
	[tilespmem:s22+$0x10] =	vst v4;
	v4 =	vpack.i.f32.bf16 v56, v8  }
0x4e: {  	[tilespmem:s31+$0x6B00] =	vst v4;
	v4 =	vpack.i.f32.bf16 v57, v9  }
0x4f: {  	[tilespmem:s0+$0x10] =	vst v4  }
0x50: {  	v4 =	vld [tilespmem:$0x3B00]  }
0x51: {  	v5 =	vld [tilespmem:$0x3B10]  }
0x52: {  	v58 =	vld [tilespmem:$0x3B20]  }
0x53: {  	v59 =	vld [tilespmem:$0x3B30]  }
0x54: {  	v60 =	vld [tilespmem:$0x3B40]  }
0x55: {  	v61 =	vld [tilespmem:$0x3B50]  }
0x56: {  	v62 =	vld [tilespmem:$0x3B60]  }
0x57: {  	v63 =	vld [tilespmem:$0x3B70];
	_ =	sdelay $0x1  }
0x58: {  	v4 =	vpack.i.f32.bf16 v5, v4  }
0x59: {  	[tilespmem:$0x8880] =	vst v4;
	v4 =	vpack.i.f32.bf16 v59, v58  }
0x5a: {  	[tilespmem:$0x8890] =	vst v4;
	v4 =	vpack.i.f32.bf16 v61, v60  }
0x5b: {  	[tilespmem:$0x88A0] =	vst v4;
	v4 =	vpack.i.f32.bf16 v63, v62  }
0x5c: {  	s24 =	simm.s32 $0x8930;
	s22 =	simm.s32 $0x0;
	s23 =	simm.s32 $0x1DC0;
	[tilespmem:$0x88B0] =	vst v4  }
.LBB2_4:
0x5d: {  	s0 =	sshll.u32 s22, $0x7  }
0x5e: {  	s25 =	sand.u32 $0x3FFFFF80, s0  }
0x5f: {  	v4 =	vld [tilespmem:s25+$0x3B80]  }
0x60: {  	s0 =	simm.s32 $0x3EF0;
	v5 =	vld [tilespmem:s25+$0x3B90]  }
0x61: {  	v6 =	vld [tilespmem:s0+$0xFFFFFF90]  }
0x62: {  	v7 =	vld [tilespmem:s0+$0xFFFFFFA0];
	_ =	sdelay $0x2  }
0x63: {  	v8 =	vld [tilespmem:s0+$0xFFFFFF10]  }
0x64: {  	v9 =	vld [tilespmem:s0+$0xFFFFFF20]  }
0x65: {  	v6 =	vadd.f32 v6, v4;
	v7 =	vadd.f32 v7, v5;
	_ =	sdelay $0x1  }
0x66: {  	v6 =	vpack.i.f32.bf16 v7, v6  }
0x67: {  	[tilespmem:s24+$0xFFFFFFD0] =	vst v6  }
0x68: {  	v4 =	vadd.f32 v8, v4;
	v5 =	vadd.f32 v9, v5;
	v6 =	vld [tilespmem:s25+$0x3BA0]  }
0x69: {  	v7 =	vld [tilespmem:s0+$0xFFFFFFB0]  }
0x6a: {  	v4 =	vpack.i.f32.bf16 v5, v4;
	v5 =	vld [tilespmem:s25+$0x3BB0]  }
0x6b: {  	[tilespmem:s24+$0xFFFFFF90] =	vst v4;
	v4 =	vld [tilespmem:s0+$0xFFFFFFC0]  }
0x6c: {  	v8 =	vld [tilespmem:s25+$0x3BA0]  }
0x6d: {  	v9 =	vld [tilespmem:s0+$0xFFFFFF30]  }
0x6e: {  	v10 =	vld [tilespmem:s25+$0x3BB0]  }
0x6f: {  	v11 =	vld [tilespmem:s0+$0xFFFFFF40]  }
0x70: {  	v6 =	vadd.f32 v7, v6;
	v4 =	vadd.f32 v4, v5;
	_ =	sdelay $0x1  }
0x71: {  	v4 =	vpack.i.f32.bf16 v4, v6  }
0x72: {  	[tilespmem:s24+$0xFFFFFFE0] =	vst v4  }
0x73: {  	v5 =	vadd.f32 v11, v10;
	v4 =	vadd.f32 v9, v8;
	v6 =	vld [tilespmem:s25+$0x3BC0]  }
0x74: {  	v7 =	vld [tilespmem:s0+$0xFFFFFFD0]  }
0x75: {  	s1 =	sor.u32 $0x50, s23;
	v4 =	vpack.i.f32.bf16 v5, v4;
	v5 =	vld [tilespmem:s25+$0x3BD0]  }
0x76: {  	s26 =	simm.s32 $0x3FF0;
	[tilespmem:s1+$0x6B00] =	vst v4;
	v4 =	vld [tilespmem:s0+$0xFFFFFFE0]  }
0x77: {  	v12 =	vld [tilespmem:s26+$0xFFFFFF90]  }
0x78: {  	v10 =	vld [tilespmem:s25+$0x3B80]  }
0x79: {  	v11 =	vld [tilespmem:s25+$0x3B90]  }
0x7a: {  	v8 =	vld [tilespmem:s25+$0x3BC0]  }
0x7b: {  	v9 =	vld [tilespmem:s0+$0xFFFFFF50];
	v6 =	vadd.f32 v7, v6;
	v4 =	vadd.f32 v4, v5  }
0x7c: {  	v5 =	vld [tilespmem:s26+$0xFFFFFFA0]  }
0x7d: {  	v7 =	vld [tilespmem:s26+$0xFFFFFF10];
	v4 =	vpack.i.f32.bf16 v4, v6  }
0x7e: {  	v6 =	vld [tilespmem:s26+$0xFFFFFF20];
	[tilespmem:s24+$0xFFFFFFF0] =	vst v4  }
0x7f: {  	v13 =	vld [tilespmem:s25+$0x3BE0]  }
0x80: {  	v14 =	vld [tilespmem:s0+$0xFFFFFFF0]  }
0x81: {  	v4 =	vadd.f32 v12, v10;
	v63 =	vld [tilespmem:s25+$0x3BF0];
	v5 =	vadd.f32 v5, v11  }
0x82: {  	v15 =	vld [tilespmem:s0+$0x0]  }
0x83: {  	s28 =	sadd.s32 $0x80, s24;
	v4 =	vpack.i.f32.bf16 v5, v4;
	v5 =	vld [tilespmem:s25+$0x3BD0]  }
0x84: {  	[tilespmem:s28+$0xFFFFFFD0] =	vst v4;
	v4 =	vld [tilespmem:s0+$0xFFFFFF60]  }
0x85: {  	v7 =	vadd.f32 v7, v10;
	v6 =	vadd.f32 v6, v11;
	v10 =	vld [tilespmem:s25+$0x3BA0]  }
0x86: {  	v11 =	vld [tilespmem:s26+$0xFFFFFFB0]  }
0x87: {  	v6 =	vpack.i.f32.bf16 v6, v7;
	v7 =	vld [tilespmem:s25+$0x3BB0]  }
0x88: {  	[tilespmem:s28+$0xFFFFFF90] =	vst v6;
	v6 =	vld [tilespmem:s26+$0xFFFFFFC0]  }
0x89: {  	v8 =	vadd.f32 v9, v8;
	v9 =	vld [tilespmem:s25+$0x3BA0];
	v4 =	vadd.f32 v4, v5  }
0x8a: {  	v5 =	vld [tilespmem:s26+$0xFFFFFF30]  }
0x8b: {  	s5 =	sor.u32 $0x60, s23;
	v4 =	vpack.i.f32.bf16 v4, v8;
	v8 =	vld [tilespmem:s25+$0x3BB0]  }
0x8c: {  	[tilespmem:s5+$0x6B00] =	vst v4;
	v4 =	vld [tilespmem:s26+$0xFFFFFF40]  }
0x8d: {  	v10 =	vadd.f32 v11, v10;
	v6 =	vadd.f32 v6, v7;
	v11 =	vld [tilespmem:s25+$0x3BE0]  }
0x8e: {  	v16 =	vld [tilespmem:s0+$0xFFFFFF70]  }
0x8f: {  	v6 =	vpack.i.f32.bf16 v6, v10;
	v10 =	vld [tilespmem:s25+$0x3BF0]  }
0x90: {  	v17 =	vld [tilespmem:s0+$0xFFFFFF80];
	[tilespmem:s28+$0xFFFFFFE0] =	vst v6  }
0x91: {  	v6 =	vadd.f32 v5, v9;
	v5 =	vld [tilespmem:s26+$0xFFFFFFD0];
	v7 =	vadd.f32 v4, v8  }
0x92: {  	s29 =	sadd.s32 $0x80, s23;
	v12 =	vadd.f32 v15, v63;
	v9 =	vld [tilespmem:s26+$0xFFFFFFE0];
	v8 =	vadd.f32 v14, v13  }
0x93: {  	s5 =	sor.u32 $0x50, s29;
	v4 =	vld [tilespmem:s25+$0x3BC0];
	v6 =	vpack.i.f32.bf16 v7, v6  }
0x94: {  	v7 =	vld [tilespmem:s25+$0x3BD0];
	[tilespmem:s5+$0x6B00] =	vst v6;
	v6 =	vpack.i.f32.bf16 v12, v8  }
0x95: {  	s31 =	smov.u32 s23;
	v10 =	vadd.f32 v17, v10;
	v8 =	vld [tilespmem:s25+$0x3BC0];
	[tilespmem:s24+$0x0] =	vst v6;
	v6 =	vadd.f32 v16, v11  }
0x96: {  	s30 =	smov.u32 s28;
	s1 =	simm.s32 $0x3FF0;
	s0 =	simm.s32 $0x2;
	v11 =	vld [tilespmem:s26+$0xFFFFFF50]  }
.LBB2_5:
0x97: {  	v12 =	vld [tilespmem:s25+$0x3B80];
	v6 =	vpack.i.f32.bf16 v10, v6;
	s5 =	sor.u32 $0x70, s31;
	s31 =	smov.u32 s29  }
0x98: {  	s26 =	sadd.s32 $0x100, s26;
	v10 =	vld [tilespmem:s25+$0x3B90];
	[tilespmem:s5+$0x6B00] =	vst v6  }
0x99: {  	v4 =	vadd.f32 v5, v4;
	v6 =	vld [tilespmem:s26+$0xFFFFFF90];
	v5 =	vadd.f32 v9, v7  }
0x9a: {  	v7 =	vld [tilespmem:s26+$0xFFFFFFA0]  }
0x9b: {  	v9 =	vld [tilespmem:s26+$0xFFFFFF10];
	v8 =	vadd.f32 v11, v8;
	v4 =	vpack.i.f32.bf16 v5, v4  }
0x9c: {  	v5 =	vld [tilespmem:s26+$0xFFFFFF20];
	[tilespmem:s28+$0xFFFFFFF0] =	vst v4  }
0x9d: {  	v4 =	vld [tilespmem:s25+$0x3BE0]  }
0x9e: {  	v11 =	vld [tilespmem:s1+$0xFFFFFFF0]  }
0x9f: {  	v6 =	vadd.f32 v6, v12;
	v7 =	vadd.f32 v7, v10;
	v13 =	vld [tilespmem:s25+$0x3BF0]  }
0xa0: {  	v9 =	vadd.f32 v9, v12;
	v12 =	vld [tilespmem:s1+$0x0]  }
0xa1: {  	s28 =	sadd.s32 $0x80, s28;
	v5 =	vadd.f32 v5, v10;
	v6 =	vpack.i.f32.bf16 v7, v6;
	v7 =	vld [tilespmem:s25+$0x3BD0]  }
0xa2: {  	[tilespmem:s28+$0xFFFFFFD0] =	vst v6;
	v6 =	vld [tilespmem:s1+$0xFFFFFF60]  }
0xa3: {  	s0 =	sadd.s32 $0x2, s0;
	v5 =	vpack.i.f32.bf16 v5, v9;
	v9 =	vld [tilespmem:s25+$0x3BA0]  }
0xa4: {  	p0 =	slt.u32 s0, $0xA;
	[tilespmem:s28+$0xFFFFFF90] =	vst v5;
	v5 =	vld [tilespmem:s26+$0xFFFFFFB0]  }
0xa5: {  	v4 =	vadd.f32 v11, v4;
	v10 =	vld [tilespmem:s25+$0x3BB0];
	v11 =	vadd.f32 v12, v13  }
0xa6: {  	v12 =	vld [tilespmem:s26+$0xFFFFFFC0]  }
0xa7: {  	v13 =	vld [tilespmem:s25+$0x3BA0];
	v6 =	vadd.f32 v6, v7;
	v4 =	vpack.i.f32.bf16 v11, v4  }
0xa8: {  	v7 =	vld [tilespmem:s26+$0xFFFFFF30];
	[tilespmem:s30+$0x0] =	vst v4;
	s30 =	smov.u32 s28  }
0xa9: {  	s5 =	sor.u32 $0x60, s29;
	v4 =	vld [tilespmem:s25+$0x3BB0];
	v6 =	vpack.i.f32.bf16 v6, v8  }
0xaa: {  	v8 =	vld [tilespmem:s26+$0xFFFFFF40];
	[tilespmem:s5+$0x6B00] =	vst v6  }
0xab: {  	v5 =	vadd.f32 v5, v9;
	v6 =	vadd.f32 v12, v10;
	v9 =	vld [tilespmem:s25+$0x3BE0]  }
0xac: {  	v10 =	vld [tilespmem:s1+$0xFFFFFF70]  }
0xad: {  	v7 =	vadd.f32 v7, v13;
	v5 =	vpack.i.f32.bf16 v6, v5;
	v11 =	vld [tilespmem:s25+$0x3BF0]  }
0xae: {  	[tilespmem:s28+$0xFFFFFFE0] =	vst v5;
	v12 =	vld [tilespmem:s1+$0xFFFFFF80];
	s1 =	smov.u32 s26  }
0xaf: {  	v6 =	vadd.f32 v8, v4;
	v4 =	vld [tilespmem:s25+$0x3BC0]  }
.Ltmp1:
0xb0: {  	s29 =	sadd.s32 $0x80, s29;
	v5 =	vld [tilespmem:s26+$0xFFFFFFD0];
	(pc) =	sbr.rel @p0 .LBB2_5-.Ltmp1, $4  }
0xb1: {  	s5 =	sor.u32 $0x50, s29;
	v8 =	vpack.i.f32.bf16 v6, v7;
	v7 =	vld [tilespmem:s25+$0x3BD0];
	v6 =	vadd.f32 v10, v9  }
0xb2: {  	[tilespmem:s5+$0x6B00] =	vst v8;
	v9 =	vld [tilespmem:s26+$0xFFFFFFE0]  }
0xb3: {  	v8 =	vld [tilespmem:s25+$0x3BC0];
	v10 =	vadd.f32 v12, v11  }
0xb4: {  	v11 =	vld [tilespmem:s26+$0xFFFFFF50]  }
0xb5: {  	v12 =	vld [tilespmem:s25+$0x3BD0]  }
0xb6: {  	v13 =	vld [tilespmem:s1+$0xFFFFFF60]  }
0xb7: {  	v4 =	vadd.f32 v5, v4;
	v5 =	vadd.f32 v9, v7;
	_ =	sdelay $0x1  }
0xb8: {  	v4 =	vpack.i.f32.bf16 v5, v4  }
0xb9: {  	[tilespmem:s28+$0xFFFFFFF0] =	vst v4  }
0xba: {  	v4 =	vadd.f32 v11, v8;
	v56 =	vadd.f32 v13, v12;
	v5 =	vld [tilespmem:s25+$0x3BE0]  }
0xbb: {  	v57 =	vld [tilespmem:s1+$0xFFFFFFF0]  }
0xbc: {  	s0 =	sor.u32 $0x60, s29;
	v58 =	vld [tilespmem:s25+$0x3BF0];
	v4 =	vpack.i.f32.bf16 v56, v4  }
0xbd: {  	v59 =	vld [tilespmem:s1+$0x0];
	[tilespmem:s0+$0x6B00] =	vst v4  }
0xbe: {  	v4 =	vld [tilespmem:s25+$0x3BE0]  }
0xbf: {  	v60 =	vld [tilespmem:s1+$0xFFFFFF70]  }
0xc0: {  	v61 =	vld [tilespmem:s25+$0x3BF0]  }
0xc1: {  	v62 =	vld [tilespmem:s1+$0xFFFFFF80];
	_ =	sdelay $0x1  }
0xc2: {  	s22 =	sadd.s32 $0x1, s22  }
0xc3: {  	p0 =	sne.s32 s22, $0x5  }
.Ltmp2:
0xc4: {  	v5 =	vadd.f32 v57, v5;
	v7 =	vadd.f32 v59, v58;
	(pc) =	sbr.rel @p0 .LBB2_4-.Ltmp2, $4  }
0xc5: {  	v6 =	vpack.i.f32.bf16 v10, v6;
	s28 =	sor.u32 $0x70, s31;
	v4 =	vadd.f32 v60, v4;
	v63 =	vadd.f32 v62, v61  }
0xc6: {  	[tilespmem:s28+$0x6B00] =	vst v6;
	v5 =	vpack.i.f32.bf16 v7, v5  }
0xc7: {  	s31 =	sor.u32 $0x70, s29;
	[tilespmem:s30+$0x0] =	vst v5;
	v4 =	vpack.i.f32.bf16 v63, v4  }
0xc8: {  	s23 =	sadd.s32 $0x300, s23;
	s24 =	sadd.s32 $0x300, s24;
	[tilespmem:s31+$0x6B00] =	vst v4  }
0xc9: {  	s22 =	simm.s32 $0x0;
	s23 =	simm.s32 $0x2CC0;
	s24 =	simm.s32 $0x9830  }
.LBB2_8:
0xca: {  	s0 =	sshll.u32 s22, $0x7  }
0xcb: {  	s25 =	sand.u32 $0x3FFFFF80, s0  }
0xcc: {  	v4 =	vld [tilespmem:s25+$0x4400]  }
0xcd: {  	s0 =	simm.s32 $0x4AF0;
	v5 =	vld [tilespmem:s25+$0x4410]  }
0xce: {  	v6 =	vld [tilespmem:s0+$0xFFFFFF90]  }
0xcf: {  	v7 =	vld [tilespmem:s0+$0xFFFFFFA0];
	_ =	sdelay $0x2  }
0xd0: {  	v8 =	vld [tilespmem:s0+$0xFFFFFF10]  }
0xd1: {  	v9 =	vld [tilespmem:s0+$0xFFFFFF20]  }
0xd2: {  	v6 =	vadd.f32 v6, v4;
	v7 =	vadd.f32 v7, v5;
	_ =	sdelay $0x1  }
0xd3: {  	v6 =	vpack.i.f32.bf16 v7, v6  }
0xd4: {  	[tilespmem:s24+$0xFFFFFFD0] =	vst v6  }
0xd5: {  	v4 =	vadd.f32 v8, v4;
	v5 =	vadd.f32 v9, v5;
	v6 =	vld [tilespmem:s25+$0x4420]  }
0xd6: {  	v7 =	vld [tilespmem:s0+$0xFFFFFFB0]  }
0xd7: {  	v4 =	vpack.i.f32.bf16 v5, v4;
	v5 =	vld [tilespmem:s25+$0x4430]  }
0xd8: {  	[tilespmem:s24+$0xFFFFFF90] =	vst v4;
	v4 =	vld [tilespmem:s0+$0xFFFFFFC0]  }
0xd9: {  	v8 =	vld [tilespmem:s25+$0x4420]  }
0xda: {  	v9 =	vld [tilespmem:s0+$0xFFFFFF30]  }
0xdb: {  	v10 =	vld [tilespmem:s25+$0x4430]  }
0xdc: {  	v11 =	vld [tilespmem:s0+$0xFFFFFF40]  }
0xdd: {  	v6 =	vadd.f32 v7, v6;
	v4 =	vadd.f32 v4, v5;
	_ =	sdelay $0x1  }
0xde: {  	v4 =	vpack.i.f32.bf16 v4, v6  }
0xdf: {  	[tilespmem:s24+$0xFFFFFFE0] =	vst v4  }
0xe0: {  	v5 =	vadd.f32 v11, v10;
	v4 =	vadd.f32 v9, v8;
	v6 =	vld [tilespmem:s25+$0x4440]  }
0xe1: {  	v7 =	vld [tilespmem:s0+$0xFFFFFFD0]  }
0xe2: {  	s1 =	sor.u32 $0x50, s23;
	v4 =	vpack.i.f32.bf16 v5, v4;
	v5 =	vld [tilespmem:s25+$0x4450]  }
0xe3: {  	s26 =	simm.s32 $0x4BF0;
	[tilespmem:s1+$0x6B00] =	vst v4;
	v4 =	vld [tilespmem:s0+$0xFFFFFFE0]  }
0xe4: {  	v12 =	vld [tilespmem:s26+$0xFFFFFF90]  }
0xe5: {  	v10 =	vld [tilespmem:s25+$0x4400]  }
0xe6: {  	v11 =	vld [tilespmem:s25+$0x4410]  }
0xe7: {  	v8 =	vld [tilespmem:s25+$0x4440]  }
0xe8: {  	v9 =	vld [tilespmem:s0+$0xFFFFFF50];
	v6 =	vadd.f32 v7, v6;
	v4 =	vadd.f32 v4, v5  }
0xe9: {  	v5 =	vld [tilespmem:s26+$0xFFFFFFA0]  }
0xea: {  	v7 =	vld [tilespmem:s26+$0xFFFFFF10];
	v4 =	vpack.i.f32.bf16 v4, v6  }
0xeb: {  	v6 =	vld [tilespmem:s26+$0xFFFFFF20];
	[tilespmem:s24+$0xFFFFFFF0] =	vst v4  }
0xec: {  	v13 =	vld [tilespmem:s25+$0x4460]  }
0xed: {  	v14 =	vld [tilespmem:s0+$0xFFFFFFF0]  }
0xee: {  	v4 =	vadd.f32 v12, v10;
	v63 =	vld [tilespmem:s25+$0x4470];
	v5 =	vadd.f32 v5, v11  }
0xef: {  	v15 =	vld [tilespmem:s0+$0x0]  }
0xf0: {  	s28 =	sadd.s32 $0x80, s24;
	v4 =	vpack.i.f32.bf16 v5, v4;
	v5 =	vld [tilespmem:s25+$0x4450]  }
0xf1: {  	[tilespmem:s28+$0xFFFFFFD0] =	vst v4;
	v4 =	vld [tilespmem:s0+$0xFFFFFF60]  }
0xf2: {  	v7 =	vadd.f32 v7, v10;
	v6 =	vadd.f32 v6, v11;
	v10 =	vld [tilespmem:s25+$0x4420]  }
0xf3: {  	v11 =	vld [tilespmem:s26+$0xFFFFFFB0]  }
0xf4: {  	v6 =	vpack.i.f32.bf16 v6, v7;
	v7 =	vld [tilespmem:s25+$0x4430]  }
0xf5: {  	[tilespmem:s28+$0xFFFFFF90] =	vst v6;
	v6 =	vld [tilespmem:s26+$0xFFFFFFC0]  }
0xf6: {  	v8 =	vadd.f32 v9, v8;
	v9 =	vld [tilespmem:s25+$0x4420];
	v4 =	vadd.f32 v4, v5  }
0xf7: {  	v5 =	vld [tilespmem:s26+$0xFFFFFF30]  }
0xf8: {  	s5 =	sor.u32 $0x60, s23;
	v4 =	vpack.i.f32.bf16 v4, v8;
	v8 =	vld [tilespmem:s25+$0x4430]  }
0xf9: {  	[tilespmem:s5+$0x6B00] =	vst v4;
	v4 =	vld [tilespmem:s26+$0xFFFFFF40]  }
0xfa: {  	v10 =	vadd.f32 v11, v10;
	v6 =	vadd.f32 v6, v7;
	v11 =	vld [tilespmem:s25+$0x4460]  }
0xfb: {  	v16 =	vld [tilespmem:s0+$0xFFFFFF70]  }
0xfc: {  	v6 =	vpack.i.f32.bf16 v6, v10;
	v10 =	vld [tilespmem:s25+$0x4470]  }
0xfd: {  	v17 =	vld [tilespmem:s0+$0xFFFFFF80];
	[tilespmem:s28+$0xFFFFFFE0] =	vst v6  }
0xfe: {  	v6 =	vadd.f32 v5, v9;
	v5 =	vld [tilespmem:s26+$0xFFFFFFD0];
	v7 =	vadd.f32 v4, v8  }
0xff: {  	s29 =	sadd.s32 $0x80, s23;
	v12 =	vadd.f32 v15, v63;
	v9 =	vld [tilespmem:s26+$0xFFFFFFE0];
	v8 =	vadd.f32 v14, v13  }
0x100: {  	s5 =	sor.u32 $0x50, s29;
	v4 =	vld [tilespmem:s25+$0x4440];
	v6 =	vpack.i.f32.bf16 v7, v6  }
0x101: {  	v7 =	vld [tilespmem:s25+$0x4450];
	[tilespmem:s5+$0x6B00] =	vst v6;
	v6 =	vpack.i.f32.bf16 v12, v8  }
0x102: {  	s31 =	smov.u32 s23;
	v10 =	vadd.f32 v17, v10;
	v8 =	vld [tilespmem:s25+$0x4440];
	[tilespmem:s24+$0x0] =	vst v6;
	v6 =	vadd.f32 v16, v11  }
0x103: {  	s30 =	smov.u32 s28;
	s1 =	simm.s32 $0x4BF0;
	s0 =	simm.s32 $0x2;
	v11 =	vld [tilespmem:s26+$0xFFFFFF50]  }
.LBB2_9:
0x104: {  	v12 =	vld [tilespmem:s25+$0x4400];
	v6 =	vpack.i.f32.bf16 v10, v6;
	s5 =	sor.u32 $0x70, s31;
	s31 =	smov.u32 s29  }
0x105: {  	s26 =	sadd.s32 $0x100, s26;
	v10 =	vld [tilespmem:s25+$0x4410];
	[tilespmem:s5+$0x6B00] =	vst v6  }
0x106: {  	v4 =	vadd.f32 v5, v4;
	v6 =	vld [tilespmem:s26+$0xFFFFFF90];
	v5 =	vadd.f32 v9, v7  }
0x107: {  	v7 =	vld [tilespmem:s26+$0xFFFFFFA0]  }
0x108: {  	v9 =	vld [tilespmem:s26+$0xFFFFFF10];
	v8 =	vadd.f32 v11, v8;
	v4 =	vpack.i.f32.bf16 v5, v4  }
0x109: {  	v5 =	vld [tilespmem:s26+$0xFFFFFF20];
	[tilespmem:s28+$0xFFFFFFF0] =	vst v4  }
0x10a: {  	v4 =	vld [tilespmem:s25+$0x4460]  }
0x10b: {  	v11 =	vld [tilespmem:s1+$0xFFFFFFF0]  }
0x10c: {  	v6 =	vadd.f32 v6, v12;
	v7 =	vadd.f32 v7, v10;
	v13 =	vld [tilespmem:s25+$0x4470]  }
0x10d: {  	v9 =	vadd.f32 v9, v12;
	v12 =	vld [tilespmem:s1+$0x0]  }
0x10e: {  	s28 =	sadd.s32 $0x80, s28;
	v5 =	vadd.f32 v5, v10;
	v6 =	vpack.i.f32.bf16 v7, v6;
	v7 =	vld [tilespmem:s25+$0x4450]  }
0x10f: {  	[tilespmem:s28+$0xFFFFFFD0] =	vst v6;
	v6 =	vld [tilespmem:s1+$0xFFFFFF60]  }
0x110: {  	s0 =	sadd.s32 $0x2, s0;
	v5 =	vpack.i.f32.bf16 v5, v9;
	v9 =	vld [tilespmem:s25+$0x4420]  }
0x111: {  	p0 =	slt.u32 s0, $0x8;
	[tilespmem:s28+$0xFFFFFF90] =	vst v5;
	v5 =	vld [tilespmem:s26+$0xFFFFFFB0]  }
0x112: {  	v4 =	vadd.f32 v11, v4;
	v10 =	vld [tilespmem:s25+$0x4430];
	v11 =	vadd.f32 v12, v13  }
0x113: {  	v12 =	vld [tilespmem:s26+$0xFFFFFFC0]  }
0x114: {  	v13 =	vld [tilespmem:s25+$0x4420];
	v6 =	vadd.f32 v6, v7;
	v4 =	vpack.i.f32.bf16 v11, v4  }
0x115: {  	v7 =	vld [tilespmem:s26+$0xFFFFFF30];
	[tilespmem:s30+$0x0] =	vst v4;
	s30 =	smov.u32 s28  }
0x116: {  	s5 =	sor.u32 $0x60, s29;
	v4 =	vld [tilespmem:s25+$0x4430];
	v6 =	vpack.i.f32.bf16 v6, v8  }
0x117: {  	v8 =	vld [tilespmem:s26+$0xFFFFFF40];
	[tilespmem:s5+$0x6B00] =	vst v6  }
0x118: {  	v5 =	vadd.f32 v5, v9;
	v6 =	vadd.f32 v12, v10;
	v9 =	vld [tilespmem:s25+$0x4460]  }
0x119: {  	v10 =	vld [tilespmem:s1+$0xFFFFFF70]  }
0x11a: {  	v7 =	vadd.f32 v7, v13;
	v5 =	vpack.i.f32.bf16 v6, v5;
	v11 =	vld [tilespmem:s25+$0x4470]  }
0x11b: {  	[tilespmem:s28+$0xFFFFFFE0] =	vst v5;
	v12 =	vld [tilespmem:s1+$0xFFFFFF80];
	s1 =	smov.u32 s26  }
0x11c: {  	v6 =	vadd.f32 v8, v4;
	v4 =	vld [tilespmem:s25+$0x4440]  }
.Ltmp3:
0x11d: {  	s29 =	sadd.s32 $0x80, s29;
	v5 =	vld [tilespmem:s26+$0xFFFFFFD0];
	(pc) =	sbr.rel @p0 .LBB2_9-.Ltmp3, $4  }
0x11e: {  	s5 =	sor.u32 $0x50, s29;
	v8 =	vpack.i.f32.bf16 v6, v7;
	v7 =	vld [tilespmem:s25+$0x4450];
	v6 =	vadd.f32 v10, v9  }
0x11f: {  	[tilespmem:s5+$0x6B00] =	vst v8;
	v9 =	vld [tilespmem:s26+$0xFFFFFFE0]  }
0x120: {  	v8 =	vld [tilespmem:s25+$0x4440];
	v10 =	vadd.f32 v12, v11  }
0x121: {  	v11 =	vld [tilespmem:s26+$0xFFFFFF50]  }
0x122: {  	v12 =	vld [tilespmem:s25+$0x4450]  }
0x123: {  	v13 =	vld [tilespmem:s1+$0xFFFFFF60]  }
0x124: {  	v4 =	vadd.f32 v5, v4;
	v5 =	vadd.f32 v9, v7;
	_ =	sdelay $0x1  }
0x125: {  	v4 =	vpack.i.f32.bf16 v5, v4  }
0x126: {  	[tilespmem:s28+$0xFFFFFFF0] =	vst v4  }
0x127: {  	v4 =	vadd.f32 v11, v8;
	v56 =	vadd.f32 v13, v12;
	v5 =	vld [tilespmem:s25+$0x4460]  }
0x128: {  	v57 =	vld [tilespmem:s1+$0xFFFFFFF0]  }
0x129: {  	s0 =	sor.u32 $0x60, s29;
	v58 =	vld [tilespmem:s25+$0x4470];
	v4 =	vpack.i.f32.bf16 v56, v4  }
0x12a: {  	v59 =	vld [tilespmem:s1+$0x0];
	[tilespmem:s0+$0x6B00] =	vst v4  }
0x12b: {  	v4 =	vld [tilespmem:s25+$0x4460]  }
0x12c: {  	v60 =	vld [tilespmem:s1+$0xFFFFFF70]  }
0x12d: {  	v61 =	vld [tilespmem:s25+$0x4470]  }
0x12e: {  	v62 =	vld [tilespmem:s1+$0xFFFFFF80];
	_ =	sdelay $0x1  }
0x12f: {  	s22 =	sadd.s32 $0x1, s22  }
0x130: {  	p0 =	sne.s32 s22, $0xC  }
.Ltmp4:
0x131: {  	v5 =	vadd.f32 v57, v5;
	v7 =	vadd.f32 v59, v58;
	(pc) =	sbr.rel @p0 .LBB2_8-.Ltmp4, $4  }
0x132: {  	v6 =	vpack.i.f32.bf16 v10, v6;
	s28 =	sor.u32 $0x70, s31;
	v4 =	vadd.f32 v60, v4;
	v63 =	vadd.f32 v62, v61  }
0x133: {  	[tilespmem:s28+$0x6B00] =	vst v6;
	v5 =	vpack.i.f32.bf16 v7, v5  }
0x134: {  	s31 =	sor.u32 $0x70, s29;
	[tilespmem:s30+$0x0] =	vst v5;
	v4 =	vpack.i.f32.bf16 v63, v4  }
0x135: {  	s23 =	sadd.s32 $0x280, s23;
	s24 =	sadd.s32 $0x280, s24;
	[tilespmem:s31+$0x6B00] =	vst v4  }
0x136: {  	s22 =	simm.s32 $0x0;
	s23 =	simm.s32 $0x5700  }
.LBB2_12:
0x137: {  	s0 =	sshll.u32 s22, $0x7;
	s24 =	simm.s32 $0x0  }
0x138: {  	s25 =	sand.u32 $0x3FFFFF80, s0;
	v6 =	vld [tilespmem:s24+$0x5280]  }
0x139: {  	v5 =	vld [tilespmem:s25+$0x4F00];
	_ =	sdelay $0x1  }
0x13a: {  	v4 =	vmov s23;
	_ =	sdelay $0x2  }
0x13b: {  	v6 =	vadd.f32 v6, v5;
	_ =	sdelay $0x1  }
0x13c: {  	[tilespmem:v4+s24+$0x80 ss:$0x1] =	vst.idx.msk $0xffff, v6  }
0x13d: {  	v6 =	vld [tilespmem:s25+$0x4F10]  }
0x13e: {  	v7 =	vld [tilespmem:s24+$0x5290];
	_ =	sdelay $0x1  }
0x13f: {  	v8 =	vld [tilespmem:s24+$0x5200];
	_ =	sdelay $0x2  }
0x140: {  	v6 =	vadd.f32 v7, v6;
	_ =	sdelay $0x1  }
0x141: {  	v5 =	vadd.f32 v8, v5;
	[tilespmem:v4+s24+$0x90 ss:$0x1] =	vst.idx.msk $0xffff, v6  }
0x142: {  	v6 =	vld [tilespmem:s25+$0x4F20]  }
0x143: {  	[tilespmem:v4+s24+$0x0 ss:$0x1] =	vst.idx.msk $0xffff, v5;
	v5 =	vld [tilespmem:s24+$0x52A0]  }
0x144: {  	v8 =	vld [tilespmem:s24+$0x5210]  }
0x145: {  	v7 =	vld [tilespmem:s25+$0x4F10];
	_ =	sdelay $0x2  }
0x146: {  	v5 =	vadd.f32 v5, v6;
	_ =	sdelay $0x1  }
0x147: {  	v6 =	vadd.f32 v8, v7;
	[tilespmem:v4+s24+$0xA0 ss:$0x1] =	vst.idx.msk $0xffff, v5  }
0x148: {  	v5 =	vld [tilespmem:s25+$0x4F30]  }
0x149: {  	[tilespmem:v4+s24+$0x10 ss:$0x1] =	vst.idx.msk $0xffff, v6;
	v6 =	vld [tilespmem:s24+$0x52B0]  }
0x14a: {  	v7 =	vld [tilespmem:s25+$0x4F20]  }
0x14b: {  	s26 =	simm.s32 $0x100;
	v8 =	vld [tilespmem:s24+$0x5220]  }
0x14c: {  	v10 =	vld [tilespmem:s26+$0x5280]  }
0x14d: {  	v9 =	vld [tilespmem:s25+$0x4F00]  }
0x14e: {  	v5 =	vadd.f32 v6, v5  }
0x14f: {  	v6 =	vld [tilespmem:s26+$0x5200]  }
0x150: {  	v7 =	vadd.f32 v8, v7;
	[tilespmem:v4+s24+$0xB0 ss:$0x1] =	vst.idx.msk $0xffff, v5  }
0x151: {  	v5 =	vld [tilespmem:s25+$0x4F40]  }
0x152: {  	[tilespmem:v4+s24+$0x20 ss:$0x1] =	vst.idx.msk $0xffff, v7;
	v7 =	vadd.f32 v10, v9;
	v8 =	vld [tilespmem:s24+$0x52C0]  }
0x153: {  	v10 =	vld [tilespmem:s25+$0x4F30]  }
0x154: {  	v11 =	vld [tilespmem:s24+$0x5230];
	[tilespmem:v4+s26+$0x80 ss:$0x1] =	vst.idx.msk $0xffff, v7;
	v6 =	vadd.f32 v6, v9  }
0x155: {  	v7 =	vld [tilespmem:s25+$0x4F10]  }
0x156: {  	[tilespmem:v4+s26+$0x0 ss:$0x1] =	vst.idx.msk $0xffff, v6;
	v6 =	vld [tilespmem:s26+$0x5290]  }
0x157: {  	v9 =	vld [tilespmem:s25+$0x4F10];
	v5 =	vadd.f32 v8, v5  }
0x158: {  	v8 =	vld [tilespmem:s26+$0x5210]  }
0x159: {  	v10 =	vadd.f32 v11, v10;
	[tilespmem:v4+s24+$0xC0 ss:$0x1] =	vst.idx.msk $0xffff, v5  }
0x15a: {  	v5 =	vld [tilespmem:s25+$0x4F50]  }
0x15b: {  	[tilespmem:v4+s24+$0x30 ss:$0x1] =	vst.idx.msk $0xffff, v10;
	v6 =	vadd.f32 v6, v7;
	v7 =	vld [tilespmem:s24+$0x52D0]  }
0x15c: {  	v10 =	vld [tilespmem:s25+$0x4F40]  }
0x15d: {  	v11 =	vld [tilespmem:s24+$0x5240];
	v8 =	vadd.f32 v8, v9;
	[tilespmem:v4+s26+$0x90 ss:$0x1] =	vst.idx.msk $0xffff, v6  }
0x15e: {  	v6 =	vld [tilespmem:s25+$0x4F20]  }
0x15f: {  	[tilespmem:v4+s26+$0x10 ss:$0x1] =	vst.idx.msk $0xffff, v8;
	v8 =	vld [tilespmem:s26+$0x52A0]  }
0x160: {  	v9 =	vld [tilespmem:s25+$0x4F20];
	v5 =	vadd.f32 v7, v5  }
0x161: {  	v7 =	vld [tilespmem:s26+$0x5220]  }
0x162: {  	v10 =	vadd.f32 v11, v10;
	[tilespmem:v4+s24+$0xD0 ss:$0x1] =	vst.idx.msk $0xffff, v5  }
0x163: {  	v11 =	vld [tilespmem:s25+$0x4F60]  }
0x164: {  	[tilespmem:v4+s24+$0x40 ss:$0x1] =	vst.idx.msk $0xffff, v10;
	v6 =	vadd.f32 v8, v6;
	v8 =	vld [tilespmem:s24+$0x52E0]  }
0x165: {  	v5 =	vld [tilespmem:s25+$0x4F50]  }
0x166: {  	v10 =	vadd.f32 v7, v9;
	[tilespmem:v4+s26+$0xA0 ss:$0x1] =	vst.idx.msk $0xffff, v6;
	v7 =	vld [tilespmem:s24+$0x5250]  }
0x167: {  	v9 =	vld [tilespmem:s25+$0x4F30]  }
0x168: {  	[tilespmem:v4+s26+$0x20 ss:$0x1] =	vst.idx.msk $0xffff, v10;
	v10 =	vld [tilespmem:s26+$0x52B0]  }
0x169: {  	s1 =	simm.s32 $0x800;
	s0 =	simm.s32 $0x2;
	v6 =	vld [tilespmem:s25+$0x4F30];
	v8 =	vadd.f32 v8, v11  }
.LBB2_13:
0x16a: {  	v11 =	vld [tilespmem:s25+$0x4F00];
	s28 =	sshra.s32 s1, $0x2  }
0x16b: {  	v12 =	vld [tilespmem:s28+$0x5280];
	v5 =	vadd.f32 v7, v5;
	[tilespmem:v4+s24+$0xE0 ss:$0x1] =	vst.idx.msk $0xffff, v8  }
0x16c: {  	v7 =	vld [tilespmem:s25+$0x4F70]  }
0x16d: {  	v8 =	vadd.f32 v10, v9;
	[tilespmem:v4+s24+$0x50 ss:$0x1] =	vst.idx.msk $0xffff, v5;
	v5 =	vld [tilespmem:s24+$0x52F0]  }
0x16e: {  	v9 =	vld [tilespmem:s28+$0x5200]  }
0x16f: {  	v10 =	vld [tilespmem:s26+$0x5230];
	[tilespmem:v4+s26+$0xB0 ss:$0x1] =	vst.idx.msk $0xffff, v8  }
0x170: {  	v8 =	vld [tilespmem:s25+$0x4F40]  }
0x171: {  	v12 =	vadd.f32 v12, v11;
	v13 =	vld [tilespmem:s26+$0x52C0]  }
0x172: {  	s0 =	sadd.s32 $0x2, s0;
	v14 =	vld [tilespmem:s25+$0x4F60];
	v5 =	vadd.f32 v5, v7  }
0x173: {  	p0 =	slt.u32 s0, $0x4;
	v7 =	vadd.f32 v9, v11;
	[tilespmem:v4+s28+$0x80 ss:$0x1] =	vst.idx.msk $0xffff, v12;
	v9 =	vld [tilespmem:s24+$0x5260]  }
0x174: {  	v11 =	vld [tilespmem:s25+$0x4F10];
	v6 =	vadd.f32 v10, v6;
	[tilespmem:v4+s24+$0xF0 ss:$0x1] =	vst.idx.msk $0xffff, v5  }
0x175: {  	[tilespmem:v4+s28+$0x0 ss:$0x1] =	vst.idx.msk $0xffff, v7;
	v5 =	vld [tilespmem:s28+$0x5290]  }
0x176: {  	v7 =	vld [tilespmem:s25+$0x4F10];
	[tilespmem:v4+s26+$0x30 ss:$0x1] =	vst.idx.msk $0xffff, v6;
	v6 =	vadd.f32 v13, v8  }
0x177: {  	v8 =	vld [tilespmem:s28+$0x5210]  }
0x178: {  	v10 =	vld [tilespmem:s25+$0x4F40];
	[tilespmem:v4+s26+$0xC0 ss:$0x1] =	vst.idx.msk $0xffff, v6;
	v6 =	vadd.f32 v9, v14  }
0x179: {  	v9 =	vld [tilespmem:s25+$0x4F50]  }
0x17a: {  	v5 =	vadd.f32 v5, v11;
	v11 =	vld [tilespmem:s26+$0x52D0];
	[tilespmem:v4+s24+$0x60 ss:$0x1] =	vst.idx.msk $0xffff, v6  }
0x17b: {  	v6 =	vld [tilespmem:s26+$0x5240]  }
0x17c: {  	v7 =	vadd.f32 v8, v7;
	[tilespmem:v4+s28+$0x90 ss:$0x1] =	vst.idx.msk $0xffff, v5;
	v8 =	vld [tilespmem:s25+$0x4F70]  }
0x17d: {  	v5 =	vld [tilespmem:s25+$0x4F20]  }
0x17e: {  	[tilespmem:v4+s28+$0x10 ss:$0x1] =	vst.idx.msk $0xffff, v7;
	v7 =	vld [tilespmem:s28+$0x52A0]  }
0x17f: {  	v12 =	vld [tilespmem:s25+$0x4F20];
	v9 =	vadd.f32 v11, v9  }
0x180: {  	v11 =	vld [tilespmem:s28+$0x5220];
	v6 =	vadd.f32 v6, v10  }
0x181: {  	[tilespmem:v4+s26+$0xD0 ss:$0x1] =	vst.idx.msk $0xffff, v9;
	v10 =	vld [tilespmem:s24+$0x5270]  }
0x182: {  	[tilespmem:v4+s26+$0x40 ss:$0x1] =	vst.idx.msk $0xffff, v6;
	v13 =	vld [tilespmem:s25+$0x4F60]  }
0x183: {  	v6 =	vadd.f32 v7, v5;
	v14 =	vld [tilespmem:s26+$0x52E0]  }
.Ltmp5:
0x184: {  	v5 =	vld [tilespmem:s25+$0x4F50];
	(pc) =	sbr.rel @p0 .LBB2_13-.Ltmp5, $4  }
0x185: {  	v11 =	vadd.f32 v11, v12;
	[tilespmem:v4+s28+$0xA0 ss:$0x1] =	vst.idx.msk $0xffff, v6;
	v7 =	vld [tilespmem:s26+$0x5250]  }
0x186: {  	v9 =	vld [tilespmem:s25+$0x4F30];
	v12 =	vadd.f32 v10, v8  }
0x187: {  	[tilespmem:v4+s28+$0x20 ss:$0x1] =	vst.idx.msk $0xffff, v11;
	v10 =	vld [tilespmem:s28+$0x52B0]  }
0x188: {  	s1 =	sadd.s32 $0x400, s1;
	v6 =	vld [tilespmem:s25+$0x4F30];
	v8 =	vadd.f32 v14, v13;
	[tilespmem:v4+s24+$0x70 ss:$0x1] =	vst.idx.msk $0xffff, v12;
	s24 =	smov.u32 s26;
	s26 =	smov.u32 s28  }
0x189: {  	v11 =	vld [tilespmem:s26+$0x5230];
	_ =	sdelay $0x2  }
0x18a: {  	v9 =	vadd.f32 v10, v9;
	_ =	sdelay $0x1  }
0x18b: {  	[tilespmem:v4+s26+$0xB0 ss:$0x1] =	vst.idx.msk $0xffff, v9;
	v6 =	vadd.f32 v11, v6  }
0x18c: {  	v9 =	vld [tilespmem:s25+$0x4F40]  }
0x18d: {  	v52 =	vld [tilespmem:s26+$0x52C0];
	[tilespmem:v4+s26+$0x30 ss:$0x1] =	vst.idx.msk $0xffff, v6  }
0x18e: {  	v6 =	vld [tilespmem:s25+$0x4F40]  }
0x18f: {  	v53 =	vld [tilespmem:s26+$0x5240];
	_ =	sdelay $0x2  }
0x190: {  	v9 =	vadd.f32 v52, v9;
	_ =	sdelay $0x1  }
0x191: {  	[tilespmem:v4+s26+$0xC0 ss:$0x1] =	vst.idx.msk $0xffff, v9;
	v6 =	vadd.f32 v53, v6  }
0x192: {  	v9 =	vld [tilespmem:s25+$0x4F50]  }
0x193: {  	v54 =	vld [tilespmem:s26+$0x52D0];
	[tilespmem:v4+s26+$0x40 ss:$0x1] =	vst.idx.msk $0xffff, v6  }
0x194: {  	v6 =	vld [tilespmem:s25+$0x4F50]  }
0x195: {  	v55 =	vld [tilespmem:s26+$0x5250]  }
0x196: {  	v5 =	vadd.f32 v7, v5;
	_ =	sdelay $0x1  }
0x197: {  	[tilespmem:v4+s24+$0x50 ss:$0x1] =	vst.idx.msk $0xffff, v5;
	v5 =	vadd.f32 v54, v9  }
0x198: {  	v56 =	vld [tilespmem:s25+$0x4F60]  }
0x199: {  	v57 =	vld [tilespmem:s24+$0x5260];
	[tilespmem:v4+s26+$0xD0 ss:$0x1] =	vst.idx.msk $0xffff, v5;
	v5 =	vadd.f32 v55, v6  }
0x19a: {  	v58 =	vld [tilespmem:s25+$0x4F60]  }
0x19b: {  	v59 =	vld [tilespmem:s26+$0x52E0];
	[tilespmem:v4+s26+$0x50 ss:$0x1] =	vst.idx.msk $0xffff, v5  }
0x19c: {  	v5 =	vld [tilespmem:s25+$0x4F60]  }
0x19d: {  	v60 =	vld [tilespmem:s26+$0x5260]  }
0x19e: {  	[tilespmem:v4+s24+$0xE0 ss:$0x1] =	vst.idx.msk $0xffff, v8;
	v7 =	vadd.f32 v57, v56  }
0x19f: {  	v8 =	vld [tilespmem:s25+$0x4F70]  }
0x1a0: {  	v61 =	vld [tilespmem:s24+$0x52F0];
	[tilespmem:v4+s24+$0x60 ss:$0x1] =	vst.idx.msk $0xffff, v7;
	v6 =	vadd.f32 v59, v58  }
0x1a1: {  	v7 =	vld [tilespmem:s25+$0x4F70]  }
0x1a2: {  	v62 =	vld [tilespmem:s24+$0x5270];
	[tilespmem:v4+s26+$0xE0 ss:$0x1] =	vst.idx.msk $0xffff, v6;
	v5 =	vadd.f32 v60, v5  }
0x1a3: {  	v6 =	vld [tilespmem:s25+$0x4F70]  }
0x1a4: {  	v63 =	vld [tilespmem:s26+$0x52F0];
	[tilespmem:v4+s26+$0x60 ss:$0x1] =	vst.idx.msk $0xffff, v5  }
0x1a5: {  	v5 =	vld [tilespmem:s25+$0x4F70]  }
0x1a6: {  	v12 =	vld [tilespmem:s26+$0x5270]  }
0x1a7: {  	s22 =	sadd.s32 $0x1, s22  }
0x1a8: {  	p0 =	sne.s32 s22, $0x6;
	v8 =	vadd.f32 v61, v8  }
.Ltmp6:
0x1a9: {  	v7 =	vadd.f32 v62, v7;
	(pc) =	sbr.rel @p0 .LBB2_12-.Ltmp6, $4  }
0x1aa: {  	[tilespmem:v4+s24+$0xF0 ss:$0x1] =	vst.idx.msk $0xffff, v8;
	v6 =	vadd.f32 v63, v6  }
0x1ab: {  	[tilespmem:v4+s24+$0x70 ss:$0x1] =	vst.idx.msk $0xffff, v7;
	v5 =	vadd.f32 v12, v5  }
0x1ac: {  	[tilespmem:v4+s26+$0xF0 ss:$0x1] =	vst.idx.msk $0xffff, v6  }
0x1ad: {  	s23 =	sadd.s32 $0x300, s23;
	[tilespmem:v4+s26+$0x70 ss:$0x1] =	vst.idx.msk $0xffff, v5  }
0x1ae: {  	v4 =	vld [tilespmem:$0x5500]  }
0x1af: {  	v5 =	vld [tilespmem:$0x5600]  }
0x1b0: {  	v6 =	vld [tilespmem:$0x5510]  }
0x1b1: {  	v7 =	vld [tilespmem:$0x5610]  }
0x1b2: {  	v8 =	vld [tilespmem:$0x5520]  }
0x1b3: {  	v9 =	vld [tilespmem:$0x5620]  }
0x1b4: {  	v10 =	vld [tilespmem:$0x5530]  }
0x1b5: {  	v11 =	vld [tilespmem:$0x5630]  }
0x1b6: {  	v12 =	vld [tilespmem:$0x5540]  }
0x1b7: {  	v13 =	vld [tilespmem:$0x5640]  }
0x1b8: {  	v14 =	vld [tilespmem:$0x5550]  }
0x1b9: {  	v15 =	vld [tilespmem:$0x5650]  }
0x1ba: {  	v16 =	vld [tilespmem:$0x5560]  }
0x1bb: {  	v17 =	vld [tilespmem:$0x5660]  }
0x1bc: {  	v18 =	vld [tilespmem:$0x5570]  }
0x1bd: {  	v19 =	vld [tilespmem:$0x5670]  }
0x1be: {  	v20 =	vld [tilespmem:$0x5500]  }
0x1bf: {  	v21 =	vld [tilespmem:$0x5680]  }
0x1c0: {  	v22 =	vld [tilespmem:$0x5510]  }
0x1c1: {  	v23 =	vld [tilespmem:$0x5690]  }
0x1c2: {  	v24 =	vld [tilespmem:$0x5520]  }
0x1c3: {  	v25 =	vld [tilespmem:$0x56A0]  }
0x1c4: {  	v26 =	vld [tilespmem:$0x5530]  }
0x1c5: {  	v27 =	vld [tilespmem:$0x56B0]  }
0x1c6: {  	v28 =	vld [tilespmem:$0x5540]  }
0x1c7: {  	v29 =	vld [tilespmem:$0x56C0]  }
0x1c8: {  	v30 =	vld [tilespmem:$0x5550]  }
0x1c9: {  	v31 =	vld [tilespmem:$0x56D0]  }
0x1ca: {  	v32 =	vld [tilespmem:$0x5560]  }
0x1cb: {  	v33 =	vld [tilespmem:$0x56E0]  }
0x1cc: {  	v34 =	vld [tilespmem:$0x5570]  }
0x1cd: {  	v35 =	vld [tilespmem:$0x56F0]  }
0x1ce: {  	v36 =	vld [tilespmem:$0x5580]  }
0x1cf: {  	v37 =	vld [tilespmem:$0x5600]  }
0x1d0: {  	v38 =	vld [tilespmem:$0x5590]  }
0x1d1: {  	v39 =	vld [tilespmem:$0x5610]  }
0x1d2: {  	v40 =	vld [tilespmem:$0x55A0]  }
0x1d3: {  	v52 =	vld [tilespmem:$0x5630];
	v4 =	vadd.f32 v5, v4  }
0x1d4: {  	v54 =	vld [tilespmem:$0x55C0];
	v6 =	vadd.f32 v7, v6  }
0x1d5: {  	v55 =	vld [tilespmem:$0x5640];
	[tilespmem:$0x6900] =	vst v4;
	v4 =	vadd.f32 v9, v8  }
0x1d6: {  	v57 =	vld [tilespmem:$0x55D0];
	v53 =	vadd.f32 v11, v10;
	[tilespmem:$0x6910] =	vst v6  }
0x1d7: {  	v58 =	vld [tilespmem:$0x5650];
	[tilespmem:$0x6920] =	vst v4;
	v4 =	vadd.f32 v13, v12  }
0x1d8: {  	v60 =	vld [tilespmem:$0x55E0];
	v56 =	vadd.f32 v15, v14;
	[tilespmem:$0x6930] =	vst v53  }
0x1d9: {  	v61 =	vld [tilespmem:$0x5660];
	[tilespmem:$0x6940] =	vst v4;
	v4 =	vadd.f32 v17, v16  }
0x1da: {  	v63 =	vld [tilespmem:$0x55F0];
	v59 =	vadd.f32 v19, v18;
	[tilespmem:$0x6950] =	vst v56  }
0x1db: {  	v42 =	vld [tilespmem:$0x5580];
	[tilespmem:$0x6960] =	vst v4;
	v4 =	vadd.f32 v21, v20  }
0x1dc: {  	v43 =	vld [tilespmem:$0x5680];
	v62 =	vadd.f32 v23, v22;
	[tilespmem:$0x6970] =	vst v59  }
0x1dd: {  	v45 =	vld [tilespmem:$0x5590];
	[tilespmem:$0x6980] =	vst v4;
	v4 =	vadd.f32 v25, v24  }
0x1de: {  	v46 =	vld [tilespmem:$0x5690];
	v41 =	vadd.f32 v27, v26;
	[tilespmem:$0x6990] =	vst v62  }
0x1df: {  	v48 =	vld [tilespmem:$0x55A0];
	[tilespmem:$0x69A0] =	vst v4;
	v4 =	vadd.f32 v29, v28  }
0x1e0: {  	v5 =	vld [tilespmem:$0x5620];
	v44 =	vadd.f32 v31, v30;
	[tilespmem:$0x69B0] =	vst v41  }
0x1e1: {  	v7 =	vld [tilespmem:$0x55B0];
	[tilespmem:$0x69C0] =	vst v4;
	v4 =	vadd.f32 v33, v32  }
0x1e2: {  	v49 =	vld [tilespmem:$0x56A0];
	v47 =	vadd.f32 v35, v34;
	[tilespmem:$0x69D0] =	vst v44  }
0x1e3: {  	v51 =	vld [tilespmem:$0x55B0];
	[tilespmem:$0x69E0] =	vst v4;
	v4 =	vadd.f32 v37, v36  }
0x1e4: {  	v50 =	vadd.f32 v39, v38;
	[tilespmem:$0x69F0] =	vst v47;
	v25 =	vld [tilespmem:$0x5670]  }
0x1e5: {  	v53 =	vld [tilespmem:$0x55C0];
	[tilespmem:$0x6A00] =	vst v4;
	v4 =	vadd.f32 v5, v40  }
0x1e6: {  	[tilespmem:$0x6A10] =	vst v50;
	v56 =	vld [tilespmem:$0x55D0];
	v52 =	vadd.f32 v52, v7  }
0x1e7: {  	v59 =	vld [tilespmem:$0x55E0];
	[tilespmem:$0x6A20] =	vst v4;
	v4 =	vadd.f32 v55, v54  }
0x1e8: {  	[tilespmem:$0x6A30] =	vst v52;
	v5 =	vld [tilespmem:$0x56B0];
	v55 =	vadd.f32 v58, v57  }
0x1e9: {  	v62 =	vld [tilespmem:$0x55F0];
	v58 =	vadd.f32 v25, v63;
	[tilespmem:$0x6A40] =	vst v4  }
0x1ea: {  	v57 =	vld [tilespmem:$0x56D0];
	v4 =	vadd.f32 v61, v60;
	[tilespmem:$0x6A50] =	vst v55  }
0x1eb: {  	v54 =	vld [tilespmem:$0x56C0];
	[tilespmem:$0x6A70] =	vst v58;
	v61 =	vadd.f32 v46, v45  }
0x1ec: {  	v63 =	vld [tilespmem:$0x56F0];
	[tilespmem:$0x6A60] =	vst v4;
	v4 =	vadd.f32 v43, v42  }
0x1ed: {  	v60 =	vld [tilespmem:$0x56E0];
	v5 =	vadd.f32 v5, v51;
	[tilespmem:$0x6A90] =	vst v61  }
0x1ee: {  	[tilespmem:$0x6A80] =	vst v4;
	v4 =	vadd.f32 v49, v48  }
0x1ef: {  	[tilespmem:$0x6AB0] =	vst v5;
	v5 =	vadd.f32 v57, v56  }
0x1f0: {  	[tilespmem:$0x6AA0] =	vst v4;
	v4 =	vadd.f32 v54, v53  }
0x1f1: {  	[tilespmem:$0x6AD0] =	vst v5;
	v5 =	vadd.f32 v63, v62  }
0x1f2: {  	[tilespmem:$0x6AC0] =	vst v4;
	v4 =	vadd.f32 v60, v59  }
0x1f3: {  	[tilespmem:$0x6AF0] =	vst v5  }
0x1f4: {  	s0 =	simm.s32 $0x0;
	[tilespmem:$0x6AE0] =	vst v4  }
.LBB2_16:
0x1f5: {  	s5 =	sshll.u32 s0, $0x2  }
0x1f6: {  	s22 =	sshll.u32 s0, $0x7;
	p0 =	por $0x1, $0x1;
	s24 =	simm.s32 $0x0  }
0x1f7: {  	s1 =	sadd.s32 $0x12B, s5;
	s22 =	sand.u32 $0x3FFFFF80, s22;
	s23 =	sadd.s32 $0x12C, s5  }
.LBB2_17:
0x1f8: {  	s5 =	sshll.u32 s24, $0x7;
	v4 =	vld [tilespmem:s22+$0x5700]  }
0x1f9: {  	v6 =	vld [tilespmem:s22+$0x5710];
	s5 =	sand.u32 $0x3FFFFF80, s5  }
0x1fa: {  	v5 =	vld [tilespmem:s5+$0x6900]  }
0x1fb: {  	v7 =	vld [tilespmem:s5+$0x6910];
	_ =	sdelay $0x2  }
0x1fc: {  	v8 =	vld [tilespmem:s5+$0x6980]  }
0x1fd: {  	v9 =	vld [tilespmem:s5+$0x6990]  }
0x1fe: {  	v5 =	vadd.f32 v5, v4;
	v7 =	vadd.f32 v7, v6  }
0x1ff: {  	s25 =	sadd.s32 s1, s24  }
0x200: {  	s25 =	sshll.u32 s25, $0x6;
	v5 =	vpack.i.f32.bf16 v7, v5  }
0x201: {  	[tilespmem:s25+$0x6B00] =	vst v5  }
0x202: {  	s29 =	sor.u32 s24, s23;
	v4 =	vadd.f32 v8, v4;
	v6 =	vadd.f32 v9, v6;
	v5 =	vld [tilespmem:s22+$0x5720]  }
0x203: {  	s24 =	sshll.u32 s29, $0x6;
	v45 =	vld [tilespmem:s5+$0x6920]  }
0x204: {  	s24 =	sand.u32 $0x3FFFFFC0, s24;
	v4 =	vpack.i.f32.bf16 v6, v4;
	v46 =	vld [tilespmem:s22+$0x5730]  }
0x205: {  	[tilespmem:s24+$0x6B00] =	vst v4;
	v47 =	vld [tilespmem:s5+$0x6930]  }
0x206: {  	v4 =	vld [tilespmem:s22+$0x5720]  }
0x207: {  	v48 =	vld [tilespmem:s5+$0x69A0]  }
0x208: {  	v10 =	vld [tilespmem:s22+$0x5730]  }
0x209: {  	v11 =	vld [tilespmem:s5+$0x69B0]  }
0x20a: {  	v5 =	vadd.f32 v45, v5;
	v6 =	vadd.f32 v47, v46;
	_ =	sdelay $0x1  }
0x20b: {  	s26 =	sor.u32 $0x50, s25;
	v5 =	vpack.i.f32.bf16 v6, v5  }
0x20c: {  	[tilespmem:s26+$0x6B00] =	vst v5  }
0x20d: {  	v4 =	vadd.f32 v48, v4;
	v49 =	vadd.f32 v11, v10;
	v5 =	vld [tilespmem:s22+$0x5740]  }
0x20e: {  	v50 =	vld [tilespmem:s5+$0x6940]  }
0x20f: {  	v4 =	vpack.i.f32.bf16 v49, v4;
	v51 =	vld [tilespmem:s22+$0x5750]  }
0x210: {  	[tilespmem:s24+$0x6B10] =	vst v4;
	v52 =	vld [tilespmem:s5+$0x6950]  }
0x211: {  	v4 =	vld [tilespmem:s22+$0x5740]  }
0x212: {  	v53 =	vld [tilespmem:s5+$0x69C0]  }
0x213: {  	v54 =	vld [tilespmem:s22+$0x5750]  }
0x214: {  	v55 =	vld [tilespmem:s5+$0x69D0]  }
0x215: {  	v5 =	vadd.f32 v50, v5;
	v6 =	vadd.f32 v52, v51;
	_ =	sdelay $0x1  }
0x216: {  	s30 =	sor.u32 $0x60, s25;
	v5 =	vpack.i.f32.bf16 v6, v5  }
0x217: {  	[tilespmem:s30+$0x6B00] =	vst v5  }
0x218: {  	v4 =	vadd.f32 v53, v4;
	v56 =	vadd.f32 v55, v54;
	v5 =	vld [tilespmem:s22+$0x5760]  }
0x219: {  	v57 =	vld [tilespmem:s5+$0x6960]  }
0x21a: {  	v4 =	vpack.i.f32.bf16 v56, v4;
	v58 =	vld [tilespmem:s22+$0x5770]  }
0x21b: {  	[tilespmem:s24+$0x6B20] =	vst v4;
	v59 =	vld [tilespmem:s5+$0x6970]  }
0x21c: {  	v4 =	vld [tilespmem:s22+$0x5760]  }
0x21d: {  	v60 =	vld [tilespmem:s5+$0x69E0]  }
0x21e: {  	v61 =	vld [tilespmem:s22+$0x5770]  }
0x21f: {  	v62 =	vld [tilespmem:s5+$0x69F0];
	_ =	sdelay $0x2  }
0x220: {  	p1 =	por p0, p0  }
.Ltmp7:
0x221: {  	v5 =	vadd.f32 v57, v5;
	v6 =	vadd.f32 v59, v58;
	(pc) =	sbr.rel @p1 .LBB2_17-.Ltmp7, $4  }
0x222: {  	v4 =	vadd.f32 v60, v4;
	v63 =	vadd.f32 v62, v61  }
0x223: {  	s31 =	sor.u32 $0x70, s25;
	v5 =	vpack.i.f32.bf16 v6, v5  }
0x224: {  	v4 =	vpack.i.f32.bf16 v63, v4;
	[tilespmem:s31+$0x6B00] =	vst v5  }
0x225: {  	p0 =	por $0x0, $0x0;
	[tilespmem:s24+$0x6B30] =	vst v4;
	s24 =	simm.s32 $0x2  }
0x226: {  	s0 =	sadd.s32 $0x1, s0  }
0x227: {  	p0 =	sne.s32 s0, $0x24  }
.Ltmp8:
0x228: {  	_ = 	snop;
	(pc) =	sbr.rel @p0 .LBB2_16-.Ltmp8, $1  }
0x229: {  	_ =	sdelay $0x3  }
0x22a: {  	s22 =	simm.s32 $0x0  }
0x22b: {  	[tilespmem:s11], [sflag:$0x1] =	stream.linear.gather [hbm4b:s6+s22], $0x400, $0x38;
	[tilespmem:$0x16C00] =	vst v63  }
0x22c: {  	s0 =	sadd.s32 $0x19C80, s6;
	s23 =	simm.s32 $0x0  }
0x22d: {  	[tilespmem:s12], [sflag:$0x1] =	stream.linear.gather [hbm4b:s0+s22], $0x80, $0x38;
	[tilespmem:$0x16C00] =	vst v63  }
.LBB2_20:
0x22e: {  	_ =	swait.ge [sflag:s13], $0x480  }
0x22f: {  	s24 =	sshll.u32 s23, $0x8;
	[sflag:s13] =	ssyncset.done $0x0  }
0x230: {  	s0 =	sadd.s32 s9, s24;
	[sflag:s13] =	ssyncadd.s32 $0xFFFFFB80  }
0x231: {  	[tilespmem:s14], [sflag:$0x1] =	stream.linear.gather [hbm4b:s0+s3], $0x400, $0x38;
	[tilespmem:$0x16C00] =	vst v63  }
0x232: {  	s0 =	sadd.s32 $0x19C80, s0  }
0x233: {  	[tilespmem:s15], [sflag:$0x1] =	stream.linear.gather [hbm4b:s0+s3], $0x80, $0x38;
	[tilespmem:$0x16C00] =	vst v63  }
0x234: {  	v4 =	vld [tilespmem:$0xDA00]  }
0x235: {  	v5 =	vld [tilespmem:$0xDA80]  }
0x236: {  	v6 =	vld [tilespmem:$0xDB00]  }
0x237: {  	v7 =	vld [tilespmem:$0xDB80]  }
0x238: {  	v8 =	vld [tilespmem:$0xDC00]  }
0x239: {  	v9 =	vld [tilespmem:$0xDC80]  }
0x23a: {  	v10 =	vld [tilespmem:$0xDD00]  }
0x23b: {  	v11 =	vld [tilespmem:$0xDD80]  }
0x23c: {  	v12 =	vld [tilespmem:$0xDE00]  }
0x23d: {  	v13 =	vld [tilespmem:$0xDA10]  }
0x23e: {  	v14 =	vld [tilespmem:$0xDA90]  }
0x23f: {  	v15 =	vld [tilespmem:$0xDB10]  }
0x240: {  	v16 =	vld [tilespmem:$0xDB90]  }
0x241: {  	v17 =	vld [tilespmem:$0xDC10]  }
0x242: {  	v18 =	vld [tilespmem:$0xDC90]  }
0x243: {  	v19 =	vld [tilespmem:$0xDD10]  }
0x244: {  	v20 =	vld [tilespmem:$0xDD90]  }
0x245: {  	v21 =	vld [tilespmem:$0xDE10]  }
0x246: {  	v22 =	vld [tilespmem:$0xDA20]  }
0x247: {  	v23 =	vld [tilespmem:$0xDAA0]  }
0x248: {  	v24 =	vld [tilespmem:$0xDB20]  }
0x249: {  	v25 =	vld [tilespmem:$0xDBA0]  }
0x24a: {  	v26 =	vld [tilespmem:$0xDC20]  }
0x24b: {  	v27 =	vld [tilespmem:$0xDCA0]  }
0x24c: {  	v28 =	vld [tilespmem:$0xDD20]  }
0x24d: {  	v29 =	vld [tilespmem:$0xDDA0]  }
0x24e: {  	v30 =	vld [tilespmem:$0xDE20]  }
0x24f: {  	v31 =	vld [tilespmem:$0xDA30]  }
0x250: {  	v32 =	vld [tilespmem:$0xDAB0]  }
0x251: {  	v33 =	vld [tilespmem:$0xDB30]  }
0x252: {  	v34 =	vld [tilespmem:$0xDBB0]  }
0x253: {  	v35 =	vld [tilespmem:$0xDC30]  }
0x254: {  	v36 =	vld [tilespmem:$0xDCB0];
	v5 =	vmul.u32 $0xC, v5;
	v9 =	vmul.u32 $0x6, v9;
	v7 =	vmul.u32 $0xA, v7  }
0x255: {  	v37 =	vld [tilespmem:$0xDB40];
	v4 =	vshll.u32 v4, $0x6;
	v14 =	vmul.u32 $0xC, v14;
	v13 =	vshll.u32 v13, $0x6  }
0x256: {  	v38 =	vld [tilespmem:$0xDE40];
	v16 =	vmul.u32 $0xA, v16;
	v25 =	vmul.u32 $0xA, v25;
	v22 =	vshll.u32 v22, $0x6;
	[tilespmem:$0xEA10] =	vst v13  }
0x257: {  	v13 =	vshll.u32 v31, $0x6;
	[tilespmem:$0xEA20] =	vst v22;
	v22 =	vld [tilespmem:$0xDDE0];
	v5 =	vadd.s32 v6, v5;
	v6 =	vadd.s32 v10, v9  }
0x258: {  	v9 =	vld [tilespmem:$0xDD30];
	v10 =	vshll.u32 v11, $0x1;
	v7 =	vadd.s32 v8, v7;
	v14 =	vadd.s32 v15, v14  }
0x259: {  	v11 =	vld [tilespmem:$0xDDB0];
	v15 =	vshll.u32 v20, $0x1;
	v16 =	vadd.s32 v17, v16;
	v25 =	vadd.s32 v26, v25  }
0x25a: {  	v8 =	vld [tilespmem:$0xDA40];
	v26 =	vshll.u32 v29, $0x1;
	v29 =	vmul.u32 $0x6, v36;
	v6 =	vshll.u32 v6, $0x2  }
0x25b: {  	v20 =	vld [tilespmem:$0xDC40];
	v5 =	vshll.u32 v5, $0x6;
	v7 =	vshll.u32 v7, $0x6;
	v14 =	vshll.u32 v14, $0x6  }
0x25c: {  	v17 =	vld [tilespmem:$0xDD40];
	v16 =	vshll.u32 v16, $0x6;
	v25 =	vshll.u32 v25, $0x6;
	v6 =	vadd.s32 v6, v10  }
0x25d: {  	v10 =	vld [tilespmem:$0xDE30];
	v5 =	vadd.s32 $0x1DC0, v5;
	v6 =	vadd.s32 v12, v6;
	v12 =	vmul.u32 $0x6, v18  }
0x25e: {  	v7 =	vadd.s32 $0x2CC0, v7;
	v16 =	vadd.s32 $0x2CC0, v16;
	v18 =	vld [tilespmem:$0xDAC0];
	v6 =	vshll.u32 v6, $0x6  }
0x25f: {  	v14 =	vadd.s32 $0x1DC0, v14;
	[tilespmem:$0xEB10] =	vst v16;
	v16 =	vld [tilespmem:$0xDAE0];
	v6 =	vadd.s32 $0x4AC0, v6;
	v12 =	vadd.s32 v19, v12  }
0x260: {  	v19 =	vld [tilespmem:$0xDBC0];
	v9 =	vadd.s32 v9, v29;
	v11 =	vshll.u32 v11, $0x1;
	v12 =	vshll.u32 v12, $0x2  }
0x261: {  	v29 =	vld [tilespmem:$0xDD50];
	[tilespmem:$0xEB80] =	vst v6;
	v6 =	vmul.u32 $0xA, v34;
	v9 =	vshll.u32 v9, $0x2;
	v12 =	vadd.s32 v12, v15  }
0x262: {  	v8 =	vshll.u32 v8, $0x6;
	v15 =	vld [tilespmem:$0xDCC0];
	v9 =	vadd.s32 v9, v11;
	v12 =	vadd.s32 v21, v12  }
0x263: {  	v11 =	vld [tilespmem:$0xDDD0];
	v21 =	vmul.u32 $0xC, v23;
	v23 =	vmul.u32 $0x6, v27;
	v6 =	vadd.s32 v35, v6  }
0x264: {  	v27 =	vld [tilespmem:$0xDDC0];
	v9 =	vadd.s32 v10, v9;
	v12 =	vshll.u32 v12, $0x6;
	v6 =	vshll.u32 v6, $0x6  }
0x265: {  	v10 =	vld [tilespmem:$0xDE50];
	v9 =	vshll.u32 v9, $0x6;
	v12 =	vadd.s32 $0x4AC0, v12;
	v21 =	vadd.s32 v24, v21  }
0x266: {  	[tilespmem:$0xEA00] =	vst v4;
	v23 =	vadd.s32 v28, v23;
	v24 =	vld [tilespmem:$0xDA50];
	v6 =	vadd.s32 $0x2CC0, v6;
	v9 =	vadd.s32 $0x4AC0, v9  }
0x267: {  	v28 =	vld [tilespmem:$0xDAD0];
	v23 =	vshll.u32 v23, $0x2;
	v21 =	vshll.u32 v21, $0x6;
	[tilespmem:$0xEB90] =	vst v12;
	v12 =	vmul.u32 $0xC, v18  }
0x268: {  	[tilespmem:$0xEA80] =	vst v5;
	v18 =	vmul.u32 $0xA, v19;
	v19 =	vld [tilespmem:$0xDBE0];
	v23 =	vadd.s32 v23, v26;
	v5 =	vadd.s32 $0x1DC0, v21  }
0x269: {  	[tilespmem:$0xEA90] =	vst v14;
	v26 =	vld [tilespmem:$0xDB50];
	v14 =	vmul.u32 $0x6, v15;
	v4 =	vadd.s32 v30, v23;
	v23 =	vmul.u32 $0xC, v32  }
0x26a: {  	v21 =	vadd.s32 $0x2CC0, v25;
	v30 =	vld [tilespmem:$0xDBD0];
	[tilespmem:$0xEAA0] =	vst v5;
	v5 =	vadd.s32 v37, v12;
	v18 =	vadd.s32 v20, v18  }
0x26b: {  	[tilespmem:$0xEB00] =	vst v7;
	v4 =	vshll.u32 v4, $0x6;
	v14 =	vadd.s32 v17, v14;
	v7 =	vadd.s32 v33, v23;
	v23 =	vld [tilespmem:$0xDCD0]  }
0x26c: {  	[tilespmem:$0xEA30] =	vst v13;
	v25 =	vld [tilespmem:$0xDC50];
	v5 =	vshll.u32 v5, $0x6;
	v12 =	vshll.u32 v14, $0x2;
	v14 =	vshll.u32 v27, $0x1  }
0x26d: {  	v15 =	vld [tilespmem:$0xDA60];
	[tilespmem:$0xEB20] =	vst v21;
	v4 =	vadd.s32 $0x4AC0, v4;
	v13 =	vmul.u32 $0xC, v28;
	v12 =	vadd.s32 v12, v14  }
0x26e: {  	v21 =	vld [tilespmem:$0xDD60];
	v7 =	vshll.u32 v7, $0x6;
	[tilespmem:$0xEBA0] =	vst v4;
	v4 =	vadd.s32 $0x1DC0, v5;
	v12 =	vadd.s32 v38, v12  }
0x26f: {  	[tilespmem:$0xEA40] =	vst v8;
	v17 =	vld [tilespmem:$0xDB60];
	v5 =	vshll.u32 v18, $0x6;
	v7 =	vadd.s32 $0x1DC0, v7;
	v12 =	vshll.u32 v12, $0x6  }
0x270: {  	v18 =	vld [tilespmem:$0xDCE0];
	[tilespmem:$0xEAB0] =	vst v7;
	v7 =	vadd.s32 $0x4AC0, v12;
	v12 =	vmul.u32 $0xA, v30;
	v20 =	vmul.u32 $0x6, v23  }
0x271: {  	[tilespmem:$0xEB30] =	vst v6;
	v11 =	vshll.u32 v11, $0x1;
	v6 =	vshll.u32 v24, $0x6;
	v14 =	vld [tilespmem:$0xDC60];
	v13 =	vadd.s32 v26, v13  }
0x272: {  	[tilespmem:$0xEBB0] =	vst v9;
	v8 =	vshll.u32 v13, $0x6;
	v13 =	vld [tilespmem:$0xDB70];
	v9 =	vadd.s32 v25, v12;
	v20 =	vadd.s32 v29, v20  }
0x273: {  	[tilespmem:$0xEA50] =	vst v6;
	v5 =	vadd.s32 $0x2CC0, v5;
	v23 =	vld [tilespmem:$0xDE60];
	v9 =	vshll.u32 v9, $0x6;
	v12 =	vshll.u32 v20, $0x2  }
0x274: {  	[tilespmem:$0xEB40] =	vst v5;
	v5 =	vadd.s32 $0x1DC0, v8;
	v20 =	vld [tilespmem:$0xDA70];
	v8 =	vadd.s32 $0x2CC0, v9;
	v11 =	vadd.s32 v12, v11  }
0x275: {  	[tilespmem:$0xEAC0] =	vst v4;
	v9 =	vld [tilespmem:$0xDCF0];
	v4 =	vadd.s32 v10, v11;
	v10 =	vmul.u32 $0xC, v16;
	v11 =	vmul.u32 $0x6, v18  }
0x276: {  	v6 =	vmul.u32 $0xA, v19;
	[tilespmem:$0xEBC0] =	vst v7;
	v12 =	vld [tilespmem:$0xDAF0]  }
0x277: {  	[tilespmem:$0xEAD0] =	vst v5;
	v5 =	vshll.u32 v15, $0x6;
	v7 =	vadd.s32 v17, v10;
	v10 =	vadd.s32 v21, v11;
	v11 =	vld [tilespmem:$0xDBF0]  }
0x278: {  	v16 =	vshll.u32 v22, $0x1;
	v4 =	vshll.u32 v4, $0x6;
	v17 =	vld [tilespmem:$0xDD70];
	v10 =	vshll.u32 v10, $0x2  }
0x279: {  	v15 =	vld [tilespmem:$0xDDF0];
	v6 =	vadd.s32 v14, v6;
	[tilespmem:$0xEB50] =	vst v8;
	v4 =	vadd.s32 $0x4AC0, v4;
	v10 =	vadd.s32 v10, v16  }
0x27a: {  	v7 =	vshll.u32 v7, $0x6;
	[tilespmem:$0xEBD0] =	vst v4;
	v4 =	vshll.u32 v6, $0x6;
	v8 =	vadd.s32 v23, v10;
	v10 =	vld [tilespmem:$0xDC70]  }
0x27b: {  	v9 =	vmul.u32 $0x6, v9;
	v7 =	vadd.s32 $0x1DC0, v7;
	v6 =	vshll.u32 v8, $0x6;
	v8 =	vld [tilespmem:$0xDE70]  }
0x27c: {  	[tilespmem:$0xEA60] =	vst v5;
	v4 =	vadd.s32 $0x2CC0, v4;
	v5 =	vadd.s32 $0x4AC0, v6;
	v6 =	vmul.u32 $0xC, v12  }
0x27d: {  	[tilespmem:$0xEAE0] =	vst v7;
	v7 =	vshll.u32 v20, $0x6;
	v11 =	vmul.u32 $0xA, v11;
	v9 =	vadd.s32 v17, v9  }
0x27e: {  	[tilespmem:$0xEB60] =	vst v4;
	v4 =	vadd.s32 v13, v6;
	v6 =	vshll.u32 v9, $0x2;
	v9 =	vshll.u32 v15, $0x1  }
0x27f: {  	[tilespmem:$0xEBE0] =	vst v5;
	v4 =	vshll.u32 v4, $0x6;
	v5 =	vadd.s32 v10, v11;
	v6 =	vadd.s32 v6, v9  }
0x280: {  	[tilespmem:$0xEA70] =	vst v7;
	v4 =	vadd.s32 $0x1DC0, v4;
	v5 =	vshll.u32 v5, $0x6;
	v6 =	vadd.s32 v8, v6  }
0x281: {  	[tilespmem:$0xEAF0] =	vst v4;
	v4 =	vadd.s32 $0x2CC0, v5;
	v5 =	vshll.u32 v6, $0x6  }
0x282: {  	p0 =	seq.s32 s23, $0x0;
	[tilespmem:$0xEB70] =	vst v4;
	v4 =	vadd.s32 $0x4AC0, v5;
	v5 =	vmov s22  }
0x283: {  	s0 =	simm.s32 @!p0 $0x2;
	[tilespmem:$0xEBF0] =	vst v4;
	v4 =	vor.u32 $0x80, v5  }
0x284: {  	s1 =	simm.s32 $0x1;
	v6 =	vor.u32 $0x100, v5;
	_ =	swait.ge @!p0 [sflag:s0], $0x4000  }
0x285: {  	v8 =	vmov s1;
	[sflag:s0] =	ssyncset.done @!p0 $0x0  }
0x286: {  	s5 =	simm.s32 $0x2;
	v7 =	vor.u32 $0x180, v5;
	[sflag:s0] =	ssyncadd.s32 @!p0 $0xFFFFC000  }
0x287: {  	v13 =	vld.idx.msk [tilespmem:v5+s16+$0x0], $0xffff;
	v5 =	vmov s5  }
0x288: {  	v11 =	vld.idx.msk [tilespmem:v4+s16+$0x0], $0xffff;
	v4 =	vor.u32 $0x80, v8  }
0x289: {  	v12 =	vld.idx.msk [tilespmem:v6+s16+$0x0], $0xffff;
	v6 =	vor.u32 $0x100, v8  }
0x28a: {  	v20 =	vld.idx.msk [tilespmem:v8+s16+$0x0], $0xffff;
	v9 =	vor.u32 $0x100, v5  }
0x28b: {  	v10 =	vld.idx.msk [tilespmem:v7+s16+$0x0], $0xffff;
	v7 =	vor.u32 $0x180, v8  }
0x28c: {  	v8 =	vor.u32 $0x80, v5;
	v14 =	vld.idx.msk [tilespmem:v5+s16+$0x0], $0xffff  }
0x28d: {  	s25 =	simm.s32 $0x3;
	v5 =	vor.u32 $0x180, v5;
	v21 =	vld.idx.msk [tilespmem:v4+s16+$0x0], $0xffff  }
0x28e: {  	v4 =	vmov s25;
	v22 =	vld.idx.msk [tilespmem:v6+s16+$0x0], $0xffff  }
0x28f: {  	v17 =	vld.idx.msk [tilespmem:v9+s16+$0x0], $0xffff;
	v9 =	vadd.s32 v0, v13  }
0x290: {  	v19 =	vld.idx.msk [tilespmem:v7+s16+$0x0], $0xffff;
	v46 =	vadd.s32 v0, v11  }
0x291: {  	v15 =	vld.idx.msk [tilespmem:v8+s16+$0x0], $0xffff;
	v47 =	vadd.s32 v0, v12  }
0x292: {  	v49 =	vadd.s32 v0, v10;
	v18 =	vld.idx.msk [tilespmem:v5+s16+$0x0], $0xffff  }
0x293: {  	v6 =	vor.u32 $0x80, v4;
	v27 =	vld.idx.msk [tilespmem:v4+s16+$0x0], $0xffff  }
0x294: {  	v7 =	vor.u32 $0x100, v4;
	v28 =	vld.idx.msk [tilespmem:v9+s17+$0x0], $0xffff  }
0x295: {  	v8 =	vor.u32 $0x180, v4;
	v33 =	vld.idx.msk [tilespmem:v46+s17+$0x0], $0xffff  }
0x296: {  	v4 =	vadd.s32 v0, v20;
	v34 =	vld.idx.msk [tilespmem:v47+s17+$0x0], $0xffff  }
0x297: {  	v5 =	vadd.s32 v0, v19;
	v36 =	vld.idx.msk [tilespmem:v49+s17+$0x0], $0xffff  }
0x298: {  	v26 =	vld.idx.msk [tilespmem:v6+s16+$0x0], $0xffff;
	v6 =	vadd.s32 v0, v14  }
0x299: {  	v30 =	vadd.s32 v0, v15;
	v25 =	vld.idx.msk [tilespmem:v7+s16+$0x0], $0xffff  }
0x29a: {  	v7 =	vadd.s32 v0, v21;
	v24 =	vld.idx.msk [tilespmem:v8+s16+$0x0], $0xffff  }
0x29b: {  	v8 =	vadd.s32 v0, v22;
	v9 =	vld.idx.msk [tilespmem:v4+s17+$0x0], $0xffff  }
0x29c: {  	v4 =	vadd.s32 v0, v27;
	v5 =	vld.idx.msk [tilespmem:v5+s17+$0x0], $0xffff  }
0x29d: {  	v29 =	vld.idx.msk [tilespmem:v6+s17+$0x0], $0xffff;
	v6 =	vadd.s32 v0, v26  }
0x29e: {  	v30 =	vld.idx.msk [tilespmem:v30+s17+$0x0], $0xffff;
	v16 =	vadd.s32 v0, v25  }
0x29f: {  	v7 =	vld.idx.msk [tilespmem:v7+s17+$0x0], $0xffff;
	v23 =	vadd.s32 v0, v24  }
0x2a0: {  	s26 =	simm.s32 $0x4;
	v31 =	vadd.s32 v0, v17;
	v8 =	vld.idx.msk [tilespmem:v8+s17+$0x0], $0xffff  }
0x2a1: {  	v50 =	vmov s26;
	v45 =	vadd.s32 v0, v18;
	v4 =	vld.idx.msk [tilespmem:v4+s17+$0x0], $0xffff  }
0x2a2: {  	v39 =	vor.u32 $0x100, v50;
	v6 =	vld.idx.msk [tilespmem:v6+s17+$0x0], $0xffff  }
0x2a3: {  	v40 =	vor.u32 $0x180, v50;
	v16 =	vld.idx.msk [tilespmem:v16+s17+$0x0], $0xffff  }
0x2a4: {  	v48 =	vld.idx.msk [tilespmem:v23+s17+$0x0], $0xffff  }
0x2a5: {  	s29 =	simm.s32 $0x5;
	v51 =	vor.u32 $0x80, v50;
	v31 =	vld.idx.msk [tilespmem:v31+s17+$0x0], $0xffff;
	v53 =	vadd.bf16 v7, v9;
	v8 =	vadd.bf16 v5, v8  }
0x2a6: {  	v32 =	vld.idx.msk [tilespmem:v45+s17+$0x0], $0xffff;
	v23 =	vmov s29  }
0x2a7: {  	v42 =	vadd.s32 v1, v20;
	v7 =	vld.idx.msk [tilespmem:v39+s16+$0x0], $0xffff;
	v38 =	vadd.bf16 v8, v53  }
0x2a8: {  	v59 =	vadd.s32 v1, v22;
	v5 =	vld.idx.msk [tilespmem:v40+s16+$0x0], $0xffff;
	v29 =	vadd.bf16 v30, v29;
	v30 =	vadd.s32 v1, v21  }
0x2a9: {  	s25 =	simm.s32 $0xED00;
	v58 =	vunpack.i.l.bf16.f32 v38;
	v41 =	vadd.bf16 v6, v4;
	v35 =	vadd.bf16 v48, v16;
	v6 =	vld.idx.msk [tilespmem:v50+s16+$0x0], $0xffff  }
0x2aa: {  	v60 =	vadd.s32 v1, v19;
	v38 =	vunpack.i.u.bf16.f32 v38;
	v4 =	vld.idx.msk [tilespmem:v51+s16+$0x0], $0xffff;
	[tilespmem:s25+$0xFFFFFF80] =	vst v58  }
0x2ab: {  	v52 =	vadd.s32 v1, v27;
	v9 =	vld.idx.msk [tilespmem:v23+s16+$0x0], $0xffff;
	[tilespmem:s25+$0xFFFFFF90] =	vst v38;
	v35 =	vadd.bf16 v35, v41  }
0x2ac: {  	v28 =	vadd.bf16 v33, v28;
	v54 =	vadd.s32 v1, v26;
	v63 =	vld.idx.msk [tilespmem:v42+s17+$0x0], $0xffff  }
0x2ad: {  	v62 =	vadd.bf16 v36, v34;
	v56 =	vadd.s32 v1, v25;
	v30 =	vld.idx.msk [tilespmem:v30+s17+$0x0], $0xffff;
	v55 =	vunpack.i.l.bf16.f32 v35  }
0x2ae: {  	v43 =	vadd.s32 v1, v11;
	v57 =	vadd.s32 v1, v24;
	v51 =	vld.idx.msk [tilespmem:v59+s17+$0x0], $0xffff;
	v35 =	vunpack.i.u.bf16.f32 v35;
	[tilespmem:s25+$0x80] =	vst v55  }
0x2af: {  	v28 =	vadd.bf16 v62, v28;
	v31 =	vadd.bf16 v32, v31;
	v32 =	vld.idx.msk [tilespmem:v60+s17+$0x0], $0xffff;
	[tilespmem:s25+$0x90] =	vst v35  }
0x2b0: {  	s30 =	simm.s32 $0x6;
	v35 =	vld.idx.msk [tilespmem:v52+s17+$0x0], $0xffff  }
0x2b1: {  	v53 =	vunpack.i.l.bf16.f32 v28;
	v16 =	vmov s30;
	v39 =	vld.idx.msk [tilespmem:v54+s17+$0x0], $0xffff  }
0x2b2: {  	v28 =	vunpack.i.u.bf16.f32 v28;
	[tilespmem:s25+$0xFFFFFF00] =	vst v53;
	v29 =	vadd.bf16 v31, v29;
	v31 =	vadd.s32 v1, v14;
	v41 =	vld.idx.msk [tilespmem:v56+s17+$0x0], $0xffff  }
0x2b3: {  	[tilespmem:s25+$0xFFFFFF10] =	vst v28;
	v48 =	vadd.s32 v1, v15;
	v61 =	vld.idx.msk [tilespmem:v57+s17+$0x0], $0xffff  }
0x2b4: {  	v50 =	vadd.s32 v1, v17;
	v58 =	vld.idx.msk [tilespmem:v43+s17+$0x0], $0xffff;
	v49 =	vunpack.i.l.bf16.f32 v29;
	v29 =	vunpack.i.u.bf16.f32 v29  }
0x2b5: {  	[tilespmem:s25+$0x0] =	vst v49;
	v52 =	vadd.s32 v1, v18;
	v30 =	vadd.bf16 v30, v63;
	v32 =	vadd.bf16 v32, v51  }
0x2b6: {  	[tilespmem:s25+$0x10] =	vst v29;
	v29 =	vadd.s32 v1, v13;
	v8 =	vld.idx.msk [tilespmem:v16+s16+$0x0], $0xffff  }
0x2b7: {  	v44 =	vadd.s32 v1, v12;
	v31 =	vld.idx.msk [tilespmem:v31+s17+$0x0], $0xffff;
	v30 =	vadd.bf16 v32, v30  }
0x2b8: {  	v36 =	vld.idx.msk [tilespmem:v48+s17+$0x0], $0xffff;
	v54 =	vadd.s32 v1, v10;
	v35 =	vadd.bf16 v39, v35;
	v38 =	vadd.bf16 v61, v41  }
0x2b9: {  	v45 =	vadd.s32 v2, v21;
	v55 =	vld.idx.msk [tilespmem:v50+s17+$0x0], $0xffff  }
0x2ba: {  	v56 =	vadd.s32 v2, v27;
	v47 =	vunpack.i.l.bf16.f32 v30;
	v28 =	vld.idx.msk [tilespmem:v52+s17+$0x0], $0xffff;
	v35 =	vadd.bf16 v38, v35  }
0x2bb: {  	v57 =	vadd.s32 v2, v26;
	v29 =	vld.idx.msk [tilespmem:v29+s17+$0x0], $0xffff;
	v30 =	vunpack.i.u.bf16.f32 v30;
	[tilespmem:s25+$0xFFFFFFA0] =	vst v47  }
0x2bc: {  	v60 =	vadd.s32 v2, v25;
	v61 =	vld.idx.msk [tilespmem:v44+s17+$0x0], $0xffff;
	[tilespmem:s25+$0xFFFFFFB0] =	vst v30;
	v59 =	vunpack.i.l.bf16.f32 v35  }
0x2bd: {  	v62 =	vadd.s32 v2, v24;
	v39 =	vld.idx.msk [tilespmem:v54+s17+$0x0], $0xffff;
	v35 =	vunpack.i.u.bf16.f32 v35;
	[tilespmem:s25+$0xA0] =	vst v59  }
0x2be: {  	v46 =	vadd.s32 v2, v22;
	v32 =	vld.idx.msk [tilespmem:v45+s17+$0x0], $0xffff;
	[tilespmem:s25+$0xB0] =	vst v35  }
0x2bf: {  	v48 =	vadd.s32 v2, v19;
	v31 =	vadd.bf16 v36, v31;
	v28 =	vadd.bf16 v28, v55;
	v35 =	vld.idx.msk [tilespmem:v56+s17+$0x0], $0xffff  }
0x2c0: {  	v63 =	vadd.s32 v2, v20;
	v34 =	vld.idx.msk [tilespmem:v57+s17+$0x0], $0xffff  }
0x2c1: {  	v50 =	vadd.s32 v2, v14;
	v49 =	vld.idx.msk [tilespmem:v60+s17+$0x0], $0xffff;
	v28 =	vadd.bf16 v28, v31  }
0x2c2: {  	v51 =	vadd.s32 v2, v15;
	v52 =	vadd.s32 v2, v17;
	v30 =	vld.idx.msk [tilespmem:v62+s17+$0x0], $0xffff  }
0x2c3: {  	v36 =	vld.idx.msk [tilespmem:v46+s17+$0x0], $0xffff;
	v29 =	vadd.bf16 v58, v29;
	v39 =	vadd.bf16 v39, v61;
	v53 =	vunpack.i.l.bf16.f32 v28  }
0x2c4: {  	v54 =	vadd.s32 v2, v18;
	v37 =	vld.idx.msk [tilespmem:v48+s17+$0x0], $0xffff;
	v28 =	vunpack.i.u.bf16.f32 v28;
	[tilespmem:s25+$0x20] =	vst v53  }
0x2c5: {  	v55 =	vadd.s32 v2, v13;
	v31 =	vld.idx.msk [tilespmem:v63+s17+$0x0], $0xffff;
	v29 =	vadd.bf16 v39, v29;
	[tilespmem:s25+$0x30] =	vst v28  }
0x2c6: {  	v58 =	vadd.s32 v2, v10;
	v56 =	vadd.s32 v2, v12;
	v41 =	vld.idx.msk [tilespmem:v50+s17+$0x0], $0xffff  }
0x2c7: {  	v57 =	vunpack.i.u.bf16.f32 v29;
	v33 =	vld.idx.msk [tilespmem:v51+s17+$0x0], $0xffff;
	v34 =	vadd.bf16 v34, v35;
	v30 =	vadd.bf16 v30, v49  }
0x2c8: {  	v29 =	vunpack.i.l.bf16.f32 v29;
	v28 =	vadd.s32 v2, v11;
	[tilespmem:s25+$0xFFFFFF30] =	vst v57;
	v38 =	vld.idx.msk [tilespmem:v52+s17+$0x0], $0xffff  }
0x2c9: {  	v27 =	vadd.s32 v3, v27;
	[tilespmem:s25+$0xFFFFFF20] =	vst v29;
	v29 =	vld.idx.msk [tilespmem:v54+s17+$0x0], $0xffff;
	v30 =	vadd.bf16 v30, v34  }
0x2ca: {  	v25 =	vadd.s32 v3, v25;
	v26 =	vadd.s32 v3, v26;
	v59 =	vld.idx.msk [tilespmem:v55+s17+$0x0], $0xffff  }
0x2cb: {  	v60 =	vadd.bf16 v37, v36;
	v62 =	vld.idx.msk [tilespmem:v56+s17+$0x0], $0xffff;
	v31 =	vadd.bf16 v32, v31;
	v61 =	vunpack.i.l.bf16.f32 v30  }
0x2cc: {  	v24 =	vadd.s32 v3, v24;
	v35 =	vld.idx.msk [tilespmem:v58+s17+$0x0], $0xffff;
	v30 =	vunpack.i.u.bf16.f32 v30;
	[tilespmem:s25+$0xC0] =	vst v61  }
0x2cd: {  	v20 =	vadd.s32 v3, v20;
	v31 =	vadd.bf16 v60, v31;
	v28 =	vld.idx.msk [tilespmem:v28+s17+$0x0], $0xffff;
	[tilespmem:s25+$0xD0] =	vst v30  }
0x2ce: {  	v22 =	vadd.s32 v3, v22;
	v21 =	vadd.s32 v3, v21;
	v27 =	vld.idx.msk [tilespmem:v27+s17+$0x0], $0xffff  }
0x2cf: {  	v30 =	vadd.bf16 v33, v41;
	v32 =	vunpack.i.l.bf16.f32 v31;
	v29 =	vadd.bf16 v29, v38;
	v26 =	vld.idx.msk [tilespmem:v26+s17+$0x0], $0xffff  }
0x2d0: {  	v19 =	vadd.s32 v3, v19;
	v31 =	vunpack.i.u.bf16.f32 v31;
	[tilespmem:s25+$0xFFFFFFC0] =	vst v32;
	v25 =	vld.idx.msk [tilespmem:v25+s17+$0x0], $0xffff  }
0x2d1: {  	v14 =	vadd.s32 v3, v14;
	[tilespmem:s25+$0xFFFFFFD0] =	vst v31;
	v24 =	vld.idx.msk [tilespmem:v24+s17+$0x0], $0xffff;
	v29 =	vadd.bf16 v29, v30  }
0x2d2: {  	v15 =	vadd.s32 v3, v15;
	v17 =	vadd.s32 v3, v17;
	v20 =	vld.idx.msk [tilespmem:v20+s17+$0x0], $0xffff  }
0x2d3: {  	v30 =	vadd.bf16 v35, v62;
	v21 =	vld.idx.msk [tilespmem:v21+s17+$0x0], $0xffff;
	v28 =	vadd.bf16 v28, v59;
	v31 =	vunpack.i.l.bf16.f32 v29  }
0x2d4: {  	v18 =	vadd.s32 v3, v18;
	v22 =	vld.idx.msk [tilespmem:v22+s17+$0x0], $0xffff;
	v29 =	vunpack.i.u.bf16.f32 v29;
	[tilespmem:s25+$0x40] =	vst v31  }
0x2d5: {  	v13 =	vadd.s32 v3, v13;
	v19 =	vld.idx.msk [tilespmem:v19+s17+$0x0], $0xffff;
	[tilespmem:s25+$0x50] =	vst v29;
	v28 =	vadd.bf16 v30, v28  }
0x2d6: {  	v11 =	vadd.s32 v3, v11;
	v29 =	vld.idx.msk [tilespmem:v14+s17+$0x0], $0xffff  }
0x2d7: {  	v12 =	vadd.s32 v3, v12;
	v15 =	vld.idx.msk [tilespmem:v15+s17+$0x0], $0xffff;
	v14 =	vunpack.i.u.bf16.f32 v28  }
0x2d8: {  	v10 =	vadd.s32 v3, v10;
	v17 =	vld.idx.msk [tilespmem:v17+s17+$0x0], $0xffff;
	v28 =	vunpack.i.l.bf16.f32 v28;
	[tilespmem:s25+$0xFFFFFF50] =	vst v14  }
0x2d9: {  	v18 =	vld.idx.msk [tilespmem:v18+s17+$0x0], $0xffff;
	v14 =	vor.u32 $0x80, v23;
	[tilespmem:s25+$0xFFFFFF40] =	vst v28  }
0x2da: {  	v28 =	vor.u32 $0x100, v23;
	v30 =	vld.idx.msk [tilespmem:v13+s17+$0x0], $0xffff  }
0x2db: {  	v23 =	vor.u32 $0x180, v23;
	v31 =	vld.idx.msk [tilespmem:v11+s17+$0x0], $0xffff  }
0x2dc: {  	v11 =	vor.u32 $0x80, v16;
	v63 =	vld.idx.msk [tilespmem:v12+s17+$0x0], $0xffff  }
0x2dd: {  	s31 =	simm.s32 $0x7;
	v24 =	vadd.bf16 v24, v25;
	v25 =	vor.u32 $0x100, v16;
	v12 =	vadd.bf16 v26, v27;
	v26 =	vld.idx.msk [tilespmem:v10+s17+$0x0], $0xffff  }
0x2de: {  	v20 =	vadd.bf16 v21, v20;
	v27 =	vmov s31;
	v13 =	vld.idx.msk [tilespmem:v14+s16+$0x0], $0xffff  }
0x2df: {  	v19 =	vadd.bf16 v19, v22;
	v24 =	vadd.bf16 v24, v12;
	v14 =	vld.idx.msk [tilespmem:v28+s16+$0x0], $0xffff;
	v28 =	vor.u32 $0x80, v27  }
0x2e0: {  	v21 =	vor.u32 $0x100, v27;
	v12 =	vld.idx.msk [tilespmem:v23+s16+$0x0], $0xffff  }
0x2e1: {  	v20 =	vadd.bf16 v19, v20;
	v22 =	vunpack.i.u.bf16.f32 v24;
	v23 =	vor.u32 $0x180, v27;
	v10 =	vld.idx.msk [tilespmem:v11+s16+$0x0], $0xffff  }
0x2e2: {  	v15 =	vadd.bf16 v15, v29;
	v17 =	vadd.bf16 v18, v17;
	[tilespmem:s25+$0xF0] =	vst v22;
	v11 =	vld.idx.msk [tilespmem:v25+s16+$0x0], $0xffff;
	v22 =	vor.u32 $0x180, v16  }
0x2e3: {  	v29 =	vadd.s32 v0, v9;
	v25 =	vadd.s32 v0, v6;
	v16 =	vld.idx.msk [tilespmem:v27+s16+$0x0], $0xffff;
	v27 =	vadd.bf16 v31, v30  }
0x2e4: {  	v24 =	vunpack.i.l.bf16.f32 v24;
	v19 =	vld.idx.msk [tilespmem:v28+s16+$0x0], $0xffff;
	v28 =	vadd.bf16 v17, v15;
	v15 =	vadd.bf16 v26, v63  }
0x2e5: {  	[tilespmem:s25+$0xE0] =	vst v24;
	v24 =	vunpack.i.u.bf16.f32 v20;
	v30 =	vadd.s32 v0, v8;
	v20 =	vunpack.i.l.bf16.f32 v20;
	v18 =	vld.idx.msk [tilespmem:v21+s16+$0x0], $0xffff  }
0x2e6: {  	[tilespmem:s25+$0xFFFFFFE0] =	vst v20;
	v31 =	vadd.s32 v0, v13;
	v17 =	vld.idx.msk [tilespmem:v23+s16+$0x0], $0xffff;
	v20 =	vunpack.i.l.bf16.f32 v28;
	v21 =	vadd.bf16 v15, v27  }
0x2e7: {  	v15 =	vld.idx.msk [tilespmem:v22+s16+$0x0], $0xffff;
	v22 =	vunpack.i.u.bf16.f32 v28;
	[tilespmem:s25+$0x60] =	vst v20;
	v20 =	vadd.s32 v0, v14  }
0x2e8: {  	v26 =	vld.idx.msk [tilespmem:v25+s17+$0x0], $0xffff;
	[tilespmem:s25+$0x70] =	vst v22;
	v22 =	vunpack.i.l.bf16.f32 v21;
	v25 =	vunpack.i.u.bf16.f32 v21;
	v21 =	vadd.s32 v0, v12  }
0x2e9: {  	[tilespmem:s25+$0xFFFFFFF0] =	vst v24;
	v24 =	vld.idx.msk [tilespmem:v29+s17+$0x0], $0xffff;
	v23 =	vadd.s32 v0, v16  }
0x2ea: {  	[tilespmem:s25+$0xFFFFFF60] =	vst v22;
	v22 =	vld.idx.msk [tilespmem:v30+s17+$0x0], $0xffff;
	v27 =	vadd.s32 v0, v19  }
0x2eb: {  	s28 =	simm.s32 $0x8;
	s26 =	sadd.s32 s4, s24;
	s24 =	sor.u32 $0x80, s24;
	v28 =	vadd.s32 v0, v18;
	[tilespmem:s25+$0xFFFFFF70] =	vst v25;
	v25 =	vld.idx.msk [tilespmem:v31+s17+$0x0], $0xffff  }
.LBB2_21:
0x2ec: {  	p1 =	slt.u32 s28, $0x7C;
	v29 =	vld.idx.msk [tilespmem:v20+s17+$0x0], $0xffff;
	v20 =	vadd.s32 v0, v17  }
0x2ed: {  	v30 =	vld.idx.msk [tilespmem:v21+s17+$0x0], $0xffff;
	v21 =	vadd.s32 v0, v10  }
0x2ee: {  	v31 =	vadd.s32 v0, v11;
	v23 =	vld.idx.msk [tilespmem:v23+s17+$0x0], $0xffff  }
0x2ef: {  	v32 =	vadd.s32 v0, v15;
	v27 =	vld.idx.msk [tilespmem:v27+s17+$0x0], $0xffff  }
0x2f0: {  	v33 =	vadd.s32 v0, v4;
	v28 =	vld.idx.msk [tilespmem:v28+s17+$0x0], $0xffff  }
0x2f1: {  	v34 =	vadd.s32 v0, v7;
	v20 =	vld.idx.msk [tilespmem:v20+s17+$0x0], $0xffff  }
0x2f2: {  	v35 =	vadd.s32 v0, v5;
	v36 =	vld.idx.msk [tilespmem:v21+s17+$0x0], $0xffff  }
0x2f3: {  	v37 =	vmov s28;
	v31 =	vld.idx.msk [tilespmem:v31+s17+$0x0], $0xffff  }
0x2f4: {  	v38 =	vor.u32 $0x80, v37;
	v32 =	vld.idx.msk [tilespmem:v32+s17+$0x0], $0xffff  }
0x2f5: {  	v39 =	vor.u32 $0x100, v37;
	v33 =	vld.idx.msk [tilespmem:v33+s17+$0x0], $0xffff  }
0x2f6: {  	s0 =	sadd.s32 $0x1, s28;
	v40 =	vor.u32 $0x180, v37;
	v34 =	vld.idx.msk [tilespmem:v34+s17+$0x0], $0xffff  }
0x2f7: {  	v21 =	vmov s0;
	s0 =	sadd.s32 $0x2, s28;
	v27 =	vadd.bf16 v27, v23;
	v28 =	vadd.bf16 v20, v28;
	v35 =	vld.idx.msk [tilespmem:v35+s17+$0x0], $0xffff  }
0x2f8: {  	v41 =	vadd.s32 v1, v9;
	v20 =	vmov s0;
	v23 =	vld.idx.msk [tilespmem:v37+s16+$0x0], $0xffff;
	v37 =	vadd.bf16 v25, v24  }
0x2f9: {  	v29 =	vadd.bf16 v30, v29;
	v30 =	vadd.s32 v1, v16;
	v28 =	vadd.bf16 v28, v27;
	v24 =	vld.idx.msk [tilespmem:v38+s16+$0x0], $0xffff  }
0x2fa: {  	v36 =	vadd.bf16 v36, v22;
	v31 =	vadd.bf16 v32, v31;
	v32 =	vadd.s32 v1, v19;
	v25 =	vld.idx.msk [tilespmem:v39+s16+$0x0], $0xffff  }
0x2fb: {  	s25 =	sadd.s32 $0x200, s25;
	v38 =	vadd.s32 v1, v18;
	v29 =	vadd.bf16 v29, v37;
	v37 =	vunpack.i.l.bf16.f32 v28;
	v22 =	vld.idx.msk [tilespmem:v40+s16+$0x0], $0xffff  }
0x2fc: {  	v33 =	vadd.bf16 v33, v26;
	v28 =	vunpack.i.u.bf16.f32 v28;
	v27 =	vld.idx.msk [tilespmem:v21+s16+$0x0], $0xffff;
	[tilespmem:s25+$0x80] =	vst v37;
	v37 =	vadd.s32 v1, v17  }
0x2fd: {  	v31 =	vadd.bf16 v31, v36;
	v34 =	vadd.bf16 v35, v34;
	v35 =	vunpack.i.l.bf16.f32 v29;
	v26 =	vld.idx.msk [tilespmem:v20+s16+$0x0], $0xffff;
	[tilespmem:s25+$0x90] =	vst v28  }
0x2fe: {  	v28 =	vunpack.i.u.bf16.f32 v29;
	v29 =	vadd.s32 v1, v13;
	[tilespmem:s25+$0xFFFFFF80] =	vst v35;
	v30 =	vld.idx.msk [tilespmem:v30+s17+$0x0], $0xffff  }
0x2ff: {  	v33 =	vadd.bf16 v34, v33;
	v34 =	vunpack.i.l.bf16.f32 v31;
	[tilespmem:s25+$0xFFFFFF90] =	vst v28;
	v28 =	vadd.s32 v1, v14;
	v32 =	vld.idx.msk [tilespmem:v32+s17+$0x0], $0xffff  }
0x300: {  	v35 =	vadd.s32 v1, v12;
	v31 =	vunpack.i.u.bf16.f32 v31;
	[tilespmem:s25+$0x0] =	vst v34;
	v34 =	vld.idx.msk [tilespmem:v38+s17+$0x0], $0xffff  }
0x301: {  	v36 =	vunpack.i.l.bf16.f32 v33;
	[tilespmem:s25+$0x10] =	vst v31;
	v31 =	vadd.s32 v1, v8;
	v37 =	vld.idx.msk [tilespmem:v37+s17+$0x0], $0xffff  }
0x302: {  	v33 =	vunpack.i.u.bf16.f32 v33;
	v38 =	vadd.s32 v1, v10;
	[tilespmem:s25+$0xFFFFFF00] =	vst v36;
	v36 =	vld.idx.msk [tilespmem:v41+s17+$0x0], $0xffff  }
0x303: {  	[tilespmem:s25+$0xFFFFFF10] =	vst v33;
	v29 =	vld.idx.msk [tilespmem:v29+s17+$0x0], $0xffff;
	v33 =	vadd.s32 v1, v11  }
0x304: {  	v39 =	vadd.s32 v1, v15;
	v28 =	vld.idx.msk [tilespmem:v28+s17+$0x0], $0xffff  }
0x305: {  	v40 =	vadd.s32 v1, v6;
	v35 =	vld.idx.msk [tilespmem:v35+s17+$0x0], $0xffff  }
0x306: {  	v41 =	vadd.s32 v1, v4;
	v31 =	vld.idx.msk [tilespmem:v31+s17+$0x0], $0xffff  }
0x307: {  	v42 =	vadd.s32 v1, v7;
	v30 =	vadd.bf16 v32, v30;
	v32 =	vadd.bf16 v37, v34;
	v38 =	vld.idx.msk [tilespmem:v38+s17+$0x0], $0xffff  }
0x308: {  	v34 =	vadd.s32 v1, v5;
	v33 =	vld.idx.msk [tilespmem:v33+s17+$0x0], $0xffff  }
0x309: {  	v29 =	vadd.bf16 v29, v36;
	v30 =	vadd.bf16 v32, v30;
	v32 =	vadd.s32 v2, v16;
	v36 =	vld.idx.msk [tilespmem:v39+s17+$0x0], $0xffff  }
0x30a: {  	v39 =	vadd.s32 v2, v19;
	v37 =	vld.idx.msk [tilespmem:v40+s17+$0x0], $0xffff  }
0x30b: {  	v28 =	vadd.bf16 v35, v28;
	v35 =	vunpack.i.l.bf16.f32 v30;
	v40 =	vld.idx.msk [tilespmem:v41+s17+$0x0], $0xffff;
	v41 =	vadd.s32 v2, v18  }
0x30c: {  	v43 =	vadd.s32 v2, v9;
	v30 =	vunpack.i.u.bf16.f32 v30;
	v42 =	vld.idx.msk [tilespmem:v42+s17+$0x0], $0xffff;
	[tilespmem:s25+$0xA0] =	vst v35;
	v35 =	vadd.s32 v2, v17  }
0x30d: {  	v28 =	vadd.bf16 v28, v29;
	v29 =	vadd.bf16 v38, v31;
	v34 =	vld.idx.msk [tilespmem:v34+s17+$0x0], $0xffff;
	[tilespmem:s25+$0xB0] =	vst v30  }
0x30e: {  	v31 =	vadd.s32 v2, v14;
	v30 =	vadd.s32 v2, v13;
	v32 =	vld.idx.msk [tilespmem:v32+s17+$0x0], $0xffff  }
0x30f: {  	v38 =	vunpack.i.u.bf16.f32 v28;
	v28 =	vunpack.i.l.bf16.f32 v28;
	v33 =	vadd.bf16 v36, v33;
	v36 =	vld.idx.msk [tilespmem:v39+s17+$0x0], $0xffff  }
0x310: {  	v39 =	vadd.s32 v2, v8;
	[tilespmem:s25+$0xFFFFFFA0] =	vst v28;
	v28 =	vadd.s32 v2, v12;
	v41 =	vld.idx.msk [tilespmem:v41+s17+$0x0], $0xffff  }
0x311: {  	v37 =	vadd.bf16 v40, v37;
	v29 =	vadd.bf16 v33, v29;
	[tilespmem:s25+$0xFFFFFFB0] =	vst v38;
	v33 =	vld.idx.msk [tilespmem:v35+s17+$0x0], $0xffff  }
0x312: {  	v40 =	vadd.s32 v2, v11;
	v38 =	vadd.s32 v2, v10;
	v35 =	vld.idx.msk [tilespmem:v43+s17+$0x0], $0xffff  }
0x313: {  	v34 =	vadd.bf16 v34, v42;
	v42 =	vunpack.i.u.bf16.f32 v29;
	v29 =	vunpack.i.l.bf16.f32 v29;
	v30 =	vld.idx.msk [tilespmem:v30+s17+$0x0], $0xffff  }
0x314: {  	v31 =	vld.idx.msk [tilespmem:v31+s17+$0x0], $0xffff;
	[tilespmem:s25+$0x20] =	vst v29;
	v29 =	vadd.s32 v2, v15  }
0x315: {  	v34 =	vadd.bf16 v34, v37;
	v37 =	vadd.s32 v2, v6;
	v28 =	vld.idx.msk [tilespmem:v28+s17+$0x0], $0xffff;
	[tilespmem:s25+$0x30] =	vst v42  }
0x316: {  	v43 =	vadd.s32 v2, v7;
	v42 =	vadd.s32 v2, v4;
	v39 =	vld.idx.msk [tilespmem:v39+s17+$0x0], $0xffff  }
0x317: {  	v32 =	vadd.bf16 v36, v32;
	v44 =	vunpack.i.u.bf16.f32 v34;
	v33 =	vadd.bf16 v33, v41;
	v38 =	vld.idx.msk [tilespmem:v38+s17+$0x0], $0xffff  }
0x318: {  	v36 =	vadd.s32 v2, v5;
	v34 =	vunpack.i.l.bf16.f32 v34;
	[tilespmem:s25+$0xFFFFFF30] =	vst v44;
	v40 =	vld.idx.msk [tilespmem:v40+s17+$0x0], $0xffff  }
0x319: {  	v16 =	vadd.s32 v3, v16;
	v32 =	vadd.bf16 v33, v32;
	[tilespmem:s25+$0xFFFFFF20] =	vst v34;
	v29 =	vld.idx.msk [tilespmem:v29+s17+$0x0], $0xffff  }
0x31a: {  	v19 =	vadd.s32 v3, v19;
	v30 =	vadd.bf16 v30, v35;
	v33 =	vld.idx.msk [tilespmem:v37+s17+$0x0], $0xffff  }
0x31b: {  	v18 =	vadd.s32 v3, v18;
	v28 =	vadd.bf16 v28, v31;
	v31 =	vunpack.i.l.bf16.f32 v32;
	v34 =	vld.idx.msk [tilespmem:v42+s17+$0x0], $0xffff  }
0x31c: {  	v17 =	vadd.s32 v3, v17;
	v37 =	vadd.s32 v3, v9;
	v32 =	vunpack.i.u.bf16.f32 v32;
	v35 =	vld.idx.msk [tilespmem:v43+s17+$0x0], $0xffff;
	[tilespmem:s25+$0xC0] =	vst v31  }
0x31d: {  	v9 =	vmov v27;
	v28 =	vadd.bf16 v28, v30;
	v30 =	vadd.bf16 v38, v39;
	v31 =	vld.idx.msk [tilespmem:v36+s17+$0x0], $0xffff;
	[tilespmem:s25+$0xD0] =	vst v32  }
0x31e: {  	v14 =	vadd.s32 v3, v14;
	v13 =	vadd.s32 v3, v13;
	v16 =	vld.idx.msk [tilespmem:v16+s17+$0x0], $0xffff  }
0x31f: {  	v27 =	vunpack.i.u.bf16.f32 v28;
	v28 =	vunpack.i.l.bf16.f32 v28;
	v29 =	vadd.bf16 v29, v40;
	v19 =	vld.idx.msk [tilespmem:v19+s17+$0x0], $0xffff  }
0x320: {  	v12 =	vadd.s32 v3, v12;
	[tilespmem:s25+$0xFFFFFFC0] =	vst v28;
	v28 =	vadd.s32 v3, v8;
	v18 =	vld.idx.msk [tilespmem:v18+s17+$0x0], $0xffff;
	v8 =	vmov v26  }
0x321: {  	v26 =	vadd.bf16 v34, v33;
	[tilespmem:s25+$0xFFFFFFD0] =	vst v27;
	v27 =	vadd.bf16 v29, v30;
	v17 =	vld.idx.msk [tilespmem:v17+s17+$0x0], $0xffff  }
0x322: {  	v11 =	vadd.s32 v3, v11;
	v10 =	vadd.s32 v3, v10;
	v29 =	vld.idx.msk [tilespmem:v37+s17+$0x0], $0xffff  }
0x323: {  	v30 =	vadd.bf16 v31, v35;
	v13 =	vld.idx.msk [tilespmem:v13+s17+$0x0], $0xffff;
	v31 =	vunpack.i.u.bf16.f32 v27;
	v27 =	vunpack.i.l.bf16.f32 v27  }
0x324: {  	v15 =	vadd.s32 v3, v15;
	v14 =	vld.idx.msk [tilespmem:v14+s17+$0x0], $0xffff;
	[tilespmem:s25+$0x40] =	vst v27  }
0x325: {  	v26 =	vadd.bf16 v30, v26;
	v27 =	vadd.s32 v3, v6;
	v6 =	vmov v23;
	v12 =	vld.idx.msk [tilespmem:v12+s17+$0x0], $0xffff;
	[tilespmem:s25+$0x50] =	vst v31  }
0x326: {  	v23 =	vadd.s32 v3, v4;
	v30 =	vadd.s32 v3, v7;
	v4 =	vmovc v24;
	v7 =	vmov v25;
	v28 =	vld.idx.msk [tilespmem:v28+s17+$0x0], $0xffff  }
0x327: {  	v16 =	vadd.bf16 v19, v16;
	v24 =	vunpack.i.u.bf16.f32 v26;
	v17 =	vadd.bf16 v17, v18;
	v10 =	vld.idx.msk [tilespmem:v10+s17+$0x0], $0xffff  }
0x328: {  	v19 =	vadd.s32 v3, v5;
	v5 =	vmov v22;
	v18 =	vunpack.i.l.bf16.f32 v26;
	[tilespmem:s25+$0xFFFFFF50] =	vst v24;
	v11 =	vld.idx.msk [tilespmem:v11+s17+$0x0], $0xffff  }
0x329: {  	v22 =	vor.u32 $0x80, v21;
	v13 =	vadd.bf16 v13, v29;
	v16 =	vadd.bf16 v17, v16;
	[tilespmem:s25+$0xFFFFFF40] =	vst v18;
	v15 =	vld.idx.msk [tilespmem:v15+s17+$0x0], $0xffff  }
0x32a: {  	v17 =	vor.u32 $0x100, v21;
	v18 =	vor.u32 $0x180, v21;
	v21 =	vld.idx.msk [tilespmem:v27+s17+$0x0], $0xffff  }
0x32b: {  	v12 =	vadd.bf16 v12, v14;
	v14 =	vunpack.i.u.bf16.f32 v16;
	v16 =	vunpack.i.l.bf16.f32 v16;
	v23 =	vld.idx.msk [tilespmem:v23+s17+$0x0], $0xffff  }
0x32c: {  	v24 =	vor.u32 $0x80, v20;
	v25 =	vld.idx.msk [tilespmem:v30+s17+$0x0], $0xffff;
	[tilespmem:s25+$0xF0] =	vst v14  }
0x32d: {  	s0 =	sadd.s32 $0x3, s28;
	v26 =	vor.u32 $0x100, v20;
	v27 =	vadd.bf16 v12, v13;
	v28 =	vadd.bf16 v10, v28;
	v19 =	vld.idx.msk [tilespmem:v19+s17+$0x0], $0xffff;
	[tilespmem:s25+$0xE0] =	vst v16  }
0x32e: {  	v16 =	vmov s0;
	v13 =	vld.idx.msk [tilespmem:v22+s16+$0x0], $0xffff  }
0x32f: {  	v10 =	vunpack.i.u.bf16.f32 v27;
	v11 =	vadd.bf16 v15, v11;
	v14 =	vld.idx.msk [tilespmem:v17+s16+$0x0], $0xffff;
	v17 =	vor.u32 $0x80, v16  }
0x330: {  	v15 =	vor.u32 $0x100, v16;
	v12 =	vld.idx.msk [tilespmem:v18+s16+$0x0], $0xffff;
	v18 =	vunpack.i.l.bf16.f32 v27;
	[tilespmem:s25+$0xFFFFFFF0] =	vst v10  }
0x331: {  	v22 =	vor.u32 $0x180, v16;
	v21 =	vadd.bf16 v23, v21;
	v10 =	vld.idx.msk [tilespmem:v24+s16+$0x0], $0xffff;
	[tilespmem:s25+$0xFFFFFFE0] =	vst v18;
	v18 =	vadd.bf16 v11, v28  }
0x332: {  	v23 =	vadd.s32 v0, v6;
	v24 =	vor.u32 $0x180, v20;
	v11 =	vld.idx.msk [tilespmem:v26+s16+$0x0], $0xffff  }
0x333: {  	v20 =	vadd.bf16 v19, v25;
	v16 =	vld.idx.msk [tilespmem:v16+s16+$0x0], $0xffff;
	v25 =	vunpack.i.u.bf16.f32 v18;
	v18 =	vunpack.i.l.bf16.f32 v18  }
0x334: {  	v27 =	vadd.s32 v0, v9;
	v19 =	vld.idx.msk [tilespmem:v17+s16+$0x0], $0xffff;
	[tilespmem:s25+$0x60] =	vst v18  }
0x335: {  	v28 =	vadd.s32 v0, v8;
	v21 =	vadd.bf16 v20, v21;
	v18 =	vld.idx.msk [tilespmem:v15+s16+$0x0], $0xffff;
	[tilespmem:s25+$0x70] =	vst v25  }
0x336: {  	v25 =	vadd.s32 v0, v13;
	v17 =	vld.idx.msk [tilespmem:v22+s16+$0x0], $0xffff  }
.Ltmp9:
0x337: {  	v20 =	vadd.s32 v0, v14;
	v22 =	vunpack.i.u.bf16.f32 v21;
	v15 =	vld.idx.msk [tilespmem:v24+s16+$0x0], $0xffff;
	v24 =	vunpack.i.l.bf16.f32 v21;
	(pc) =	sbr.rel @p1 .LBB2_21-.Ltmp9, $4  }
0x338: {  	v21 =	vadd.s32 v0, v12;
	v26 =	vld.idx.msk [tilespmem:v23+s17+$0x0], $0xffff;
	[tilespmem:s25+$0xFFFFFF60] =	vst v24  }
0x339: {  	v23 =	vadd.s32 v0, v16;
	v24 =	vld.idx.msk [tilespmem:v27+s17+$0x0], $0xffff;
	[tilespmem:s25+$0xFFFFFF70] =	vst v22  }
0x33a: {  	v27 =	vadd.s32 v0, v19;
	v22 =	vld.idx.msk [tilespmem:v28+s17+$0x0], $0xffff  }
0x33b: {  	s28 =	sadd.s32 $0x4, s28;
	v28 =	vadd.s32 v0, v18;
	v25 =	vld.idx.msk [tilespmem:v25+s17+$0x0], $0xffff  }
0x33c: {  	_ =	sdelay $0x1  }
0x33d: {  	v29 =	vadd.s32 v0, v17;
	_ =	sdelay $0x1  }
0x33e: {  	v23 =	vld.idx.msk [tilespmem:v23+s17+$0x0], $0xffff  }
0x33f: {  	v27 =	vld.idx.msk [tilespmem:v27+s17+$0x0], $0xffff  }
0x340: {  	v28 =	vld.idx.msk [tilespmem:v28+s17+$0x0], $0xffff  }
0x341: {  	v29 =	vld.idx.msk [tilespmem:v29+s17+$0x0], $0xffff  }
0x342: {  	v30 =	vadd.s32 v0, v10  }
0x343: {  	v31 =	vadd.s32 v0, v11;
	v20 =	vld.idx.msk [tilespmem:v20+s17+$0x0], $0xffff  }
0x344: {  	v32 =	vadd.s32 v0, v15;
	v21 =	vld.idx.msk [tilespmem:v21+s17+$0x0], $0xffff  }
0x345: {  	v33 =	vadd.s32 v0, v4  }
0x346: {  	v34 =	vadd.s32 v0, v7;
	v23 =	vadd.bf16 v27, v23;
	v27 =	vadd.bf16 v29, v28  }
0x347: {  	v28 =	vadd.s32 v0, v5;
	v29 =	vld.idx.msk [tilespmem:v30+s17+$0x0], $0xffff  }
0x348: {  	v24 =	vadd.bf16 v25, v24;
	v25 =	vadd.s32 v1, v19;
	v30 =	vld.idx.msk [tilespmem:v31+s17+$0x0], $0xffff;
	v23 =	vadd.bf16 v27, v23  }
0x349: {  	v20 =	vadd.bf16 v21, v20;
	v31 =	vld.idx.msk [tilespmem:v32+s17+$0x0], $0xffff;
	v27 =	vadd.s32 v1, v16  }
0x34a: {  	v48 =	vadd.s32 v1, v18;
	s25 =	sadd.s32 $0x200, s25;
	v47 =	vld.idx.msk [tilespmem:v33+s17+$0x0], $0xffff;
	v21 =	vunpack.i.l.bf16.f32 v23  }
0x34b: {  	v34 =	vld.idx.msk [tilespmem:v34+s17+$0x0], $0xffff;
	v20 =	vadd.bf16 v20, v24;
	v23 =	vunpack.i.u.bf16.f32 v23;
	[tilespmem:s25+$0x80] =	vst v21;
	v21 =	vadd.s32 v1, v17  }
0x34c: {  	v35 =	vadd.s32 v1, v9;
	v28 =	vld.idx.msk [tilespmem:v28+s17+$0x0], $0xffff;
	[tilespmem:s25+$0x90] =	vst v23  }
0x34d: {  	v22 =	vadd.bf16 v29, v22;
	v23 =	vadd.s32 v1, v13;
	v29 =	vunpack.i.l.bf16.f32 v20;
	v25 =	vld.idx.msk [tilespmem:v25+s17+$0x0], $0xffff  }
0x34e: {  	[tilespmem:s25+$0xFFFFFF80] =	vst v29;
	v29 =	vadd.s32 v1, v12;
	v24 =	vld.idx.msk [tilespmem:v27+s17+$0x0], $0xffff;
	v27 =	vadd.bf16 v31, v30  }
0x34f: {  	v20 =	vunpack.i.u.bf16.f32 v20;
	v30 =	vadd.s32 v1, v14;
	v31 =	vld.idx.msk [tilespmem:v48+s17+$0x0], $0xffff  }
0x350: {  	[tilespmem:s25+$0xFFFFFF90] =	vst v20;
	v20 =	vadd.s32 v1, v8;
	v22 =	vadd.bf16 v27, v22;
	v21 =	vld.idx.msk [tilespmem:v21+s17+$0x0], $0xffff  }
0x351: {  	v49 =	vadd.s32 v1, v10;
	v26 =	vadd.bf16 v47, v26;
	v27 =	vadd.bf16 v28, v34;
	v28 =	vld.idx.msk [tilespmem:v35+s17+$0x0], $0xffff  }
0x352: {  	v51 =	vadd.s32 v1, v11;
	v23 =	vld.idx.msk [tilespmem:v23+s17+$0x0], $0xffff;
	v50 =	vunpack.i.l.bf16.f32 v22  }
0x353: {  	v36 =	vadd.s32 v1, v7;
	v22 =	vunpack.i.u.bf16.f32 v22;
	v29 =	vld.idx.msk [tilespmem:v29+s17+$0x0], $0xffff;
	v26 =	vadd.bf16 v27, v26;
	[tilespmem:s25+$0x0] =	vst v50  }
0x354: {  	v27 =	vld.idx.msk [tilespmem:v30+s17+$0x0], $0xffff;
	v30 =	vadd.s32 v1, v15;
	[tilespmem:s25+$0x10] =	vst v22  }
0x355: {  	v53 =	vadd.s32 v1, v4;
	v22 =	vadd.s32 v1, v6;
	v20 =	vld.idx.msk [tilespmem:v20+s17+$0x0], $0xffff;
	v52 =	vunpack.i.l.bf16.f32 v26  }
0x356: {  	v24 =	vadd.bf16 v25, v24;
	v32 =	vld.idx.msk [tilespmem:v49+s17+$0x0], $0xffff;
	v25 =	vunpack.i.u.bf16.f32 v26;
	v21 =	vadd.bf16 v21, v31;
	[tilespmem:s25+$0xFFFFFF00] =	vst v52  }
0x357: {  	v26 =	vadd.s32 v1, v5;
	v31 =	vld.idx.msk [tilespmem:v51+s17+$0x0], $0xffff;
	[tilespmem:s25+$0xFFFFFF10] =	vst v25  }
0x358: {  	v23 =	vadd.bf16 v23, v28;
	v28 =	vadd.s32 v2, v19;
	v55 =	vld.idx.msk [tilespmem:v36+s17+$0x0], $0xffff;
	v21 =	vadd.bf16 v21, v24  }
0x359: {  	v54 =	vadd.s32 v2, v18;
	v25 =	vld.idx.msk [tilespmem:v30+s17+$0x0], $0xffff;
	v27 =	vadd.bf16 v29, v27  }
0x35a: {  	v24 =	vadd.s32 v2, v16;
	v22 =	vld.idx.msk [tilespmem:v22+s17+$0x0], $0xffff;
	v29 =	vunpack.i.l.bf16.f32 v21  }
0x35b: {  	v56 =	vadd.s32 v2, v9;
	v30 =	vld.idx.msk [tilespmem:v53+s17+$0x0], $0xffff;
	v21 =	vunpack.i.u.bf16.f32 v21;
	v23 =	vadd.bf16 v27, v23;
	[tilespmem:s25+$0xA0] =	vst v29  }
0x35c: {  	v26 =	vld.idx.msk [tilespmem:v26+s17+$0x0], $0xffff;
	v29 =	vadd.s32 v2, v17;
	[tilespmem:s25+$0xB0] =	vst v21  }
0x35d: {  	v20 =	vadd.bf16 v32, v20;
	v27 =	vadd.s32 v2, v14;
	v57 =	vunpack.i.l.bf16.f32 v23;
	v28 =	vld.idx.msk [tilespmem:v28+s17+$0x0], $0xffff  }
0x35e: {  	v21 =	vadd.s32 v2, v13;
	v23 =	vunpack.i.u.bf16.f32 v23;
	v58 =	vld.idx.msk [tilespmem:v54+s17+$0x0], $0xffff;
	v25 =	vadd.bf16 v25, v31;
	[tilespmem:s25+$0xFFFFFFA0] =	vst v57  }
0x35f: {  	v24 =	vld.idx.msk [tilespmem:v24+s17+$0x0], $0xffff;
	v31 =	vadd.s32 v2, v12;
	[tilespmem:s25+$0xFFFFFFB0] =	vst v23  }
0x360: {  	v59 =	vadd.s32 v2, v8;
	v20 =	vadd.bf16 v25, v20;
	v25 =	vld.idx.msk [tilespmem:v56+s17+$0x0], $0xffff  }
0x361: {  	v22 =	vadd.bf16 v30, v22;
	v30 =	vadd.s32 v2, v11;
	v23 =	vld.idx.msk [tilespmem:v29+s17+$0x0], $0xffff  }
0x362: {  	v61 =	vadd.s32 v2, v15;
	v26 =	vadd.bf16 v26, v55;
	v27 =	vld.idx.msk [tilespmem:v27+s17+$0x0], $0xffff;
	v60 =	vunpack.i.l.bf16.f32 v20  }
0x363: {  	v29 =	vadd.s32 v2, v10;
	v21 =	vld.idx.msk [tilespmem:v21+s17+$0x0], $0xffff;
	v20 =	vunpack.i.u.bf16.f32 v20;
	[tilespmem:s25+$0x20] =	vst v60  }
0x364: {  	v22 =	vadd.bf16 v26, v22;
	v26 =	vadd.s32 v2, v6;
	v31 =	vld.idx.msk [tilespmem:v31+s17+$0x0], $0xffff;
	[tilespmem:s25+$0x30] =	vst v20  }
0x365: {  	v62 =	vadd.s32 v2, v7;
	v20 =	vadd.s32 v2, v4;
	v24 =	vadd.bf16 v28, v24;
	v33 =	vld.idx.msk [tilespmem:v59+s17+$0x0], $0xffff  }
0x366: {  	v63 =	vunpack.i.u.bf16.f32 v22;
	v22 =	vunpack.i.l.bf16.f32 v22;
	v30 =	vld.idx.msk [tilespmem:v30+s17+$0x0], $0xffff;
	v23 =	vadd.bf16 v23, v58  }
0x367: {  	v28 =	vadd.s32 v2, v5;
	[tilespmem:s25+$0xFFFFFF20] =	vst v22;
	v22 =	vld.idx.msk [tilespmem:v61+s17+$0x0], $0xffff  }
0x368: {  	v16 =	vadd.s32 v3, v16;
	[tilespmem:s25+$0xFFFFFF30] =	vst v63;
	v29 =	vld.idx.msk [tilespmem:v29+s17+$0x0], $0xffff;
	v23 =	vadd.bf16 v23, v24  }
0x369: {  	v18 =	vadd.s32 v3, v18;
	v19 =	vadd.s32 v3, v19;
	v24 =	vld.idx.msk [tilespmem:v26+s17+$0x0], $0xffff  }
0x36a: {  	v21 =	vadd.bf16 v21, v25;
	v20 =	vld.idx.msk [tilespmem:v20+s17+$0x0], $0xffff;
	v25 =	vadd.bf16 v31, v27;
	v26 =	vunpack.i.l.bf16.f32 v23  }
0x36b: {  	v17 =	vadd.s32 v3, v17;
	v27 =	vld.idx.msk [tilespmem:v62+s17+$0x0], $0xffff;
	v23 =	vunpack.i.u.bf16.f32 v23;
	[tilespmem:s25+$0xC0] =	vst v26  }
0x36c: {  	v9 =	vadd.s32 v3, v9;
	v21 =	vadd.bf16 v25, v21;
	v26 =	vld.idx.msk [tilespmem:v28+s17+$0x0], $0xffff;
	[tilespmem:s25+$0xD0] =	vst v23  }
0x36d: {  	v14 =	vadd.s32 v3, v14;
	v13 =	vadd.s32 v3, v13;
	v16 =	vld.idx.msk [tilespmem:v16+s17+$0x0], $0xffff  }
0x36e: {  	v22 =	vadd.bf16 v22, v30;
	v23 =	vadd.bf16 v29, v33;
	v25 =	vunpack.i.l.bf16.f32 v21;
	v19 =	vld.idx.msk [tilespmem:v19+s17+$0x0], $0xffff  }
0x36f: {  	v12 =	vadd.s32 v3, v12;
	v21 =	vunpack.i.u.bf16.f32 v21;
	v18 =	vld.idx.msk [tilespmem:v18+s17+$0x0], $0xffff;
	[tilespmem:s25+$0xFFFFFFC0] =	vst v25  }
0x370: {  	v8 =	vadd.s32 v3, v8;
	v17 =	vld.idx.msk [tilespmem:v17+s17+$0x0], $0xffff;
	[tilespmem:s25+$0xFFFFFFD0] =	vst v21;
	v21 =	vadd.bf16 v22, v23  }
0x371: {  	v11 =	vadd.s32 v3, v11;
	v10 =	vadd.s32 v3, v10;
	v9 =	vld.idx.msk [tilespmem:v9+s17+$0x0], $0xffff  }
0x372: {  	v20 =	vadd.bf16 v20, v24;
	v13 =	vld.idx.msk [tilespmem:v13+s17+$0x0], $0xffff;
	v23 =	vunpack.i.l.bf16.f32 v21;
	v22 =	vadd.bf16 v26, v27  }
0x373: {  	v15 =	vadd.s32 v3, v15;
	v14 =	vld.idx.msk [tilespmem:v14+s17+$0x0], $0xffff;
	v21 =	vunpack.i.u.bf16.f32 v21;
	[tilespmem:s25+$0x40] =	vst v23  }
0x374: {  	v6 =	vadd.s32 v3, v6;
	v12 =	vld.idx.msk [tilespmem:v12+s17+$0x0], $0xffff;
	[tilespmem:s25+$0x50] =	vst v21;
	v20 =	vadd.bf16 v22, v20  }
0x375: {  	v4 =	vadd.s32 v3, v4;
	v8 =	vld.idx.msk [tilespmem:v8+s17+$0x0], $0xffff  }
0x376: {  	v7 =	vadd.s32 v3, v7;
	v10 =	vld.idx.msk [tilespmem:v10+s17+$0x0], $0xffff;
	v21 =	vunpack.i.u.bf16.f32 v20  }
0x377: {  	v5 =	vadd.s32 v3, v5;
	v11 =	vld.idx.msk [tilespmem:v11+s17+$0x0], $0xffff;
	v20 =	vunpack.i.l.bf16.f32 v20;
	[tilespmem:s25+$0xFFFFFF50] =	vst v21  }
0x378: {  	v15 =	vld.idx.msk [tilespmem:v15+s17+$0x0], $0xffff;
	[tilespmem:s25+$0xFFFFFF40] =	vst v20  }
0x379: {  	v6 =	vld.idx.msk [tilespmem:v6+s17+$0x0], $0xffff  }
0x37a: {  	v4 =	vld.idx.msk [tilespmem:v4+s17+$0x0], $0xffff  }
0x37b: {  	v16 =	vadd.bf16 v19, v16;
	v17 =	vadd.bf16 v17, v18;
	v7 =	vld.idx.msk [tilespmem:v7+s17+$0x0], $0xffff  }
0x37c: {  	v9 =	vadd.bf16 v13, v9;
	v5 =	vld.idx.msk [tilespmem:v5+s17+$0x0], $0xffff  }
0x37d: {  	v12 =	vadd.bf16 v12, v14;
	v13 =	vadd.bf16 v17, v16  }
0x37e: {  	v8 =	vadd.bf16 v10, v8;
	v10 =	vadd.bf16 v15, v11  }
0x37f: {  	v9 =	vadd.bf16 v12, v9;
	v12 =	vunpack.i.u.bf16.f32 v13  }
0x380: {  	v11 =	vunpack.i.l.bf16.f32 v13;
	[tilespmem:s25+$0xF0] =	vst v12;
	v8 =	vadd.bf16 v10, v8  }
0x381: {  	[tilespmem:s25+$0xE0] =	vst v11;
	v4 =	vadd.bf16 v4, v6;
	v6 =	vunpack.i.u.bf16.f32 v9;
	v5 =	vadd.bf16 v5, v7  }
0x382: {  	v7 =	vunpack.i.l.bf16.f32 v9;
	[tilespmem:s25+$0xFFFFFFF0] =	vst v6  }
0x383: {  	[tilespmem:s25+$0xFFFFFFE0] =	vst v7;
	v6 =	vunpack.i.l.bf16.f32 v8;
	v4 =	vadd.bf16 v5, v4  }
0x384: {  	v5 =	vunpack.i.u.bf16.f32 v8;
	[tilespmem:s25+$0x60] =	vst v6  }
0x385: {  	[tilespmem:s25+$0x70] =	vst v5;
	v5 =	vunpack.i.l.bf16.f32 v4  }
0x386: {  	s0 =	sshll.u32 s26, $0x4;
	v4 =	vunpack.i.u.bf16.f32 v4;
	[tilespmem:s25+$0xFFFFFF60] =	vst v5  }
0x387: {  	s0 =	sadd.s32 s2, s0;
	[tilespmem:s25+$0xFFFFFF70] =	vst v4  }
0x388: {  	[hbm4b:s0+s3] =	stream.linear.scatter [tilespmem:s18], [sflag:$0x2], $0x4000, $0x38;
	[tilespmem:$0x16C00] =	vst v63  }
0x389: {  	_ =	swait.ge [sflag:s13], $0x480  }
0x38a: {  	[sflag:s13] =	ssyncset.done $0x0  }
0x38b: {  	s1 =	sadd.s32 s9, s24;
	[sflag:s13] =	ssyncadd.s32 $0xFFFFFB80  }
0x38c: {  	[tilespmem:s11], [sflag:$0x1] =	stream.linear.gather [hbm4b:s1+s3], $0x400, $0x38;
	[tilespmem:$0x16C00] =	vst v63  }
0x38d: {  	s0 =	sadd.s32 $0x19C80, s1  }
0x38e: {  	[tilespmem:s12], [sflag:$0x1] =	stream.linear.gather [hbm4b:s0+s3], $0x80, $0x38;
	[tilespmem:$0x16C00] =	vst v63  }
0x38f: {  	v4 =	vld [tilespmem:$0xE200]  }
0x390: {  	v5 =	vld [tilespmem:$0xE280]  }
0x391: {  	v6 =	vld [tilespmem:$0xE300]  }
0x392: {  	v7 =	vld [tilespmem:$0xE380]  }
0x393: {  	v8 =	vld [tilespmem:$0xE400]  }
0x394: {  	v9 =	vld [tilespmem:$0xE480]  }
0x395: {  	v10 =	vld [tilespmem:$0xE500]  }
0x396: {  	v11 =	vld [tilespmem:$0xE580]  }
0x397: {  	v12 =	vld [tilespmem:$0xE600]  }
0x398: {  	v13 =	vld [tilespmem:$0xE210]  }
0x399: {  	v14 =	vld [tilespmem:$0xE290]  }
0x39a: {  	v15 =	vld [tilespmem:$0xE310]  }
0x39b: {  	v16 =	vld [tilespmem:$0xE390]  }
0x39c: {  	v17 =	vld [tilespmem:$0xE410]  }
0x39d: {  	v18 =	vld [tilespmem:$0xE490]  }
0x39e: {  	v19 =	vld [tilespmem:$0xE510]  }
0x39f: {  	v20 =	vld [tilespmem:$0xE590]  }
0x3a0: {  	v21 =	vld [tilespmem:$0xE610]  }
0x3a1: {  	v22 =	vld [tilespmem:$0xE220]  }
0x3a2: {  	v23 =	vld [tilespmem:$0xE2A0]  }
0x3a3: {  	v24 =	vld [tilespmem:$0xE320]  }
0x3a4: {  	v25 =	vld [tilespmem:$0xE3A0]  }
0x3a5: {  	v26 =	vld [tilespmem:$0xE420]  }
0x3a6: {  	v27 =	vld [tilespmem:$0xE4A0]  }
0x3a7: {  	v28 =	vld [tilespmem:$0xE520]  }
0x3a8: {  	v29 =	vld [tilespmem:$0xE5A0]  }
0x3a9: {  	v30 =	vld [tilespmem:$0xE620]  }
0x3aa: {  	v31 =	vld [tilespmem:$0xE230]  }
0x3ab: {  	v40 =	vld [tilespmem:$0xE2B0]  }
0x3ac: {  	v41 =	vld [tilespmem:$0xE330]  }
0x3ad: {  	v42 =	vld [tilespmem:$0xE3B0]  }
0x3ae: {  	v43 =	vld [tilespmem:$0xE430]  }
0x3af: {  	v44 =	vld [tilespmem:$0xE4B0];
	v5 =	vmul.u32 $0xC, v5;
	v9 =	vmul.u32 $0x6, v9;
	v7 =	vmul.u32 $0xA, v7  }
0x3b0: {  	v37 =	vld [tilespmem:$0xE340];
	v4 =	vshll.u32 v4, $0x6;
	v14 =	vmul.u32 $0xC, v14;
	v13 =	vshll.u32 v13, $0x6  }
0x3b1: {  	v38 =	vld [tilespmem:$0xE640];
	v16 =	vmul.u32 $0xA, v16;
	v25 =	vmul.u32 $0xA, v25;
	v22 =	vshll.u32 v22, $0x6;
	[tilespmem:$0xEA10] =	vst v13  }
0x3b2: {  	v13 =	vshll.u32 v31, $0x6;
	[tilespmem:$0xEA20] =	vst v22;
	v22 =	vld [tilespmem:$0xE5E0];
	v5 =	vadd.s32 v6, v5;
	v6 =	vadd.s32 v10, v9  }
0x3b3: {  	v9 =	vld [tilespmem:$0xE530];
	v10 =	vshll.u32 v11, $0x1;
	v7 =	vadd.s32 v8, v7;
	v14 =	vadd.s32 v15, v14  }
0x3b4: {  	v11 =	vld [tilespmem:$0xE5B0];
	v15 =	vshll.u32 v20, $0x1;
	v16 =	vadd.s32 v17, v16;
	v25 =	vadd.s32 v26, v25  }
0x3b5: {  	v8 =	vld [tilespmem:$0xE240];
	v26 =	vshll.u32 v29, $0x1;
	v29 =	vmul.u32 $0x6, v44;
	v6 =	vshll.u32 v6, $0x2  }
0x3b6: {  	v20 =	vld [tilespmem:$0xE440];
	v5 =	vshll.u32 v5, $0x6;
	v7 =	vshll.u32 v7, $0x6;
	v14 =	vshll.u32 v14, $0x6  }
0x3b7: {  	v17 =	vld [tilespmem:$0xE540];
	v16 =	vshll.u32 v16, $0x6;
	v25 =	vshll.u32 v25, $0x6;
	v6 =	vadd.s32 v6, v10  }
0x3b8: {  	v10 =	vld [tilespmem:$0xE630];
	v5 =	vadd.s32 $0x1DC0, v5;
	v6 =	vadd.s32 v12, v6;
	v12 =	vmul.u32 $0x6, v18  }
0x3b9: {  	v7 =	vadd.s32 $0x2CC0, v7;
	v16 =	vadd.s32 $0x2CC0, v16;
	v18 =	vld [tilespmem:$0xE2C0];
	v6 =	vshll.u32 v6, $0x6  }
0x3ba: {  	v14 =	vadd.s32 $0x1DC0, v14;
	[tilespmem:$0xEB10] =	vst v16;
	v16 =	vld [tilespmem:$0xE2E0];
	v6 =	vadd.s32 $0x4AC0, v6;
	v12 =	vadd.s32 v19, v12  }
0x3bb: {  	v19 =	vld [tilespmem:$0xE3C0];
	v9 =	vadd.s32 v9, v29;
	v11 =	vshll.u32 v11, $0x1;
	v12 =	vshll.u32 v12, $0x2  }
0x3bc: {  	v29 =	vld [tilespmem:$0xE550];
	[tilespmem:$0xEB80] =	vst v6;
	v6 =	vmul.u32 $0xA, v42;
	v9 =	vshll.u32 v9, $0x2;
	v12 =	vadd.s32 v12, v15  }
0x3bd: {  	v8 =	vshll.u32 v8, $0x6;
	v15 =	vld [tilespmem:$0xE4C0];
	v9 =	vadd.s32 v9, v11;
	v12 =	vadd.s32 v21, v12  }
0x3be: {  	v11 =	vld [tilespmem:$0xE5D0];
	v21 =	vmul.u32 $0xC, v23;
	v23 =	vmul.u32 $0x6, v27;
	v6 =	vadd.s32 v43, v6  }
0x3bf: {  	v27 =	vld [tilespmem:$0xE5C0];
	v9 =	vadd.s32 v10, v9;
	v12 =	vshll.u32 v12, $0x6;
	v6 =	vshll.u32 v6, $0x6  }
0x3c0: {  	v10 =	vld [tilespmem:$0xE650];
	v9 =	vshll.u32 v9, $0x6;
	v12 =	vadd.s32 $0x4AC0, v12;
	v21 =	vadd.s32 v24, v21  }
0x3c1: {  	[tilespmem:$0xEA00] =	vst v4;
	v23 =	vadd.s32 v28, v23;
	v24 =	vld [tilespmem:$0xE250];
	v6 =	vadd.s32 $0x2CC0, v6;
	v9 =	vadd.s32 $0x4AC0, v9  }
0x3c2: {  	v28 =	vld [tilespmem:$0xE2D0];
	v23 =	vshll.u32 v23, $0x2;
	v21 =	vshll.u32 v21, $0x6;
	[tilespmem:$0xEB90] =	vst v12;
	v12 =	vmul.u32 $0xC, v18  }
0x3c3: {  	[tilespmem:$0xEA80] =	vst v5;
	v18 =	vmul.u32 $0xA, v19;
	v19 =	vld [tilespmem:$0xE3E0];
	v23 =	vadd.s32 v23, v26;
	v5 =	vadd.s32 $0x1DC0, v21  }
0x3c4: {  	[tilespmem:$0xEA90] =	vst v14;
	v26 =	vld [tilespmem:$0xE350];
	v14 =	vmul.u32 $0x6, v15;
	v4 =	vadd.s32 v30, v23;
	v23 =	vmul.u32 $0xC, v40  }
0x3c5: {  	v21 =	vadd.s32 $0x2CC0, v25;
	v30 =	vld [tilespmem:$0xE3D0];
	[tilespmem:$0xEAA0] =	vst v5;
	v5 =	vadd.s32 v37, v12;
	v18 =	vadd.s32 v20, v18  }
0x3c6: {  	[tilespmem:$0xEB00] =	vst v7;
	v4 =	vshll.u32 v4, $0x6;
	v14 =	vadd.s32 v17, v14;
	v7 =	vadd.s32 v41, v23;
	v23 =	vld [tilespmem:$0xE4D0]  }
0x3c7: {  	[tilespmem:$0xEA30] =	vst v13;
	v25 =	vld [tilespmem:$0xE450];
	v5 =	vshll.u32 v5, $0x6;
	v12 =	vshll.u32 v14, $0x2;
	v14 =	vshll.u32 v27, $0x1  }
0x3c8: {  	v15 =	vld [tilespmem:$0xE260];
	[tilespmem:$0xEB20] =	vst v21;
	v4 =	vadd.s32 $0x4AC0, v4;
	v13 =	vmul.u32 $0xC, v28;
	v12 =	vadd.s32 v12, v14  }
0x3c9: {  	v21 =	vld [tilespmem:$0xE560];
	v7 =	vshll.u32 v7, $0x6;
	[tilespmem:$0xEBA0] =	vst v4;
	v4 =	vadd.s32 $0x1DC0, v5;
	v12 =	vadd.s32 v38, v12  }
0x3ca: {  	[tilespmem:$0xEA40] =	vst v8;
	v17 =	vld [tilespmem:$0xE360];
	v5 =	vshll.u32 v18, $0x6;
	v7 =	vadd.s32 $0x1DC0, v7;
	v12 =	vshll.u32 v12, $0x6  }
0x3cb: {  	v18 =	vld [tilespmem:$0xE4E0];
	[tilespmem:$0xEAB0] =	vst v7;
	v7 =	vadd.s32 $0x4AC0, v12;
	v12 =	vmul.u32 $0xA, v30;
	v20 =	vmul.u32 $0x6, v23  }
0x3cc: {  	[tilespmem:$0xEB30] =	vst v6;
	v11 =	vshll.u32 v11, $0x1;
	v6 =	vshll.u32 v24, $0x6;
	v14 =	vld [tilespmem:$0xE460];
	v13 =	vadd.s32 v26, v13  }
0x3cd: {  	[tilespmem:$0xEBB0] =	vst v9;
	v8 =	vshll.u32 v13, $0x6;
	v13 =	vld [tilespmem:$0xE370];
	v9 =	vadd.s32 v25, v12;
	v20 =	vadd.s32 v29, v20  }
0x3ce: {  	[tilespmem:$0xEA50] =	vst v6;
	v5 =	vadd.s32 $0x2CC0, v5;
	v23 =	vld [tilespmem:$0xE660];
	v9 =	vshll.u32 v9, $0x6;
	v12 =	vshll.u32 v20, $0x2  }
0x3cf: {  	[tilespmem:$0xEB40] =	vst v5;
	v5 =	vadd.s32 $0x1DC0, v8;
	v20 =	vld [tilespmem:$0xE270];
	v8 =	vadd.s32 $0x2CC0, v9;
	v11 =	vadd.s32 v12, v11  }
0x3d0: {  	[tilespmem:$0xEAC0] =	vst v4;
	v9 =	vld [tilespmem:$0xE4F0];
	v4 =	vadd.s32 v10, v11;
	v10 =	vmul.u32 $0xC, v16;
	v11 =	vmul.u32 $0x6, v18  }
0x3d1: {  	v6 =	vmul.u32 $0xA, v19;
	[tilespmem:$0xEBC0] =	vst v7;
	v12 =	vld [tilespmem:$0xE2F0]  }
0x3d2: {  	[tilespmem:$0xEAD0] =	vst v5;
	v5 =	vshll.u32 v15, $0x6;
	v7 =	vadd.s32 v17, v10;
	v10 =	vadd.s32 v21, v11;
	v11 =	vld [tilespmem:$0xE3F0]  }
0x3d3: {  	v16 =	vshll.u32 v22, $0x1;
	v4 =	vshll.u32 v4, $0x6;
	v17 =	vld [tilespmem:$0xE570];
	v10 =	vshll.u32 v10, $0x2  }
0x3d4: {  	v15 =	vld [tilespmem:$0xE5F0];
	v6 =	vadd.s32 v14, v6;
	[tilespmem:$0xEB50] =	vst v8;
	v4 =	vadd.s32 $0x4AC0, v4;
	v10 =	vadd.s32 v10, v16  }
0x3d5: {  	v7 =	vshll.u32 v7, $0x6;
	[tilespmem:$0xEBD0] =	vst v4;
	v4 =	vshll.u32 v6, $0x6;
	v8 =	vadd.s32 v23, v10;
	v10 =	vld [tilespmem:$0xE470]  }
0x3d6: {  	v9 =	vmul.u32 $0x6, v9;
	v7 =	vadd.s32 $0x1DC0, v7;
	v6 =	vshll.u32 v8, $0x6;
	v8 =	vld [tilespmem:$0xE670]  }
0x3d7: {  	[tilespmem:$0xEA60] =	vst v5;
	v4 =	vadd.s32 $0x2CC0, v4;
	v5 =	vadd.s32 $0x4AC0, v6;
	v6 =	vmul.u32 $0xC, v12  }
0x3d8: {  	[tilespmem:$0xEAE0] =	vst v7;
	v7 =	vshll.u32 v20, $0x6;
	v11 =	vmul.u32 $0xA, v11;
	v9 =	vadd.s32 v17, v9  }
0x3d9: {  	[tilespmem:$0xEB60] =	vst v4;
	v4 =	vadd.s32 v13, v6;
	v6 =	vshll.u32 v9, $0x2;
	v9 =	vshll.u32 v15, $0x1  }
0x3da: {  	[tilespmem:$0xEBE0] =	vst v5;
	v4 =	vshll.u32 v4, $0x6;
	v5 =	vadd.s32 v10, v11;
	v6 =	vadd.s32 v6, v9  }
0x3db: {  	[tilespmem:$0xEA70] =	vst v7;
	v4 =	vadd.s32 $0x1DC0, v4;
	v5 =	vshll.u32 v5, $0x6;
	v6 =	vadd.s32 v8, v6  }
0x3dc: {  	s5 =	simm.s32 $0x0;
	[tilespmem:$0xEAF0] =	vst v4;
	v4 =	vadd.s32 $0x2CC0, v5;
	v5 =	vshll.u32 v6, $0x6  }
0x3dd: {  	[tilespmem:$0xEB70] =	vst v4;
	v4 =	vadd.s32 $0x4AC0, v5;
	v5 =	vmov s5  }
0x3de: {  	s0 =	simm.s32 @!p0 $0x2;
	[tilespmem:$0xEBF0] =	vst v4;
	v4 =	vor.u32 $0x80, v5  }
0x3df: {  	s1 =	simm.s32 $0x1;
	v6 =	vor.u32 $0x100, v5;
	_ =	swait.ge @!p0 [sflag:s0], $0x4000  }
0x3e0: {  	v8 =	vmov s1;
	[sflag:s0] =	ssyncset.done @!p0 $0x0  }
0x3e1: {  	s25 =	simm.s32 $0x2;
	v7 =	vor.u32 $0x180, v5;
	[sflag:s0] =	ssyncadd.s32 @!p0 $0xFFFFC000  }
0x3e2: {  	v13 =	vld.idx.msk [tilespmem:v5+s16+$0x0], $0xffff;
	v5 =	vmov s25  }
0x3e3: {  	v11 =	vld.idx.msk [tilespmem:v4+s16+$0x0], $0xffff;
	v4 =	vor.u32 $0x80, v8  }
0x3e4: {  	v12 =	vld.idx.msk [tilespmem:v6+s16+$0x0], $0xffff;
	v6 =	vor.u32 $0x100, v8  }
0x3e5: {  	v20 =	vld.idx.msk [tilespmem:v8+s16+$0x0], $0xffff;
	v9 =	vor.u32 $0x100, v5  }
0x3e6: {  	v10 =	vld.idx.msk [tilespmem:v7+s16+$0x0], $0xffff;
	v7 =	vor.u32 $0x180, v8  }
0x3e7: {  	v8 =	vor.u32 $0x80, v5;
	v14 =	vld.idx.msk [tilespmem:v5+s16+$0x0], $0xffff  }
0x3e8: {  	s26 =	simm.s32 $0x3;
	v5 =	vor.u32 $0x180, v5;
	v21 =	vld.idx.msk [tilespmem:v4+s16+$0x0], $0xffff  }
0x3e9: {  	v4 =	vmov s26;
	v22 =	vld.idx.msk [tilespmem:v6+s16+$0x0], $0xffff  }
0x3ea: {  	v17 =	vld.idx.msk [tilespmem:v9+s16+$0x0], $0xffff;
	v9 =	vadd.s32 v0, v13  }
0x3eb: {  	v19 =	vld.idx.msk [tilespmem:v7+s16+$0x0], $0xffff;
	v46 =	vadd.s32 v0, v11  }
0x3ec: {  	v15 =	vld.idx.msk [tilespmem:v8+s16+$0x0], $0xffff;
	v47 =	vadd.s32 v0, v12  }
0x3ed: {  	v49 =	vadd.s32 v0, v10;
	v18 =	vld.idx.msk [tilespmem:v5+s16+$0x0], $0xffff  }
0x3ee: {  	v6 =	vor.u32 $0x80, v4;
	v27 =	vld.idx.msk [tilespmem:v4+s16+$0x0], $0xffff  }
0x3ef: {  	v7 =	vor.u32 $0x100, v4;
	v28 =	vld.idx.msk [tilespmem:v9+s17+$0x0], $0xffff  }
0x3f0: {  	v8 =	vor.u32 $0x180, v4;
	v33 =	vld.idx.msk [tilespmem:v46+s17+$0x0], $0xffff  }
0x3f1: {  	v4 =	vadd.s32 v0, v20;
	v34 =	vld.idx.msk [tilespmem:v47+s17+$0x0], $0xffff  }
0x3f2: {  	v5 =	vadd.s32 v0, v19;
	v36 =	vld.idx.msk [tilespmem:v49+s17+$0x0], $0xffff  }
0x3f3: {  	v26 =	vld.idx.msk [tilespmem:v6+s16+$0x0], $0xffff;
	v6 =	vadd.s32 v0, v14  }
0x3f4: {  	v30 =	vadd.s32 v0, v15;
	v25 =	vld.idx.msk [tilespmem:v7+s16+$0x0], $0xffff  }
0x3f5: {  	v7 =	vadd.s32 v0, v21;
	v24 =	vld.idx.msk [tilespmem:v8+s16+$0x0], $0xffff  }
0x3f6: {  	v8 =	vadd.s32 v0, v22;
	v9 =	vld.idx.msk [tilespmem:v4+s17+$0x0], $0xffff  }
0x3f7: {  	v4 =	vadd.s32 v0, v27;
	v5 =	vld.idx.msk [tilespmem:v5+s17+$0x0], $0xffff  }
0x3f8: {  	v29 =	vld.idx.msk [tilespmem:v6+s17+$0x0], $0xffff;
	v6 =	vadd.s32 v0, v26  }
0x3f9: {  	v30 =	vld.idx.msk [tilespmem:v30+s17+$0x0], $0xffff;
	v16 =	vadd.s32 v0, v25  }
0x3fa: {  	v7 =	vld.idx.msk [tilespmem:v7+s17+$0x0], $0xffff;
	v23 =	vadd.s32 v0, v24  }
0x3fb: {  	s28 =	simm.s32 $0x4;
	v31 =	vadd.s32 v0, v17;
	v8 =	vld.idx.msk [tilespmem:v8+s17+$0x0], $0xffff  }
0x3fc: {  	v50 =	vmov s28;
	v45 =	vadd.s32 v0, v18;
	v4 =	vld.idx.msk [tilespmem:v4+s17+$0x0], $0xffff  }
0x3fd: {  	v39 =	vor.u32 $0x100, v50;
	v6 =	vld.idx.msk [tilespmem:v6+s17+$0x0], $0xffff  }
0x3fe: {  	v40 =	vor.u32 $0x180, v50;
	v16 =	vld.idx.msk [tilespmem:v16+s17+$0x0], $0xffff  }
0x3ff: {  	v48 =	vld.idx.msk [tilespmem:v23+s17+$0x0], $0xffff  }
0x400: {  	s29 =	simm.s32 $0x5;
	v51 =	vor.u32 $0x80, v50;
	v31 =	vld.idx.msk [tilespmem:v31+s17+$0x0], $0xffff;
	v53 =	vadd.bf16 v7, v9;
	v8 =	vadd.bf16 v5, v8  }
0x401: {  	v32 =	vld.idx.msk [tilespmem:v45+s17+$0x0], $0xffff;
	v23 =	vmov s29  }
0x402: {  	v42 =	vadd.s32 v1, v20;
	v7 =	vld.idx.msk [tilespmem:v39+s16+$0x0], $0xffff;
	v38 =	vadd.bf16 v8, v53  }
0x403: {  	v59 =	vadd.s32 v1, v22;
	v5 =	vld.idx.msk [tilespmem:v40+s16+$0x0], $0xffff;
	v29 =	vadd.bf16 v30, v29;
	v30 =	vadd.s32 v1, v21  }
0x404: {  	s25 =	simm.s32 $0x12D00;
	v58 =	vunpack.i.l.bf16.f32 v38;
	v41 =	vadd.bf16 v6, v4;
	v35 =	vadd.bf16 v48, v16;
	v6 =	vld.idx.msk [tilespmem:v50+s16+$0x0], $0xffff  }
0x405: {  	v60 =	vadd.s32 v1, v19;
	v38 =	vunpack.i.u.bf16.f32 v38;
	v4 =	vld.idx.msk [tilespmem:v51+s16+$0x0], $0xffff;
	[tilespmem:s25+$0xFFFFFF80] =	vst v58  }
0x406: {  	v52 =	vadd.s32 v1, v27;
	v9 =	vld.idx.msk [tilespmem:v23+s16+$0x0], $0xffff;
	[tilespmem:s25+$0xFFFFFF90] =	vst v38;
	v35 =	vadd.bf16 v35, v41  }
0x407: {  	v28 =	vadd.bf16 v33, v28;
	v54 =	vadd.s32 v1, v26;
	v63 =	vld.idx.msk [tilespmem:v42+s17+$0x0], $0xffff  }
0x408: {  	v62 =	vadd.bf16 v36, v34;
	v56 =	vadd.s32 v1, v25;
	v30 =	vld.idx.msk [tilespmem:v30+s17+$0x0], $0xffff;
	v55 =	vunpack.i.l.bf16.f32 v35  }
0x409: {  	v43 =	vadd.s32 v1, v11;
	v57 =	vadd.s32 v1, v24;
	v51 =	vld.idx.msk [tilespmem:v59+s17+$0x0], $0xffff;
	v35 =	vunpack.i.u.bf16.f32 v35;
	[tilespmem:s25+$0x80] =	vst v55  }
0x40a: {  	v28 =	vadd.bf16 v62, v28;
	v31 =	vadd.bf16 v32, v31;
	v32 =	vld.idx.msk [tilespmem:v60+s17+$0x0], $0xffff;
	[tilespmem:s25+$0x90] =	vst v35  }
0x40b: {  	s30 =	simm.s32 $0x6;
	v35 =	vld.idx.msk [tilespmem:v52+s17+$0x0], $0xffff  }
0x40c: {  	v53 =	vunpack.i.l.bf16.f32 v28;
	v16 =	vmov s30;
	v39 =	vld.idx.msk [tilespmem:v54+s17+$0x0], $0xffff  }
0x40d: {  	v28 =	vunpack.i.u.bf16.f32 v28;
	[tilespmem:s25+$0xFFFFFF00] =	vst v53;
	v29 =	vadd.bf16 v31, v29;
	v31 =	vadd.s32 v1, v14;
	v41 =	vld.idx.msk [tilespmem:v56+s17+$0x0], $0xffff  }
0x40e: {  	[tilespmem:s25+$0xFFFFFF10] =	vst v28;
	v48 =	vadd.s32 v1, v15;
	v61 =	vld.idx.msk [tilespmem:v57+s17+$0x0], $0xffff  }
0x40f: {  	v50 =	vadd.s32 v1, v17;
	v58 =	vld.idx.msk [tilespmem:v43+s17+$0x0], $0xffff;
	v49 =	vunpack.i.l.bf16.f32 v29;
	v29 =	vunpack.i.u.bf16.f32 v29  }
0x410: {  	[tilespmem:s25+$0x0] =	vst v49;
	v52 =	vadd.s32 v1, v18;
	v30 =	vadd.bf16 v30, v63;
	v32 =	vadd.bf16 v32, v51  }
0x411: {  	[tilespmem:s25+$0x10] =	vst v29;
	v29 =	vadd.s32 v1, v13;
	v8 =	vld.idx.msk [tilespmem:v16+s16+$0x0], $0xffff  }
0x412: {  	v44 =	vadd.s32 v1, v12;
	v31 =	vld.idx.msk [tilespmem:v31+s17+$0x0], $0xffff;
	v30 =	vadd.bf16 v32, v30  }
0x413: {  	v36 =	vld.idx.msk [tilespmem:v48+s17+$0x0], $0xffff;
	v54 =	vadd.s32 v1, v10;
	v35 =	vadd.bf16 v39, v35;
	v38 =	vadd.bf16 v61, v41  }
0x414: {  	v45 =	vadd.s32 v2, v21;
	v55 =	vld.idx.msk [tilespmem:v50+s17+$0x0], $0xffff  }
0x415: {  	v56 =	vadd.s32 v2, v27;
	v47 =	vunpack.i.l.bf16.f32 v30;
	v28 =	vld.idx.msk [tilespmem:v52+s17+$0x0], $0xffff;
	v35 =	vadd.bf16 v38, v35  }
0x416: {  	v57 =	vadd.s32 v2, v26;
	v29 =	vld.idx.msk [tilespmem:v29+s17+$0x0], $0xffff;
	v30 =	vunpack.i.u.bf16.f32 v30;
	[tilespmem:s25+$0xFFFFFFA0] =	vst v47  }
0x417: {  	v60 =	vadd.s32 v2, v25;
	v61 =	vld.idx.msk [tilespmem:v44+s17+$0x0], $0xffff;
	[tilespmem:s25+$0xFFFFFFB0] =	vst v30;
	v59 =	vunpack.i.l.bf16.f32 v35  }
0x418: {  	v62 =	vadd.s32 v2, v24;
	v39 =	vld.idx.msk [tilespmem:v54+s17+$0x0], $0xffff;
	v35 =	vunpack.i.u.bf16.f32 v35;
	[tilespmem:s25+$0xA0] =	vst v59  }
0x419: {  	v46 =	vadd.s32 v2, v22;
	v32 =	vld.idx.msk [tilespmem:v45+s17+$0x0], $0xffff;
	[tilespmem:s25+$0xB0] =	vst v35  }
0x41a: {  	v48 =	vadd.s32 v2, v19;
	v31 =	vadd.bf16 v36, v31;
	v28 =	vadd.bf16 v28, v55;
	v35 =	vld.idx.msk [tilespmem:v56+s17+$0x0], $0xffff  }
0x41b: {  	v63 =	vadd.s32 v2, v20;
	v34 =	vld.idx.msk [tilespmem:v57+s17+$0x0], $0xffff  }
0x41c: {  	v50 =	vadd.s32 v2, v14;
	v49 =	vld.idx.msk [tilespmem:v60+s17+$0x0], $0xffff;
	v28 =	vadd.bf16 v28, v31  }
0x41d: {  	v51 =	vadd.s32 v2, v15;
	v52 =	vadd.s32 v2, v17;
	v30 =	vld.idx.msk [tilespmem:v62+s17+$0x0], $0xffff  }
0x41e: {  	v36 =	vld.idx.msk [tilespmem:v46+s17+$0x0], $0xffff;
	v29 =	vadd.bf16 v58, v29;
	v39 =	vadd.bf16 v39, v61;
	v53 =	vunpack.i.l.bf16.f32 v28  }
0x41f: {  	v54 =	vadd.s32 v2, v18;
	v37 =	vld.idx.msk [tilespmem:v48+s17+$0x0], $0xffff;
	v28 =	vunpack.i.u.bf16.f32 v28;
	[tilespmem:s25+$0x20] =	vst v53  }
0x420: {  	v55 =	vadd.s32 v2, v13;
	v31 =	vld.idx.msk [tilespmem:v63+s17+$0x0], $0xffff;
	v29 =	vadd.bf16 v39, v29;
	[tilespmem:s25+$0x30] =	vst v28  }
0x421: {  	v58 =	vadd.s32 v2, v10;
	v56 =	vadd.s32 v2, v12;
	v41 =	vld.idx.msk [tilespmem:v50+s17+$0x0], $0xffff  }
0x422: {  	v57 =	vunpack.i.u.bf16.f32 v29;
	v33 =	vld.idx.msk [tilespmem:v51+s17+$0x0], $0xffff;
	v34 =	vadd.bf16 v34, v35;
	v30 =	vadd.bf16 v30, v49  }
0x423: {  	v29 =	vunpack.i.l.bf16.f32 v29;
	v28 =	vadd.s32 v2, v11;
	[tilespmem:s25+$0xFFFFFF30] =	vst v57;
	v38 =	vld.idx.msk [tilespmem:v52+s17+$0x0], $0xffff  }
0x424: {  	v27 =	vadd.s32 v3, v27;
	[tilespmem:s25+$0xFFFFFF20] =	vst v29;
	v29 =	vld.idx.msk [tilespmem:v54+s17+$0x0], $0xffff;
	v30 =	vadd.bf16 v30, v34  }
0x425: {  	v25 =	vadd.s32 v3, v25;
	v26 =	vadd.s32 v3, v26;
	v59 =	vld.idx.msk [tilespmem:v55+s17+$0x0], $0xffff  }
0x426: {  	v60 =	vadd.bf16 v37, v36;
	v62 =	vld.idx.msk [tilespmem:v56+s17+$0x0], $0xffff;
	v31 =	vadd.bf16 v32, v31;
	v61 =	vunpack.i.l.bf16.f32 v30  }
0x427: {  	v24 =	vadd.s32 v3, v24;
	v35 =	vld.idx.msk [tilespmem:v58+s17+$0x0], $0xffff;
	v30 =	vunpack.i.u.bf16.f32 v30;
	[tilespmem:s25+$0xC0] =	vst v61  }
0x428: {  	v20 =	vadd.s32 v3, v20;
	v31 =	vadd.bf16 v60, v31;
	v28 =	vld.idx.msk [tilespmem:v28+s17+$0x0], $0xffff;
	[tilespmem:s25+$0xD0] =	vst v30  }
0x429: {  	v22 =	vadd.s32 v3, v22;
	v21 =	vadd.s32 v3, v21;
	v27 =	vld.idx.msk [tilespmem:v27+s17+$0x0], $0xffff  }
0x42a: {  	v30 =	vadd.bf16 v33, v41;
	v32 =	vunpack.i.l.bf16.f32 v31;
	v29 =	vadd.bf16 v29, v38;
	v26 =	vld.idx.msk [tilespmem:v26+s17+$0x0], $0xffff  }
0x42b: {  	v19 =	vadd.s32 v3, v19;
	v31 =	vunpack.i.u.bf16.f32 v31;
	[tilespmem:s25+$0xFFFFFFC0] =	vst v32;
	v25 =	vld.idx.msk [tilespmem:v25+s17+$0x0], $0xffff  }
0x42c: {  	v14 =	vadd.s32 v3, v14;
	[tilespmem:s25+$0xFFFFFFD0] =	vst v31;
	v24 =	vld.idx.msk [tilespmem:v24+s17+$0x0], $0xffff;
	v29 =	vadd.bf16 v29, v30  }
0x42d: {  	v15 =	vadd.s32 v3, v15;
	v17 =	vadd.s32 v3, v17;
	v20 =	vld.idx.msk [tilespmem:v20+s17+$0x0], $0xffff  }
0x42e: {  	v30 =	vadd.bf16 v35, v62;
	v21 =	vld.idx.msk [tilespmem:v21+s17+$0x0], $0xffff;
	v28 =	vadd.bf16 v28, v59;
	v31 =	vunpack.i.l.bf16.f32 v29  }
0x42f: {  	v18 =	vadd.s32 v3, v18;
	v22 =	vld.idx.msk [tilespmem:v22+s17+$0x0], $0xffff;
	v29 =	vunpack.i.u.bf16.f32 v29;
	[tilespmem:s25+$0x40] =	vst v31  }
0x430: {  	v13 =	vadd.s32 v3, v13;
	v19 =	vld.idx.msk [tilespmem:v19+s17+$0x0], $0xffff;
	[tilespmem:s25+$0x50] =	vst v29;
	v28 =	vadd.bf16 v30, v28  }
0x431: {  	v11 =	vadd.s32 v3, v11;
	v29 =	vld.idx.msk [tilespmem:v14+s17+$0x0], $0xffff  }
0x432: {  	v12 =	vadd.s32 v3, v12;
	v15 =	vld.idx.msk [tilespmem:v15+s17+$0x0], $0xffff;
	v14 =	vunpack.i.u.bf16.f32 v28  }
0x433: {  	v10 =	vadd.s32 v3, v10;
	v17 =	vld.idx.msk [tilespmem:v17+s17+$0x0], $0xffff;
	v28 =	vunpack.i.l.bf16.f32 v28;
	[tilespmem:s25+$0xFFFFFF50] =	vst v14  }
0x434: {  	v18 =	vld.idx.msk [tilespmem:v18+s17+$0x0], $0xffff;
	v14 =	vor.u32 $0x80, v23;
	[tilespmem:s25+$0xFFFFFF40] =	vst v28  }
0x435: {  	v28 =	vor.u32 $0x100, v23;
	v30 =	vld.idx.msk [tilespmem:v13+s17+$0x0], $0xffff  }
0x436: {  	v23 =	vor.u32 $0x180, v23;
	v31 =	vld.idx.msk [tilespmem:v11+s17+$0x0], $0xffff  }
0x437: {  	v11 =	vor.u32 $0x80, v16;
	v63 =	vld.idx.msk [tilespmem:v12+s17+$0x0], $0xffff  }
0x438: {  	s31 =	simm.s32 $0x7;
	v24 =	vadd.bf16 v24, v25;
	v25 =	vor.u32 $0x100, v16;
	v12 =	vadd.bf16 v26, v27;
	v26 =	vld.idx.msk [tilespmem:v10+s17+$0x0], $0xffff  }
0x439: {  	v20 =	vadd.bf16 v21, v20;
	v27 =	vmov s31;
	v13 =	vld.idx.msk [tilespmem:v14+s16+$0x0], $0xffff  }
0x43a: {  	v19 =	vadd.bf16 v19, v22;
	v24 =	vadd.bf16 v24, v12;
	v14 =	vld.idx.msk [tilespmem:v28+s16+$0x0], $0xffff;
	v28 =	vor.u32 $0x80, v27  }
0x43b: {  	v21 =	vor.u32 $0x100, v27;
	v12 =	vld.idx.msk [tilespmem:v23+s16+$0x0], $0xffff  }
0x43c: {  	v20 =	vadd.bf16 v19, v20;
	v22 =	vunpack.i.u.bf16.f32 v24;
	v23 =	vor.u32 $0x180, v27;
	v10 =	vld.idx.msk [tilespmem:v11+s16+$0x0], $0xffff  }
0x43d: {  	v15 =	vadd.bf16 v15, v29;
	v17 =	vadd.bf16 v18, v17;
	[tilespmem:s25+$0xF0] =	vst v22;
	v11 =	vld.idx.msk [tilespmem:v25+s16+$0x0], $0xffff;
	v22 =	vor.u32 $0x180, v16  }
0x43e: {  	v29 =	vadd.s32 v0, v9;
	v25 =	vadd.s32 v0, v6;
	v16 =	vld.idx.msk [tilespmem:v27+s16+$0x0], $0xffff;
	v27 =	vadd.bf16 v31, v30  }
0x43f: {  	v24 =	vunpack.i.l.bf16.f32 v24;
	v19 =	vld.idx.msk [tilespmem:v28+s16+$0x0], $0xffff;
	v28 =	vadd.bf16 v17, v15;
	v15 =	vadd.bf16 v26, v63  }
0x440: {  	[tilespmem:s25+$0xE0] =	vst v24;
	v24 =	vunpack.i.u.bf16.f32 v20;
	v30 =	vadd.s32 v0, v8;
	v20 =	vunpack.i.l.bf16.f32 v20;
	v18 =	vld.idx.msk [tilespmem:v21+s16+$0x0], $0xffff  }
0x441: {  	[tilespmem:s25+$0xFFFFFFE0] =	vst v20;
	v31 =	vadd.s32 v0, v13;
	v17 =	vld.idx.msk [tilespmem:v23+s16+$0x0], $0xffff;
	v20 =	vunpack.i.l.bf16.f32 v28;
	v21 =	vadd.bf16 v15, v27  }
0x442: {  	v15 =	vld.idx.msk [tilespmem:v22+s16+$0x0], $0xffff;
	v22 =	vunpack.i.u.bf16.f32 v28;
	[tilespmem:s25+$0x60] =	vst v20;
	v20 =	vadd.s32 v0, v14  }
0x443: {  	v26 =	vld.idx.msk [tilespmem:v25+s17+$0x0], $0xffff;
	[tilespmem:s25+$0x70] =	vst v22;
	v22 =	vunpack.i.l.bf16.f32 v21;
	v25 =	vunpack.i.u.bf16.f32 v21;
	v21 =	vadd.s32 v0, v12  }
0x444: {  	[tilespmem:s25+$0xFFFFFFF0] =	vst v24;
	v24 =	vld.idx.msk [tilespmem:v29+s17+$0x0], $0xffff;
	v23 =	vadd.s32 v0, v16  }
0x445: {  	[tilespmem:s25+$0xFFFFFF60] =	vst v22;
	v22 =	vld.idx.msk [tilespmem:v30+s17+$0x0], $0xffff;
	v27 =	vadd.s32 v0, v19  }
0x446: {  	s24 =	sadd.s32 s4, s24;
	s26 =	simm.s32 $0x8;
	v28 =	vadd.s32 v0, v18;
	[tilespmem:s25+$0xFFFFFF70] =	vst v25;
	v25 =	vld.idx.msk [tilespmem:v31+s17+$0x0], $0xffff  }
.LBB2_23:
0x447: {  	p0 =	slt.u32 s26, $0x7C;
	v29 =	vld.idx.msk [tilespmem:v20+s17+$0x0], $0xffff;
	v20 =	vadd.s32 v0, v17  }
0x448: {  	v30 =	vld.idx.msk [tilespmem:v21+s17+$0x0], $0xffff;
	v21 =	vadd.s32 v0, v10  }
0x449: {  	v31 =	vadd.s32 v0, v11;
	v23 =	vld.idx.msk [tilespmem:v23+s17+$0x0], $0xffff  }
0x44a: {  	v32 =	vadd.s32 v0, v15;
	v27 =	vld.idx.msk [tilespmem:v27+s17+$0x0], $0xffff  }
0x44b: {  	v33 =	vadd.s32 v0, v4;
	v28 =	vld.idx.msk [tilespmem:v28+s17+$0x0], $0xffff  }
0x44c: {  	v34 =	vadd.s32 v0, v7;
	v20 =	vld.idx.msk [tilespmem:v20+s17+$0x0], $0xffff  }
0x44d: {  	v35 =	vadd.s32 v0, v5;
	v36 =	vld.idx.msk [tilespmem:v21+s17+$0x0], $0xffff  }
0x44e: {  	v37 =	vmov s26;
	v31 =	vld.idx.msk [tilespmem:v31+s17+$0x0], $0xffff  }
0x44f: {  	v38 =	vor.u32 $0x80, v37;
	v32 =	vld.idx.msk [tilespmem:v32+s17+$0x0], $0xffff  }
0x450: {  	v39 =	vor.u32 $0x100, v37;
	v33 =	vld.idx.msk [tilespmem:v33+s17+$0x0], $0xffff  }
0x451: {  	s0 =	sadd.s32 $0x1, s26;
	v40 =	vor.u32 $0x180, v37;
	v34 =	vld.idx.msk [tilespmem:v34+s17+$0x0], $0xffff  }
0x452: {  	v21 =	vmov s0;
	s0 =	sadd.s32 $0x2, s26;
	v27 =	vadd.bf16 v27, v23;
	v28 =	vadd.bf16 v20, v28;
	v35 =	vld.idx.msk [tilespmem:v35+s17+$0x0], $0xffff  }
0x453: {  	v41 =	vadd.s32 v1, v9;
	v20 =	vmov s0;
	v23 =	vld.idx.msk [tilespmem:v37+s16+$0x0], $0xffff;
	v37 =	vadd.bf16 v25, v24  }
0x454: {  	v29 =	vadd.bf16 v30, v29;
	v30 =	vadd.s32 v1, v16;
	v28 =	vadd.bf16 v28, v27;
	v24 =	vld.idx.msk [tilespmem:v38+s16+$0x0], $0xffff  }
0x455: {  	v36 =	vadd.bf16 v36, v22;
	v31 =	vadd.bf16 v32, v31;
	v32 =	vadd.s32 v1, v19;
	v25 =	vld.idx.msk [tilespmem:v39+s16+$0x0], $0xffff  }
0x456: {  	s25 =	sadd.s32 $0x200, s25;
	v38 =	vadd.s32 v1, v18;
	v29 =	vadd.bf16 v29, v37;
	v37 =	vunpack.i.l.bf16.f32 v28;
	v22 =	vld.idx.msk [tilespmem:v40+s16+$0x0], $0xffff  }
0x457: {  	v33 =	vadd.bf16 v33, v26;
	v28 =	vunpack.i.u.bf16.f32 v28;
	v27 =	vld.idx.msk [tilespmem:v21+s16+$0x0], $0xffff;
	[tilespmem:s25+$0x80] =	vst v37;
	v37 =	vadd.s32 v1, v17  }
0x458: {  	v31 =	vadd.bf16 v31, v36;
	v34 =	vadd.bf16 v35, v34;
	v35 =	vunpack.i.l.bf16.f32 v29;
	v26 =	vld.idx.msk [tilespmem:v20+s16+$0x0], $0xffff;
	[tilespmem:s25+$0x90] =	vst v28  }
0x459: {  	v28 =	vunpack.i.u.bf16.f32 v29;
	v29 =	vadd.s32 v1, v13;
	[tilespmem:s25+$0xFFFFFF80] =	vst v35;
	v30 =	vld.idx.msk [tilespmem:v30+s17+$0x0], $0xffff  }
0x45a: {  	v33 =	vadd.bf16 v34, v33;
	v34 =	vunpack.i.l.bf16.f32 v31;
	[tilespmem:s25+$0xFFFFFF90] =	vst v28;
	v28 =	vadd.s32 v1, v14;
	v32 =	vld.idx.msk [tilespmem:v32+s17+$0x0], $0xffff  }
0x45b: {  	v35 =	vadd.s32 v1, v12;
	v31 =	vunpack.i.u.bf16.f32 v31;
	[tilespmem:s25+$0x0] =	vst v34;
	v34 =	vld.idx.msk [tilespmem:v38+s17+$0x0], $0xffff  }
0x45c: {  	v36 =	vunpack.i.l.bf16.f32 v33;
	[tilespmem:s25+$0x10] =	vst v31;
	v31 =	vadd.s32 v1, v8;
	v37 =	vld.idx.msk [tilespmem:v37+s17+$0x0], $0xffff  }
0x45d: {  	v33 =	vunpack.i.u.bf16.f32 v33;
	v38 =	vadd.s32 v1, v10;
	[tilespmem:s25+$0xFFFFFF00] =	vst v36;
	v36 =	vld.idx.msk [tilespmem:v41+s17+$0x0], $0xffff  }
0x45e: {  	[tilespmem:s25+$0xFFFFFF10] =	vst v33;
	v29 =	vld.idx.msk [tilespmem:v29+s17+$0x0], $0xffff;
	v33 =	vadd.s32 v1, v11  }
0x45f: {  	v39 =	vadd.s32 v1, v15;
	v28 =	vld.idx.msk [tilespmem:v28+s17+$0x0], $0xffff  }
0x460: {  	v40 =	vadd.s32 v1, v6;
	v35 =	vld.idx.msk [tilespmem:v35+s17+$0x0], $0xffff  }
0x461: {  	v41 =	vadd.s32 v1, v4;
	v31 =	vld.idx.msk [tilespmem:v31+s17+$0x0], $0xffff  }
0x462: {  	v42 =	vadd.s32 v1, v7;
	v30 =	vadd.bf16 v32, v30;
	v32 =	vadd.bf16 v37, v34;
	v38 =	vld.idx.msk [tilespmem:v38+s17+$0x0], $0xffff  }
0x463: {  	v34 =	vadd.s32 v1, v5;
	v33 =	vld.idx.msk [tilespmem:v33+s17+$0x0], $0xffff  }
0x464: {  	v29 =	vadd.bf16 v29, v36;
	v30 =	vadd.bf16 v32, v30;
	v32 =	vadd.s32 v2, v16;
	v36 =	vld.idx.msk [tilespmem:v39+s17+$0x0], $0xffff  }
0x465: {  	v39 =	vadd.s32 v2, v19;
	v37 =	vld.idx.msk [tilespmem:v40+s17+$0x0], $0xffff  }
0x466: {  	v28 =	vadd.bf16 v35, v28;
	v35 =	vunpack.i.l.bf16.f32 v30;
	v40 =	vld.idx.msk [tilespmem:v41+s17+$0x0], $0xffff;
	v41 =	vadd.s32 v2, v18  }
0x467: {  	v43 =	vadd.s32 v2, v9;
	v30 =	vunpack.i.u.bf16.f32 v30;
	v42 =	vld.idx.msk [tilespmem:v42+s17+$0x0], $0xffff;
	[tilespmem:s25+$0xA0] =	vst v35;
	v35 =	vadd.s32 v2, v17  }
0x468: {  	v28 =	vadd.bf16 v28, v29;
	v29 =	vadd.bf16 v38, v31;
	v34 =	vld.idx.msk [tilespmem:v34+s17+$0x0], $0xffff;
	[tilespmem:s25+$0xB0] =	vst v30  }
0x469: {  	v31 =	vadd.s32 v2, v14;
	v30 =	vadd.s32 v2, v13;
	v32 =	vld.idx.msk [tilespmem:v32+s17+$0x0], $0xffff  }
0x46a: {  	v38 =	vunpack.i.u.bf16.f32 v28;
	v28 =	vunpack.i.l.bf16.f32 v28;
	v33 =	vadd.bf16 v36, v33;
	v36 =	vld.idx.msk [tilespmem:v39+s17+$0x0], $0xffff  }
0x46b: {  	v39 =	vadd.s32 v2, v8;
	[tilespmem:s25+$0xFFFFFFA0] =	vst v28;
	v28 =	vadd.s32 v2, v12;
	v41 =	vld.idx.msk [tilespmem:v41+s17+$0x0], $0xffff  }
0x46c: {  	v37 =	vadd.bf16 v40, v37;
	v29 =	vadd.bf16 v33, v29;
	[tilespmem:s25+$0xFFFFFFB0] =	vst v38;
	v33 =	vld.idx.msk [tilespmem:v35+s17+$0x0], $0xffff  }
0x46d: {  	v40 =	vadd.s32 v2, v11;
	v38 =	vadd.s32 v2, v10;
	v35 =	vld.idx.msk [tilespmem:v43+s17+$0x0], $0xffff  }
0x46e: {  	v34 =	vadd.bf16 v34, v42;
	v42 =	vunpack.i.u.bf16.f32 v29;
	v29 =	vunpack.i.l.bf16.f32 v29;
	v30 =	vld.idx.msk [tilespmem:v30+s17+$0x0], $0xffff  }
0x46f: {  	v31 =	vld.idx.msk [tilespmem:v31+s17+$0x0], $0xffff;
	[tilespmem:s25+$0x20] =	vst v29;
	v29 =	vadd.s32 v2, v15  }
0x470: {  	v34 =	vadd.bf16 v34, v37;
	v37 =	vadd.s32 v2, v6;
	v28 =	vld.idx.msk [tilespmem:v28+s17+$0x0], $0xffff;
	[tilespmem:s25+$0x30] =	vst v42  }
0x471: {  	v43 =	vadd.s32 v2, v7;
	v42 =	vadd.s32 v2, v4;
	v39 =	vld.idx.msk [tilespmem:v39+s17+$0x0], $0xffff  }
0x472: {  	v32 =	vadd.bf16 v36, v32;
	v44 =	vunpack.i.u.bf16.f32 v34;
	v33 =	vadd.bf16 v33, v41;
	v38 =	vld.idx.msk [tilespmem:v38+s17+$0x0], $0xffff  }
0x473: {  	v36 =	vadd.s32 v2, v5;
	v34 =	vunpack.i.l.bf16.f32 v34;
	[tilespmem:s25+$0xFFFFFF30] =	vst v44;
	v40 =	vld.idx.msk [tilespmem:v40+s17+$0x0], $0xffff  }
0x474: {  	v16 =	vadd.s32 v3, v16;
	v32 =	vadd.bf16 v33, v32;
	[tilespmem:s25+$0xFFFFFF20] =	vst v34;
	v29 =	vld.idx.msk [tilespmem:v29+s17+$0x0], $0xffff  }
0x475: {  	v19 =	vadd.s32 v3, v19;
	v30 =	vadd.bf16 v30, v35;
	v33 =	vld.idx.msk [tilespmem:v37+s17+$0x0], $0xffff  }
0x476: {  	v18 =	vadd.s32 v3, v18;
	v28 =	vadd.bf16 v28, v31;
	v31 =	vunpack.i.l.bf16.f32 v32;
	v34 =	vld.idx.msk [tilespmem:v42+s17+$0x0], $0xffff  }
0x477: {  	v17 =	vadd.s32 v3, v17;
	v37 =	vadd.s32 v3, v9;
	v32 =	vunpack.i.u.bf16.f32 v32;
	v35 =	vld.idx.msk [tilespmem:v43+s17+$0x0], $0xffff;
	[tilespmem:s25+$0xC0] =	vst v31  }
0x478: {  	v9 =	vmov v27;
	v28 =	vadd.bf16 v28, v30;
	v30 =	vadd.bf16 v38, v39;
	v31 =	vld.idx.msk [tilespmem:v36+s17+$0x0], $0xffff;
	[tilespmem:s25+$0xD0] =	vst v32  }
0x479: {  	v14 =	vadd.s32 v3, v14;
	v13 =	vadd.s32 v3, v13;
	v16 =	vld.idx.msk [tilespmem:v16+s17+$0x0], $0xffff  }
0x47a: {  	v27 =	vunpack.i.u.bf16.f32 v28;
	v28 =	vunpack.i.l.bf16.f32 v28;
	v29 =	vadd.bf16 v29, v40;
	v19 =	vld.idx.msk [tilespmem:v19+s17+$0x0], $0xffff  }
0x47b: {  	v12 =	vadd.s32 v3, v12;
	[tilespmem:s25+$0xFFFFFFC0] =	vst v28;
	v28 =	vadd.s32 v3, v8;
	v18 =	vld.idx.msk [tilespmem:v18+s17+$0x0], $0xffff;
	v8 =	vmov v26  }
0x47c: {  	v26 =	vadd.bf16 v34, v33;
	[tilespmem:s25+$0xFFFFFFD0] =	vst v27;
	v27 =	vadd.bf16 v29, v30;
	v17 =	vld.idx.msk [tilespmem:v17+s17+$0x0], $0xffff  }
0x47d: {  	v11 =	vadd.s32 v3, v11;
	v10 =	vadd.s32 v3, v10;
	v29 =	vld.idx.msk [tilespmem:v37+s17+$0x0], $0xffff  }
0x47e: {  	v30 =	vadd.bf16 v31, v35;
	v13 =	vld.idx.msk [tilespmem:v13+s17+$0x0], $0xffff;
	v31 =	vunpack.i.u.bf16.f32 v27;
	v27 =	vunpack.i.l.bf16.f32 v27  }
0x47f: {  	v15 =	vadd.s32 v3, v15;
	v14 =	vld.idx.msk [tilespmem:v14+s17+$0x0], $0xffff;
	[tilespmem:s25+$0x40] =	vst v27  }
0x480: {  	v26 =	vadd.bf16 v30, v26;
	v27 =	vadd.s32 v3, v6;
	v6 =	vmov v23;
	v12 =	vld.idx.msk [tilespmem:v12+s17+$0x0], $0xffff;
	[tilespmem:s25+$0x50] =	vst v31  }
0x481: {  	v23 =	vadd.s32 v3, v4;
	v30 =	vadd.s32 v3, v7;
	v4 =	vmovc v24;
	v7 =	vmov v25;
	v28 =	vld.idx.msk [tilespmem:v28+s17+$0x0], $0xffff  }
0x482: {  	v16 =	vadd.bf16 v19, v16;
	v24 =	vunpack.i.u.bf16.f32 v26;
	v17 =	vadd.bf16 v17, v18;
	v10 =	vld.idx.msk [tilespmem:v10+s17+$0x0], $0xffff  }
0x483: {  	v19 =	vadd.s32 v3, v5;
	v5 =	vmov v22;
	v18 =	vunpack.i.l.bf16.f32 v26;
	[tilespmem:s25+$0xFFFFFF50] =	vst v24;
	v11 =	vld.idx.msk [tilespmem:v11+s17+$0x0], $0xffff  }
0x484: {  	v22 =	vor.u32 $0x80, v21;
	v13 =	vadd.bf16 v13, v29;
	v16 =	vadd.bf16 v17, v16;
	[tilespmem:s25+$0xFFFFFF40] =	vst v18;
	v15 =	vld.idx.msk [tilespmem:v15+s17+$0x0], $0xffff  }
0x485: {  	v17 =	vor.u32 $0x100, v21;
	v18 =	vor.u32 $0x180, v21;
	v21 =	vld.idx.msk [tilespmem:v27+s17+$0x0], $0xffff  }
0x486: {  	v12 =	vadd.bf16 v12, v14;
	v14 =	vunpack.i.u.bf16.f32 v16;
	v16 =	vunpack.i.l.bf16.f32 v16;
	v23 =	vld.idx.msk [tilespmem:v23+s17+$0x0], $0xffff  }
0x487: {  	v24 =	vor.u32 $0x80, v20;
	v25 =	vld.idx.msk [tilespmem:v30+s17+$0x0], $0xffff;
	[tilespmem:s25+$0xF0] =	vst v14  }
0x488: {  	s0 =	sadd.s32 $0x3, s26;
	v26 =	vor.u32 $0x100, v20;
	v27 =	vadd.bf16 v12, v13;
	v28 =	vadd.bf16 v10, v28;
	v19 =	vld.idx.msk [tilespmem:v19+s17+$0x0], $0xffff;
	[tilespmem:s25+$0xE0] =	vst v16  }
0x489: {  	v16 =	vmov s0;
	v13 =	vld.idx.msk [tilespmem:v22+s16+$0x0], $0xffff  }
0x48a: {  	v10 =	vunpack.i.u.bf16.f32 v27;
	v11 =	vadd.bf16 v15, v11;
	v14 =	vld.idx.msk [tilespmem:v17+s16+$0x0], $0xffff;
	v17 =	vor.u32 $0x80, v16  }
0x48b: {  	v15 =	vor.u32 $0x100, v16;
	v12 =	vld.idx.msk [tilespmem:v18+s16+$0x0], $0xffff;
	v18 =	vunpack.i.l.bf16.f32 v27;
	[tilespmem:s25+$0xFFFFFFF0] =	vst v10  }
0x48c: {  	v22 =	vor.u32 $0x180, v16;
	v21 =	vadd.bf16 v23, v21;
	v10 =	vld.idx.msk [tilespmem:v24+s16+$0x0], $0xffff;
	[tilespmem:s25+$0xFFFFFFE0] =	vst v18;
	v18 =	vadd.bf16 v11, v28  }
0x48d: {  	v23 =	vadd.s32 v0, v6;
	v24 =	vor.u32 $0x180, v20;
	v11 =	vld.idx.msk [tilespmem:v26+s16+$0x0], $0xffff  }
0x48e: {  	v20 =	vadd.bf16 v19, v25;
	v16 =	vld.idx.msk [tilespmem:v16+s16+$0x0], $0xffff;
	v25 =	vunpack.i.u.bf16.f32 v18;
	v18 =	vunpack.i.l.bf16.f32 v18  }
0x48f: {  	v27 =	vadd.s32 v0, v9;
	v19 =	vld.idx.msk [tilespmem:v17+s16+$0x0], $0xffff;
	[tilespmem:s25+$0x60] =	vst v18  }
0x490: {  	v28 =	vadd.s32 v0, v8;
	v21 =	vadd.bf16 v20, v21;
	v18 =	vld.idx.msk [tilespmem:v15+s16+$0x0], $0xffff;
	[tilespmem:s25+$0x70] =	vst v25  }
0x491: {  	v25 =	vadd.s32 v0, v13;
	v17 =	vld.idx.msk [tilespmem:v22+s16+$0x0], $0xffff  }
.Ltmp10:
0x492: {  	v20 =	vadd.s32 v0, v14;
	v22 =	vunpack.i.u.bf16.f32 v21;
	v15 =	vld.idx.msk [tilespmem:v24+s16+$0x0], $0xffff;
	v24 =	vunpack.i.l.bf16.f32 v21;
	(pc) =	sbr.rel @p0 .LBB2_23-.Ltmp10, $4  }
0x493: {  	v21 =	vadd.s32 v0, v12;
	v26 =	vld.idx.msk [tilespmem:v23+s17+$0x0], $0xffff;
	[tilespmem:s25+$0xFFFFFF60] =	vst v24  }
0x494: {  	v23 =	vadd.s32 v0, v16;
	v24 =	vld.idx.msk [tilespmem:v27+s17+$0x0], $0xffff;
	[tilespmem:s25+$0xFFFFFF70] =	vst v22  }
0x495: {  	v27 =	vadd.s32 v0, v19;
	v22 =	vld.idx.msk [tilespmem:v28+s17+$0x0], $0xffff  }
0x496: {  	s26 =	sadd.s32 $0x4, s26;
	v28 =	vadd.s32 v0, v18;
	v25 =	vld.idx.msk [tilespmem:v25+s17+$0x0], $0xffff  }
0x497: {  	_ =	sdelay $0x3  }
0x498: {  	v29 =	vadd.s32 v0, v17;
	v20 =	vld.idx.msk [tilespmem:v20+s17+$0x0], $0xffff  }
0x499: {  	v21 =	vld.idx.msk [tilespmem:v21+s17+$0x0], $0xffff  }
0x49a: {  	v23 =	vld.idx.msk [tilespmem:v23+s17+$0x0], $0xffff;
	v30 =	vadd.s32 v0, v10  }
0x49b: {  	v27 =	vld.idx.msk [tilespmem:v27+s17+$0x0], $0xffff;
	v31 =	vadd.s32 v0, v11  }
0x49c: {  	v28 =	vld.idx.msk [tilespmem:v28+s17+$0x0], $0xffff;
	v32 =	vadd.s32 v0, v15  }
0x49d: {  	v33 =	vadd.s32 v0, v4;
	v29 =	vld.idx.msk [tilespmem:v29+s17+$0x0], $0xffff  }
0x49e: {  	v34 =	vadd.s32 v0, v7;
	v24 =	vadd.bf16 v25, v24;
	v20 =	vadd.bf16 v21, v20  }
0x49f: {  	v61 =	vadd.s32 v0, v5;
	v62 =	vld.idx.msk [tilespmem:v30+s17+$0x0], $0xffff  }
0x4a0: {  	v35 =	vadd.s32 v1, v9;
	v63 =	vld.idx.msk [tilespmem:v31+s17+$0x0], $0xffff;
	v20 =	vadd.bf16 v20, v24  }
0x4a1: {  	v47 =	vadd.s32 v1, v14;
	v48 =	vadd.s32 v1, v12;
	v37 =	vld.idx.msk [tilespmem:v32+s17+$0x0], $0xffff  }
0x4a2: {  	s25 =	sadd.s32 $0x200, s25;
	v23 =	vadd.bf16 v27, v23;
	v39 =	vld.idx.msk [tilespmem:v33+s17+$0x0], $0xffff;
	v46 =	vunpack.i.l.bf16.f32 v20;
	v60 =	vadd.bf16 v29, v28  }
0x4a3: {  	v43 =	vadd.s32 v1, v13;
	v34 =	vld.idx.msk [tilespmem:v34+s17+$0x0], $0xffff;
	v20 =	vunpack.i.u.bf16.f32 v20;
	[tilespmem:s25+$0xFFFFFF80] =	vst v46  }
0x4a4: {  	v36 =	vadd.s32 v1, v16;
	v28 =	vld.idx.msk [tilespmem:v61+s17+$0x0], $0xffff;
	[tilespmem:s25+$0xFFFFFF90] =	vst v20;
	v23 =	vadd.bf16 v60, v23  }
0x4a5: {  	v38 =	vadd.s32 v1, v19;
	v41 =	vadd.s32 v1, v18;
	v52 =	vld.idx.msk [tilespmem:v35+s17+$0x0], $0xffff  }
0x4a6: {  	v22 =	vadd.bf16 v62, v22;
	v45 =	vadd.bf16 v37, v63;
	v56 =	vld.idx.msk [tilespmem:v47+s17+$0x0], $0xffff;
	v40 =	vunpack.i.l.bf16.f32 v23  }
0x4a7: {  	v42 =	vadd.s32 v1, v17;
	v29 =	vld.idx.msk [tilespmem:v48+s17+$0x0], $0xffff;
	v23 =	vunpack.i.u.bf16.f32 v23;
	[tilespmem:s25+$0x80] =	vst v40  }
0x4a8: {  	v50 =	vadd.s32 v1, v8;
	v22 =	vadd.bf16 v45, v22;
	[tilespmem:s25+$0x90] =	vst v23;
	v23 =	vld.idx.msk [tilespmem:v43+s17+$0x0], $0xffff  }
0x4a9: {  	v53 =	vadd.s32 v1, v10;
	v55 =	vadd.s32 v1, v11;
	v44 =	vld.idx.msk [tilespmem:v36+s17+$0x0], $0xffff  }
0x4aa: {  	v26 =	vadd.bf16 v39, v26;
	v54 =	vunpack.i.l.bf16.f32 v22;
	v51 =	vadd.bf16 v28, v34;
	v25 =	vld.idx.msk [tilespmem:v38+s17+$0x0], $0xffff  }
0x4ab: {  	v57 =	vadd.s32 v1, v15;
	v22 =	vunpack.i.u.bf16.f32 v22;
	[tilespmem:s25+$0x0] =	vst v54;
	v49 =	vld.idx.msk [tilespmem:v41+s17+$0x0], $0xffff  }
0x4ac: {  	v58 =	vadd.s32 v1, v6;
	[tilespmem:s25+$0x10] =	vst v22;
	v21 =	vld.idx.msk [tilespmem:v42+s17+$0x0], $0xffff;
	v26 =	vadd.bf16 v51, v26  }
0x4ad: {  	v60 =	vadd.s32 v1, v4;
	v20 =	vld.idx.msk [tilespmem:v50+s17+$0x0], $0xffff;
	v36 =	vadd.s32 v1, v7  }
0x4ae: {  	v32 =	vld.idx.msk [tilespmem:v53+s17+$0x0], $0xffff;
	v27 =	vadd.bf16 v29, v56;
	v59 =	vunpack.i.l.bf16.f32 v26;
	v23 =	vadd.bf16 v23, v52  }
0x4af: {  	v62 =	vadd.s32 v1, v5;
	v63 =	vld.idx.msk [tilespmem:v55+s17+$0x0], $0xffff;
	v61 =	vunpack.i.u.bf16.f32 v26;
	[tilespmem:s25+$0xFFFFFF00] =	vst v59  }
0x4b0: {  	v45 =	vadd.s32 v2, v9;
	v37 =	vld.idx.msk [tilespmem:v57+s17+$0x0], $0xffff;
	[tilespmem:s25+$0xFFFFFF10] =	vst v61;
	v23 =	vadd.bf16 v27, v23  }
0x4b1: {  	v46 =	vadd.s32 v2, v13;
	v24 =	vadd.bf16 v25, v44;
	v21 =	vadd.bf16 v21, v49;
	v22 =	vld.idx.msk [tilespmem:v58+s17+$0x0], $0xffff  }
0x4b2: {  	v47 =	vadd.s32 v2, v14;
	v40 =	vld.idx.msk [tilespmem:v60+s17+$0x0], $0xffff;
	v48 =	vunpack.i.l.bf16.f32 v23  }
0x4b3: {  	v43 =	vld.idx.msk [tilespmem:v36+s17+$0x0], $0xffff;
	v49 =	vadd.s32 v2, v12;
	v21 =	vadd.bf16 v21, v24;
	v23 =	vunpack.i.u.bf16.f32 v23;
	[tilespmem:s25+$0xFFFFFFA0] =	vst v48  }
0x4b4: {  	v39 =	vadd.s32 v2, v19;
	v38 =	vadd.s32 v2, v16;
	v26 =	vld.idx.msk [tilespmem:v62+s17+$0x0], $0xffff;
	[tilespmem:s25+$0xFFFFFFB0] =	vst v23  }
0x4b5: {  	v42 =	vadd.s32 v2, v18;
	v41 =	vunpack.i.l.bf16.f32 v21;
	v21 =	vunpack.i.u.bf16.f32 v21;
	v53 =	vld.idx.msk [tilespmem:v45+s17+$0x0], $0xffff  }
0x4b6: {  	v20 =	vadd.bf16 v32, v20;
	v25 =	vadd.bf16 v37, v63;
	[tilespmem:s25+$0xB0] =	vst v21;
	v21 =	vld.idx.msk [tilespmem:v46+s17+$0x0], $0xffff  }
0x4b7: {  	v44 =	vadd.s32 v2, v17;
	v27 =	vld.idx.msk [tilespmem:v47+s17+$0x0], $0xffff  }
0x4b8: {  	v51 =	vadd.s32 v2, v8;
	v20 =	vadd.bf16 v25, v20;
	[tilespmem:s25+$0xA0] =	vst v41;
	v31 =	vld.idx.msk [tilespmem:v49+s17+$0x0], $0xffff  }
0x4b9: {  	v54 =	vadd.s32 v2, v10;
	v55 =	vadd.s32 v2, v11;
	v24 =	vld.idx.msk [tilespmem:v38+s17+$0x0], $0xffff  }
0x4ba: {  	v56 =	vunpack.i.l.bf16.f32 v20;
	v22 =	vadd.bf16 v40, v22;
	v26 =	vadd.bf16 v26, v43;
	v28 =	vld.idx.msk [tilespmem:v39+s17+$0x0], $0xffff  }
0x4bb: {  	v57 =	vadd.s32 v2, v15;
	v20 =	vunpack.i.u.bf16.f32 v20;
	[tilespmem:s25+$0x20] =	vst v56;
	v50 =	vld.idx.msk [tilespmem:v42+s17+$0x0], $0xffff  }
0x4bc: {  	v58 =	vadd.s32 v2, v6;
	[tilespmem:s25+$0x30] =	vst v20;
	v52 =	vld.idx.msk [tilespmem:v44+s17+$0x0], $0xffff;
	v22 =	vadd.bf16 v26, v22  }
0x4bd: {  	v59 =	vadd.s32 v2, v4;
	v60 =	vadd.s32 v2, v7;
	v33 =	vld.idx.msk [tilespmem:v51+s17+$0x0], $0xffff  }
0x4be: {  	v29 =	vld.idx.msk [tilespmem:v54+s17+$0x0], $0xffff;
	v61 =	vunpack.i.u.bf16.f32 v22;
	v21 =	vadd.bf16 v21, v53;
	v37 =	vadd.bf16 v31, v27  }
0x4bf: {  	v62 =	vadd.s32 v2, v5;
	v30 =	vld.idx.msk [tilespmem:v55+s17+$0x0], $0xffff;
	v22 =	vunpack.i.l.bf16.f32 v22;
	[tilespmem:s25+$0xFFFFFF30] =	vst v61  }
0x4c0: {  	v63 =	vld.idx.msk [tilespmem:v57+s17+$0x0], $0xffff;
	v42 =	vadd.s32 v3, v9;
	[tilespmem:s25+$0xFFFFFF20] =	vst v22;
	v21 =	vadd.bf16 v37, v21  }
0x4c1: {  	v45 =	vadd.s32 v3, v13;
	v46 =	vadd.s32 v3, v14;
	v34 =	vld.idx.msk [tilespmem:v58+s17+$0x0], $0xffff  }
0x4c2: {  	v24 =	vadd.bf16 v28, v24;
	v23 =	vadd.bf16 v52, v50;
	v20 =	vld.idx.msk [tilespmem:v59+s17+$0x0], $0xffff;
	v25 =	vunpack.i.l.bf16.f32 v21  }
0x4c3: {  	v47 =	vadd.s32 v3, v12;
	v40 =	vld.idx.msk [tilespmem:v60+s17+$0x0], $0xffff;
	v21 =	vunpack.i.u.bf16.f32 v21;
	[tilespmem:s25+$0xFFFFFFC0] =	vst v25  }
0x4c4: {  	v32 =	vadd.s32 v3, v16;
	v43 =	vld.idx.msk [tilespmem:v62+s17+$0x0], $0xffff;
	v23 =	vadd.bf16 v23, v24;
	[tilespmem:s25+$0xFFFFFFD0] =	vst v21  }
0x4c5: {  	v36 =	vadd.s32 v3, v19;
	v39 =	vadd.s32 v3, v18;
	v9 =	vld.idx.msk [tilespmem:v42+s17+$0x0], $0xffff  }
0x4c6: {  	v44 =	vadd.bf16 v29, v33;
	v22 =	vadd.bf16 v63, v30;
	v38 =	vunpack.i.l.bf16.f32 v23;
	v13 =	vld.idx.msk [tilespmem:v45+s17+$0x0], $0xffff  }
0x4c7: {  	v41 =	vadd.s32 v3, v17;
	v23 =	vunpack.i.u.bf16.f32 v23;
	[tilespmem:s25+$0xC0] =	vst v38;
	v14 =	vld.idx.msk [tilespmem:v46+s17+$0x0], $0xffff  }
0x4c8: {  	v48 =	vadd.s32 v3, v8;
	v49 =	vadd.bf16 v22, v44;
	[tilespmem:s25+$0xD0] =	vst v23;
	v12 =	vld.idx.msk [tilespmem:v47+s17+$0x0], $0xffff  }
0x4c9: {  	v51 =	vadd.s32 v3, v11;
	v50 =	vadd.s32 v3, v10;
	v16 =	vld.idx.msk [tilespmem:v32+s17+$0x0], $0xffff  }
0x4ca: {  	v21 =	vunpack.i.u.bf16.f32 v49;
	v20 =	vadd.bf16 v20, v34;
	v52 =	vadd.bf16 v43, v40;
	v19 =	vld.idx.msk [tilespmem:v36+s17+$0x0], $0xffff  }
0x4cb: {  	v53 =	vadd.s32 v3, v15;
	v23 =	vunpack.i.l.bf16.f32 v49;
	[tilespmem:s25+$0x50] =	vst v21;
	v18 =	vld.idx.msk [tilespmem:v39+s17+$0x0], $0xffff  }
0x4cc: {  	v54 =	vadd.s32 v3, v6;
	v17 =	vld.idx.msk [tilespmem:v41+s17+$0x0], $0xffff;
	[tilespmem:s25+$0x40] =	vst v23;
	v20 =	vadd.bf16 v52, v20  }
0x4cd: {  	v4 =	vadd.s32 v3, v4;
	v8 =	vld.idx.msk [tilespmem:v48+s17+$0x0], $0xffff  }
0x4ce: {  	v55 =	vadd.s32 v3, v7;
	v10 =	vld.idx.msk [tilespmem:v50+s17+$0x0], $0xffff;
	v56 =	vunpack.i.u.bf16.f32 v20  }
0x4cf: {  	v5 =	vadd.s32 v3, v5;
	v11 =	vld.idx.msk [tilespmem:v51+s17+$0x0], $0xffff;
	v20 =	vunpack.i.l.bf16.f32 v20;
	[tilespmem:s25+$0xFFFFFF50] =	vst v56  }
0x4d0: {  	v15 =	vld.idx.msk [tilespmem:v53+s17+$0x0], $0xffff;
	[tilespmem:s25+$0xFFFFFF40] =	vst v20  }
0x4d1: {  	v6 =	vld.idx.msk [tilespmem:v54+s17+$0x0], $0xffff  }
0x4d2: {  	v4 =	vld.idx.msk [tilespmem:v4+s17+$0x0], $0xffff  }
0x4d3: {  	v9 =	vadd.bf16 v13, v9;
	v12 =	vadd.bf16 v12, v14;
	v7 =	vld.idx.msk [tilespmem:v55+s17+$0x0], $0xffff  }
0x4d4: {  	v16 =	vadd.bf16 v19, v16;
	v5 =	vld.idx.msk [tilespmem:v5+s17+$0x0], $0xffff  }
0x4d5: {  	v17 =	vadd.bf16 v17, v18;
	v9 =	vadd.bf16 v12, v9  }
0x4d6: {  	v8 =	vadd.bf16 v10, v8;
	v59 =	vadd.bf16 v15, v11  }
0x4d7: {  	v57 =	vadd.bf16 v17, v16;
	v61 =	vunpack.i.u.bf16.f32 v9  }
0x4d8: {  	v8 =	vadd.bf16 v59, v8;
	v62 =	vunpack.i.l.bf16.f32 v9;
	[tilespmem:s25+$0xFFFFFFF0] =	vst v61  }
0x4d9: {  	v58 =	vunpack.i.u.bf16.f32 v57;
	[tilespmem:s25+$0xFFFFFFE0] =	vst v62;
	v4 =	vadd.bf16 v4, v6;
	v5 =	vadd.bf16 v5, v7  }
0x4da: {  	s23 =	sadd.s32 $0x1, s23;
	v60 =	vunpack.i.l.bf16.f32 v57;
	[tilespmem:s25+$0xF0] =	vst v58  }
0x4db: {  	p0 =	sne.s32 s23, $0xC;
	[tilespmem:s25+$0xE0] =	vst v60;
	v63 =	vunpack.i.l.bf16.f32 v8;
	v4 =	vadd.bf16 v5, v4  }
.Ltmp11:
0x4dc: {  	[tilespmem:s25+$0x60] =	vst v63;
	v5 =	vunpack.i.u.bf16.f32 v8;
	(pc) =	sbr.rel @p0 .LBB2_20-.Ltmp11, $4  }
0x4dd: {  	[tilespmem:s25+$0x70] =	vst v5;
	v5 =	vunpack.i.l.bf16.f32 v4  }
0x4de: {  	s0 =	sshll.u32 s24, $0x4;
	v4 =	vunpack.i.u.bf16.f32 v4;
	[tilespmem:s25+$0xFFFFFF60] =	vst v5  }
0x4df: {  	s0 =	sadd.s32 s2, s0;
	[tilespmem:s25+$0xFFFFFF70] =	vst v4  }
0x4e0: {  	[hbm4b:s0+s3] =	stream.linear.scatter [tilespmem:s19], [sflag:$0x2], $0x4000, $0x38;
	[tilespmem:$0x16C00] =	vst v63  }
0x4e1: {  	_ =	swait.ge [sflag:s13], $0x480  }
0x4e2: {  	[sflag:s13] =	ssyncset.done $0x0  }
0x4e3: {  	[sflag:s13] =	ssyncadd.s32 $0xFFFFFB80  }
0x4e4: {  	v4 =	vld [tilespmem:$0xDA00]  }
0x4e5: {  	v5 =	vld [tilespmem:$0xDA80]  }
0x4e6: {  	v6 =	vld [tilespmem:$0xDB00]  }
0x4e7: {  	v7 =	vld [tilespmem:$0xDB80]  }
0x4e8: {  	v8 =	vld [tilespmem:$0xDC00]  }
0x4e9: {  	v9 =	vld [tilespmem:$0xDC80]  }
0x4ea: {  	v10 =	vld [tilespmem:$0xDD00]  }
0x4eb: {  	v11 =	vld [tilespmem:$0xDD80]  }
0x4ec: {  	v12 =	vld [tilespmem:$0xDE00]  }
0x4ed: {  	v13 =	vld [tilespmem:$0xDA10]  }
0x4ee: {  	v14 =	vld [tilespmem:$0xDA90]  }
0x4ef: {  	v15 =	vld [tilespmem:$0xDB10]  }
0x4f0: {  	v16 =	vld [tilespmem:$0xDB90]  }
0x4f1: {  	v17 =	vld [tilespmem:$0xDC10]  }
0x4f2: {  	v18 =	vld [tilespmem:$0xDC90]  }
0x4f3: {  	v19 =	vld [tilespmem:$0xDD10]  }
0x4f4: {  	v20 =	vld [tilespmem:$0xDD90]  }
0x4f5: {  	v21 =	vld [tilespmem:$0xDE10]  }
0x4f6: {  	v22 =	vld [tilespmem:$0xDA20]  }
0x4f7: {  	v23 =	vld [tilespmem:$0xDAA0]  }
0x4f8: {  	v24 =	vld [tilespmem:$0xDB20]  }
0x4f9: {  	v25 =	vld [tilespmem:$0xDBA0]  }
0x4fa: {  	v26 =	vld [tilespmem:$0xDC20]  }
0x4fb: {  	v27 =	vld [tilespmem:$0xDCA0]  }
0x4fc: {  	v28 =	vld [tilespmem:$0xDD20]  }
0x4fd: {  	v29 =	vld [tilespmem:$0xDDA0]  }
0x4fe: {  	v30 =	vld [tilespmem:$0xDE20]  }
0x4ff: {  	v31 =	vld [tilespmem:$0xDA30]  }
0x500: {  	v32 =	vld [tilespmem:$0xDAB0]  }
0x501: {  	v33 =	vld [tilespmem:$0xDB30]  }
0x502: {  	v34 =	vld [tilespmem:$0xDBB0]  }
0x503: {  	v35 =	vld [tilespmem:$0xDC30]  }
0x504: {  	v36 =	vld [tilespmem:$0xDCB0];
	v5 =	vmul.u32 $0xC, v5;
	v9 =	vmul.u32 $0x6, v9;
	v7 =	vmul.u32 $0xA, v7  }
0x505: {  	v37 =	vld [tilespmem:$0xDB40];
	v4 =	vshll.u32 v4, $0x6;
	v14 =	vmul.u32 $0xC, v14;
	v13 =	vshll.u32 v13, $0x6  }
0x506: {  	v38 =	vld [tilespmem:$0xDE40];
	v16 =	vmul.u32 $0xA, v16;
	v25 =	vmul.u32 $0xA, v25;
	v22 =	vshll.u32 v22, $0x6;
	[tilespmem:$0xEA10] =	vst v13  }
0x507: {  	v13 =	vshll.u32 v31, $0x6;
	[tilespmem:$0xEA20] =	vst v22;
	v22 =	vld [tilespmem:$0xDDE0];
	v5 =	vadd.s32 v6, v5;
	v6 =	vadd.s32 v10, v9  }
0x508: {  	v9 =	vld [tilespmem:$0xDD30];
	v10 =	vshll.u32 v11, $0x1;
	v7 =	vadd.s32 v8, v7;
	v14 =	vadd.s32 v15, v14  }
0x509: {  	v11 =	vld [tilespmem:$0xDDB0];
	v15 =	vshll.u32 v20, $0x1;
	v16 =	vadd.s32 v17, v16;
	v25 =	vadd.s32 v26, v25  }
0x50a: {  	v8 =	vld [tilespmem:$0xDA40];
	v26 =	vshll.u32 v29, $0x1;
	v29 =	vmul.u32 $0x6, v36;
	v6 =	vshll.u32 v6, $0x2  }
0x50b: {  	v20 =	vld [tilespmem:$0xDC40];
	v5 =	vshll.u32 v5, $0x6;
	v7 =	vshll.u32 v7, $0x6;
	v14 =	vshll.u32 v14, $0x6  }
0x50c: {  	v17 =	vld [tilespmem:$0xDD40];
	v16 =	vshll.u32 v16, $0x6;
	v25 =	vshll.u32 v25, $0x6;
	v6 =	vadd.s32 v6, v10  }
0x50d: {  	v10 =	vld [tilespmem:$0xDE30];
	v5 =	vadd.s32 $0x1DC0, v5;
	v6 =	vadd.s32 v12, v6;
	v12 =	vmul.u32 $0x6, v18  }
0x50e: {  	v7 =	vadd.s32 $0x2CC0, v7;
	v16 =	vadd.s32 $0x2CC0, v16;
	v18 =	vld [tilespmem:$0xDAC0];
	v6 =	vshll.u32 v6, $0x6  }
0x50f: {  	v14 =	vadd.s32 $0x1DC0, v14;
	[tilespmem:$0xEB10] =	vst v16;
	v16 =	vld [tilespmem:$0xDAE0];
	v6 =	vadd.s32 $0x4AC0, v6;
	v12 =	vadd.s32 v19, v12  }
0x510: {  	v19 =	vld [tilespmem:$0xDBC0];
	v9 =	vadd.s32 v9, v29;
	v11 =	vshll.u32 v11, $0x1;
	v12 =	vshll.u32 v12, $0x2  }
0x511: {  	v29 =	vld [tilespmem:$0xDD50];
	[tilespmem:$0xEB80] =	vst v6;
	v6 =	vmul.u32 $0xA, v34;
	v9 =	vshll.u32 v9, $0x2;
	v12 =	vadd.s32 v12, v15  }
0x512: {  	v8 =	vshll.u32 v8, $0x6;
	v15 =	vld [tilespmem:$0xDCC0];
	v9 =	vadd.s32 v9, v11;
	v12 =	vadd.s32 v21, v12  }
0x513: {  	v11 =	vld [tilespmem:$0xDDD0];
	v21 =	vmul.u32 $0xC, v23;
	v23 =	vmul.u32 $0x6, v27;
	v6 =	vadd.s32 v35, v6  }
0x514: {  	v27 =	vld [tilespmem:$0xDDC0];
	v9 =	vadd.s32 v10, v9;
	v12 =	vshll.u32 v12, $0x6;
	v6 =	vshll.u32 v6, $0x6  }
0x515: {  	v10 =	vld [tilespmem:$0xDE50];
	v9 =	vshll.u32 v9, $0x6;
	v12 =	vadd.s32 $0x4AC0, v12;
	v21 =	vadd.s32 v24, v21  }
0x516: {  	[tilespmem:$0xEA00] =	vst v4;
	v23 =	vadd.s32 v28, v23;
	v24 =	vld [tilespmem:$0xDA50];
	v6 =	vadd.s32 $0x2CC0, v6;
	v9 =	vadd.s32 $0x4AC0, v9  }
0x517: {  	v28 =	vld [tilespmem:$0xDAD0];
	v23 =	vshll.u32 v23, $0x2;
	v21 =	vshll.u32 v21, $0x6;
	[tilespmem:$0xEB90] =	vst v12;
	v12 =	vmul.u32 $0xC, v18  }
0x518: {  	[tilespmem:$0xEA80] =	vst v5;
	v18 =	vmul.u32 $0xA, v19;
	v19 =	vld [tilespmem:$0xDBE0];
	v23 =	vadd.s32 v23, v26;
	v5 =	vadd.s32 $0x1DC0, v21  }
0x519: {  	[tilespmem:$0xEA90] =	vst v14;
	v26 =	vld [tilespmem:$0xDB50];
	v14 =	vmul.u32 $0x6, v15;
	v4 =	vadd.s32 v30, v23;
	v23 =	vmul.u32 $0xC, v32  }
0x51a: {  	v21 =	vadd.s32 $0x2CC0, v25;
	v30 =	vld [tilespmem:$0xDBD0];
	[tilespmem:$0xEAA0] =	vst v5;
	v5 =	vadd.s32 v37, v12;
	v18 =	vadd.s32 v20, v18  }
0x51b: {  	[tilespmem:$0xEB00] =	vst v7;
	v4 =	vshll.u32 v4, $0x6;
	v14 =	vadd.s32 v17, v14;
	v7 =	vadd.s32 v33, v23;
	v23 =	vld [tilespmem:$0xDCD0]  }
0x51c: {  	[tilespmem:$0xEA30] =	vst v13;
	v25 =	vld [tilespmem:$0xDC50];
	v5 =	vshll.u32 v5, $0x6;
	v12 =	vshll.u32 v14, $0x2;
	v14 =	vshll.u32 v27, $0x1  }
0x51d: {  	v15 =	vld [tilespmem:$0xDA60];
	[tilespmem:$0xEB20] =	vst v21;
	v4 =	vadd.s32 $0x4AC0, v4;
	v13 =	vmul.u32 $0xC, v28;
	v12 =	vadd.s32 v12, v14  }
0x51e: {  	v21 =	vld [tilespmem:$0xDD60];
	v7 =	vshll.u32 v7, $0x6;
	[tilespmem:$0xEBA0] =	vst v4;
	v4 =	vadd.s32 $0x1DC0, v5;
	v12 =	vadd.s32 v38, v12  }
0x51f: {  	[tilespmem:$0xEA40] =	vst v8;
	v17 =	vld [tilespmem:$0xDB60];
	v5 =	vshll.u32 v18, $0x6;
	v7 =	vadd.s32 $0x1DC0, v7;
	v12 =	vshll.u32 v12, $0x6  }
0x520: {  	v18 =	vld [tilespmem:$0xDCE0];
	[tilespmem:$0xEAB0] =	vst v7;
	v7 =	vadd.s32 $0x4AC0, v12;
	v12 =	vmul.u32 $0xA, v30;
	v20 =	vmul.u32 $0x6, v23  }
0x521: {  	[tilespmem:$0xEB30] =	vst v6;
	v11 =	vshll.u32 v11, $0x1;
	v6 =	vshll.u32 v24, $0x6;
	v14 =	vld [tilespmem:$0xDC60];
	v13 =	vadd.s32 v26, v13  }
0x522: {  	[tilespmem:$0xEBB0] =	vst v9;
	v8 =	vshll.u32 v13, $0x6;
	v13 =	vld [tilespmem:$0xDB70];
	v9 =	vadd.s32 v25, v12;
	v20 =	vadd.s32 v29, v20  }
0x523: {  	[tilespmem:$0xEA50] =	vst v6;
	v5 =	vadd.s32 $0x2CC0, v5;
	v23 =	vld [tilespmem:$0xDE60];
	v9 =	vshll.u32 v9, $0x6;
	v12 =	vshll.u32 v20, $0x2  }
0x524: {  	[tilespmem:$0xEB40] =	vst v5;
	v5 =	vadd.s32 $0x1DC0, v8;
	v20 =	vld [tilespmem:$0xDA70];
	v8 =	vadd.s32 $0x2CC0, v9;
	v11 =	vadd.s32 v12, v11  }
0x525: {  	[tilespmem:$0xEAC0] =	vst v4;
	v9 =	vld [tilespmem:$0xDCF0];
	v4 =	vadd.s32 v10, v11;
	v10 =	vmul.u32 $0xC, v16;
	v11 =	vmul.u32 $0x6, v18  }
0x526: {  	v6 =	vmul.u32 $0xA, v19;
	[tilespmem:$0xEBC0] =	vst v7;
	v12 =	vld [tilespmem:$0xDAF0]  }
0x527: {  	[tilespmem:$0xEAD0] =	vst v5;
	v5 =	vshll.u32 v15, $0x6;
	v7 =	vadd.s32 v17, v10;
	v10 =	vadd.s32 v21, v11;
	v11 =	vld [tilespmem:$0xDBF0]  }
0x528: {  	v16 =	vshll.u32 v22, $0x1;
	v4 =	vshll.u32 v4, $0x6;
	v17 =	vld [tilespmem:$0xDD70];
	v10 =	vshll.u32 v10, $0x2  }
0x529: {  	v15 =	vld [tilespmem:$0xDDF0];
	v6 =	vadd.s32 v14, v6;
	[tilespmem:$0xEB50] =	vst v8;
	v4 =	vadd.s32 $0x4AC0, v4;
	v10 =	vadd.s32 v10, v16  }
0x52a: {  	v7 =	vshll.u32 v7, $0x6;
	[tilespmem:$0xEBD0] =	vst v4;
	v4 =	vshll.u32 v6, $0x6;
	v8 =	vadd.s32 v23, v10;
	v10 =	vld [tilespmem:$0xDC70]  }
0x52b: {  	v9 =	vmul.u32 $0x6, v9;
	v7 =	vadd.s32 $0x1DC0, v7;
	v6 =	vshll.u32 v8, $0x6;
	v8 =	vld [tilespmem:$0xDE70]  }
0x52c: {  	[tilespmem:$0xEA60] =	vst v5;
	v4 =	vadd.s32 $0x2CC0, v4;
	v5 =	vadd.s32 $0x4AC0, v6;
	v6 =	vmul.u32 $0xC, v12  }
0x52d: {  	[tilespmem:$0xEAE0] =	vst v7;
	v7 =	vshll.u32 v20, $0x6;
	v11 =	vmul.u32 $0xA, v11;
	v9 =	vadd.s32 v17, v9  }
0x52e: {  	[tilespmem:$0xEB60] =	vst v4;
	v4 =	vadd.s32 v13, v6;
	v6 =	vshll.u32 v9, $0x2;
	v9 =	vshll.u32 v15, $0x1  }
0x52f: {  	[tilespmem:$0xEBE0] =	vst v5;
	v4 =	vshll.u32 v4, $0x6;
	v5 =	vadd.s32 v10, v11;
	v6 =	vadd.s32 v6, v9  }
0x530: {  	[tilespmem:$0xEA70] =	vst v7;
	v4 =	vadd.s32 $0x1DC0, v4;
	v5 =	vshll.u32 v5, $0x6;
	v6 =	vadd.s32 v8, v6  }
0x531: {  	s0 =	simm.s32 $0x0;
	[tilespmem:$0xEAF0] =	vst v4;
	v4 =	vadd.s32 $0x2CC0, v5;
	v5 =	vshll.u32 v6, $0x6  }
0x532: {  	[tilespmem:$0xEB70] =	vst v4;
	v4 =	vadd.s32 $0x4AC0, v5;
	v5 =	vmov s0  }
0x533: {  	[tilespmem:$0xEBF0] =	vst v4;
	v4 =	vor.u32 $0x80, v5  }
0x534: {  	s24 =	simm.s32 $0x1;
	v6 =	vor.u32 $0x100, v5;
	_ =	swait.ge [sflag:s20], $0x4000  }
0x535: {  	v8 =	vmov s24;
	[sflag:s20] =	ssyncset.done $0x0  }
0x536: {  	s25 =	simm.s32 $0x2;
	v7 =	vor.u32 $0x180, v5;
	[sflag:s20] =	ssyncadd.s32 $0xFFFFC000  }
0x537: {  	v13 =	vld.idx.msk [tilespmem:v5+s16+$0x0], $0xffff;
	v5 =	vmov s25  }
0x538: {  	v11 =	vld.idx.msk [tilespmem:v4+s16+$0x0], $0xffff;
	v4 =	vor.u32 $0x80, v8  }
0x539: {  	v12 =	vld.idx.msk [tilespmem:v6+s16+$0x0], $0xffff;
	v6 =	vor.u32 $0x100, v8  }
0x53a: {  	v20 =	vld.idx.msk [tilespmem:v8+s16+$0x0], $0xffff;
	v9 =	vor.u32 $0x100, v5  }
0x53b: {  	v10 =	vld.idx.msk [tilespmem:v7+s16+$0x0], $0xffff;
	v7 =	vor.u32 $0x180, v8  }
0x53c: {  	v8 =	vor.u32 $0x80, v5;
	v14 =	vld.idx.msk [tilespmem:v5+s16+$0x0], $0xffff  }
0x53d: {  	s26 =	simm.s32 $0x3;
	v5 =	vor.u32 $0x180, v5;
	v21 =	vld.idx.msk [tilespmem:v4+s16+$0x0], $0xffff  }
0x53e: {  	v4 =	vmov s26;
	v22 =	vld.idx.msk [tilespmem:v6+s16+$0x0], $0xffff  }
0x53f: {  	v17 =	vld.idx.msk [tilespmem:v9+s16+$0x0], $0xffff;
	v9 =	vadd.s32 v0, v13  }
0x540: {  	v19 =	vld.idx.msk [tilespmem:v7+s16+$0x0], $0xffff;
	v46 =	vadd.s32 v0, v11  }
0x541: {  	v15 =	vld.idx.msk [tilespmem:v8+s16+$0x0], $0xffff;
	v47 =	vadd.s32 v0, v12  }
0x542: {  	v49 =	vadd.s32 v0, v10;
	v18 =	vld.idx.msk [tilespmem:v5+s16+$0x0], $0xffff  }
0x543: {  	v6 =	vor.u32 $0x80, v4;
	v27 =	vld.idx.msk [tilespmem:v4+s16+$0x0], $0xffff  }
0x544: {  	v7 =	vor.u32 $0x100, v4;
	v28 =	vld.idx.msk [tilespmem:v9+s17+$0x0], $0xffff  }
0x545: {  	v8 =	vor.u32 $0x180, v4;
	v33 =	vld.idx.msk [tilespmem:v46+s17+$0x0], $0xffff  }
0x546: {  	v4 =	vadd.s32 v0, v20;
	v34 =	vld.idx.msk [tilespmem:v47+s17+$0x0], $0xffff  }
0x547: {  	v5 =	vadd.s32 v0, v19;
	v36 =	vld.idx.msk [tilespmem:v49+s17+$0x0], $0xffff  }
0x548: {  	v26 =	vld.idx.msk [tilespmem:v6+s16+$0x0], $0xffff;
	v6 =	vadd.s32 v0, v14  }
0x549: {  	v30 =	vadd.s32 v0, v15;
	v25 =	vld.idx.msk [tilespmem:v7+s16+$0x0], $0xffff  }
0x54a: {  	v7 =	vadd.s32 v0, v21;
	v24 =	vld.idx.msk [tilespmem:v8+s16+$0x0], $0xffff  }
0x54b: {  	v8 =	vadd.s32 v0, v22;
	v9 =	vld.idx.msk [tilespmem:v4+s17+$0x0], $0xffff  }
0x54c: {  	v4 =	vadd.s32 v0, v27;
	v5 =	vld.idx.msk [tilespmem:v5+s17+$0x0], $0xffff  }
0x54d: {  	v29 =	vld.idx.msk [tilespmem:v6+s17+$0x0], $0xffff;
	v6 =	vadd.s32 v0, v26  }
0x54e: {  	v30 =	vld.idx.msk [tilespmem:v30+s17+$0x0], $0xffff;
	v16 =	vadd.s32 v0, v25  }
0x54f: {  	v7 =	vld.idx.msk [tilespmem:v7+s17+$0x0], $0xffff;
	v23 =	vadd.s32 v0, v24  }
0x550: {  	s28 =	simm.s32 $0x4;
	v31 =	vadd.s32 v0, v17;
	v8 =	vld.idx.msk [tilespmem:v8+s17+$0x0], $0xffff  }
0x551: {  	v50 =	vmov s28;
	v45 =	vadd.s32 v0, v18;
	v4 =	vld.idx.msk [tilespmem:v4+s17+$0x0], $0xffff  }
0x552: {  	v39 =	vor.u32 $0x100, v50;
	v6 =	vld.idx.msk [tilespmem:v6+s17+$0x0], $0xffff  }
0x553: {  	v40 =	vor.u32 $0x180, v50;
	v16 =	vld.idx.msk [tilespmem:v16+s17+$0x0], $0xffff  }
0x554: {  	v48 =	vld.idx.msk [tilespmem:v23+s17+$0x0], $0xffff  }
0x555: {  	s29 =	simm.s32 $0x5;
	v51 =	vor.u32 $0x80, v50;
	v31 =	vld.idx.msk [tilespmem:v31+s17+$0x0], $0xffff;
	v53 =	vadd.bf16 v7, v9;
	v8 =	vadd.bf16 v5, v8  }
0x556: {  	v32 =	vld.idx.msk [tilespmem:v45+s17+$0x0], $0xffff;
	v23 =	vmov s29  }
0x557: {  	v42 =	vadd.s32 v1, v20;
	v7 =	vld.idx.msk [tilespmem:v39+s16+$0x0], $0xffff;
	v38 =	vadd.bf16 v8, v53  }
0x558: {  	v59 =	vadd.s32 v1, v22;
	v5 =	vld.idx.msk [tilespmem:v40+s16+$0x0], $0xffff;
	v29 =	vadd.bf16 v30, v29;
	v30 =	vadd.s32 v1, v21  }
0x559: {  	s22 =	simm.s32 $0xED00;
	v58 =	vunpack.i.l.bf16.f32 v38;
	v41 =	vadd.bf16 v6, v4;
	v35 =	vadd.bf16 v48, v16;
	v6 =	vld.idx.msk [tilespmem:v50+s16+$0x0], $0xffff  }
0x55a: {  	v60 =	vadd.s32 v1, v19;
	v38 =	vunpack.i.u.bf16.f32 v38;
	v4 =	vld.idx.msk [tilespmem:v51+s16+$0x0], $0xffff;
	[tilespmem:s22+$0xFFFFFF80] =	vst v58  }
0x55b: {  	v52 =	vadd.s32 v1, v27;
	v9 =	vld.idx.msk [tilespmem:v23+s16+$0x0], $0xffff;
	[tilespmem:s22+$0xFFFFFF90] =	vst v38;
	v35 =	vadd.bf16 v35, v41  }
0x55c: {  	v28 =	vadd.bf16 v33, v28;
	v54 =	vadd.s32 v1, v26;
	v63 =	vld.idx.msk [tilespmem:v42+s17+$0x0], $0xffff  }
0x55d: {  	v62 =	vadd.bf16 v36, v34;
	v56 =	vadd.s32 v1, v25;
	v30 =	vld.idx.msk [tilespmem:v30+s17+$0x0], $0xffff;
	v55 =	vunpack.i.l.bf16.f32 v35  }
0x55e: {  	v43 =	vadd.s32 v1, v11;
	v57 =	vadd.s32 v1, v24;
	v51 =	vld.idx.msk [tilespmem:v59+s17+$0x0], $0xffff;
	v35 =	vunpack.i.u.bf16.f32 v35;
	[tilespmem:s22+$0x80] =	vst v55  }
0x55f: {  	v28 =	vadd.bf16 v62, v28;
	v31 =	vadd.bf16 v32, v31;
	v32 =	vld.idx.msk [tilespmem:v60+s17+$0x0], $0xffff;
	[tilespmem:s22+$0x90] =	vst v35  }
0x560: {  	s30 =	simm.s32 $0x6;
	v35 =	vld.idx.msk [tilespmem:v52+s17+$0x0], $0xffff  }
0x561: {  	v53 =	vunpack.i.l.bf16.f32 v28;
	v16 =	vmov s30;
	v39 =	vld.idx.msk [tilespmem:v54+s17+$0x0], $0xffff  }
0x562: {  	v28 =	vunpack.i.u.bf16.f32 v28;
	[tilespmem:s22+$0xFFFFFF00] =	vst v53;
	v29 =	vadd.bf16 v31, v29;
	v31 =	vadd.s32 v1, v14;
	v41 =	vld.idx.msk [tilespmem:v56+s17+$0x0], $0xffff  }
0x563: {  	[tilespmem:s22+$0xFFFFFF10] =	vst v28;
	v48 =	vadd.s32 v1, v15;
	v61 =	vld.idx.msk [tilespmem:v57+s17+$0x0], $0xffff  }
0x564: {  	v50 =	vadd.s32 v1, v17;
	v58 =	vld.idx.msk [tilespmem:v43+s17+$0x0], $0xffff;
	v49 =	vunpack.i.l.bf16.f32 v29;
	v29 =	vunpack.i.u.bf16.f32 v29  }
0x565: {  	[tilespmem:s22+$0x0] =	vst v49;
	v52 =	vadd.s32 v1, v18;
	v30 =	vadd.bf16 v30, v63;
	v32 =	vadd.bf16 v32, v51  }
0x566: {  	[tilespmem:s22+$0x10] =	vst v29;
	v29 =	vadd.s32 v1, v13;
	v8 =	vld.idx.msk [tilespmem:v16+s16+$0x0], $0xffff  }
0x567: {  	v44 =	vadd.s32 v1, v12;
	v31 =	vld.idx.msk [tilespmem:v31+s17+$0x0], $0xffff;
	v30 =	vadd.bf16 v32, v30  }
0x568: {  	v36 =	vld.idx.msk [tilespmem:v48+s17+$0x0], $0xffff;
	v54 =	vadd.s32 v1, v10;
	v35 =	vadd.bf16 v39, v35;
	v38 =	vadd.bf16 v61, v41  }
0x569: {  	v45 =	vadd.s32 v2, v21;
	v55 =	vld.idx.msk [tilespmem:v50+s17+$0x0], $0xffff  }
0x56a: {  	v56 =	vadd.s32 v2, v27;
	v47 =	vunpack.i.l.bf16.f32 v30;
	v28 =	vld.idx.msk [tilespmem:v52+s17+$0x0], $0xffff;
	v35 =	vadd.bf16 v38, v35  }
0x56b: {  	v57 =	vadd.s32 v2, v26;
	v29 =	vld.idx.msk [tilespmem:v29+s17+$0x0], $0xffff;
	v30 =	vunpack.i.u.bf16.f32 v30;
	[tilespmem:s22+$0xFFFFFFA0] =	vst v47  }
0x56c: {  	v60 =	vadd.s32 v2, v25;
	v61 =	vld.idx.msk [tilespmem:v44+s17+$0x0], $0xffff;
	[tilespmem:s22+$0xFFFFFFB0] =	vst v30;
	v59 =	vunpack.i.l.bf16.f32 v35  }
0x56d: {  	v62 =	vadd.s32 v2, v24;
	v39 =	vld.idx.msk [tilespmem:v54+s17+$0x0], $0xffff;
	v35 =	vunpack.i.u.bf16.f32 v35;
	[tilespmem:s22+$0xA0] =	vst v59  }
0x56e: {  	v46 =	vadd.s32 v2, v22;
	v32 =	vld.idx.msk [tilespmem:v45+s17+$0x0], $0xffff;
	[tilespmem:s22+$0xB0] =	vst v35  }
0x56f: {  	v48 =	vadd.s32 v2, v19;
	v31 =	vadd.bf16 v36, v31;
	v28 =	vadd.bf16 v28, v55;
	v35 =	vld.idx.msk [tilespmem:v56+s17+$0x0], $0xffff  }
0x570: {  	v63 =	vadd.s32 v2, v20;
	v34 =	vld.idx.msk [tilespmem:v57+s17+$0x0], $0xffff  }
0x571: {  	v50 =	vadd.s32 v2, v14;
	v49 =	vld.idx.msk [tilespmem:v60+s17+$0x0], $0xffff;
	v28 =	vadd.bf16 v28, v31  }
0x572: {  	v51 =	vadd.s32 v2, v15;
	v52 =	vadd.s32 v2, v17;
	v30 =	vld.idx.msk [tilespmem:v62+s17+$0x0], $0xffff  }
0x573: {  	v36 =	vld.idx.msk [tilespmem:v46+s17+$0x0], $0xffff;
	v29 =	vadd.bf16 v58, v29;
	v39 =	vadd.bf16 v39, v61;
	v53 =	vunpack.i.l.bf16.f32 v28  }
0x574: {  	v54 =	vadd.s32 v2, v18;
	v37 =	vld.idx.msk [tilespmem:v48+s17+$0x0], $0xffff;
	v28 =	vunpack.i.u.bf16.f32 v28;
	[tilespmem:s22+$0x20] =	vst v53  }
0x575: {  	v55 =	vadd.s32 v2, v13;
	v31 =	vld.idx.msk [tilespmem:v63+s17+$0x0], $0xffff;
	v29 =	vadd.bf16 v39, v29;
	[tilespmem:s22+$0x30] =	vst v28  }
0x576: {  	v58 =	vadd.s32 v2, v10;
	v56 =	vadd.s32 v2, v12;
	v41 =	vld.idx.msk [tilespmem:v50+s17+$0x0], $0xffff  }
0x577: {  	v57 =	vunpack.i.u.bf16.f32 v29;
	v33 =	vld.idx.msk [tilespmem:v51+s17+$0x0], $0xffff;
	v34 =	vadd.bf16 v34, v35;
	v30 =	vadd.bf16 v30, v49  }
0x578: {  	v29 =	vunpack.i.l.bf16.f32 v29;
	v28 =	vadd.s32 v2, v11;
	[tilespmem:s22+$0xFFFFFF30] =	vst v57;
	v38 =	vld.idx.msk [tilespmem:v52+s17+$0x0], $0xffff  }
0x579: {  	v27 =	vadd.s32 v3, v27;
	[tilespmem:s22+$0xFFFFFF20] =	vst v29;
	v29 =	vld.idx.msk [tilespmem:v54+s17+$0x0], $0xffff;
	v30 =	vadd.bf16 v30, v34  }
0x57a: {  	v25 =	vadd.s32 v3, v25;
	v26 =	vadd.s32 v3, v26;
	v59 =	vld.idx.msk [tilespmem:v55+s17+$0x0], $0xffff  }
0x57b: {  	v60 =	vadd.bf16 v37, v36;
	v62 =	vld.idx.msk [tilespmem:v56+s17+$0x0], $0xffff;
	v31 =	vadd.bf16 v32, v31;
	v61 =	vunpack.i.l.bf16.f32 v30  }
0x57c: {  	v24 =	vadd.s32 v3, v24;
	v35 =	vld.idx.msk [tilespmem:v58+s17+$0x0], $0xffff;
	v30 =	vunpack.i.u.bf16.f32 v30;
	[tilespmem:s22+$0xC0] =	vst v61  }
0x57d: {  	v20 =	vadd.s32 v3, v20;
	v31 =	vadd.bf16 v60, v31;
	v28 =	vld.idx.msk [tilespmem:v28+s17+$0x0], $0xffff;
	[tilespmem:s22+$0xD0] =	vst v30  }
0x57e: {  	v22 =	vadd.s32 v3, v22;
	v21 =	vadd.s32 v3, v21;
	v27 =	vld.idx.msk [tilespmem:v27+s17+$0x0], $0xffff  }
0x57f: {  	v30 =	vadd.bf16 v33, v41;
	v32 =	vunpack.i.l.bf16.f32 v31;
	v29 =	vadd.bf16 v29, v38;
	v26 =	vld.idx.msk [tilespmem:v26+s17+$0x0], $0xffff  }
0x580: {  	v19 =	vadd.s32 v3, v19;
	v31 =	vunpack.i.u.bf16.f32 v31;
	[tilespmem:s22+$0xFFFFFFC0] =	vst v32;
	v25 =	vld.idx.msk [tilespmem:v25+s17+$0x0], $0xffff  }
0x581: {  	v14 =	vadd.s32 v3, v14;
	[tilespmem:s22+$0xFFFFFFD0] =	vst v31;
	v24 =	vld.idx.msk [tilespmem:v24+s17+$0x0], $0xffff;
	v29 =	vadd.bf16 v29, v30  }
0x582: {  	v15 =	vadd.s32 v3, v15;
	v17 =	vadd.s32 v3, v17;
	v20 =	vld.idx.msk [tilespmem:v20+s17+$0x0], $0xffff  }
0x583: {  	v30 =	vadd.bf16 v35, v62;
	v21 =	vld.idx.msk [tilespmem:v21+s17+$0x0], $0xffff;
	v28 =	vadd.bf16 v28, v59;
	v31 =	vunpack.i.l.bf16.f32 v29  }
0x584: {  	v18 =	vadd.s32 v3, v18;
	v22 =	vld.idx.msk [tilespmem:v22+s17+$0x0], $0xffff;
	v29 =	vunpack.i.u.bf16.f32 v29;
	[tilespmem:s22+$0x40] =	vst v31  }
0x585: {  	v13 =	vadd.s32 v3, v13;
	v19 =	vld.idx.msk [tilespmem:v19+s17+$0x0], $0xffff;
	[tilespmem:s22+$0x50] =	vst v29;
	v28 =	vadd.bf16 v30, v28  }
0x586: {  	v11 =	vadd.s32 v3, v11;
	v29 =	vld.idx.msk [tilespmem:v14+s17+$0x0], $0xffff  }
0x587: {  	v12 =	vadd.s32 v3, v12;
	v15 =	vld.idx.msk [tilespmem:v15+s17+$0x0], $0xffff;
	v14 =	vunpack.i.u.bf16.f32 v28  }
0x588: {  	v10 =	vadd.s32 v3, v10;
	v17 =	vld.idx.msk [tilespmem:v17+s17+$0x0], $0xffff;
	v28 =	vunpack.i.l.bf16.f32 v28;
	[tilespmem:s22+$0xFFFFFF50] =	vst v14  }
0x589: {  	v18 =	vld.idx.msk [tilespmem:v18+s17+$0x0], $0xffff;
	v14 =	vor.u32 $0x80, v23;
	[tilespmem:s22+$0xFFFFFF40] =	vst v28  }
0x58a: {  	v28 =	vor.u32 $0x100, v23;
	v30 =	vld.idx.msk [tilespmem:v13+s17+$0x0], $0xffff  }
0x58b: {  	v23 =	vor.u32 $0x180, v23;
	v31 =	vld.idx.msk [tilespmem:v11+s17+$0x0], $0xffff  }
0x58c: {  	v11 =	vor.u32 $0x80, v16;
	v63 =	vld.idx.msk [tilespmem:v12+s17+$0x0], $0xffff  }
0x58d: {  	s31 =	simm.s32 $0x7;
	v24 =	vadd.bf16 v24, v25;
	v25 =	vor.u32 $0x100, v16;
	v12 =	vadd.bf16 v26, v27;
	v26 =	vld.idx.msk [tilespmem:v10+s17+$0x0], $0xffff  }
0x58e: {  	v20 =	vadd.bf16 v21, v20;
	v27 =	vmov s31;
	v13 =	vld.idx.msk [tilespmem:v14+s16+$0x0], $0xffff  }
0x58f: {  	v19 =	vadd.bf16 v19, v22;
	v24 =	vadd.bf16 v24, v12;
	v14 =	vld.idx.msk [tilespmem:v28+s16+$0x0], $0xffff;
	v28 =	vor.u32 $0x80, v27  }
0x590: {  	v21 =	vor.u32 $0x100, v27;
	v12 =	vld.idx.msk [tilespmem:v23+s16+$0x0], $0xffff  }
0x591: {  	v20 =	vadd.bf16 v19, v20;
	v22 =	vunpack.i.u.bf16.f32 v24;
	v23 =	vor.u32 $0x180, v27;
	v10 =	vld.idx.msk [tilespmem:v11+s16+$0x0], $0xffff  }
0x592: {  	v15 =	vadd.bf16 v15, v29;
	v17 =	vadd.bf16 v18, v17;
	[tilespmem:s22+$0xF0] =	vst v22;
	v11 =	vld.idx.msk [tilespmem:v25+s16+$0x0], $0xffff;
	v22 =	vor.u32 $0x180, v16  }
0x593: {  	v29 =	vadd.s32 v0, v9;
	v25 =	vadd.s32 v0, v6;
	v16 =	vld.idx.msk [tilespmem:v27+s16+$0x0], $0xffff;
	v27 =	vadd.bf16 v31, v30  }
0x594: {  	v24 =	vunpack.i.l.bf16.f32 v24;
	v19 =	vld.idx.msk [tilespmem:v28+s16+$0x0], $0xffff;
	v28 =	vadd.bf16 v17, v15;
	v15 =	vadd.bf16 v26, v63  }
0x595: {  	[tilespmem:s22+$0xE0] =	vst v24;
	v24 =	vunpack.i.u.bf16.f32 v20;
	v30 =	vadd.s32 v0, v8;
	v20 =	vunpack.i.l.bf16.f32 v20;
	v18 =	vld.idx.msk [tilespmem:v21+s16+$0x0], $0xffff  }
0x596: {  	[tilespmem:s22+$0xFFFFFFE0] =	vst v20;
	v31 =	vadd.s32 v0, v13;
	v17 =	vld.idx.msk [tilespmem:v23+s16+$0x0], $0xffff;
	v20 =	vunpack.i.l.bf16.f32 v28;
	v21 =	vadd.bf16 v15, v27  }
0x597: {  	v15 =	vld.idx.msk [tilespmem:v22+s16+$0x0], $0xffff;
	v22 =	vunpack.i.u.bf16.f32 v28;
	[tilespmem:s22+$0x60] =	vst v20;
	v20 =	vadd.s32 v0, v14  }
0x598: {  	v26 =	vld.idx.msk [tilespmem:v25+s17+$0x0], $0xffff;
	[tilespmem:s22+$0x70] =	vst v22;
	v22 =	vunpack.i.l.bf16.f32 v21;
	v25 =	vunpack.i.u.bf16.f32 v21;
	v21 =	vadd.s32 v0, v12  }
0x599: {  	[tilespmem:s22+$0xFFFFFFF0] =	vst v24;
	v24 =	vld.idx.msk [tilespmem:v29+s17+$0x0], $0xffff;
	v23 =	vadd.s32 v0, v16  }
0x59a: {  	[tilespmem:s22+$0xFFFFFF60] =	vst v22;
	v22 =	vld.idx.msk [tilespmem:v30+s17+$0x0], $0xffff;
	v27 =	vadd.s32 v0, v19  }
0x59b: {  	s23 =	simm.s32 $0x8;
	v28 =	vadd.s32 v0, v18;
	[tilespmem:s22+$0xFFFFFF70] =	vst v25;
	v25 =	vld.idx.msk [tilespmem:v31+s17+$0x0], $0xffff  }
.LBB2_26:
0x59c: {  	p0 =	slt.u32 s23, $0x7C;
	v29 =	vld.idx.msk [tilespmem:v20+s17+$0x0], $0xffff;
	v20 =	vadd.s32 v0, v17  }
0x59d: {  	v30 =	vld.idx.msk [tilespmem:v21+s17+$0x0], $0xffff;
	v21 =	vadd.s32 v0, v10  }
0x59e: {  	v31 =	vadd.s32 v0, v11;
	v23 =	vld.idx.msk [tilespmem:v23+s17+$0x0], $0xffff  }
0x59f: {  	v32 =	vadd.s32 v0, v15;
	v27 =	vld.idx.msk [tilespmem:v27+s17+$0x0], $0xffff  }
0x5a0: {  	v33 =	vadd.s32 v0, v4;
	v28 =	vld.idx.msk [tilespmem:v28+s17+$0x0], $0xffff  }
0x5a1: {  	v34 =	vadd.s32 v0, v7;
	v20 =	vld.idx.msk [tilespmem:v20+s17+$0x0], $0xffff  }
0x5a2: {  	v35 =	vadd.s32 v0, v5;
	v36 =	vld.idx.msk [tilespmem:v21+s17+$0x0], $0xffff  }
0x5a3: {  	v37 =	vmov s23;
	v31 =	vld.idx.msk [tilespmem:v31+s17+$0x0], $0xffff  }
0x5a4: {  	v38 =	vor.u32 $0x80, v37;
	v32 =	vld.idx.msk [tilespmem:v32+s17+$0x0], $0xffff  }
0x5a5: {  	v39 =	vor.u32 $0x100, v37;
	v33 =	vld.idx.msk [tilespmem:v33+s17+$0x0], $0xffff  }
0x5a6: {  	s0 =	sadd.s32 $0x1, s23;
	v40 =	vor.u32 $0x180, v37;
	v34 =	vld.idx.msk [tilespmem:v34+s17+$0x0], $0xffff  }
0x5a7: {  	v21 =	vmov s0;
	s0 =	sadd.s32 $0x2, s23;
	v27 =	vadd.bf16 v27, v23;
	v28 =	vadd.bf16 v20, v28;
	v35 =	vld.idx.msk [tilespmem:v35+s17+$0x0], $0xffff  }
0x5a8: {  	v41 =	vadd.s32 v1, v9;
	v20 =	vmov s0;
	v23 =	vld.idx.msk [tilespmem:v37+s16+$0x0], $0xffff;
	v37 =	vadd.bf16 v25, v24  }
0x5a9: {  	v29 =	vadd.bf16 v30, v29;
	v30 =	vadd.s32 v1, v16;
	v28 =	vadd.bf16 v28, v27;
	v24 =	vld.idx.msk [tilespmem:v38+s16+$0x0], $0xffff  }
0x5aa: {  	v36 =	vadd.bf16 v36, v22;
	v31 =	vadd.bf16 v32, v31;
	v32 =	vadd.s32 v1, v19;
	v25 =	vld.idx.msk [tilespmem:v39+s16+$0x0], $0xffff  }
0x5ab: {  	s22 =	sadd.s32 $0x200, s22;
	v38 =	vadd.s32 v1, v18;
	v29 =	vadd.bf16 v29, v37;
	v37 =	vunpack.i.l.bf16.f32 v28;
	v22 =	vld.idx.msk [tilespmem:v40+s16+$0x0], $0xffff  }
0x5ac: {  	v33 =	vadd.bf16 v33, v26;
	v28 =	vunpack.i.u.bf16.f32 v28;
	v27 =	vld.idx.msk [tilespmem:v21+s16+$0x0], $0xffff;
	[tilespmem:s22+$0x80] =	vst v37;
	v37 =	vadd.s32 v1, v17  }
0x5ad: {  	v31 =	vadd.bf16 v31, v36;
	v34 =	vadd.bf16 v35, v34;
	v35 =	vunpack.i.l.bf16.f32 v29;
	v26 =	vld.idx.msk [tilespmem:v20+s16+$0x0], $0xffff;
	[tilespmem:s22+$0x90] =	vst v28  }
0x5ae: {  	v28 =	vunpack.i.u.bf16.f32 v29;
	v29 =	vadd.s32 v1, v13;
	[tilespmem:s22+$0xFFFFFF80] =	vst v35;
	v30 =	vld.idx.msk [tilespmem:v30+s17+$0x0], $0xffff  }
0x5af: {  	v33 =	vadd.bf16 v34, v33;
	v34 =	vunpack.i.l.bf16.f32 v31;
	[tilespmem:s22+$0xFFFFFF90] =	vst v28;
	v28 =	vadd.s32 v1, v14;
	v32 =	vld.idx.msk [tilespmem:v32+s17+$0x0], $0xffff  }
0x5b0: {  	v35 =	vadd.s32 v1, v12;
	v31 =	vunpack.i.u.bf16.f32 v31;
	[tilespmem:s22+$0x0] =	vst v34;
	v34 =	vld.idx.msk [tilespmem:v38+s17+$0x0], $0xffff  }
0x5b1: {  	v36 =	vunpack.i.l.bf16.f32 v33;
	[tilespmem:s22+$0x10] =	vst v31;
	v31 =	vadd.s32 v1, v8;
	v37 =	vld.idx.msk [tilespmem:v37+s17+$0x0], $0xffff  }
0x5b2: {  	v33 =	vunpack.i.u.bf16.f32 v33;
	v38 =	vadd.s32 v1, v10;
	[tilespmem:s22+$0xFFFFFF00] =	vst v36;
	v36 =	vld.idx.msk [tilespmem:v41+s17+$0x0], $0xffff  }
0x5b3: {  	[tilespmem:s22+$0xFFFFFF10] =	vst v33;
	v29 =	vld.idx.msk [tilespmem:v29+s17+$0x0], $0xffff;
	v33 =	vadd.s32 v1, v11  }
0x5b4: {  	v39 =	vadd.s32 v1, v15;
	v28 =	vld.idx.msk [tilespmem:v28+s17+$0x0], $0xffff  }
0x5b5: {  	v40 =	vadd.s32 v1, v6;
	v35 =	vld.idx.msk [tilespmem:v35+s17+$0x0], $0xffff  }
0x5b6: {  	v41 =	vadd.s32 v1, v4;
	v31 =	vld.idx.msk [tilespmem:v31+s17+$0x0], $0xffff  }
0x5b7: {  	v42 =	vadd.s32 v1, v7;
	v30 =	vadd.bf16 v32, v30;
	v32 =	vadd.bf16 v37, v34;
	v38 =	vld.idx.msk [tilespmem:v38+s17+$0x0], $0xffff  }
0x5b8: {  	v34 =	vadd.s32 v1, v5;
	v33 =	vld.idx.msk [tilespmem:v33+s17+$0x0], $0xffff  }
0x5b9: {  	v29 =	vadd.bf16 v29, v36;
	v30 =	vadd.bf16 v32, v30;
	v32 =	vadd.s32 v2, v16;
	v36 =	vld.idx.msk [tilespmem:v39+s17+$0x0], $0xffff  }
0x5ba: {  	v39 =	vadd.s32 v2, v19;
	v37 =	vld.idx.msk [tilespmem:v40+s17+$0x0], $0xffff  }
0x5bb: {  	v28 =	vadd.bf16 v35, v28;
	v35 =	vunpack.i.l.bf16.f32 v30;
	v40 =	vld.idx.msk [tilespmem:v41+s17+$0x0], $0xffff;
	v41 =	vadd.s32 v2, v18  }
0x5bc: {  	v43 =	vadd.s32 v2, v9;
	v30 =	vunpack.i.u.bf16.f32 v30;
	v42 =	vld.idx.msk [tilespmem:v42+s17+$0x0], $0xffff;
	[tilespmem:s22+$0xA0] =	vst v35;
	v35 =	vadd.s32 v2, v17  }
0x5bd: {  	v28 =	vadd.bf16 v28, v29;
	v29 =	vadd.bf16 v38, v31;
	v34 =	vld.idx.msk [tilespmem:v34+s17+$0x0], $0xffff;
	[tilespmem:s22+$0xB0] =	vst v30  }
0x5be: {  	v31 =	vadd.s32 v2, v14;
	v30 =	vadd.s32 v2, v13;
	v32 =	vld.idx.msk [tilespmem:v32+s17+$0x0], $0xffff  }
0x5bf: {  	v38 =	vunpack.i.u.bf16.f32 v28;
	v28 =	vunpack.i.l.bf16.f32 v28;
	v33 =	vadd.bf16 v36, v33;
	v36 =	vld.idx.msk [tilespmem:v39+s17+$0x0], $0xffff  }
0x5c0: {  	v39 =	vadd.s32 v2, v8;
	[tilespmem:s22+$0xFFFFFFA0] =	vst v28;
	v28 =	vadd.s32 v2, v12;
	v41 =	vld.idx.msk [tilespmem:v41+s17+$0x0], $0xffff  }
0x5c1: {  	v37 =	vadd.bf16 v40, v37;
	v29 =	vadd.bf16 v33, v29;
	[tilespmem:s22+$0xFFFFFFB0] =	vst v38;
	v33 =	vld.idx.msk [tilespmem:v35+s17+$0x0], $0xffff  }
0x5c2: {  	v40 =	vadd.s32 v2, v11;
	v38 =	vadd.s32 v2, v10;
	v35 =	vld.idx.msk [tilespmem:v43+s17+$0x0], $0xffff  }
0x5c3: {  	v34 =	vadd.bf16 v34, v42;
	v42 =	vunpack.i.u.bf16.f32 v29;
	v29 =	vunpack.i.l.bf16.f32 v29;
	v30 =	vld.idx.msk [tilespmem:v30+s17+$0x0], $0xffff  }
0x5c4: {  	v31 =	vld.idx.msk [tilespmem:v31+s17+$0x0], $0xffff;
	[tilespmem:s22+$0x20] =	vst v29;
	v29 =	vadd.s32 v2, v15  }
0x5c5: {  	v34 =	vadd.bf16 v34, v37;
	v37 =	vadd.s32 v2, v6;
	v28 =	vld.idx.msk [tilespmem:v28+s17+$0x0], $0xffff;
	[tilespmem:s22+$0x30] =	vst v42  }
0x5c6: {  	v43 =	vadd.s32 v2, v7;
	v42 =	vadd.s32 v2, v4;
	v39 =	vld.idx.msk [tilespmem:v39+s17+$0x0], $0xffff  }
0x5c7: {  	v32 =	vadd.bf16 v36, v32;
	v44 =	vunpack.i.u.bf16.f32 v34;
	v33 =	vadd.bf16 v33, v41;
	v38 =	vld.idx.msk [tilespmem:v38+s17+$0x0], $0xffff  }
0x5c8: {  	v36 =	vadd.s32 v2, v5;
	v34 =	vunpack.i.l.bf16.f32 v34;
	[tilespmem:s22+$0xFFFFFF30] =	vst v44;
	v40 =	vld.idx.msk [tilespmem:v40+s17+$0x0], $0xffff  }
0x5c9: {  	v16 =	vadd.s32 v3, v16;
	v32 =	vadd.bf16 v33, v32;
	[tilespmem:s22+$0xFFFFFF20] =	vst v34;
	v29 =	vld.idx.msk [tilespmem:v29+s17+$0x0], $0xffff  }
0x5ca: {  	v19 =	vadd.s32 v3, v19;
	v30 =	vadd.bf16 v30, v35;
	v33 =	vld.idx.msk [tilespmem:v37+s17+$0x0], $0xffff  }
0x5cb: {  	v18 =	vadd.s32 v3, v18;
	v28 =	vadd.bf16 v28, v31;
	v31 =	vunpack.i.l.bf16.f32 v32;
	v34 =	vld.idx.msk [tilespmem:v42+s17+$0x0], $0xffff  }
0x5cc: {  	v17 =	vadd.s32 v3, v17;
	v37 =	vadd.s32 v3, v9;
	v32 =	vunpack.i.u.bf16.f32 v32;
	v35 =	vld.idx.msk [tilespmem:v43+s17+$0x0], $0xffff;
	[tilespmem:s22+$0xC0] =	vst v31  }
0x5cd: {  	v9 =	vmov v27;
	v28 =	vadd.bf16 v28, v30;
	v30 =	vadd.bf16 v38, v39;
	v31 =	vld.idx.msk [tilespmem:v36+s17+$0x0], $0xffff;
	[tilespmem:s22+$0xD0] =	vst v32  }
0x5ce: {  	v14 =	vadd.s32 v3, v14;
	v13 =	vadd.s32 v3, v13;
	v16 =	vld.idx.msk [tilespmem:v16+s17+$0x0], $0xffff  }
0x5cf: {  	v27 =	vunpack.i.u.bf16.f32 v28;
	v28 =	vunpack.i.l.bf16.f32 v28;
	v29 =	vadd.bf16 v29, v40;
	v19 =	vld.idx.msk [tilespmem:v19+s17+$0x0], $0xffff  }
0x5d0: {  	v12 =	vadd.s32 v3, v12;
	[tilespmem:s22+$0xFFFFFFC0] =	vst v28;
	v28 =	vadd.s32 v3, v8;
	v18 =	vld.idx.msk [tilespmem:v18+s17+$0x0], $0xffff;
	v8 =	vmov v26  }
0x5d1: {  	v26 =	vadd.bf16 v34, v33;
	[tilespmem:s22+$0xFFFFFFD0] =	vst v27;
	v27 =	vadd.bf16 v29, v30;
	v17 =	vld.idx.msk [tilespmem:v17+s17+$0x0], $0xffff  }
0x5d2: {  	v11 =	vadd.s32 v3, v11;
	v10 =	vadd.s32 v3, v10;
	v29 =	vld.idx.msk [tilespmem:v37+s17+$0x0], $0xffff  }
0x5d3: {  	v30 =	vadd.bf16 v31, v35;
	v13 =	vld.idx.msk [tilespmem:v13+s17+$0x0], $0xffff;
	v31 =	vunpack.i.u.bf16.f32 v27;
	v27 =	vunpack.i.l.bf16.f32 v27  }
0x5d4: {  	v15 =	vadd.s32 v3, v15;
	v14 =	vld.idx.msk [tilespmem:v14+s17+$0x0], $0xffff;
	[tilespmem:s22+$0x40] =	vst v27  }
0x5d5: {  	v26 =	vadd.bf16 v30, v26;
	v27 =	vadd.s32 v3, v6;
	v6 =	vmov v23;
	v12 =	vld.idx.msk [tilespmem:v12+s17+$0x0], $0xffff;
	[tilespmem:s22+$0x50] =	vst v31  }
0x5d6: {  	v23 =	vadd.s32 v3, v4;
	v30 =	vadd.s32 v3, v7;
	v4 =	vmovc v24;
	v7 =	vmov v25;
	v28 =	vld.idx.msk [tilespmem:v28+s17+$0x0], $0xffff  }
0x5d7: {  	v16 =	vadd.bf16 v19, v16;
	v24 =	vunpack.i.u.bf16.f32 v26;
	v17 =	vadd.bf16 v17, v18;
	v10 =	vld.idx.msk [tilespmem:v10+s17+$0x0], $0xffff  }
0x5d8: {  	v19 =	vadd.s32 v3, v5;
	v5 =	vmov v22;
	v18 =	vunpack.i.l.bf16.f32 v26;
	[tilespmem:s22+$0xFFFFFF50] =	vst v24;
	v11 =	vld.idx.msk [tilespmem:v11+s17+$0x0], $0xffff  }
0x5d9: {  	v22 =	vor.u32 $0x80, v21;
	v13 =	vadd.bf16 v13, v29;
	v16 =	vadd.bf16 v17, v16;
	[tilespmem:s22+$0xFFFFFF40] =	vst v18;
	v15 =	vld.idx.msk [tilespmem:v15+s17+$0x0], $0xffff  }
0x5da: {  	v17 =	vor.u32 $0x100, v21;
	v18 =	vor.u32 $0x180, v21;
	v21 =	vld.idx.msk [tilespmem:v27+s17+$0x0], $0xffff  }
0x5db: {  	v12 =	vadd.bf16 v12, v14;
	v14 =	vunpack.i.u.bf16.f32 v16;
	v16 =	vunpack.i.l.bf16.f32 v16;
	v23 =	vld.idx.msk [tilespmem:v23+s17+$0x0], $0xffff  }
0x5dc: {  	v24 =	vor.u32 $0x80, v20;
	v25 =	vld.idx.msk [tilespmem:v30+s17+$0x0], $0xffff;
	[tilespmem:s22+$0xF0] =	vst v14  }
0x5dd: {  	s0 =	sadd.s32 $0x3, s23;
	v26 =	vor.u32 $0x100, v20;
	v27 =	vadd.bf16 v12, v13;
	v28 =	vadd.bf16 v10, v28;
	v19 =	vld.idx.msk [tilespmem:v19+s17+$0x0], $0xffff;
	[tilespmem:s22+$0xE0] =	vst v16  }
0x5de: {  	v16 =	vmov s0;
	v13 =	vld.idx.msk [tilespmem:v22+s16+$0x0], $0xffff  }
0x5df: {  	v10 =	vunpack.i.u.bf16.f32 v27;
	v11 =	vadd.bf16 v15, v11;
	v14 =	vld.idx.msk [tilespmem:v17+s16+$0x0], $0xffff;
	v17 =	vor.u32 $0x80, v16  }
0x5e0: {  	v15 =	vor.u32 $0x100, v16;
	v12 =	vld.idx.msk [tilespmem:v18+s16+$0x0], $0xffff;
	v18 =	vunpack.i.l.bf16.f32 v27;
	[tilespmem:s22+$0xFFFFFFF0] =	vst v10  }
0x5e1: {  	v22 =	vor.u32 $0x180, v16;
	v21 =	vadd.bf16 v23, v21;
	v10 =	vld.idx.msk [tilespmem:v24+s16+$0x0], $0xffff;
	[tilespmem:s22+$0xFFFFFFE0] =	vst v18;
	v18 =	vadd.bf16 v11, v28  }
0x5e2: {  	v23 =	vadd.s32 v0, v6;
	v24 =	vor.u32 $0x180, v20;
	v11 =	vld.idx.msk [tilespmem:v26+s16+$0x0], $0xffff  }
0x5e3: {  	v20 =	vadd.bf16 v19, v25;
	v16 =	vld.idx.msk [tilespmem:v16+s16+$0x0], $0xffff;
	v25 =	vunpack.i.u.bf16.f32 v18;
	v18 =	vunpack.i.l.bf16.f32 v18  }
0x5e4: {  	v27 =	vadd.s32 v0, v9;
	v19 =	vld.idx.msk [tilespmem:v17+s16+$0x0], $0xffff;
	[tilespmem:s22+$0x60] =	vst v18  }
0x5e5: {  	v28 =	vadd.s32 v0, v8;
	v21 =	vadd.bf16 v20, v21;
	v18 =	vld.idx.msk [tilespmem:v15+s16+$0x0], $0xffff;
	[tilespmem:s22+$0x70] =	vst v25  }
0x5e6: {  	v25 =	vadd.s32 v0, v13;
	v17 =	vld.idx.msk [tilespmem:v22+s16+$0x0], $0xffff  }
.Ltmp12:
0x5e7: {  	v20 =	vadd.s32 v0, v14;
	v22 =	vunpack.i.u.bf16.f32 v21;
	v15 =	vld.idx.msk [tilespmem:v24+s16+$0x0], $0xffff;
	v24 =	vunpack.i.l.bf16.f32 v21;
	(pc) =	sbr.rel @p0 .LBB2_26-.Ltmp12, $4  }
0x5e8: {  	v21 =	vadd.s32 v0, v12;
	v26 =	vld.idx.msk [tilespmem:v23+s17+$0x0], $0xffff;
	[tilespmem:s22+$0xFFFFFF60] =	vst v24  }
0x5e9: {  	v23 =	vadd.s32 v0, v16;
	v24 =	vld.idx.msk [tilespmem:v27+s17+$0x0], $0xffff;
	[tilespmem:s22+$0xFFFFFF70] =	vst v22  }
0x5ea: {  	v27 =	vadd.s32 v0, v19;
	v22 =	vld.idx.msk [tilespmem:v28+s17+$0x0], $0xffff  }
0x5eb: {  	s23 =	sadd.s32 $0x4, s23;
	v28 =	vadd.s32 v0, v18;
	v25 =	vld.idx.msk [tilespmem:v25+s17+$0x0], $0xffff  }
0x5ec: {  	_ =	sdelay $0x3  }
0x5ed: {  	v29 =	vadd.s32 v0, v17;
	v20 =	vld.idx.msk [tilespmem:v20+s17+$0x0], $0xffff  }
0x5ee: {  	v21 =	vld.idx.msk [tilespmem:v21+s17+$0x0], $0xffff  }
0x5ef: {  	v23 =	vld.idx.msk [tilespmem:v23+s17+$0x0], $0xffff;
	v30 =	vadd.s32 v0, v10  }
0x5f0: {  	v27 =	vld.idx.msk [tilespmem:v27+s17+$0x0], $0xffff;
	v31 =	vadd.s32 v0, v11  }
0x5f1: {  	v28 =	vld.idx.msk [tilespmem:v28+s17+$0x0], $0xffff;
	v32 =	vadd.s32 v0, v15  }
0x5f2: {  	v33 =	vadd.s32 v0, v4;
	v29 =	vld.idx.msk [tilespmem:v29+s17+$0x0], $0xffff  }
0x5f3: {  	v34 =	vadd.s32 v0, v7;
	v24 =	vadd.bf16 v25, v24;
	v20 =	vadd.bf16 v21, v20  }
0x5f4: {  	v61 =	vadd.s32 v0, v5;
	v62 =	vld.idx.msk [tilespmem:v30+s17+$0x0], $0xffff  }
0x5f5: {  	v35 =	vadd.s32 v1, v9;
	v63 =	vld.idx.msk [tilespmem:v31+s17+$0x0], $0xffff;
	v20 =	vadd.bf16 v20, v24  }
0x5f6: {  	v47 =	vadd.s32 v1, v14;
	v48 =	vadd.s32 v1, v12;
	v37 =	vld.idx.msk [tilespmem:v32+s17+$0x0], $0xffff  }
0x5f7: {  	s22 =	sadd.s32 $0x200, s22;
	v23 =	vadd.bf16 v27, v23;
	v39 =	vld.idx.msk [tilespmem:v33+s17+$0x0], $0xffff;
	v46 =	vunpack.i.l.bf16.f32 v20;
	v60 =	vadd.bf16 v29, v28  }
0x5f8: {  	v43 =	vadd.s32 v1, v13;
	v34 =	vld.idx.msk [tilespmem:v34+s17+$0x0], $0xffff;
	v20 =	vunpack.i.u.bf16.f32 v20;
	[tilespmem:s22+$0xFFFFFF80] =	vst v46  }
0x5f9: {  	v36 =	vadd.s32 v1, v16;
	v28 =	vld.idx.msk [tilespmem:v61+s17+$0x0], $0xffff;
	[tilespmem:s22+$0xFFFFFF90] =	vst v20;
	v23 =	vadd.bf16 v60, v23  }
0x5fa: {  	v38 =	vadd.s32 v1, v19;
	v41 =	vadd.s32 v1, v18;
	v52 =	vld.idx.msk [tilespmem:v35+s17+$0x0], $0xffff  }
0x5fb: {  	v22 =	vadd.bf16 v62, v22;
	v45 =	vadd.bf16 v37, v63;
	v56 =	vld.idx.msk [tilespmem:v47+s17+$0x0], $0xffff;
	v40 =	vunpack.i.l.bf16.f32 v23  }
0x5fc: {  	v42 =	vadd.s32 v1, v17;
	v29 =	vld.idx.msk [tilespmem:v48+s17+$0x0], $0xffff;
	v23 =	vunpack.i.u.bf16.f32 v23;
	[tilespmem:s22+$0x80] =	vst v40  }
0x5fd: {  	v50 =	vadd.s32 v1, v8;
	v22 =	vadd.bf16 v45, v22;
	[tilespmem:s22+$0x90] =	vst v23;
	v23 =	vld.idx.msk [tilespmem:v43+s17+$0x0], $0xffff  }
0x5fe: {  	v53 =	vadd.s32 v1, v10;
	v55 =	vadd.s32 v1, v11;
	v44 =	vld.idx.msk [tilespmem:v36+s17+$0x0], $0xffff  }
0x5ff: {  	v26 =	vadd.bf16 v39, v26;
	v54 =	vunpack.i.l.bf16.f32 v22;
	v51 =	vadd.bf16 v28, v34;
	v25 =	vld.idx.msk [tilespmem:v38+s17+$0x0], $0xffff  }
0x600: {  	v57 =	vadd.s32 v1, v15;
	v22 =	vunpack.i.u.bf16.f32 v22;
	[tilespmem:s22+$0x0] =	vst v54;
	v49 =	vld.idx.msk [tilespmem:v41+s17+$0x0], $0xffff  }
0x601: {  	v58 =	vadd.s32 v1, v6;
	[tilespmem:s22+$0x10] =	vst v22;
	v21 =	vld.idx.msk [tilespmem:v42+s17+$0x0], $0xffff;
	v26 =	vadd.bf16 v51, v26  }
0x602: {  	v60 =	vadd.s32 v1, v4;
	v20 =	vld.idx.msk [tilespmem:v50+s17+$0x0], $0xffff;
	v36 =	vadd.s32 v1, v7  }
0x603: {  	v32 =	vld.idx.msk [tilespmem:v53+s17+$0x0], $0xffff;
	v27 =	vadd.bf16 v29, v56;
	v59 =	vunpack.i.l.bf16.f32 v26;
	v23 =	vadd.bf16 v23, v52  }
0x604: {  	v62 =	vadd.s32 v1, v5;
	v63 =	vld.idx.msk [tilespmem:v55+s17+$0x0], $0xffff;
	v61 =	vunpack.i.u.bf16.f32 v26;
	[tilespmem:s22+$0xFFFFFF00] =	vst v59  }
0x605: {  	v45 =	vadd.s32 v2, v9;
	v37 =	vld.idx.msk [tilespmem:v57+s17+$0x0], $0xffff;
	[tilespmem:s22+$0xFFFFFF10] =	vst v61;
	v23 =	vadd.bf16 v27, v23  }
0x606: {  	v46 =	vadd.s32 v2, v13;
	v24 =	vadd.bf16 v25, v44;
	v21 =	vadd.bf16 v21, v49;
	v22 =	vld.idx.msk [tilespmem:v58+s17+$0x0], $0xffff  }
0x607: {  	v47 =	vadd.s32 v2, v14;
	v40 =	vld.idx.msk [tilespmem:v60+s17+$0x0], $0xffff;
	v48 =	vunpack.i.l.bf16.f32 v23  }
0x608: {  	v43 =	vld.idx.msk [tilespmem:v36+s17+$0x0], $0xffff;
	v49 =	vadd.s32 v2, v12;
	v21 =	vadd.bf16 v21, v24;
	v23 =	vunpack.i.u.bf16.f32 v23;
	[tilespmem:s22+$0xFFFFFFA0] =	vst v48  }
0x609: {  	v39 =	vadd.s32 v2, v19;
	v38 =	vadd.s32 v2, v16;
	v26 =	vld.idx.msk [tilespmem:v62+s17+$0x0], $0xffff;
	[tilespmem:s22+$0xFFFFFFB0] =	vst v23  }
0x60a: {  	v42 =	vadd.s32 v2, v18;
	v41 =	vunpack.i.l.bf16.f32 v21;
	v21 =	vunpack.i.u.bf16.f32 v21;
	v53 =	vld.idx.msk [tilespmem:v45+s17+$0x0], $0xffff  }
0x60b: {  	v20 =	vadd.bf16 v32, v20;
	v25 =	vadd.bf16 v37, v63;
	[tilespmem:s22+$0xB0] =	vst v21;
	v21 =	vld.idx.msk [tilespmem:v46+s17+$0x0], $0xffff  }
0x60c: {  	v44 =	vadd.s32 v2, v17;
	v27 =	vld.idx.msk [tilespmem:v47+s17+$0x0], $0xffff  }
0x60d: {  	v51 =	vadd.s32 v2, v8;
	v20 =	vadd.bf16 v25, v20;
	[tilespmem:s22+$0xA0] =	vst v41;
	v31 =	vld.idx.msk [tilespmem:v49+s17+$0x0], $0xffff  }
0x60e: {  	v54 =	vadd.s32 v2, v10;
	v55 =	vadd.s32 v2, v11;
	v24 =	vld.idx.msk [tilespmem:v38+s17+$0x0], $0xffff  }
0x60f: {  	v56 =	vunpack.i.l.bf16.f32 v20;
	v22 =	vadd.bf16 v40, v22;
	v26 =	vadd.bf16 v26, v43;
	v28 =	vld.idx.msk [tilespmem:v39+s17+$0x0], $0xffff  }
0x610: {  	v57 =	vadd.s32 v2, v15;
	v20 =	vunpack.i.u.bf16.f32 v20;
	[tilespmem:s22+$0x20] =	vst v56;
	v50 =	vld.idx.msk [tilespmem:v42+s17+$0x0], $0xffff  }
0x611: {  	v58 =	vadd.s32 v2, v6;
	[tilespmem:s22+$0x30] =	vst v20;
	v52 =	vld.idx.msk [tilespmem:v44+s17+$0x0], $0xffff;
	v22 =	vadd.bf16 v26, v22  }
0x612: {  	v59 =	vadd.s32 v2, v4;
	v60 =	vadd.s32 v2, v7;
	v33 =	vld.idx.msk [tilespmem:v51+s17+$0x0], $0xffff  }
0x613: {  	v29 =	vld.idx.msk [tilespmem:v54+s17+$0x0], $0xffff;
	v61 =	vunpack.i.u.bf16.f32 v22;
	v21 =	vadd.bf16 v21, v53;
	v37 =	vadd.bf16 v31, v27  }
0x614: {  	v62 =	vadd.s32 v2, v5;
	v30 =	vld.idx.msk [tilespmem:v55+s17+$0x0], $0xffff;
	v22 =	vunpack.i.l.bf16.f32 v22;
	[tilespmem:s22+$0xFFFFFF30] =	vst v61  }
0x615: {  	v63 =	vld.idx.msk [tilespmem:v57+s17+$0x0], $0xffff;
	v42 =	vadd.s32 v3, v9;
	[tilespmem:s22+$0xFFFFFF20] =	vst v22;
	v21 =	vadd.bf16 v37, v21  }
0x616: {  	v45 =	vadd.s32 v3, v13;
	v46 =	vadd.s32 v3, v14;
	v34 =	vld.idx.msk [tilespmem:v58+s17+$0x0], $0xffff  }
0x617: {  	v24 =	vadd.bf16 v28, v24;
	v23 =	vadd.bf16 v52, v50;
	v20 =	vld.idx.msk [tilespmem:v59+s17+$0x0], $0xffff;
	v25 =	vunpack.i.l.bf16.f32 v21  }
0x618: {  	v47 =	vadd.s32 v3, v12;
	v40 =	vld.idx.msk [tilespmem:v60+s17+$0x0], $0xffff;
	v21 =	vunpack.i.u.bf16.f32 v21;
	[tilespmem:s22+$0xFFFFFFC0] =	vst v25  }
0x619: {  	v32 =	vadd.s32 v3, v16;
	v43 =	vld.idx.msk [tilespmem:v62+s17+$0x0], $0xffff;
	v23 =	vadd.bf16 v23, v24;
	[tilespmem:s22+$0xFFFFFFD0] =	vst v21  }
0x61a: {  	v36 =	vadd.s32 v3, v19;
	v39 =	vadd.s32 v3, v18;
	v9 =	vld.idx.msk [tilespmem:v42+s17+$0x0], $0xffff  }
0x61b: {  	v44 =	vadd.bf16 v29, v33;
	v22 =	vadd.bf16 v63, v30;
	v38 =	vunpack.i.l.bf16.f32 v23;
	v13 =	vld.idx.msk [tilespmem:v45+s17+$0x0], $0xffff  }
0x61c: {  	v41 =	vadd.s32 v3, v17;
	v23 =	vunpack.i.u.bf16.f32 v23;
	[tilespmem:s22+$0xC0] =	vst v38;
	v14 =	vld.idx.msk [tilespmem:v46+s17+$0x0], $0xffff  }
0x61d: {  	v48 =	vadd.s32 v3, v8;
	v49 =	vadd.bf16 v22, v44;
	[tilespmem:s22+$0xD0] =	vst v23;
	v12 =	vld.idx.msk [tilespmem:v47+s17+$0x0], $0xffff  }
0x61e: {  	v51 =	vadd.s32 v3, v11;
	v50 =	vadd.s32 v3, v10;
	v16 =	vld.idx.msk [tilespmem:v32+s17+$0x0], $0xffff  }
0x61f: {  	v21 =	vunpack.i.u.bf16.f32 v49;
	v20 =	vadd.bf16 v20, v34;
	v52 =	vadd.bf16 v43, v40;
	v19 =	vld.idx.msk [tilespmem:v36+s17+$0x0], $0xffff  }
0x620: {  	v53 =	vadd.s32 v3, v15;
	v23 =	vunpack.i.l.bf16.f32 v49;
	[tilespmem:s22+$0x50] =	vst v21;
	v18 =	vld.idx.msk [tilespmem:v39+s17+$0x0], $0xffff  }
0x621: {  	v54 =	vadd.s32 v3, v6;
	v17 =	vld.idx.msk [tilespmem:v41+s17+$0x0], $0xffff;
	[tilespmem:s22+$0x40] =	vst v23;
	v20 =	vadd.bf16 v52, v20  }
0x622: {  	v4 =	vadd.s32 v3, v4;
	v8 =	vld.idx.msk [tilespmem:v48+s17+$0x0], $0xffff  }
0x623: {  	v55 =	vadd.s32 v3, v7;
	v10 =	vld.idx.msk [tilespmem:v50+s17+$0x0], $0xffff;
	v56 =	vunpack.i.u.bf16.f32 v20  }
0x624: {  	v5 =	vadd.s32 v3, v5;
	v11 =	vld.idx.msk [tilespmem:v51+s17+$0x0], $0xffff;
	v20 =	vunpack.i.l.bf16.f32 v20;
	[tilespmem:s22+$0xFFFFFF50] =	vst v56  }
0x625: {  	v15 =	vld.idx.msk [tilespmem:v53+s17+$0x0], $0xffff;
	[tilespmem:s22+$0xFFFFFF40] =	vst v20  }
0x626: {  	v6 =	vld.idx.msk [tilespmem:v54+s17+$0x0], $0xffff  }
0x627: {  	v4 =	vld.idx.msk [tilespmem:v4+s17+$0x0], $0xffff  }
0x628: {  	v9 =	vadd.bf16 v13, v9;
	v12 =	vadd.bf16 v12, v14;
	v7 =	vld.idx.msk [tilespmem:v55+s17+$0x0], $0xffff  }
0x629: {  	v16 =	vadd.bf16 v19, v16;
	v5 =	vld.idx.msk [tilespmem:v5+s17+$0x0], $0xffff  }
0x62a: {  	v17 =	vadd.bf16 v17, v18;
	v9 =	vadd.bf16 v12, v9  }
0x62b: {  	v8 =	vadd.bf16 v10, v8;
	v59 =	vadd.bf16 v15, v11  }
0x62c: {  	v57 =	vadd.bf16 v17, v16;
	v61 =	vunpack.i.u.bf16.f32 v9  }
0x62d: {  	v8 =	vadd.bf16 v59, v8;
	v62 =	vunpack.i.l.bf16.f32 v9;
	[tilespmem:s22+$0xFFFFFFF0] =	vst v61  }
0x62e: {  	v58 =	vunpack.i.u.bf16.f32 v57;
	[tilespmem:s22+$0xFFFFFFE0] =	vst v62;
	v4 =	vadd.bf16 v4, v6;
	v5 =	vadd.bf16 v5, v7  }
0x62f: {  	v60 =	vunpack.i.l.bf16.f32 v57;
	[tilespmem:s22+$0xF0] =	vst v58  }
0x630: {  	[tilespmem:s22+$0xE0] =	vst v60;
	v63 =	vunpack.i.l.bf16.f32 v8;
	v4 =	vadd.bf16 v5, v4  }
0x631: {  	[tilespmem:s22+$0x60] =	vst v63;
	v5 =	vunpack.i.u.bf16.f32 v8  }
0x632: {  	[tilespmem:s22+$0x70] =	vst v5;
	v5 =	vunpack.i.l.bf16.f32 v4  }
0x633: {  	v4 =	vunpack.i.u.bf16.f32 v4;
	[tilespmem:s22+$0xFFFFFF60] =	vst v5  }
0x634: {  	s21 =	sadd.s32 $0x1, s21;
	[tilespmem:s22+$0xFFFFFF70] =	vst v4  }
0x635: {  	[hbm4b:s7+s3] =	stream.linear.scatter [tilespmem:s18], [sflag:$0x2], $0x4000, $0x38;
	[tilespmem:$0x16C00] =	vst v63  }
0x636: {  	p0 =	sne.s32 s21, s8;
	_ =	swait.ge [sflag:s20], $0x4000  }
.Ltmp13:
0x637: {  	[sflag:s20] =	ssyncset.done $0x0;
	(pc) =	sbr.rel @p0 .LBB2_1-.Ltmp13, $4  }
0x638: {  	[sflag:s20] =	ssyncadd.s32 $0xFFFFC000  }
0x639: {  	_ =	swait.ge [sflag:s20], $0x4000  }
0x63a: {  	[sflag:s20] =	ssyncset.done $0x0  }
0x63b: {  	[sflag:s20] =	ssyncadd.s32 $0xFFFFC000  }
0x63c: {  	_ =	sfence.sel $0x180000  }
0x63d: {  	[bflag:$0x0] =	sbarrier.arrive $0xFFFF  }
0x63e: {  	_ =	strace $0x90000047  }
0x63f: {  	s0 =	stileid.u32;
	[bflag:$0x2] =	sbarrier.arrive $0xFFFF  }
0x640: {  	p0 =	sne.s32 s0, $0x0;
	s0 =	rddreg [dreg:$0x2]  }
0x641: {  	s0 =	sadd.s32 @!p0 $0x100000, s0  }
0x642: {  	[sflag:s0] =	ssyncadd.tile.s32 @!p0 $0x1;
	_ =	shalt  }
.Lfunc_end2:
_tile_overlayer_lowered:
.L_overlay_start_2:
0x643: {  	(tag) =	ssettag $0x2  }
0x644: {  	s0 =	rddreg [dreg:$0x0];
	s2 =	stileid.u32  }
0x645: {  	s1 =	rddreg [dreg:$0x1];
	p0 =	sne.s32 s2, $0x0  }
0x646: {  	s3 =	rddreg [dreg:$0x2];
	[bflag:$0x3] =	sbarrier.arrive $0xFFFF;
	s2 =	simm.s32 @!p0 $0x1C03  }
0x647: {  	[timem:s3], [sflag:s2] =	dma.local @!p0 [hbm:s0], s1  }
0x648: {  	s0 =	simm.s32 @!p0 $0x3  }
0x649: {  	_ =	swait.ge @!p0 [sflag:s0], s1  }
0x64a: {  	s1 =	ssub.s32 @!p0 $0x0, s1;
	[sflag:s0] =	ssyncset.done @!p0 $0x0  }
0x64b: {  	[sflag:s0] =	ssyncadd.s32 @!p0 s1  }
0x64c: {  	[bflag:$0x3] =	sbarrier.arrive $0xFFFF  }
0x64d: {  	_ =	shalt  }

</sc_bundles>
